<compile_context>
chip_gen: v7x
topology: tpu7x:2x2x1
jax: 0.10.2.dev20260603
libtpu: 0.0.44.dev20260713+nightly
codegen_flags: <defaults>
</compile_context>

<pallas_src>
import functools

import jax
import jax.numpy as jnp
from jax import lax
from jax.experimental import pallas as pl
from jax.experimental.pallas import tpu as pltpu
from jax.experimental.pallas import tpu_sc as plsc

EMBED_DIM = 64
SEQ = 200
BATCH = 4096

_info = plsc.get_sparse_core_info()
_NC = _info.num_cores
_NS = _info.num_subcores
_NW = _NC * _NS

_BB = BATCH // _NW
_ET = EMBED_DIM // 8
_J = 4
_JR = _BB // _J


def _make_embed():
    mesh = plsc.VectorSubcoreMesh(core_axis_name="c", subcore_axis_name="s")

    @functools.partial(
        pl.kernel,
        mesh=mesh,
        out_type=jax.ShapeDtypeStruct((SEQ, _ET, _NW, 8, _BB), jnp.float32),
        scratch_types=[
            pltpu.VMEM((2, _BB), jnp.int32),
            pltpu.VMEM((2, _BB, EMBED_DIM), jnp.float32),
            pltpu.VMEM((2, _ET, 8, _BB), jnp.float32),
        ]
        + [pltpu.SemaphoreType.DMA] * 6,
        compiler_params=pltpu.CompilerParams(
            use_tc_tiling_on_sc=False, needs_layout_passes=False
        ),
    )
    def embed(table_hbm, idx_hbm, out_hbm, idx_v, rows_v, tr_v, *sems):
        sem_i = sems[0:2]
        sem_g = sems[2:4]
        sem_o = sems[4:6]
        wid = lax.axis_index("s") * _NC + lax.axis_index("c")

        lanes = [lax.iota(jnp.int32, 16) + (16 * k) for k in range(_BB // 16)]

        def start_idx(t, s):
            pltpu.async_copy(
                idx_hbm.at[t // 8].at[wid].at[t % 8], idx_v.at[s], sem_i[s]
            )

        def wait_idx(s):
            pltpu.make_async_copy(
                idx_hbm.at[0].at[wid].at[0], idx_v.at[s], sem_i[s]
            ).wait()

        def start_gather(s):
            for j in range(_J):
                pltpu.async_copy(
                    table_hbm.at[idx_v.at[s].at[pl.ds(j * _JR, _JR)]],
                    rows_v.at[s].at[pl.ds(j * _JR, _JR)],
                    sem_g[s],
                )

        def wait_gather(s):
            for j in range(_J):
                pltpu.make_async_copy(
                    table_hbm.at[idx_v.at[s].at[pl.ds(j * _JR, _JR)]],
                    rows_v.at[s].at[pl.ds(j * _JR, _JR)],
                    sem_g[s],
                ).wait()

        def start_out(t, s):
            pltpu.async_copy(
                tr_v.at[s], out_hbm.at[t].at[:, wid], sem_o[s]
            )

        def wait_out(s):
            pltpu.make_async_copy(
                tr_v.at[s], out_hbm.at[0].at[:, wid], sem_o[s]
            ).wait()

        def transpose(s):
            iota16 = lax.iota(jnp.int32, 16)

            @plsc.parallel_loop(0, 16, step=1, unroll=2)
            def body(d):
                perm = (iota16 + d) & 15
                for m in range(EMBED_DIM // 16):
                    idx_e = perm + (16 * m)
                    idx_et = idx_e >> 3
                    idx_es = idx_e & 7
                    for k in range(_BB // 16):
                        vals = plsc.load_gather(
                            rows_v.at[s], [lanes[k], idx_e]
                        )
                        plsc.store_scatter(
                            tr_v.at[s], [idx_et, idx_es, lanes[k]], vals
                        )

        start_idx(0, 0)
        start_idx(1, 1)
        wait_idx(0)
        start_gather(0)

        def body(g, carry):
            t0 = 2 * g
            wait_gather(0)
            pl.when(g < (SEQ // 2) - 1)(lambda: start_idx(t0 + 2, 0))
            wait_idx(1)
            start_gather(1)
            pl.when(g > 0)(lambda: wait_out(0))
            transpose(0)
            start_out(t0, 0)
            wait_gather(1)
            pl.when(g < (SEQ // 2) - 1)(lambda: start_idx(t0 + 3, 1))

            def fire_even():
                wait_idx(0)
                start_gather(0)

            pl.when(g < (SEQ // 2) - 1)(fire_even)
            pl.when(g > 0)(lambda: wait_out(1))
            transpose(1)
            start_out(t0 + 1, 1)
            return carry

        lax.fori_loop(0, SEQ // 2, body, 0)

        wait_out(0)
        wait_out(1)

    return embed


def kernel(tokens, table):
    tok_tiled = (
        tokens.T.reshape(SEQ // 8, 8, _NW, _BB).transpose(0, 2, 1, 3)
    )
    out5 = _make_embed()(table, tok_tiled)
    out = out5.transpose((2, 4, 0, 1, 3)).reshape(BATCH, SEQ, EMBED_DIM)
    return out

# --- scband reference (transcript-rebuilt; emitter-appended) ---
"""Pipeline reference for scband-vanilla-embedder-17386027614922 (READ-ONLY COPY).

The authoritative reference and input builder live on the scoring server;
editing this copy changes nothing except your own understanding.
"""

import jax, jax.numpy as jnp
import numpy as np

VOCAB = 100000
EMBED_DIM = 64

def setup_inputs(seed: int = 0) -> dict:
    key = jax.random.key(seed)
    k1, k2 = jax.random.split(key)
    tokens = jax.random.randint(k1, (4096, 200), 0, VOCAB, dtype=jnp.int64 if jax.config.read('jax_enable_x64') else jnp.int32)
    table = jax.random.normal(k2, (VOCAB, EMBED_DIM), dtype=jnp.float32)
    return {"tokens": tokens, "table": table}

def reference(tokens, table):
    # VanillaEmbedder.forward: embedding lookup on a 2D token tensor
    # tokens: [batch, max_num_timesteps] -> [batch, max_num_timesteps, embedding_dim]
    assert tokens.ndim == 2
    embedding = jnp.take(table, tokens, axis=0)
    return embedding

if __name__ == "__main__":
    import jax
    _d = setup_inputs()
    print(jax.jit(kernel)(*tuple(_d.values())))

</pallas_src>

<mosaic_0001>
#map = affine_map<(d0, d1) -> (0, 0)>
#map1 = affine_map<(d0, d1) -> (0, 0, 0, 0)>
#map2 = affine_map<(d0, d1) -> (0, 0, 0, 0, 0)>
module attributes {stable_mosaic.version = 14 : i64} {
  func.func @embed(%arg0: i32, %arg1: i32, %arg2: memref<100000x64xf32, #tpu.memory_space<hbm>>, %arg3: memref<25x32x8x128xi32, #tpu.memory_space<hbm>>, %arg4: memref<200x8x32x8x128xf32, #tpu.memory_space<hbm>>, %arg5: memref<2x128xi32, #tpu.memory_space<vmem>>, %arg6: memref<2x128x64xf32, #tpu.memory_space<vmem>>, %arg7: memref<2x8x8x128xf32, #tpu.memory_space<vmem>>, %arg8: memref<!tpu.dma_semaphore, #tpu.memory_space<semaphore_mem>>, %arg9: memref<!tpu.dma_semaphore, #tpu.memory_space<semaphore_mem>>, %arg10: memref<!tpu.dma_semaphore, #tpu.memory_space<semaphore_mem>>, %arg11: memref<!tpu.dma_semaphore, #tpu.memory_space<semaphore_mem>>, %arg12: memref<!tpu.dma_semaphore, #tpu.memory_space<semaphore_mem>>, %arg13: memref<!tpu.dma_semaphore, #tpu.memory_space<semaphore_mem>>) attributes {dimension_semantics = [#tpu.dimension_semantics<core_parallel>, #tpu.dimension_semantics<subcore_parallel>], iteration_bounds = array<i64: 2, 16>, scalar_prefetch = 0 : i64, scratch_operands = 9 : i64, tpu.core_type = #tpu.core_type<sc_vector_subcore>, window_params = [{transform_indices = #map}, {transform_indices = #map1}, {transform_indices = #map2}]} {
    %mul3A = arith.constant 2 : i32
    %mul3A_0 = arith.muli %arg1, %mul3A : i32
    %add3A = arith.addi %mul3A_0, %arg0 : i32
    %iota3A = tpu.iota {dimensions = array<i32: 0>} : vector<16xi32>
    %add3A_1 = arith.constant 0 : i32
    %add3A_2 = vector.broadcast %add3A_1 : i32 to vector<16xi32>
    %add3A_3 = arith.addi %iota3A, %add3A_2 : vector<16xi32>
    %iota3A_4 = tpu.iota {dimensions = array<i32: 0>} : vector<16xi32>
    %add3A_5 = arith.constant 16 : i32
    %add3A_6 = vector.broadcast %add3A_5 : i32 to vector<16xi32>
    %add3A_7 = arith.addi %iota3A_4, %add3A_6 : vector<16xi32>
    %iota3A_8 = tpu.iota {dimensions = array<i32: 0>} : vector<16xi32>
    %add3A_9 = arith.constant 32 : i32
    %add3A_10 = vector.broadcast %add3A_9 : i32 to vector<16xi32>
    %add3A_11 = arith.addi %iota3A_8, %add3A_10 : vector<16xi32>
    %iota3A_12 = tpu.iota {dimensions = array<i32: 0>} : vector<16xi32>
    %add3A_13 = arith.constant 48 : i32
    %add3A_14 = vector.broadcast %add3A_13 : i32 to vector<16xi32>
    %add3A_15 = arith.addi %iota3A_12, %add3A_14 : vector<16xi32>
    %iota3A_16 = tpu.iota {dimensions = array<i32: 0>} : vector<16xi32>
    %add3A_17 = arith.constant 64 : i32
    %add3A_18 = vector.broadcast %add3A_17 : i32 to vector<16xi32>
    %add3A_19 = arith.addi %iota3A_16, %add3A_18 : vector<16xi32>
    %iota3A_20 = tpu.iota {dimensions = array<i32: 0>} : vector<16xi32>
    %add3A_21 = arith.constant 80 : i32
    %add3A_22 = vector.broadcast %add3A_21 : i32 to vector<16xi32>
    %add3A_23 = arith.addi %iota3A_20, %add3A_22 : vector<16xi32>
    %iota3A_24 = tpu.iota {dimensions = array<i32: 0>} : vector<16xi32>
    %add3A_25 = arith.constant 96 : i32
    %add3A_26 = vector.broadcast %add3A_25 : i32 to vector<16xi32>
    %add3A_27 = arith.addi %iota3A_24, %add3A_26 : vector<16xi32>
    %iota3A_28 = tpu.iota {dimensions = array<i32: 0>} : vector<16xi32>
    %add3A_29 = arith.constant 112 : i32
    %add3A_30 = vector.broadcast %add3A_29 : i32 to vector<16xi32>
    %add3A_31 = arith.addi %iota3A_28, %add3A_30 : vector<16xi32>
    %dma_start3A = arith.constant 0 : i32
    %dma_start3A_32 = arith.constant 0 : i32
    %dma_start3A_33 = arith.constant 0 : i32
    %dma_start3A_34 = arith.constant 0 : i32
    %dma_start3A_35 = tpu.memref_slice %arg5[%dma_start3A_33, %dma_start3A_34] : memref<2x128xi32, #tpu.memory_space<vmem>> -> memref<1x128xi32, #tpu.memory_space<vmem>>
    %dma_start3A_36 = tpu.memref_squeeze %dma_start3A_35 : memref<1x128xi32, #tpu.memory_space<vmem>> -> memref<128xi32, #tpu.memory_space<vmem>>
    %dma_start3A_37 = arith.constant 0 : i32
    %dma_start3A_38 = arith.constant 0 : i32
    %dma_start3A_39 = arith.constant 0 : i32
    %dma_start3A_40 = tpu.memref_slice %arg3[%dma_start3A, %dma_start3A_37, %dma_start3A_38, %dma_start3A_39] : memref<25x32x8x128xi32, #tpu.memory_space<hbm>> -> memref<1x32x8x128xi32, #tpu.memory_space<hbm>>
    %dma_start3A_41 = tpu.memref_squeeze %dma_start3A_40 : memref<1x32x8x128xi32, #tpu.memory_space<hbm>> -> memref<32x8x128xi32, #tpu.memory_space<hbm>>
    %dma_start3A_42 = arith.constant 0 : i32
    %dma_start3A_43 = arith.constant 0 : i32
    %dma_start3A_44 = tpu.memref_slice %dma_start3A_41[%add3A, %dma_start3A_42, %dma_start3A_43] : memref<32x8x128xi32, #tpu.memory_space<hbm>> -> memref<1x8x128xi32, #tpu.memory_space<hbm>>
    %dma_start3A_45 = tpu.memref_squeeze %dma_start3A_44 : memref<1x8x128xi32, #tpu.memory_space<hbm>> -> memref<8x128xi32, #tpu.memory_space<hbm>>
    %dma_start3A_46 = arith.constant 0 : i32
    %dma_start3A_47 = tpu.memref_slice %dma_start3A_45[%dma_start3A_32, %dma_start3A_46] : memref<8x128xi32, #tpu.memory_space<hbm>> -> memref<1x128xi32, #tpu.memory_space<hbm>>
    %dma_start3A_48 = tpu.memref_squeeze %dma_start3A_47 : memref<1x128xi32, #tpu.memory_space<hbm>> -> memref<128xi32, #tpu.memory_space<hbm>>
    %dma_start3A_49 = arith.constant 0 : i32
    %dma_start3A_50 = tpu.memref_slice %arg5[%dma_start3A_33, %dma_start3A_49] : memref<2x128xi32, #tpu.memory_space<vmem>> -> memref<1x128xi32, #tpu.memory_space<vmem>>
    %dma_start3A_51 = tpu.memref_squeeze %dma_start3A_50 : memref<1x128xi32, #tpu.memory_space<vmem>> -> memref<128xi32, #tpu.memory_space<vmem>>
    %dma_start3A_52 = arith.constant 0 : i32
    %dma_start3A_53 = arith.constant 0 : i32
    %dma_start3A_54 = arith.constant 0 : i32
    %dma_start3A_55 = tpu.memref_slice %arg3[%dma_start3A, %dma_start3A_52, %dma_start3A_53, %dma_start3A_54] : memref<25x32x8x128xi32, #tpu.memory_space<hbm>> -> memref<1x32x8x128xi32, #tpu.memory_space<hbm>>
    %dma_start3A_56 = tpu.memref_squeeze %dma_start3A_55 : memref<1x32x8x128xi32, #tpu.memory_space<hbm>> -> memref<32x8x128xi32, #tpu.memory_space<hbm>>
    %dma_start3A_57 = arith.constant 0 : i32
    %dma_start3A_58 = arith.constant 0 : i32
    %dma_start3A_59 = tpu.memref_slice %dma_start3A_56[%add3A, %dma_start3A_57, %dma_start3A_58] : memref<32x8x128xi32, #tpu.memory_space<hbm>> -> memref<1x8x128xi32, #tpu.memory_space<hbm>>
    %dma_start3A_60 = tpu.memref_squeeze %dma_start3A_59 : memref<1x8x128xi32, #tpu.memory_space<hbm>> -> memref<8x128xi32, #tpu.memory_space<hbm>>
    %dma_start3A_61 = arith.constant 0 : i32
    %dma_start3A_62 = tpu.memref_slice %dma_start3A_60[%dma_start3A_32, %dma_start3A_61] : memref<8x128xi32, #tpu.memory_space<hbm>> -> memref<1x128xi32, #tpu.memory_space<hbm>>
    %dma_start3A_63 = tpu.memref_squeeze %dma_start3A_62 : memref<1x128xi32, #tpu.memory_space<hbm>> -> memref<128xi32, #tpu.memory_space<hbm>>
    tpu.enqueue_dma source(%dma_start3A_63 : memref<128xi32, #tpu.memory_space<hbm>>) target(%dma_start3A_51 : memref<128xi32, #tpu.memory_space<vmem>>) target_semaphore(%arg8 : memref<!tpu.dma_semaphore, #tpu.memory_space<semaphore_mem>>)
    %dma_start3A_64 = arith.constant 0 : i32
    %dma_start3A_65 = arith.constant 1 : i32
    %dma_start3A_66 = arith.constant 1 : i32
    %dma_start3A_67 = arith.constant 0 : i32
    %dma_start3A_68 = tpu.memref_slice %arg5[%dma_start3A_66, %dma_start3A_67] : memref<2x128xi32, #tpu.memory_space<vmem>> -> memref<1x128xi32, #tpu.memory_space<vmem>>
    %dma_start3A_69 = tpu.memref_squeeze %dma_start3A_68 : memref<1x128xi32, #tpu.memory_space<vmem>> -> memref<128xi32, #tpu.memory_space<vmem>>
    %dma_start3A_70 = arith.constant 0 : i32
    %dma_start3A_71 = arith.constant 0 : i32
    %dma_start3A_72 = arith.constant 0 : i32
    %dma_start3A_73 = tpu.memref_slice %arg3[%dma_start3A_64, %dma_start3A_70, %dma_start3A_71, %dma_start3A_72] : memref<25x32x8x128xi32, #tpu.memory_space<hbm>> -> memref<1x32x8x128xi32, #tpu.memory_space<hbm>>
    %dma_start3A_74 = tpu.memref_squeeze %dma_start3A_73 : memref<1x32x8x128xi32, #tpu.memory_space<hbm>> -> memref<32x8x128xi32, #tpu.memory_space<hbm>>
    %dma_start3A_75 = arith.constant 0 : i32
    %dma_start3A_76 = arith.constant 0 : i32
    %dma_start3A_77 = tpu.memref_slice %dma_start3A_74[%add3A, %dma_start3A_75, %dma_start3A_76] : memref<32x8x128xi32, #tpu.memory_space<hbm>> -> memref<1x8x128xi32, #tpu.memory_space<hbm>>
    %dma_start3A_78 = tpu.memref_squeeze %dma_start3A_77 : memref<1x8x128xi32, #tpu.memory_space<hbm>> -> memref<8x128xi32, #tpu.memory_space<hbm>>
    %dma_start3A_79 = arith.constant 0 : i32
    %dma_start3A_80 = tpu.memref_slice %dma_start3A_78[%dma_start3A_65, %dma_start3A_79] : memref<8x128xi32, #tpu.memory_space<hbm>> -> memref<1x128xi32, #tpu.memory_space<hbm>>
    %dma_start3A_81 = tpu.memref_squeeze %dma_start3A_80 : memref<1x128xi32, #tpu.memory_space<hbm>> -> memref<128xi32, #tpu.memory_space<hbm>>
    %dma_start3A_82 = arith.constant 0 : i32
    %dma_start3A_83 = tpu.memref_slice %arg5[%dma_start3A_66, %dma_start3A_82] : memref<2x128xi32, #tpu.memory_space<vmem>> -> memref<1x128xi32, #tpu.memory_space<vmem>>
    %dma_start3A_84 = tpu.memref_squeeze %dma_start3A_83 : memref<1x128xi32, #tpu.memory_space<vmem>> -> memref<128xi32, #tpu.memory_space<vmem>>
    %dma_start3A_85 = arith.constant 0 : i32
    %dma_start3A_86 = arith.constant 0 : i32
    %dma_start3A_87 = arith.constant 0 : i32
    %dma_start3A_88 = tpu.memref_slice %arg3[%dma_start3A_64, %dma_start3A_85, %dma_start3A_86, %dma_start3A_87] : memref<25x32x8x128xi32, #tpu.memory_space<hbm>> -> memref<1x32x8x128xi32, #tpu.memory_space<hbm>>
    %dma_start3A_89 = tpu.memref_squeeze %dma_start3A_88 : memref<1x32x8x128xi32, #tpu.memory_space<hbm>> -> memref<32x8x128xi32, #tpu.memory_space<hbm>>
    %dma_start3A_90 = arith.constant 0 : i32
    %dma_start3A_91 = arith.constant 0 : i32
    %dma_start3A_92 = tpu.memref_slice %dma_start3A_89[%add3A, %dma_start3A_90, %dma_start3A_91] : memref<32x8x128xi32, #tpu.memory_space<hbm>> -> memref<1x8x128xi32, #tpu.memory_space<hbm>>
    %dma_start3A_93 = tpu.memref_squeeze %dma_start3A_92 : memref<1x8x128xi32, #tpu.memory_space<hbm>> -> memref<8x128xi32, #tpu.memory_space<hbm>>
    %dma_start3A_94 = arith.constant 0 : i32
    %dma_start3A_95 = tpu.memref_slice %dma_start3A_93[%dma_start3A_65, %dma_start3A_94] : memref<8x128xi32, #tpu.memory_space<hbm>> -> memref<1x128xi32, #tpu.memory_space<hbm>>
    %dma_start3A_96 = tpu.memref_squeeze %dma_start3A_95 : memref<1x128xi32, #tpu.memory_space<hbm>> -> memref<128xi32, #tpu.memory_space<hbm>>
    tpu.enqueue_dma source(%dma_start3A_96 : memref<128xi32, #tpu.memory_space<hbm>>) target(%dma_start3A_84 : memref<128xi32, #tpu.memory_space<vmem>>) target_semaphore(%arg9 : memref<!tpu.dma_semaphore, #tpu.memory_space<semaphore_mem>>)
    %dma_wait3A = arith.constant 0 : i32
    %dma_wait3A_97 = arith.constant 0 : i32
    %dma_wait3A_98 = arith.constant 0 : i32
    %dma_wait3A_99 = arith.constant 0 : i32
    %dma_wait3A_100 = tpu.memref_slice %arg5[%dma_wait3A_98, %dma_wait3A_99] : memref<2x128xi32, #tpu.memory_space<vmem>> -> memref<1x128xi32, #tpu.memory_space<vmem>>
    %dma_wait3A_101 = tpu.memref_squeeze %dma_wait3A_100 : memref<1x128xi32, #tpu.memory_space<vmem>> -> memref<128xi32, #tpu.memory_space<vmem>>
    %dma_wait3A_102 = arith.constant 0 : i32
    %dma_wait3A_103 = arith.constant 0 : i32
    %dma_wait3A_104 = arith.constant 0 : i32
    %dma_wait3A_105 = tpu.memref_slice %arg3[%dma_wait3A, %dma_wait3A_102, %dma_wait3A_103, %dma_wait3A_104] : memref<25x32x8x128xi32, #tpu.memory_space<hbm>> -> memref<1x32x8x128xi32, #tpu.memory_space<hbm>>
    %dma_wait3A_106 = tpu.memref_squeeze %dma_wait3A_105 : memref<1x32x8x128xi32, #tpu.memory_space<hbm>> -> memref<32x8x128xi32, #tpu.memory_space<hbm>>
    %dma_wait3A_107 = arith.constant 0 : i32
    %dma_wait3A_108 = arith.constant 0 : i32
    %dma_wait3A_109 = tpu.memref_slice %dma_wait3A_106[%add3A, %dma_wait3A_107, %dma_wait3A_108] : memref<32x8x128xi32, #tpu.memory_space<hbm>> -> memref<1x8x128xi32, #tpu.memory_space<hbm>>
    %dma_wait3A_110 = tpu.memref_squeeze %dma_wait3A_109 : memref<1x8x128xi32, #tpu.memory_space<hbm>> -> memref<8x128xi32, #tpu.memory_space<hbm>>
    %dma_wait3A_111 = arith.constant 0 : i32
    %dma_wait3A_112 = tpu.memref_slice %dma_wait3A_110[%dma_wait3A_97, %dma_wait3A_111] : memref<8x128xi32, #tpu.memory_space<hbm>> -> memref<1x128xi32, #tpu.memory_space<hbm>>
    %dma_wait3A_113 = tpu.memref_squeeze %dma_wait3A_112 : memref<1x128xi32, #tpu.memory_space<hbm>> -> memref<128xi32, #tpu.memory_space<hbm>>
    %dma_wait3A_114 = arith.constant 0 : i32
    %dma_wait3A_115 = tpu.memref_slice %arg5[%dma_wait3A_98, %dma_wait3A_114] : memref<2x128xi32, #tpu.memory_space<vmem>> -> memref<1x128xi32, #tpu.memory_space<vmem>>
    %dma_wait3A_116 = tpu.memref_squeeze %dma_wait3A_115 : memref<1x128xi32, #tpu.memory_space<vmem>> -> memref<128xi32, #tpu.memory_space<vmem>>
    %dma_wait3A_117 = arith.constant 0 : i32
    %dma_wait3A_118 = arith.constant 0 : i32
    %dma_wait3A_119 = arith.constant 0 : i32
    %dma_wait3A_120 = tpu.memref_slice %arg3[%dma_wait3A, %dma_wait3A_117, %dma_wait3A_118, %dma_wait3A_119] : memref<25x32x8x128xi32, #tpu.memory_space<hbm>> -> memref<1x32x8x128xi32, #tpu.memory_space<hbm>>
    %dma_wait3A_121 = tpu.memref_squeeze %dma_wait3A_120 : memref<1x32x8x128xi32, #tpu.memory_space<hbm>> -> memref<32x8x128xi32, #tpu.memory_space<hbm>>
    %dma_wait3A_122 = arith.constant 0 : i32
    %dma_wait3A_123 = arith.constant 0 : i32
    %dma_wait3A_124 = tpu.memref_slice %dma_wait3A_121[%add3A, %dma_wait3A_122, %dma_wait3A_123] : memref<32x8x128xi32, #tpu.memory_space<hbm>> -> memref<1x8x128xi32, #tpu.memory_space<hbm>>
    %dma_wait3A_125 = tpu.memref_squeeze %dma_wait3A_124 : memref<1x8x128xi32, #tpu.memory_space<hbm>> -> memref<8x128xi32, #tpu.memory_space<hbm>>
    %dma_wait3A_126 = arith.constant 0 : i32
    %dma_wait3A_127 = tpu.memref_slice %dma_wait3A_125[%dma_wait3A_97, %dma_wait3A_126] : memref<8x128xi32, #tpu.memory_space<hbm>> -> memref<1x128xi32, #tpu.memory_space<hbm>>
    %dma_wait3A_128 = tpu.memref_squeeze %dma_wait3A_127 : memref<1x128xi32, #tpu.memory_space<hbm>> -> memref<128xi32, #tpu.memory_space<hbm>>
    tpu.wait_dma2 semaphore(%arg8 : memref<!tpu.dma_semaphore, #tpu.memory_space<semaphore_mem>>) src(%dma_wait3A_128 : memref<128xi32, #tpu.memory_space<hbm>>) dst(%dma_wait3A_116 : memref<128xi32, #tpu.memory_space<vmem>>)
    %dma_start3A_129 = arith.constant 0 : i32
    %dma_start3A_130 = arith.constant 0 : i32
    %dma_start3A_131 = arith.constant 0 : i32
    %dma_start3A_132 = arith.constant 0 : i32
    %dma_start3A_133 = tpu.memref_slice %arg6[%dma_start3A_130, %dma_start3A_131, %dma_start3A_132] : memref<2x128x64xf32, #tpu.memory_space<vmem>> -> memref<1x128x64xf32, #tpu.memory_space<vmem>>
    %dma_start3A_134 = tpu.memref_squeeze %dma_start3A_133 : memref<1x128x64xf32, #tpu.memory_space<vmem>> -> memref<128x64xf32, #tpu.memory_space<vmem>>
    %dma_start3A_135 = arith.constant 0 : i32
    %dma_start3A_136 = arith.constant 0 : i32
    %dma_start3A_137 = tpu.memref_slice %dma_start3A_134[%dma_start3A_135, %dma_start3A_136] : memref<128x64xf32, #tpu.memory_space<vmem>> -> memref<32x64xf32, #tpu.memory_space<vmem>>
    %dma_start3A_138 = arith.constant 0 : i32
    %dma_start3A_139 = tpu.memref_slice %arg5[%dma_start3A_129, %dma_start3A_138] : memref<2x128xi32, #tpu.memory_space<vmem>> -> memref<1x128xi32, #tpu.memory_space<vmem>>
    %dma_start3A_140 = tpu.memref_squeeze %dma_start3A_139 : memref<1x128xi32, #tpu.memory_space<vmem>> -> memref<128xi32, #tpu.memory_space<vmem>>
    %dma_start3A_141 = arith.constant 0 : i32
    %dma_start3A_142 = tpu.memref_slice %dma_start3A_140[%dma_start3A_141] : memref<128xi32, #tpu.memory_space<vmem>> -> memref<32xi32, #tpu.memory_space<vmem>>
    %dma_start3A_143 = arith.constant 0 : i32
    %dma_start3A_144 = arith.constant 0 : i32
    %dma_start3A_145 = tpu.memref_slice %arg2[%dma_start3A_143, %dma_start3A_144] : memref<100000x64xf32, #tpu.memory_space<hbm>> -> memref<100000x64xf32, #tpu.memory_space<hbm>>
    tpu.enqueue_indirect_dma source(%dma_start3A_145 : memref<100000x64xf32, #tpu.memory_space<hbm>>) target(%dma_start3A_137 : memref<32x64xf32, #tpu.memory_space<vmem>>) offsets(%dma_start3A_142 : memref<32xi32, #tpu.memory_space<vmem>>) semaphore(%arg10 : memref<!tpu.dma_semaphore, #tpu.memory_space<semaphore_mem>>)
    %dma_start3A_146 = arith.constant 0 : i32
    %dma_start3A_147 = arith.constant 0 : i32
    %dma_start3A_148 = arith.constant 0 : i32
    %dma_start3A_149 = arith.constant 0 : i32
    %dma_start3A_150 = tpu.memref_slice %arg6[%dma_start3A_147, %dma_start3A_148, %dma_start3A_149] : memref<2x128x64xf32, #tpu.memory_space<vmem>> -> memref<1x128x64xf32, #tpu.memory_space<vmem>>
    %dma_start3A_151 = tpu.memref_squeeze %dma_start3A_150 : memref<1x128x64xf32, #tpu.memory_space<vmem>> -> memref<128x64xf32, #tpu.memory_space<vmem>>
    %dma_start3A_152 = arith.constant 32 : i32
    %dma_start3A_153 = arith.constant 0 : i32
    %dma_start3A_154 = tpu.memref_slice %dma_start3A_151[%dma_start3A_152, %dma_start3A_153] : memref<128x64xf32, #tpu.memory_space<vmem>> -> memref<32x64xf32, #tpu.memory_space<vmem>>
    %dma_start3A_155 = arith.constant 0 : i32
    %dma_start3A_156 = tpu.memref_slice %arg5[%dma_start3A_146, %dma_start3A_155] : memref<2x128xi32, #tpu.memory_space<vmem>> -> memref<1x128xi32, #tpu.memory_space<vmem>>
    %dma_start3A_157 = tpu.memref_squeeze %dma_start3A_156 : memref<1x128xi32, #tpu.memory_space<vmem>> -> memref<128xi32, #tpu.memory_space<vmem>>
    %dma_start3A_158 = arith.constant 32 : i32
    %dma_start3A_159 = tpu.memref_slice %dma_start3A_157[%dma_start3A_158] : memref<128xi32, #tpu.memory_space<vmem>> -> memref<32xi32, #tpu.memory_space<vmem>>
    %dma_start3A_160 = arith.constant 0 : i32
    %dma_start3A_161 = arith.constant 0 : i32
    %dma_start3A_162 = tpu.memref_slice %arg2[%dma_start3A_160, %dma_start3A_161] : memref<100000x64xf32, #tpu.memory_space<hbm>> -> memref<100000x64xf32, #tpu.memory_space<hbm>>
    tpu.enqueue_indirect_dma source(%dma_start3A_162 : memref<100000x64xf32, #tpu.memory_space<hbm>>) target(%dma_start3A_154 : memref<32x64xf32, #tpu.memory_space<vmem>>) offsets(%dma_start3A_159 : memref<32xi32, #tpu.memory_space<vmem>>) semaphore(%arg10 : memref<!tpu.dma_semaphore, #tpu.memory_space<semaphore_mem>>)
    %dma_start3A_163 = arith.constant 0 : i32
    %dma_start3A_164 = arith.constant 0 : i32
    %dma_start3A_165 = arith.constant 0 : i32
    %dma_start3A_166 = arith.constant 0 : i32
    %dma_start3A_167 = tpu.memref_slice %arg6[%dma_start3A_164, %dma_start3A_165, %dma_start3A_166] : memref<2x128x64xf32, #tpu.memory_space<vmem>> -> memref<1x128x64xf32, #tpu.memory_space<vmem>>
    %dma_start3A_168 = tpu.memref_squeeze %dma_start3A_167 : memref<1x128x64xf32, #tpu.memory_space<vmem>> -> memref<128x64xf32, #tpu.memory_space<vmem>>
    %dma_start3A_169 = arith.constant 64 : i32
    %dma_start3A_170 = arith.constant 0 : i32
    %dma_start3A_171 = tpu.memref_slice %dma_start3A_168[%dma_start3A_169, %dma_start3A_170] : memref<128x64xf32, #tpu.memory_space<vmem>> -> memref<32x64xf32, #tpu.memory_space<vmem>>
    %dma_start3A_172 = arith.constant 0 : i32
    %dma_start3A_173 = tpu.memref_slice %arg5[%dma_start3A_163, %dma_start3A_172] : memref<2x128xi32, #tpu.memory_space<vmem>> -> memref<1x128xi32, #tpu.memory_space<vmem>>
    %dma_start3A_174 = tpu.memref_squeeze %dma_start3A_173 : memref<1x128xi32, #tpu.memory_space<vmem>> -> memref<128xi32, #tpu.memory_space<vmem>>
    %dma_start3A_175 = arith.constant 64 : i32
    %dma_start3A_176 = tpu.memref_slice %dma_start3A_174[%dma_start3A_175] : memref<128xi32, #tpu.memory_space<vmem>> -> memref<32xi32, #tpu.memory_space<vmem>>
    %dma_start3A_177 = arith.constant 0 : i32
    %dma_start3A_178 = arith.constant 0 : i32
    %dma_start3A_179 = tpu.memref_slice %arg2[%dma_start3A_177, %dma_start3A_178] : memref<100000x64xf32, #tpu.memory_space<hbm>> -> memref<100000x64xf32, #tpu.memory_space<hbm>>
    tpu.enqueue_indirect_dma source(%dma_start3A_179 : memref<100000x64xf32, #tpu.memory_space<hbm>>) target(%dma_start3A_171 : memref<32x64xf32, #tpu.memory_space<vmem>>) offsets(%dma_start3A_176 : memref<32xi32, #tpu.memory_space<vmem>>) semaphore(%arg10 : memref<!tpu.dma_semaphore, #tpu.memory_space<semaphore_mem>>)
    %dma_start3A_180 = arith.constant 0 : i32
    %dma_start3A_181 = arith.constant 0 : i32
    %dma_start3A_182 = arith.constant 0 : i32
    %dma_start3A_183 = arith.constant 0 : i32
    %dma_start3A_184 = tpu.memref_slice %arg6[%dma_start3A_181, %dma_start3A_182, %dma_start3A_183] : memref<2x128x64xf32, #tpu.memory_space<vmem>> -> memref<1x128x64xf32, #tpu.memory_space<vmem>>
    %dma_start3A_185 = tpu.memref_squeeze %dma_start3A_184 : memref<1x128x64xf32, #tpu.memory_space<vmem>> -> memref<128x64xf32, #tpu.memory_space<vmem>>
    %dma_start3A_186 = arith.constant 96 : i32
    %dma_start3A_187 = arith.constant 0 : i32
    %dma_start3A_188 = tpu.memref_slice %dma_start3A_185[%dma_start3A_186, %dma_start3A_187] : memref<128x64xf32, #tpu.memory_space<vmem>> -> memref<32x64xf32, #tpu.memory_space<vmem>>
    %dma_start3A_189 = arith.constant 0 : i32
    %dma_start3A_190 = tpu.memref_slice %arg5[%dma_start3A_180, %dma_start3A_189] : memref<2x128xi32, #tpu.memory_space<vmem>> -> memref<1x128xi32, #tpu.memory_space<vmem>>
    %dma_start3A_191 = tpu.memref_squeeze %dma_start3A_190 : memref<1x128xi32, #tpu.memory_space<vmem>> -> memref<128xi32, #tpu.memory_space<vmem>>
    %dma_start3A_192 = arith.constant 96 : i32
    %dma_start3A_193 = tpu.memref_slice %dma_start3A_191[%dma_start3A_192] : memref<128xi32, #tpu.memory_space<vmem>> -> memref<32xi32, #tpu.memory_space<vmem>>
    %dma_start3A_194 = arith.constant 0 : i32
    %dma_start3A_195 = arith.constant 0 : i32
    %dma_start3A_196 = tpu.memref_slice %arg2[%dma_start3A_194, %dma_start3A_195] : memref<100000x64xf32, #tpu.memory_space<hbm>> -> memref<100000x64xf32, #tpu.memory_space<hbm>>
    tpu.enqueue_indirect_dma source(%dma_start3A_196 : memref<100000x64xf32, #tpu.memory_space<hbm>>) target(%dma_start3A_188 : memref<32x64xf32, #tpu.memory_space<vmem>>) offsets(%dma_start3A_193 : memref<32xi32, #tpu.memory_space<vmem>>) semaphore(%arg10 : memref<!tpu.dma_semaphore, #tpu.memory_space<semaphore_mem>>)
    %scan3A = arith.constant 0 : i32
    %scan3A_197 = arith.constant 0 : i32
    %scan3A_198 = arith.constant 100 : i32
    %scan3A_199 = arith.addi %scan3A_197, %scan3A_198 : i32
    %scan3A_200 = arith.constant 1 : i32
    scf.for %scan3A_270 = %scan3A_197 to %scan3A_199 step %scan3A_200  : i32 {
      %mul3A_271 = arith.constant 2 : i32
      %mul3A_272 = arith.muli %mul3A_271, %scan3A_270 : i32
      %dma_wait3A_273 = arith.constant 0 : i32
      %dma_wait3A_274 = arith.constant 0 : i32
      %dma_wait3A_275 = arith.constant 0 : i32
      %dma_wait3A_276 = arith.constant 0 : i32
      %dma_wait3A_277 = tpu.memref_slice %arg6[%dma_wait3A_274, %dma_wait3A_275, %dma_wait3A_276] : memref<2x128x64xf32, #tpu.memory_space<vmem>> -> memref<1x128x64xf32, #tpu.memory_space<vmem>>
      %dma_wait3A_278 = tpu.memref_squeeze %dma_wait3A_277 : memref<1x128x64xf32, #tpu.memory_space<vmem>> -> memref<128x64xf32, #tpu.memory_space<vmem>>
      %dma_wait3A_279 = arith.constant 0 : i32
      %dma_wait3A_280 = arith.constant 0 : i32
      %dma_wait3A_281 = tpu.memref_slice %dma_wait3A_278[%dma_wait3A_279, %dma_wait3A_280] : memref<128x64xf32, #tpu.memory_space<vmem>> -> memref<32x64xf32, #tpu.memory_space<vmem>>
      %dma_wait3A_282 = arith.constant 0 : i32
      %dma_wait3A_283 = tpu.memref_slice %arg5[%dma_wait3A_273, %dma_wait3A_282] : memref<2x128xi32, #tpu.memory_space<vmem>> -> memref<1x128xi32, #tpu.memory_space<vmem>>
      %dma_wait3A_284 = tpu.memref_squeeze %dma_wait3A_283 : memref<1x128xi32, #tpu.memory_space<vmem>> -> memref<128xi32, #tpu.memory_space<vmem>>
      %dma_wait3A_285 = arith.constant 0 : i32
      %dma_wait3A_286 = tpu.memref_slice %dma_wait3A_284[%dma_wait3A_285] : memref<128xi32, #tpu.memory_space<vmem>> -> memref<32xi32, #tpu.memory_space<vmem>>
      %dma_wait3A_287 = arith.constant 0 : i32
      %dma_wait3A_288 = arith.constant 0 : i32
      %dma_wait3A_289 = tpu.memref_slice %arg2[%dma_wait3A_287, %dma_wait3A_288] : memref<100000x64xf32, #tpu.memory_space<hbm>> -> memref<100000x64xf32, #tpu.memory_space<hbm>>
      tpu.wait_indirect_dma semaphore(%arg10 : memref<!tpu.dma_semaphore, #tpu.memory_space<semaphore_mem>>) src(%dma_wait3A_289 : memref<100000x64xf32, #tpu.memory_space<hbm>>) dst(%dma_wait3A_281 : memref<32x64xf32, #tpu.memory_space<vmem>>)
      %dma_wait3A_290 = arith.constant 0 : i32
      %dma_wait3A_291 = arith.constant 0 : i32
      %dma_wait3A_292 = arith.constant 0 : i32
      %dma_wait3A_293 = arith.constant 0 : i32
      %dma_wait3A_294 = tpu.memref_slice %arg6[%dma_wait3A_291, %dma_wait3A_292, %dma_wait3A_293] : memref<2x128x64xf32, #tpu.memory_space<vmem>> -> memref<1x128x64xf32, #tpu.memory_space<vmem>>
      %dma_wait3A_295 = tpu.memref_squeeze %dma_wait3A_294 : memref<1x128x64xf32, #tpu.memory_space<vmem>> -> memref<128x64xf32, #tpu.memory_space<vmem>>
      %dma_wait3A_296 = arith.constant 32 : i32
      %dma_wait3A_297 = arith.constant 0 : i32
      %dma_wait3A_298 = tpu.memref_slice %dma_wait3A_295[%dma_wait3A_296, %dma_wait3A_297] : memref<128x64xf32, #tpu.memory_space<vmem>> -> memref<32x64xf32, #tpu.memory_space<vmem>>
      %dma_wait3A_299 = arith.constant 0 : i32
      %dma_wait3A_300 = tpu.memref_slice %arg5[%dma_wait3A_290, %dma_wait3A_299] : memref<2x128xi32, #tpu.memory_space<vmem>> -> memref<1x128xi32, #tpu.memory_space<vmem>>
      %dma_wait3A_301 = tpu.memref_squeeze %dma_wait3A_300 : memref<1x128xi32, #tpu.memory_space<vmem>> -> memref<128xi32, #tpu.memory_space<vmem>>
      %dma_wait3A_302 = arith.constant 32 : i32
      %dma_wait3A_303 = tpu.memref_slice %dma_wait3A_301[%dma_wait3A_302] : memref<128xi32, #tpu.memory_space<vmem>> -> memref<32xi32, #tpu.memory_space<vmem>>
      %dma_wait3A_304 = arith.constant 0 : i32
      %dma_wait3A_305 = arith.constant 0 : i32
      %dma_wait3A_306 = tpu.memref_slice %arg2[%dma_wait3A_304, %dma_wait3A_305] : memref<100000x64xf32, #tpu.memory_space<hbm>> -> memref<100000x64xf32, #tpu.memory_space<hbm>>
      tpu.wait_indirect_dma semaphore(%arg10 : memref<!tpu.dma_semaphore, #tpu.memory_space<semaphore_mem>>) src(%dma_wait3A_306 : memref<100000x64xf32, #tpu.memory_space<hbm>>) dst(%dma_wait3A_298 : memref<32x64xf32, #tpu.memory_space<vmem>>)
      %dma_wait3A_307 = arith.constant 0 : i32
      %dma_wait3A_308 = arith.constant 0 : i32
      %dma_wait3A_309 = arith.constant 0 : i32
      %dma_wait3A_310 = arith.constant 0 : i32
      %dma_wait3A_311 = tpu.memref_slice %arg6[%dma_wait3A_308, %dma_wait3A_309, %dma_wait3A_310] : memref<2x128x64xf32, #tpu.memory_space<vmem>> -> memref<1x128x64xf32, #tpu.memory_space<vmem>>
      %dma_wait3A_312 = tpu.memref_squeeze %dma_wait3A_311 : memref<1x128x64xf32, #tpu.memory_space<vmem>> -> memref<128x64xf32, #tpu.memory_space<vmem>>
      %dma_wait3A_313 = arith.constant 64 : i32
      %dma_wait3A_314 = arith.constant 0 : i32
      %dma_wait3A_315 = tpu.memref_slice %dma_wait3A_312[%dma_wait3A_313, %dma_wait3A_314] : memref<128x64xf32, #tpu.memory_space<vmem>> -> memref<32x64xf32, #tpu.memory_space<vmem>>
      %dma_wait3A_316 = arith.constant 0 : i32
      %dma_wait3A_317 = tpu.memref_slice %arg5[%dma_wait3A_307, %dma_wait3A_316] : memref<2x128xi32, #tpu.memory_space<vmem>> -> memref<1x128xi32, #tpu.memory_space<vmem>>
      %dma_wait3A_318 = tpu.memref_squeeze %dma_wait3A_317 : memref<1x128xi32, #tpu.memory_space<vmem>> -> memref<128xi32, #tpu.memory_space<vmem>>
      %dma_wait3A_319 = arith.constant 64 : i32
      %dma_wait3A_320 = tpu.memref_slice %dma_wait3A_318[%dma_wait3A_319] : memref<128xi32, #tpu.memory_space<vmem>> -> memref<32xi32, #tpu.memory_space<vmem>>
      %dma_wait3A_321 = arith.constant 0 : i32
      %dma_wait3A_322 = arith.constant 0 : i32
      %dma_wait3A_323 = tpu.memref_slice %arg2[%dma_wait3A_321, %dma_wait3A_322] : memref<100000x64xf32, #tpu.memory_space<hbm>> -> memref<100000x64xf32, #tpu.memory_space<hbm>>
      tpu.wait_indirect_dma semaphore(%arg10 : memref<!tpu.dma_semaphore, #tpu.memory_space<semaphore_mem>>) src(%dma_wait3A_323 : memref<100000x64xf32, #tpu.memory_space<hbm>>) dst(%dma_wait3A_315 : memref<32x64xf32, #tpu.memory_space<vmem>>)
      %dma_wait3A_324 = arith.constant 0 : i32
      %dma_wait3A_325 = arith.constant 0 : i32
      %dma_wait3A_326 = arith.constant 0 : i32
      %dma_wait3A_327 = arith.constant 0 : i32
      %dma_wait3A_328 = tpu.memref_slice %arg6[%dma_wait3A_325, %dma_wait3A_326, %dma_wait3A_327] : memref<2x128x64xf32, #tpu.memory_space<vmem>> -> memref<1x128x64xf32, #tpu.memory_space<vmem>>
      %dma_wait3A_329 = tpu.memref_squeeze %dma_wait3A_328 : memref<1x128x64xf32, #tpu.memory_space<vmem>> -> memref<128x64xf32, #tpu.memory_space<vmem>>
      %dma_wait3A_330 = arith.constant 96 : i32
      %dma_wait3A_331 = arith.constant 0 : i32
      %dma_wait3A_332 = tpu.memref_slice %dma_wait3A_329[%dma_wait3A_330, %dma_wait3A_331] : memref<128x64xf32, #tpu.memory_space<vmem>> -> memref<32x64xf32, #tpu.memory_space<vmem>>
      %dma_wait3A_333 = arith.constant 0 : i32
      %dma_wait3A_334 = tpu.memref_slice %arg5[%dma_wait3A_324, %dma_wait3A_333] : memref<2x128xi32, #tpu.memory_space<vmem>> -> memref<1x128xi32, #tpu.memory_space<vmem>>
      %dma_wait3A_335 = tpu.memref_squeeze %dma_wait3A_334 : memref<1x128xi32, #tpu.memory_space<vmem>> -> memref<128xi32, #tpu.memory_space<vmem>>
      %dma_wait3A_336 = arith.constant 96 : i32
      %dma_wait3A_337 = tpu.memref_slice %dma_wait3A_335[%dma_wait3A_336] : memref<128xi32, #tpu.memory_space<vmem>> -> memref<32xi32, #tpu.memory_space<vmem>>
      %dma_wait3A_338 = arith.constant 0 : i32
      %dma_wait3A_339 = arith.constant 0 : i32
      %dma_wait3A_340 = tpu.memref_slice %arg2[%dma_wait3A_338, %dma_wait3A_339] : memref<100000x64xf32, #tpu.memory_space<hbm>> -> memref<100000x64xf32, #tpu.memory_space<hbm>>
      tpu.wait_indirect_dma semaphore(%arg10 : memref<!tpu.dma_semaphore, #tpu.memory_space<semaphore_mem>>) src(%dma_wait3A_340 : memref<100000x64xf32, #tpu.memory_space<hbm>>) dst(%dma_wait3A_332 : memref<32x64xf32, #tpu.memory_space<vmem>>)
      %lt3A = arith.constant 99 : i32
      %lt3A_341 = arith.cmpi slt, %scan3A_270, %lt3A : i32
      %convert_element_type3A = arith.extui %lt3A_341 : i1 to i32
      %cond3A = arith.constant 0 : i32
      %cond3A_342 = arith.cmpi ne, %convert_element_type3A, %cond3A : i32
      scf.if %cond3A_342 {
        %add3A_606 = arith.constant 2 : i32
        %add3A_607 = arith.addi %mul3A_272, %add3A_606 : i32
        %jit3A = arith.constant 8 : i32
        %div3A = arith.divsi %add3A_607, %jit3A : i32
        %sign3A = arith.constant 0 : i32
        %sign3A_608 = arith.cmpi sgt, %add3A_607, %sign3A : i32
        %sign3A_609 = arith.extui %sign3A_608 : i1 to i32
        %sign3A_610 = arith.constant 0 : i32
        %sign3A_611 = arith.cmpi slt, %add3A_607, %sign3A_610 : i32
        %sign3A_612 = arith.extui %sign3A_611 : i1 to i32
        %sign3A_613 = arith.subi %sign3A_609, %sign3A_612 : i32
        %sign3A_614 = arith.constant 0 : i32
        %sign3A_615 = arith.cmpi sgt, %jit3A, %sign3A_614 : i32
        %sign3A_616 = arith.extui %sign3A_615 : i1 to i32
        %sign3A_617 = arith.constant 0 : i32
        %sign3A_618 = arith.cmpi slt, %jit3A, %sign3A_617 : i32
        %sign3A_619 = arith.extui %sign3A_618 : i1 to i32
        %sign3A_620 = arith.subi %sign3A_616, %sign3A_619 : i32
        %ne3A = arith.cmpi ne, %sign3A_613, %sign3A_620 : i32
        %rem3A = arith.remsi %add3A_607, %jit3A : i32
        %ne3A_621 = arith.constant 0 : i32
        %ne3A_622 = arith.cmpi ne, %rem3A, %ne3A_621 : i32
        %and3A = arith.andi %ne3A, %ne3A_622 : i1
        %sub3A = arith.constant 1 : i32
        %sub3A_623 = arith.subi %div3A, %sub3A : i32
        %select_n3A = arith.select %and3A, %sub3A_623, %div3A : i32
        %jit3A_624 = arith.constant 8 : i32
        %eq3A = arith.constant 0 : i32
        %eq3A_625 = arith.cmpi eq, %jit3A_624, %eq3A : i32
        %jit3A_626 = arith.constant 1 : i32
        %select_n3A_627 = arith.select %eq3A_625, %jit3A_626, %jit3A_624 : i32
        %rem3A_628 = arith.remsi %add3A_607, %select_n3A_627 : i32
        %ne3A_629 = arith.constant 0 : i32
        %ne3A_630 = arith.cmpi ne, %rem3A_628, %ne3A_629 : i32
        %lt3A_631 = arith.constant 0 : i32
        %lt3A_632 = arith.cmpi slt, %rem3A_628, %lt3A_631 : i32
        %lt3A_633 = arith.constant 0 : i32
        %lt3A_634 = arith.cmpi slt, %select_n3A_627, %lt3A_633 : i32
        %ne3A_635 = arith.xori %lt3A_632, %lt3A_634 : i1
        %and3A_636 = arith.andi %ne3A_635, %ne3A_630 : i1
        %add3A_637 = arith.addi %rem3A_628, %select_n3A_627 : i32
        %select_n3A_638 = arith.select %and3A_636, %add3A_637, %rem3A_628 : i32
        %dma_start3A_639 = arith.constant 0 : i32
        %dma_start3A_640 = arith.constant 0 : i32
        %dma_start3A_641 = tpu.memref_slice %arg5[%dma_start3A_639, %dma_start3A_640] : memref<2x128xi32, #tpu.memory_space<vmem>> -> memref<1x128xi32, #tpu.memory_space<vmem>>
        %dma_start3A_642 = tpu.memref_squeeze %dma_start3A_641 : memref<1x128xi32, #tpu.memory_space<vmem>> -> memref<128xi32, #tpu.memory_space<vmem>>
        %dma_start3A_643 = arith.constant 0 : i32
        %dma_start3A_644 = arith.constant 0 : i32
        %dma_start3A_645 = arith.constant 0 : i32
        %dma_start3A_646 = tpu.memref_slice %arg3[%select_n3A, %dma_start3A_643, %dma_start3A_644, %dma_start3A_645] : memref<25x32x8x128xi32, #tpu.memory_space<hbm>> -> memref<1x32x8x128xi32, #tpu.memory_space<hbm>>
        %dma_start3A_647 = tpu.memref_squeeze %dma_start3A_646 : memref<1x32x8x128xi32, #tpu.memory_space<hbm>> -> memref<32x8x128xi32, #tpu.memory_space<hbm>>
        %dma_start3A_648 = arith.constant 0 : i32
        %dma_start3A_649 = arith.constant 0 : i32
        %dma_start3A_650 = tpu.memref_slice %dma_start3A_647[%add3A, %dma_start3A_648, %dma_start3A_649] : memref<32x8x128xi32, #tpu.memory_space<hbm>> -> memref<1x8x128xi32, #tpu.memory_space<hbm>>
        %dma_start3A_651 = tpu.memref_squeeze %dma_start3A_650 : memref<1x8x128xi32, #tpu.memory_space<hbm>> -> memref<8x128xi32, #tpu.memory_space<hbm>>
        %dma_start3A_652 = arith.constant 0 : i32
        %dma_start3A_653 = tpu.memref_slice %dma_start3A_651[%select_n3A_638, %dma_start3A_652] : memref<8x128xi32, #tpu.memory_space<hbm>> -> memref<1x128xi32, #tpu.memory_space<hbm>>
        %dma_start3A_654 = tpu.memref_squeeze %dma_start3A_653 : memref<1x128xi32, #tpu.memory_space<hbm>> -> memref<128xi32, #tpu.memory_space<hbm>>
        %dma_start3A_655 = arith.constant 0 : i32
        %dma_start3A_656 = tpu.memref_slice %arg5[%dma_start3A_639, %dma_start3A_655] : memref<2x128xi32, #tpu.memory_space<vmem>> -> memref<1x128xi32, #tpu.memory_space<vmem>>
        %dma_start3A_657 = tpu.memref_squeeze %dma_start3A_656 : memref<1x128xi32, #tpu.memory_space<vmem>> -> memref<128xi32, #tpu.memory_space<vmem>>
        %dma_start3A_658 = arith.constant 0 : i32
        %dma_start3A_659 = arith.constant 0 : i32
        %dma_start3A_660 = arith.constant 0 : i32
        %dma_start3A_661 = tpu.memref_slice %arg3[%select_n3A, %dma_start3A_658, %dma_start3A_659, %dma_start3A_660] : memref<25x32x8x128xi32, #tpu.memory_space<hbm>> -> memref<1x32x8x128xi32, #tpu.memory_space<hbm>>
        %dma_start3A_662 = tpu.memref_squeeze %dma_start3A_661 : memref<1x32x8x128xi32, #tpu.memory_space<hbm>> -> memref<32x8x128xi32, #tpu.memory_space<hbm>>
        %dma_start3A_663 = arith.constant 0 : i32
        %dma_start3A_664 = arith.constant 0 : i32
        %dma_start3A_665 = tpu.memref_slice %dma_start3A_662[%add3A, %dma_start3A_663, %dma_start3A_664] : memref<32x8x128xi32, #tpu.memory_space<hbm>> -> memref<1x8x128xi32, #tpu.memory_space<hbm>>
        %dma_start3A_666 = tpu.memref_squeeze %dma_start3A_665 : memref<1x8x128xi32, #tpu.memory_space<hbm>> -> memref<8x128xi32, #tpu.memory_space<hbm>>
        %dma_start3A_667 = arith.constant 0 : i32
        %dma_start3A_668 = tpu.memref_slice %dma_start3A_666[%select_n3A_638, %dma_start3A_667] : memref<8x128xi32, #tpu.memory_space<hbm>> -> memref<1x128xi32, #tpu.memory_space<hbm>>
        %dma_start3A_669 = tpu.memref_squeeze %dma_start3A_668 : memref<1x128xi32, #tpu.memory_space<hbm>> -> memref<128xi32, #tpu.memory_space<hbm>>
        tpu.enqueue_dma source(%dma_start3A_669 : memref<128xi32, #tpu.memory_space<hbm>>) target(%dma_start3A_657 : memref<128xi32, #tpu.memory_space<vmem>>) target_semaphore(%arg8 : memref<!tpu.dma_semaphore, #tpu.memory_space<semaphore_mem>>)
      } else {
      }
      %dma_wait3A_343 = arith.constant 0 : i32
      %dma_wait3A_344 = arith.constant 0 : i32
      %dma_wait3A_345 = arith.constant 1 : i32
      %dma_wait3A_346 = arith.constant 0 : i32
      %dma_wait3A_347 = tpu.memref_slice %arg5[%dma_wait3A_345, %dma_wait3A_346] : memref<2x128xi32, #tpu.memory_space<vmem>> -> memref<1x128xi32, #tpu.memory_space<vmem>>
      %dma_wait3A_348 = tpu.memref_squeeze %dma_wait3A_347 : memref<1x128xi32, #tpu.memory_space<vmem>> -> memref<128xi32, #tpu.memory_space<vmem>>
      %dma_wait3A_349 = arith.constant 0 : i32
      %dma_wait3A_350 = arith.constant 0 : i32
      %dma_wait3A_351 = arith.constant 0 : i32
      %dma_wait3A_352 = tpu.memref_slice %arg3[%dma_wait3A_343, %dma_wait3A_349, %dma_wait3A_350, %dma_wait3A_351] : memref<25x32x8x128xi32, #tpu.memory_space<hbm>> -> memref<1x32x8x128xi32, #tpu.memory_space<hbm>>
      %dma_wait3A_353 = tpu.memref_squeeze %dma_wait3A_352 : memref<1x32x8x128xi32, #tpu.memory_space<hbm>> -> memref<32x8x128xi32, #tpu.memory_space<hbm>>
      %dma_wait3A_354 = arith.constant 0 : i32
      %dma_wait3A_355 = arith.constant 0 : i32
      %dma_wait3A_356 = tpu.memref_slice %dma_wait3A_353[%add3A, %dma_wait3A_354, %dma_wait3A_355] : memref<32x8x128xi32, #tpu.memory_space<hbm>> -> memref<1x8x128xi32, #tpu.memory_space<hbm>>
      %dma_wait3A_357 = tpu.memref_squeeze %dma_wait3A_356 : memref<1x8x128xi32, #tpu.memory_space<hbm>> -> memref<8x128xi32, #tpu.memory_space<hbm>>
      %dma_wait3A_358 = arith.constant 0 : i32
      %dma_wait3A_359 = tpu.memref_slice %dma_wait3A_357[%dma_wait3A_344, %dma_wait3A_358] : memref<8x128xi32, #tpu.memory_space<hbm>> -> memref<1x128xi32, #tpu.memory_space<hbm>>
      %dma_wait3A_360 = tpu.memref_squeeze %dma_wait3A_359 : memref<1x128xi32, #tpu.memory_space<hbm>> -> memref<128xi32, #tpu.memory_space<hbm>>
      %dma_wait3A_361 = arith.constant 0 : i32
      %dma_wait3A_362 = tpu.memref_slice %arg5[%dma_wait3A_345, %dma_wait3A_361] : memref<2x128xi32, #tpu.memory_space<vmem>> -> memref<1x128xi32, #tpu.memory_space<vmem>>
      %dma_wait3A_363 = tpu.memref_squeeze %dma_wait3A_362 : memref<1x128xi32, #tpu.memory_space<vmem>> -> memref<128xi32, #tpu.memory_space<vmem>>
      %dma_wait3A_364 = arith.constant 0 : i32
      %dma_wait3A_365 = arith.constant 0 : i32
      %dma_wait3A_366 = arith.constant 0 : i32
      %dma_wait3A_367 = tpu.memref_slice %arg3[%dma_wait3A_343, %dma_wait3A_364, %dma_wait3A_365, %dma_wait3A_366] : memref<25x32x8x128xi32, #tpu.memory_space<hbm>> -> memref<1x32x8x128xi32, #tpu.memory_space<hbm>>
      %dma_wait3A_368 = tpu.memref_squeeze %dma_wait3A_367 : memref<1x32x8x128xi32, #tpu.memory_space<hbm>> -> memref<32x8x128xi32, #tpu.memory_space<hbm>>
      %dma_wait3A_369 = arith.constant 0 : i32
      %dma_wait3A_370 = arith.constant 0 : i32
      %dma_wait3A_371 = tpu.memref_slice %dma_wait3A_368[%add3A, %dma_wait3A_369, %dma_wait3A_370] : memref<32x8x128xi32, #tpu.memory_space<hbm>> -> memref<1x8x128xi32, #tpu.memory_space<hbm>>
      %dma_wait3A_372 = tpu.memref_squeeze %dma_wait3A_371 : memref<1x8x128xi32, #tpu.memory_space<hbm>> -> memref<8x128xi32, #tpu.memory_space<hbm>>
      %dma_wait3A_373 = arith.constant 0 : i32
      %dma_wait3A_374 = tpu.memref_slice %dma_wait3A_372[%dma_wait3A_344, %dma_wait3A_373] : memref<8x128xi32, #tpu.memory_space<hbm>> -> memref<1x128xi32, #tpu.memory_space<hbm>>
      %dma_wait3A_375 = tpu.memref_squeeze %dma_wait3A_374 : memref<1x128xi32, #tpu.memory_space<hbm>> -> memref<128xi32, #tpu.memory_space<hbm>>
      tpu.wait_dma2 semaphore(%arg9 : memref<!tpu.dma_semaphore, #tpu.memory_space<semaphore_mem>>) src(%dma_wait3A_375 : memref<128xi32, #tpu.memory_space<hbm>>) dst(%dma_wait3A_363 : memref<128xi32, #tpu.memory_space<vmem>>)
      %dma_start3A_376 = arith.constant 1 : i32
      %dma_start3A_377 = arith.constant 1 : i32
      %dma_start3A_378 = arith.constant 0 : i32
      %dma_start3A_379 = arith.constant 0 : i32
      %dma_start3A_380 = tpu.memref_slice %arg6[%dma_start3A_377, %dma_start3A_378, %dma_start3A_379] : memref<2x128x64xf32, #tpu.memory_space<vmem>> -> memref<1x128x64xf32, #tpu.memory_space<vmem>>
      %dma_start3A_381 = tpu.memref_squeeze %dma_start3A_380 : memref<1x128x64xf32, #tpu.memory_space<vmem>> -> memref<128x64xf32, #tpu.memory_space<vmem>>
      %dma_start3A_382 = arith.constant 0 : i32
      %dma_start3A_383 = arith.constant 0 : i32
      %dma_start3A_384 = tpu.memref_slice %dma_start3A_381[%dma_start3A_382, %dma_start3A_383] : memref<128x64xf32, #tpu.memory_space<vmem>> -> memref<32x64xf32, #tpu.memory_space<vmem>>
      %dma_start3A_385 = arith.constant 0 : i32
      %dma_start3A_386 = tpu.memref_slice %arg5[%dma_start3A_376, %dma_start3A_385] : memref<2x128xi32, #tpu.memory_space<vmem>> -> memref<1x128xi32, #tpu.memory_space<vmem>>
      %dma_start3A_387 = tpu.memref_squeeze %dma_start3A_386 : memref<1x128xi32, #tpu.memory_space<vmem>> -> memref<128xi32, #tpu.memory_space<vmem>>
      %dma_start3A_388 = arith.constant 0 : i32
      %dma_start3A_389 = tpu.memref_slice %dma_start3A_387[%dma_start3A_388] : memref<128xi32, #tpu.memory_space<vmem>> -> memref<32xi32, #tpu.memory_space<vmem>>
      %dma_start3A_390 = arith.constant 0 : i32
      %dma_start3A_391 = arith.constant 0 : i32
      %dma_start3A_392 = tpu.memref_slice %arg2[%dma_start3A_390, %dma_start3A_391] : memref<100000x64xf32, #tpu.memory_space<hbm>> -> memref<100000x64xf32, #tpu.memory_space<hbm>>
      tpu.enqueue_indirect_dma source(%dma_start3A_392 : memref<100000x64xf32, #tpu.memory_space<hbm>>) target(%dma_start3A_384 : memref<32x64xf32, #tpu.memory_space<vmem>>) offsets(%dma_start3A_389 : memref<32xi32, #tpu.memory_space<vmem>>) semaphore(%arg11 : memref<!tpu.dma_semaphore, #tpu.memory_space<semaphore_mem>>)
      %dma_start3A_393 = arith.constant 1 : i32
      %dma_start3A_394 = arith.constant 1 : i32
      %dma_start3A_395 = arith.constant 0 : i32
      %dma_start3A_396 = arith.constant 0 : i32
      %dma_start3A_397 = tpu.memref_slice %arg6[%dma_start3A_394, %dma_start3A_395, %dma_start3A_396] : memref<2x128x64xf32, #tpu.memory_space<vmem>> -> memref<1x128x64xf32, #tpu.memory_space<vmem>>
      %dma_start3A_398 = tpu.memref_squeeze %dma_start3A_397 : memref<1x128x64xf32, #tpu.memory_space<vmem>> -> memref<128x64xf32, #tpu.memory_space<vmem>>
      %dma_start3A_399 = arith.constant 32 : i32
      %dma_start3A_400 = arith.constant 0 : i32
      %dma_start3A_401 = tpu.memref_slice %dma_start3A_398[%dma_start3A_399, %dma_start3A_400] : memref<128x64xf32, #tpu.memory_space<vmem>> -> memref<32x64xf32, #tpu.memory_space<vmem>>
      %dma_start3A_402 = arith.constant 0 : i32
      %dma_start3A_403 = tpu.memref_slice %arg5[%dma_start3A_393, %dma_start3A_402] : memref<2x128xi32, #tpu.memory_space<vmem>> -> memref<1x128xi32, #tpu.memory_space<vmem>>
      %dma_start3A_404 = tpu.memref_squeeze %dma_start3A_403 : memref<1x128xi32, #tpu.memory_space<vmem>> -> memref<128xi32, #tpu.memory_space<vmem>>
      %dma_start3A_405 = arith.constant 32 : i32
      %dma_start3A_406 = tpu.memref_slice %dma_start3A_404[%dma_start3A_405] : memref<128xi32, #tpu.memory_space<vmem>> -> memref<32xi32, #tpu.memory_space<vmem>>
      %dma_start3A_407 = arith.constant 0 : i32
      %dma_start3A_408 = arith.constant 0 : i32
      %dma_start3A_409 = tpu.memref_slice %arg2[%dma_start3A_407, %dma_start3A_408] : memref<100000x64xf32, #tpu.memory_space<hbm>> -> memref<100000x64xf32, #tpu.memory_space<hbm>>
      tpu.enqueue_indirect_dma source(%dma_start3A_409 : memref<100000x64xf32, #tpu.memory_space<hbm>>) target(%dma_start3A_401 : memref<32x64xf32, #tpu.memory_space<vmem>>) offsets(%dma_start3A_406 : memref<32xi32, #tpu.memory_space<vmem>>) semaphore(%arg11 : memref<!tpu.dma_semaphore, #tpu.memory_space<semaphore_mem>>)
      %dma_start3A_410 = arith.constant 1 : i32
      %dma_start3A_411 = arith.constant 1 : i32
      %dma_start3A_412 = arith.constant 0 : i32
      %dma_start3A_413 = arith.constant 0 : i32
      %dma_start3A_414 = tpu.memref_slice %arg6[%dma_start3A_411, %dma_start3A_412, %dma_start3A_413] : memref<2x128x64xf32, #tpu.memory_space<vmem>> -> memref<1x128x64xf32, #tpu.memory_space<vmem>>
      %dma_start3A_415 = tpu.memref_squeeze %dma_start3A_414 : memref<1x128x64xf32, #tpu.memory_space<vmem>> -> memref<128x64xf32, #tpu.memory_space<vmem>>
      %dma_start3A_416 = arith.constant 64 : i32
      %dma_start3A_417 = arith.constant 0 : i32
      %dma_start3A_418 = tpu.memref_slice %dma_start3A_415[%dma_start3A_416, %dma_start3A_417] : memref<128x64xf32, #tpu.memory_space<vmem>> -> memref<32x64xf32, #tpu.memory_space<vmem>>
      %dma_start3A_419 = arith.constant 0 : i32
      %dma_start3A_420 = tpu.memref_slice %arg5[%dma_start3A_410, %dma_start3A_419] : memref<2x128xi32, #tpu.memory_space<vmem>> -> memref<1x128xi32, #tpu.memory_space<vmem>>
      %dma_start3A_421 = tpu.memref_squeeze %dma_start3A_420 : memref<1x128xi32, #tpu.memory_space<vmem>> -> memref<128xi32, #tpu.memory_space<vmem>>
      %dma_start3A_422 = arith.constant 64 : i32
      %dma_start3A_423 = tpu.memref_slice %dma_start3A_421[%dma_start3A_422] : memref<128xi32, #tpu.memory_space<vmem>> -> memref<32xi32, #tpu.memory_space<vmem>>
      %dma_start3A_424 = arith.constant 0 : i32
      %dma_start3A_425 = arith.constant 0 : i32
      %dma_start3A_426 = tpu.memref_slice %arg2[%dma_start3A_424, %dma_start3A_425] : memref<100000x64xf32, #tpu.memory_space<hbm>> -> memref<100000x64xf32, #tpu.memory_space<hbm>>
      tpu.enqueue_indirect_dma source(%dma_start3A_426 : memref<100000x64xf32, #tpu.memory_space<hbm>>) target(%dma_start3A_418 : memref<32x64xf32, #tpu.memory_space<vmem>>) offsets(%dma_start3A_423 : memref<32xi32, #tpu.memory_space<vmem>>) semaphore(%arg11 : memref<!tpu.dma_semaphore, #tpu.memory_space<semaphore_mem>>)
      %dma_start3A_427 = arith.constant 1 : i32
      %dma_start3A_428 = arith.constant 1 : i32
      %dma_start3A_429 = arith.constant 0 : i32
      %dma_start3A_430 = arith.constant 0 : i32
      %dma_start3A_431 = tpu.memref_slice %arg6[%dma_start3A_428, %dma_start3A_429, %dma_start3A_430] : memref<2x128x64xf32, #tpu.memory_space<vmem>> -> memref<1x128x64xf32, #tpu.memory_space<vmem>>
      %dma_start3A_432 = tpu.memref_squeeze %dma_start3A_431 : memref<1x128x64xf32, #tpu.memory_space<vmem>> -> memref<128x64xf32, #tpu.memory_space<vmem>>
      %dma_start3A_433 = arith.constant 96 : i32
      %dma_start3A_434 = arith.constant 0 : i32
      %dma_start3A_435 = tpu.memref_slice %dma_start3A_432[%dma_start3A_433, %dma_start3A_434] : memref<128x64xf32, #tpu.memory_space<vmem>> -> memref<32x64xf32, #tpu.memory_space<vmem>>
      %dma_start3A_436 = arith.constant 0 : i32
      %dma_start3A_437 = tpu.memref_slice %arg5[%dma_start3A_427, %dma_start3A_436] : memref<2x128xi32, #tpu.memory_space<vmem>> -> memref<1x128xi32, #tpu.memory_space<vmem>>
      %dma_start3A_438 = tpu.memref_squeeze %dma_start3A_437 : memref<1x128xi32, #tpu.memory_space<vmem>> -> memref<128xi32, #tpu.memory_space<vmem>>
      %dma_start3A_439 = arith.constant 96 : i32
      %dma_start3A_440 = tpu.memref_slice %dma_start3A_438[%dma_start3A_439] : memref<128xi32, #tpu.memory_space<vmem>> -> memref<32xi32, #tpu.memory_space<vmem>>
      %dma_start3A_441 = arith.constant 0 : i32
      %dma_start3A_442 = arith.constant 0 : i32
      %dma_start3A_443 = tpu.memref_slice %arg2[%dma_start3A_441, %dma_start3A_442] : memref<100000x64xf32, #tpu.memory_space<hbm>> -> memref<100000x64xf32, #tpu.memory_space<hbm>>
      tpu.enqueue_indirect_dma source(%dma_start3A_443 : memref<100000x64xf32, #tpu.memory_space<hbm>>) target(%dma_start3A_435 : memref<32x64xf32, #tpu.memory_space<vmem>>) offsets(%dma_start3A_440 : memref<32xi32, #tpu.memory_space<vmem>>) semaphore(%arg11 : memref<!tpu.dma_semaphore, #tpu.memory_space<semaphore_mem>>)
      %gt3A = arith.constant 0 : i32
      %gt3A_444 = arith.cmpi sgt, %scan3A_270, %gt3A : i32
      %convert_element_type3A_445 = arith.extui %gt3A_444 : i1 to i32
      %cond3A_446 = arith.constant 0 : i32
      %cond3A_447 = arith.cmpi ne, %convert_element_type3A_445, %cond3A_446 : i32
      scf.if %cond3A_447 {
        %dma_wait3A_606 = arith.constant 0 : i32
        %dma_wait3A_607 = arith.constant 0 : i32
        %dma_wait3A_608 = arith.constant 0 : i32
        %dma_wait3A_609 = arith.constant 0 : i32
        %dma_wait3A_610 = arith.constant 0 : i32
        %dma_wait3A_611 = tpu.memref_slice %arg7[%dma_wait3A_606, %dma_wait3A_608, %dma_wait3A_609, %dma_wait3A_610] : memref<2x8x8x128xf32, #tpu.memory_space<vmem>> -> memref<1x8x8x128xf32, #tpu.memory_space<vmem>>
        %dma_wait3A_612 = tpu.memref_squeeze %dma_wait3A_611 : memref<1x8x8x128xf32, #tpu.memory_space<vmem>> -> memref<8x8x128xf32, #tpu.memory_space<vmem>>
        %dma_wait3A_613 = arith.constant 0 : i32
        %dma_wait3A_614 = arith.constant 0 : i32
        %dma_wait3A_615 = arith.constant 0 : i32
        %dma_wait3A_616 = arith.constant 0 : i32
        %dma_wait3A_617 = tpu.memref_slice %arg4[%dma_wait3A_607, %dma_wait3A_613, %dma_wait3A_614, %dma_wait3A_615, %dma_wait3A_616] : memref<200x8x32x8x128xf32, #tpu.memory_space<hbm>> -> memref<1x8x32x8x128xf32, #tpu.memory_space<hbm>>
        %dma_wait3A_618 = tpu.memref_squeeze %dma_wait3A_617 : memref<1x8x32x8x128xf32, #tpu.memory_space<hbm>> -> memref<8x32x8x128xf32, #tpu.memory_space<hbm>>
        %dma_wait3A_619 = arith.constant 0 : i32
        %dma_wait3A_620 = arith.constant 0 : i32
        %dma_wait3A_621 = arith.constant 0 : i32
        %dma_wait3A_622 = tpu.memref_slice %dma_wait3A_618[%dma_wait3A_619, %add3A, %dma_wait3A_620, %dma_wait3A_621] : memref<8x32x8x128xf32, #tpu.memory_space<hbm>> -> memref<8x1x8x128xf32, #tpu.memory_space<hbm>>
        %dma_wait3A_623 = tpu.memref_squeeze %dma_wait3A_622 : memref<8x1x8x128xf32, #tpu.memory_space<hbm>> -> memref<8x8x128xf32, #tpu.memory_space<hbm>>
        %dma_wait3A_624 = arith.constant 0 : i32
        %dma_wait3A_625 = arith.constant 0 : i32
        %dma_wait3A_626 = arith.constant 0 : i32
        %dma_wait3A_627 = arith.constant 0 : i32
        %dma_wait3A_628 = tpu.memref_slice %arg4[%dma_wait3A_607, %dma_wait3A_624, %dma_wait3A_625, %dma_wait3A_626, %dma_wait3A_627] : memref<200x8x32x8x128xf32, #tpu.memory_space<hbm>> -> memref<1x8x32x8x128xf32, #tpu.memory_space<hbm>>
        %dma_wait3A_629 = tpu.memref_squeeze %dma_wait3A_628 : memref<1x8x32x8x128xf32, #tpu.memory_space<hbm>> -> memref<8x32x8x128xf32, #tpu.memory_space<hbm>>
        %dma_wait3A_630 = arith.constant 0 : i32
        %dma_wait3A_631 = arith.constant 0 : i32
        %dma_wait3A_632 = arith.constant 0 : i32
        %dma_wait3A_633 = tpu.memref_slice %dma_wait3A_629[%dma_wait3A_630, %add3A, %dma_wait3A_631, %dma_wait3A_632] : memref<8x32x8x128xf32, #tpu.memory_space<hbm>> -> memref<8x1x8x128xf32, #tpu.memory_space<hbm>>
        %dma_wait3A_634 = tpu.memref_squeeze %dma_wait3A_633 : memref<8x1x8x128xf32, #tpu.memory_space<hbm>> -> memref<8x8x128xf32, #tpu.memory_space<hbm>>
        %dma_wait3A_635 = arith.constant 0 : i32
        %dma_wait3A_636 = arith.constant 0 : i32
        %dma_wait3A_637 = arith.constant 0 : i32
        %dma_wait3A_638 = tpu.memref_slice %arg7[%dma_wait3A_606, %dma_wait3A_635, %dma_wait3A_636, %dma_wait3A_637] : memref<2x8x8x128xf32, #tpu.memory_space<vmem>> -> memref<1x8x8x128xf32, #tpu.memory_space<vmem>>
        %dma_wait3A_639 = tpu.memref_squeeze %dma_wait3A_638 : memref<1x8x8x128xf32, #tpu.memory_space<vmem>> -> memref<8x8x128xf32, #tpu.memory_space<vmem>>
        tpu.wait_dma2 semaphore(%arg12 : memref<!tpu.dma_semaphore, #tpu.memory_space<semaphore_mem>>) src(%dma_wait3A_639 : memref<8x8x128xf32, #tpu.memory_space<vmem>>) dst(%dma_wait3A_634 : memref<8x8x128xf32, #tpu.memory_space<hbm>>)
      } else {
      }
      %iota3A_448 = tpu.iota {dimensions = array<i32: 0>} : vector<16xi32>
      %parallel_loop3A = arith.constant 0 : i32
      %parallel_loop3A_449 = arith.constant 16 : i32
      %parallel_loop3A_450 = arith.constant 1 : i32
      scf.for %parallel_loop3A_606 = %parallel_loop3A to %parallel_loop3A_449 step %parallel_loop3A_450  : i32 {
        %parallel_loop3A_607 = vector.broadcast %parallel_loop3A_606 : i32 to vector<16xi32>
        %parallel_loop3A_608 = arith.addi %iota3A_448, %parallel_loop3A_607 : vector<16xi32>
        %parallel_loop3A_609 = arith.constant 15 : i32
        %parallel_loop3A_610 = vector.broadcast %parallel_loop3A_609 : i32 to vector<16xi32>
        %parallel_loop3A_611 = arith.andi %parallel_loop3A_608, %parallel_loop3A_610 : vector<16xi32>
        %parallel_loop3A_612 = arith.constant 0 : i32
        %parallel_loop3A_613 = vector.broadcast %parallel_loop3A_612 : i32 to vector<16xi32>
        %parallel_loop3A_614 = arith.addi %parallel_loop3A_611, %parallel_loop3A_613 : vector<16xi32>
        %parallel_loop3A_615 = arith.constant 3 : i32
        %parallel_loop3A_616 = vector.broadcast %parallel_loop3A_615 : i32 to vector<16xi32>
        %parallel_loop3A_617 = arith.shrsi %parallel_loop3A_614, %parallel_loop3A_616 : vector<16xi32>
        %parallel_loop3A_618 = arith.constant 7 : i32
        %parallel_loop3A_619 = vector.broadcast %parallel_loop3A_618 : i32 to vector<16xi32>
        %parallel_loop3A_620 = arith.andi %parallel_loop3A_614, %parallel_loop3A_619 : vector<16xi32>
        %parallel_loop3A_621 = arith.constant 0 : i32
        %parallel_loop3A_622 = arith.constant 0 : i32
        %parallel_loop3A_623 = arith.constant 0 : i32
        %parallel_loop3A_624 = tpu.memref_slice %arg6[%parallel_loop3A_621, %parallel_loop3A_622, %parallel_loop3A_623] : memref<2x128x64xf32, #tpu.memory_space<vmem>> -> memref<1x128x64xf32, #tpu.memory_space<vmem>>
        %parallel_loop3A_625 = tpu.memref_squeeze %parallel_loop3A_624 : memref<1x128x64xf32, #tpu.memory_space<vmem>> -> memref<128x64xf32, #tpu.memory_space<vmem>>
        %parallel_loop3A_626 = tpu.vector_load_idx %parallel_loop3A_625[%add3A_3, %parallel_loop3A_614] : memref<128x64xf32, #tpu.memory_space<vmem>>[vector<16xi32>, vector<16xi32>], vector<16xf32>,
        %parallel_loop3A_627 = arith.constant 0 : i32
        %parallel_loop3A_628 = arith.constant 0 : i32
        %parallel_loop3A_629 = arith.constant 0 : i32
        %parallel_loop3A_630 = arith.constant 0 : i32
        %parallel_loop3A_631 = tpu.memref_slice %arg7[%parallel_loop3A_627, %parallel_loop3A_628, %parallel_loop3A_629, %parallel_loop3A_630] : memref<2x8x8x128xf32, #tpu.memory_space<vmem>> -> memref<1x8x8x128xf32, #tpu.memory_space<vmem>>
        %parallel_loop3A_632 = tpu.memref_squeeze %parallel_loop3A_631 : memref<1x8x8x128xf32, #tpu.memory_space<vmem>> -> memref<8x8x128xf32, #tpu.memory_space<vmem>>
        tpu.vector_store_idx %parallel_loop3A_632[%parallel_loop3A_617, %parallel_loop3A_620, %add3A_3], %parallel_loop3A_626 : memref<8x8x128xf32, #tpu.memory_space<vmem>>[vector<16xi32>, vector<16xi32>, vector<16xi32>], vector<16xf32>,
        %parallel_loop3A_633 = arith.constant 0 : i32
        %parallel_loop3A_634 = arith.constant 0 : i32
        %parallel_loop3A_635 = arith.constant 0 : i32
        %parallel_loop3A_636 = tpu.memref_slice %arg6[%parallel_loop3A_633, %parallel_loop3A_634, %parallel_loop3A_635] : memref<2x128x64xf32, #tpu.memory_space<vmem>> -> memref<1x128x64xf32, #tpu.memory_space<vmem>>
        %parallel_loop3A_637 = tpu.memref_squeeze %parallel_loop3A_636 : memref<1x128x64xf32, #tpu.memory_space<vmem>> -> memref<128x64xf32, #tpu.memory_space<vmem>>
        %parallel_loop3A_638 = tpu.vector_load_idx %parallel_loop3A_637[%add3A_7, %parallel_loop3A_614] : memref<128x64xf32, #tpu.memory_space<vmem>>[vector<16xi32>, vector<16xi32>], vector<16xf32>,
        %parallel_loop3A_639 = arith.constant 0 : i32
        %parallel_loop3A_640 = arith.constant 0 : i32
        %parallel_loop3A_641 = arith.constant 0 : i32
        %parallel_loop3A_642 = arith.constant 0 : i32
        %parallel_loop3A_643 = tpu.memref_slice %arg7[%parallel_loop3A_639, %parallel_loop3A_640, %parallel_loop3A_641, %parallel_loop3A_642] : memref<2x8x8x128xf32, #tpu.memory_space<vmem>> -> memref<1x8x8x128xf32, #tpu.memory_space<vmem>>
        %parallel_loop3A_644 = tpu.memref_squeeze %parallel_loop3A_643 : memref<1x8x8x128xf32, #tpu.memory_space<vmem>> -> memref<8x8x128xf32, #tpu.memory_space<vmem>>
        tpu.vector_store_idx %parallel_loop3A_644[%parallel_loop3A_617, %parallel_loop3A_620, %add3A_7], %parallel_loop3A_638 : memref<8x8x128xf32, #tpu.memory_space<vmem>>[vector<16xi32>, vector<16xi32>, vector<16xi32>], vector<16xf32>,
        %parallel_loop3A_645 = arith.constant 0 : i32
        %parallel_loop3A_646 = arith.constant 0 : i32
        %parallel_loop3A_647 = arith.constant 0 : i32
        %parallel_loop3A_648 = tpu.memref_slice %arg6[%parallel_loop3A_645, %parallel_loop3A_646, %parallel_loop3A_647] : memref<2x128x64xf32, #tpu.memory_space<vmem>> -> memref<1x128x64xf32, #tpu.memory_space<vmem>>
        %parallel_loop3A_649 = tpu.memref_squeeze %parallel_loop3A_648 : memref<1x128x64xf32, #tpu.memory_space<vmem>> -> memref<128x64xf32, #tpu.memory_space<vmem>>
        %parallel_loop3A_650 = tpu.vector_load_idx %parallel_loop3A_649[%add3A_11, %parallel_loop3A_614] : memref<128x64xf32, #tpu.memory_space<vmem>>[vector<16xi32>, vector<16xi32>], vector<16xf32>,
        %parallel_loop3A_651 = arith.constant 0 : i32
        %parallel_loop3A_652 = arith.constant 0 : i32
        %parallel_loop3A_653 = arith.constant 0 : i32
        %parallel_loop3A_654 = arith.constant 0 : i32
        %parallel_loop3A_655 = tpu.memref_slice %arg7[%parallel_loop3A_651, %parallel_loop3A_652, %parallel_loop3A_653, %parallel_loop3A_654] : memref<2x8x8x128xf32, #tpu.memory_space<vmem>> -> memref<1x8x8x128xf32, #tpu.memory_space<vmem>>
        %parallel_loop3A_656 = tpu.memref_squeeze %parallel_loop3A_655 : memref<1x8x8x128xf32, #tpu.memory_space<vmem>> -> memref<8x8x128xf32, #tpu.memory_space<vmem>>
        tpu.vector_store_idx %parallel_loop3A_656[%parallel_loop3A_617, %parallel_loop3A_620, %add3A_11], %parallel_loop3A_650 : memref<8x8x128xf32, #tpu.memory_space<vmem>>[vector<16xi32>, vector<16xi32>, vector<16xi32>], vector<16xf32>,
        %parallel_loop3A_657 = arith.constant 0 : i32
        %parallel_loop3A_658 = arith.constant 0 : i32
        %parallel_loop3A_659 = arith.constant 0 : i32
        %parallel_loop3A_660 = tpu.memref_slice %arg6[%parallel_loop3A_657, %parallel_loop3A_658, %parallel_loop3A_659] : memref<2x128x64xf32, #tpu.memory_space<vmem>> -> memref<1x128x64xf32, #tpu.memory_space<vmem>>
        %parallel_loop3A_661 = tpu.memref_squeeze %parallel_loop3A_660 : memref<1x128x64xf32, #tpu.memory_space<vmem>> -> memref<128x64xf32, #tpu.memory_space<vmem>>
        %parallel_loop3A_662 = tpu.vector_load_idx %parallel_loop3A_661[%add3A_15, %parallel_loop3A_614] : memref<128x64xf32, #tpu.memory_space<vmem>>[vector<16xi32>, vector<16xi32>], vector<16xf32>,
        %parallel_loop3A_663 = arith.constant 0 : i32
        %parallel_loop3A_664 = arith.constant 0 : i32
        %parallel_loop3A_665 = arith.constant 0 : i32
        %parallel_loop3A_666 = arith.constant 0 : i32
        %parallel_loop3A_667 = tpu.memref_slice %arg7[%parallel_loop3A_663, %parallel_loop3A_664, %parallel_loop3A_665, %parallel_loop3A_666] : memref<2x8x8x128xf32, #tpu.memory_space<vmem>> -> memref<1x8x8x128xf32, #tpu.memory_space<vmem>>
        %parallel_loop3A_668 = tpu.memref_squeeze %parallel_loop3A_667 : memref<1x8x8x128xf32, #tpu.memory_space<vmem>> -> memref<8x8x128xf32, #tpu.memory_space<vmem>>
        tpu.vector_store_idx %parallel_loop3A_668[%parallel_loop3A_617, %parallel_loop3A_620, %add3A_15], %parallel_loop3A_662 : memref<8x8x128xf32, #tpu.memory_space<vmem>>[vector<16xi32>, vector<16xi32>, vector<16xi32>], vector<16xf32>,
        %parallel_loop3A_669 = arith.constant 0 : i32
        %parallel_loop3A_670 = arith.constant 0 : i32
        %parallel_loop3A_671 = arith.constant 0 : i32
        %parallel_loop3A_672 = tpu.memref_slice %arg6[%parallel_loop3A_669, %parallel_loop3A_670, %parallel_loop3A_671] : memref<2x128x64xf32, #tpu.memory_space<vmem>> -> memref<1x128x64xf32, #tpu.memory_space<vmem>>
        %parallel_loop3A_673 = tpu.memref_squeeze %parallel_loop3A_672 : memref<1x128x64xf32, #tpu.memory_space<vmem>> -> memref<128x64xf32, #tpu.memory_space<vmem>>
        %parallel_loop3A_674 = tpu.vector_load_idx %parallel_loop3A_673[%add3A_19, %parallel_loop3A_614] : memref<128x64xf32, #tpu.memory_space<vmem>>[vector<16xi32>, vector<16xi32>], vector<16xf32>,
        %parallel_loop3A_675 = arith.constant 0 : i32
        %parallel_loop3A_676 = arith.constant 0 : i32
        %parallel_loop3A_677 = arith.constant 0 : i32
        %parallel_loop3A_678 = arith.constant 0 : i32
        %parallel_loop3A_679 = tpu.memref_slice %arg7[%parallel_loop3A_675, %parallel_loop3A_676, %parallel_loop3A_677, %parallel_loop3A_678] : memref<2x8x8x128xf32, #tpu.memory_space<vmem>> -> memref<1x8x8x128xf32, #tpu.memory_space<vmem>>
        %parallel_loop3A_680 = tpu.memref_squeeze %parallel_loop3A_679 : memref<1x8x8x128xf32, #tpu.memory_space<vmem>> -> memref<8x8x128xf32, #tpu.memory_space<vmem>>
        tpu.vector_store_idx %parallel_loop3A_680[%parallel_loop3A_617, %parallel_loop3A_620, %add3A_19], %parallel_loop3A_674 : memref<8x8x128xf32, #tpu.memory_space<vmem>>[vector<16xi32>, vector<16xi32>, vector<16xi32>], vector<16xf32>,
        %parallel_loop3A_681 = arith.constant 0 : i32
        %parallel_loop3A_682 = arith.constant 0 : i32
        %parallel_loop3A_683 = arith.constant 0 : i32
        %parallel_loop3A_684 = tpu.memref_slice %arg6[%parallel_loop3A_681, %parallel_loop3A_682, %parallel_loop3A_683] : memref<2x128x64xf32, #tpu.memory_space<vmem>> -> memref<1x128x64xf32, #tpu.memory_space<vmem>>
        %parallel_loop3A_685 = tpu.memref_squeeze %parallel_loop3A_684 : memref<1x128x64xf32, #tpu.memory_space<vmem>> -> memref<128x64xf32, #tpu.memory_space<vmem>>
        %parallel_loop3A_686 = tpu.vector_load_idx %parallel_loop3A_685[%add3A_23, %parallel_loop3A_614] : memref<128x64xf32, #tpu.memory_space<vmem>>[vector<16xi32>, vector<16xi32>], vector<16xf32>,
        %parallel_loop3A_687 = arith.constant 0 : i32
        %parallel_loop3A_688 = arith.constant 0 : i32
        %parallel_loop3A_689 = arith.constant 0 : i32
        %parallel_loop3A_690 = arith.constant 0 : i32
        %parallel_loop3A_691 = tpu.memref_slice %arg7[%parallel_loop3A_687, %parallel_loop3A_688, %parallel_loop3A_689, %parallel_loop3A_690] : memref<2x8x8x128xf32, #tpu.memory_space<vmem>> -> memref<1x8x8x128xf32, #tpu.memory_space<vmem>>
        %parallel_loop3A_692 = tpu.memref_squeeze %parallel_loop3A_691 : memref<1x8x8x128xf32, #tpu.memory_space<vmem>> -> memref<8x8x128xf32, #tpu.memory_space<vmem>>
        tpu.vector_store_idx %parallel_loop3A_692[%parallel_loop3A_617, %parallel_loop3A_620, %add3A_23], %parallel_loop3A_686 : memref<8x8x128xf32, #tpu.memory_space<vmem>>[vector<16xi32>, vector<16xi32>, vector<16xi32>], vector<16xf32>,
        %parallel_loop3A_693 = arith.constant 0 : i32
        %parallel_loop3A_694 = arith.constant 0 : i32
        %parallel_loop3A_695 = arith.constant 0 : i32
        %parallel_loop3A_696 = tpu.memref_slice %arg6[%parallel_loop3A_693, %parallel_loop3A_694, %parallel_loop3A_695] : memref<2x128x64xf32, #tpu.memory_space<vmem>> -> memref<1x128x64xf32, #tpu.memory_space<vmem>>
        %parallel_loop3A_697 = tpu.memref_squeeze %parallel_loop3A_696 : memref<1x128x64xf32, #tpu.memory_space<vmem>> -> memref<128x64xf32, #tpu.memory_space<vmem>>
        %parallel_loop3A_698 = tpu.vector_load_idx %parallel_loop3A_697[%add3A_27, %parallel_loop3A_614] : memref<128x64xf32, #tpu.memory_space<vmem>>[vector<16xi32>, vector<16xi32>], vector<16xf32>,
        %parallel_loop3A_699 = arith.constant 0 : i32
        %parallel_loop3A_700 = arith.constant 0 : i32
        %parallel_loop3A_701 = arith.constant 0 : i32
        %parallel_loop3A_702 = arith.constant 0 : i32
        %parallel_loop3A_703 = tpu.memref_slice %arg7[%parallel_loop3A_699, %parallel_loop3A_700, %parallel_loop3A_701, %parallel_loop3A_702] : memref<2x8x8x128xf32, #tpu.memory_space<vmem>> -> memref<1x8x8x128xf32, #tpu.memory_space<vmem>>
        %parallel_loop3A_704 = tpu.memref_squeeze %parallel_loop3A_703 : memref<1x8x8x128xf32, #tpu.memory_space<vmem>> -> memref<8x8x128xf32, #tpu.memory_space<vmem>>
        tpu.vector_store_idx %parallel_loop3A_704[%parallel_loop3A_617, %parallel_loop3A_620, %add3A_27], %parallel_loop3A_698 : memref<8x8x128xf32, #tpu.memory_space<vmem>>[vector<16xi32>, vector<16xi32>, vector<16xi32>], vector<16xf32>,
        %parallel_loop3A_705 = arith.constant 0 : i32
        %parallel_loop3A_706 = arith.constant 0 : i32
        %parallel_loop3A_707 = arith.constant 0 : i32
        %parallel_loop3A_708 = tpu.memref_slice %arg6[%parallel_loop3A_705, %parallel_loop3A_706, %parallel_loop3A_707] : memref<2x128x64xf32, #tpu.memory_space<vmem>> -> memref<1x128x64xf32, #tpu.memory_space<vmem>>
        %parallel_loop3A_709 = tpu.memref_squeeze %parallel_loop3A_708 : memref<1x128x64xf32, #tpu.memory_space<vmem>> -> memref<128x64xf32, #tpu.memory_space<vmem>>
        %parallel_loop3A_710 = tpu.vector_load_idx %parallel_loop3A_709[%add3A_31, %parallel_loop3A_614] : memref<128x64xf32, #tpu.memory_space<vmem>>[vector<16xi32>, vector<16xi32>], vector<16xf32>,
        %parallel_loop3A_711 = arith.constant 0 : i32
        %parallel_loop3A_712 = arith.constant 0 : i32
        %parallel_loop3A_713 = arith.constant 0 : i32
        %parallel_loop3A_714 = arith.constant 0 : i32
        %parallel_loop3A_715 = tpu.memref_slice %arg7[%parallel_loop3A_711, %parallel_loop3A_712, %parallel_loop3A_713, %parallel_loop3A_714] : memref<2x8x8x128xf32, #tpu.memory_space<vmem>> -> memref<1x8x8x128xf32, #tpu.memory_space<vmem>>
        %parallel_loop3A_716 = tpu.memref_squeeze %parallel_loop3A_715 : memref<1x8x8x128xf32, #tpu.memory_space<vmem>> -> memref<8x8x128xf32, #tpu.memory_space<vmem>>
        tpu.vector_store_idx %parallel_loop3A_716[%parallel_loop3A_617, %parallel_loop3A_620, %add3A_31], %parallel_loop3A_710 : memref<8x8x128xf32, #tpu.memory_space<vmem>>[vector<16xi32>, vector<16xi32>, vector<16xi32>], vector<16xf32>,
        %parallel_loop3A_717 = arith.constant 16 : i32
        %parallel_loop3A_718 = vector.broadcast %parallel_loop3A_717 : i32 to vector<16xi32>
        %parallel_loop3A_719 = arith.addi %parallel_loop3A_611, %parallel_loop3A_718 : vector<16xi32>
        %parallel_loop3A_720 = arith.constant 3 : i32
        %parallel_loop3A_721 = vector.broadcast %parallel_loop3A_720 : i32 to vector<16xi32>
        %parallel_loop3A_722 = arith.shrsi %parallel_loop3A_719, %parallel_loop3A_721 : vector<16xi32>
        %parallel_loop3A_723 = arith.constant 7 : i32
        %parallel_loop3A_724 = vector.broadcast %parallel_loop3A_723 : i32 to vector<16xi32>
        %parallel_loop3A_725 = arith.andi %parallel_loop3A_719, %parallel_loop3A_724 : vector<16xi32>
        %parallel_loop3A_726 = arith.constant 0 : i32
        %parallel_loop3A_727 = arith.constant 0 : i32
        %parallel_loop3A_728 = arith.constant 0 : i32
        %parallel_loop3A_729 = tpu.memref_slice %arg6[%parallel_loop3A_726, %parallel_loop3A_727, %parallel_loop3A_728] : memref<2x128x64xf32, #tpu.memory_space<vmem>> -> memref<1x128x64xf32, #tpu.memory_space<vmem>>
        %parallel_loop3A_730 = tpu.memref_squeeze %parallel_loop3A_729 : memref<1x128x64xf32, #tpu.memory_space<vmem>> -> memref<128x64xf32, #tpu.memory_space<vmem>>
        %parallel_loop3A_731 = tpu.vector_load_idx %parallel_loop3A_730[%add3A_3, %parallel_loop3A_719] : memref<128x64xf32, #tpu.memory_space<vmem>>[vector<16xi32>, vector<16xi32>], vector<16xf32>,
        %parallel_loop3A_732 = arith.constant 0 : i32
        %parallel_loop3A_733 = arith.constant 0 : i32
        %parallel_loop3A_734 = arith.constant 0 : i32
        %parallel_loop3A_735 = arith.constant 0 : i32
        %parallel_loop3A_736 = tpu.memref_slice %arg7[%parallel_loop3A_732, %parallel_loop3A_733, %parallel_loop3A_734, %parallel_loop3A_735] : memref<2x8x8x128xf32, #tpu.memory_space<vmem>> -> memref<1x8x8x128xf32, #tpu.memory_space<vmem>>
        %parallel_loop3A_737 = tpu.memref_squeeze %parallel_loop3A_736 : memref<1x8x8x128xf32, #tpu.memory_space<vmem>> -> memref<8x8x128xf32, #tpu.memory_space<vmem>>
        tpu.vector_store_idx %parallel_loop3A_737[%parallel_loop3A_722, %parallel_loop3A_725, %add3A_3], %parallel_loop3A_731 : memref<8x8x128xf32, #tpu.memory_space<vmem>>[vector<16xi32>, vector<16xi32>, vector<16xi32>], vector<16xf32>,
        %parallel_loop3A_738 = arith.constant 0 : i32
        %parallel_loop3A_739 = arith.constant 0 : i32
        %parallel_loop3A_740 = arith.constant 0 : i32
        %parallel_loop3A_741 = tpu.memref_slice %arg6[%parallel_loop3A_738, %parallel_loop3A_739, %parallel_loop3A_740] : memref<2x128x64xf32, #tpu.memory_space<vmem>> -> memref<1x128x64xf32, #tpu.memory_space<vmem>>
        %parallel_loop3A_742 = tpu.memref_squeeze %parallel_loop3A_741 : memref<1x128x64xf32, #tpu.memory_space<vmem>> -> memref<128x64xf32, #tpu.memory_space<vmem>>
        %parallel_loop3A_743 = tpu.vector_load_idx %parallel_loop3A_742[%add3A_7, %parallel_loop3A_719] : memref<128x64xf32, #tpu.memory_space<vmem>>[vector<16xi32>, vector<16xi32>], vector<16xf32>,
        %parallel_loop3A_744 = arith.constant 0 : i32
        %parallel_loop3A_745 = arith.constant 0 : i32
        %parallel_loop3A_746 = arith.constant 0 : i32
        %parallel_loop3A_747 = arith.constant 0 : i32
        %parallel_loop3A_748 = tpu.memref_slice %arg7[%parallel_loop3A_744, %parallel_loop3A_745, %parallel_loop3A_746, %parallel_loop3A_747] : memref<2x8x8x128xf32, #tpu.memory_space<vmem>> -> memref<1x8x8x128xf32, #tpu.memory_space<vmem>>
        %parallel_loop3A_749 = tpu.memref_squeeze %parallel_loop3A_748 : memref<1x8x8x128xf32, #tpu.memory_space<vmem>> -> memref<8x8x128xf32, #tpu.memory_space<vmem>>
        tpu.vector_store_idx %parallel_loop3A_749[%parallel_loop3A_722, %parallel_loop3A_725, %add3A_7], %parallel_loop3A_743 : memref<8x8x128xf32, #tpu.memory_space<vmem>>[vector<16xi32>, vector<16xi32>, vector<16xi32>], vector<16xf32>,
        %parallel_loop3A_750 = arith.constant 0 : i32
        %parallel_loop3A_751 = arith.constant 0 : i32
        %parallel_loop3A_752 = arith.constant 0 : i32
        %parallel_loop3A_753 = tpu.memref_slice %arg6[%parallel_loop3A_750, %parallel_loop3A_751, %parallel_loop3A_752] : memref<2x128x64xf32, #tpu.memory_space<vmem>> -> memref<1x128x64xf32, #tpu.memory_space<vmem>>
        %parallel_loop3A_754 = tpu.memref_squeeze %parallel_loop3A_753 : memref<1x128x64xf32, #tpu.memory_space<vmem>> -> memref<128x64xf32, #tpu.memory_space<vmem>>
        %parallel_loop3A_755 = tpu.vector_load_idx %parallel_loop3A_754[%add3A_11, %parallel_loop3A_719] : memref<128x64xf32, #tpu.memory_space<vmem>>[vector<16xi32>, vector<16xi32>], vector<16xf32>,
        %parallel_loop3A_756 = arith.constant 0 : i32
        %parallel_loop3A_757 = arith.constant 0 : i32
        %parallel_loop3A_758 = arith.constant 0 : i32
        %parallel_loop3A_759 = arith.constant 0 : i32
        %parallel_loop3A_760 = tpu.memref_slice %arg7[%parallel_loop3A_756, %parallel_loop3A_757, %parallel_loop3A_758, %parallel_loop3A_759] : memref<2x8x8x128xf32, #tpu.memory_space<vmem>> -> memref<1x8x8x128xf32, #tpu.memory_space<vmem>>
        %parallel_loop3A_761 = tpu.memref_squeeze %parallel_loop3A_760 : memref<1x8x8x128xf32, #tpu.memory_space<vmem>> -> memref<8x8x128xf32, #tpu.memory_space<vmem>>
        tpu.vector_store_idx %parallel_loop3A_761[%parallel_loop3A_722, %parallel_loop3A_725, %add3A_11], %parallel_loop3A_755 : memref<8x8x128xf32, #tpu.memory_space<vmem>>[vector<16xi32>, vector<16xi32>, vector<16xi32>], vector<16xf32>,
        %parallel_loop3A_762 = arith.constant 0 : i32
        %parallel_loop3A_763 = arith.constant 0 : i32
        %parallel_loop3A_764 = arith.constant 0 : i32
        %parallel_loop3A_765 = tpu.memref_slice %arg6[%parallel_loop3A_762, %parallel_loop3A_763, %parallel_loop3A_764] : memref<2x128x64xf32, #tpu.memory_space<vmem>> -> memref<1x128x64xf32, #tpu.memory_space<vmem>>
        %parallel_loop3A_766 = tpu.memref_squeeze %parallel_loop3A_765 : memref<1x128x64xf32, #tpu.memory_space<vmem>> -> memref<128x64xf32, #tpu.memory_space<vmem>>
        %parallel_loop3A_767 = tpu.vector_load_idx %parallel_loop3A_766[%add3A_15, %parallel_loop3A_719] : memref<128x64xf32, #tpu.memory_space<vmem>>[vector<16xi32>, vector<16xi32>], vector<16xf32>,
        %parallel_loop3A_768 = arith.constant 0 : i32
        %parallel_loop3A_769 = arith.constant 0 : i32
        %parallel_loop3A_770 = arith.constant 0 : i32
        %parallel_loop3A_771 = arith.constant 0 : i32
        %parallel_loop3A_772 = tpu.memref_slice %arg7[%parallel_loop3A_768, %parallel_loop3A_769, %parallel_loop3A_770, %parallel_loop3A_771] : memref<2x8x8x128xf32, #tpu.memory_space<vmem>> -> memref<1x8x8x128xf32, #tpu.memory_space<vmem>>
        %parallel_loop3A_773 = tpu.memref_squeeze %parallel_loop3A_772 : memref<1x8x8x128xf32, #tpu.memory_space<vmem>> -> memref<8x8x128xf32, #tpu.memory_space<vmem>>
        tpu.vector_store_idx %parallel_loop3A_773[%parallel_loop3A_722, %parallel_loop3A_725, %add3A_15], %parallel_loop3A_767 : memref<8x8x128xf32, #tpu.memory_space<vmem>>[vector<16xi32>, vector<16xi32>, vector<16xi32>], vector<16xf32>,
        %parallel_loop3A_774 = arith.constant 0 : i32
        %parallel_loop3A_775 = arith.constant 0 : i32
        %parallel_loop3A_776 = arith.constant 0 : i32
        %parallel_loop3A_777 = tpu.memref_slice %arg6[%parallel_loop3A_774, %parallel_loop3A_775, %parallel_loop3A_776] : memref<2x128x64xf32, #tpu.memory_space<vmem>> -> memref<1x128x64xf32, #tpu.memory_space<vmem>>
        %parallel_loop3A_778 = tpu.memref_squeeze %parallel_loop3A_777 : memref<1x128x64xf32, #tpu.memory_space<vmem>> -> memref<128x64xf32, #tpu.memory_space<vmem>>
        %parallel_loop3A_779 = tpu.vector_load_idx %parallel_loop3A_778[%add3A_19, %parallel_loop3A_719] : memref<128x64xf32, #tpu.memory_space<vmem>>[vector<16xi32>, vector<16xi32>], vector<16xf32>,
        %parallel_loop3A_780 = arith.constant 0 : i32
        %parallel_loop3A_781 = arith.constant 0 : i32
        %parallel_loop3A_782 = arith.constant 0 : i32
        %parallel_loop3A_783 = arith.constant 0 : i32
        %parallel_loop3A_784 = tpu.memref_slice %arg7[%parallel_loop3A_780, %parallel_loop3A_781, %parallel_loop3A_782, %parallel_loop3A_783] : memref<2x8x8x128xf32, #tpu.memory_space<vmem>> -> memref<1x8x8x128xf32, #tpu.memory_space<vmem>>
        %parallel_loop3A_785 = tpu.memref_squeeze %parallel_loop3A_784 : memref<1x8x8x128xf32, #tpu.memory_space<vmem>> -> memref<8x8x128xf32, #tpu.memory_space<vmem>>
        tpu.vector_store_idx %parallel_loop3A_785[%parallel_loop3A_722, %parallel_loop3A_725, %add3A_19], %parallel_loop3A_779 : memref<8x8x128xf32, #tpu.memory_space<vmem>>[vector<16xi32>, vector<16xi32>, vector<16xi32>], vector<16xf32>,
        %parallel_loop3A_786 = arith.constant 0 : i32
        %parallel_loop3A_787 = arith.constant 0 : i32
        %parallel_loop3A_788 = arith.constant 0 : i32
        %parallel_loop3A_789 = tpu.memref_slice %arg6[%parallel_loop3A_786, %parallel_loop3A_787, %parallel_loop3A_788] : memref<2x128x64xf32, #tpu.memory_space<vmem>> -> memref<1x128x64xf32, #tpu.memory_space<vmem>>
        %parallel_loop3A_790 = tpu.memref_squeeze %parallel_loop3A_789 : memref<1x128x64xf32, #tpu.memory_space<vmem>> -> memref<128x64xf32, #tpu.memory_space<vmem>>
        %parallel_loop3A_791 = tpu.vector_load_idx %parallel_loop3A_790[%add3A_23, %parallel_loop3A_719] : memref<128x64xf32, #tpu.memory_space<vmem>>[vector<16xi32>, vector<16xi32>], vector<16xf32>,
        %parallel_loop3A_792 = arith.constant 0 : i32
        %parallel_loop3A_793 = arith.constant 0 : i32
        %parallel_loop3A_794 = arith.constant 0 : i32
        %parallel_loop3A_795 = arith.constant 0 : i32
        %parallel_loop3A_796 = tpu.memref_slice %arg7[%parallel_loop3A_792, %parallel_loop3A_793, %parallel_loop3A_794, %parallel_loop3A_795] : memref<2x8x8x128xf32, #tpu.memory_space<vmem>> -> memref<1x8x8x128xf32, #tpu.memory_space<vmem>>
        %parallel_loop3A_797 = tpu.memref_squeeze %parallel_loop3A_796 : memref<1x8x8x128xf32, #tpu.memory_space<vmem>> -> memref<8x8x128xf32, #tpu.memory_space<vmem>>
        tpu.vector_store_idx %parallel_loop3A_797[%parallel_loop3A_722, %parallel_loop3A_725, %add3A_23], %parallel_loop3A_791 : memref<8x8x128xf32, #tpu.memory_space<vmem>>[vector<16xi32>, vector<16xi32>, vector<16xi32>], vector<16xf32>,
        %parallel_loop3A_798 = arith.constant 0 : i32
        %parallel_loop3A_799 = arith.constant 0 : i32
        %parallel_loop3A_800 = arith.constant 0 : i32
        %parallel_loop3A_801 = tpu.memref_slice %arg6[%parallel_loop3A_798, %parallel_loop3A_799, %parallel_loop3A_800] : memref<2x128x64xf32, #tpu.memory_space<vmem>> -> memref<1x128x64xf32, #tpu.memory_space<vmem>>
        %parallel_loop3A_802 = tpu.memref_squeeze %parallel_loop3A_801 : memref<1x128x64xf32, #tpu.memory_space<vmem>> -> memref<128x64xf32, #tpu.memory_space<vmem>>
        %parallel_loop3A_803 = tpu.vector_load_idx %parallel_loop3A_802[%add3A_27, %parallel_loop3A_719] : memref<128x64xf32, #tpu.memory_space<vmem>>[vector<16xi32>, vector<16xi32>], vector<16xf32>,
        %parallel_loop3A_804 = arith.constant 0 : i32
        %parallel_loop3A_805 = arith.constant 0 : i32
        %parallel_loop3A_806 = arith.constant 0 : i32
        %parallel_loop3A_807 = arith.constant 0 : i32
        %parallel_loop3A_808 = tpu.memref_slice %arg7[%parallel_loop3A_804, %parallel_loop3A_805, %parallel_loop3A_806, %parallel_loop3A_807] : memref<2x8x8x128xf32, #tpu.memory_space<vmem>> -> memref<1x8x8x128xf32, #tpu.memory_space<vmem>>
        %parallel_loop3A_809 = tpu.memref_squeeze %parallel_loop3A_808 : memref<1x8x8x128xf32, #tpu.memory_space<vmem>> -> memref<8x8x128xf32, #tpu.memory_space<vmem>>
        tpu.vector_store_idx %parallel_loop3A_809[%parallel_loop3A_722, %parallel_loop3A_725, %add3A_27], %parallel_loop3A_803 : memref<8x8x128xf32, #tpu.memory_space<vmem>>[vector<16xi32>, vector<16xi32>, vector<16xi32>], vector<16xf32>,
        %parallel_loop3A_810 = arith.constant 0 : i32
        %parallel_loop3A_811 = arith.constant 0 : i32
        %parallel_loop3A_812 = arith.constant 0 : i32
        %parallel_loop3A_813 = tpu.memref_slice %arg6[%parallel_loop3A_810, %parallel_loop3A_811, %parallel_loop3A_812] : memref<2x128x64xf32, #tpu.memory_space<vmem>> -> memref<1x128x64xf32, #tpu.memory_space<vmem>>
        %parallel_loop3A_814 = tpu.memref_squeeze %parallel_loop3A_813 : memref<1x128x64xf32, #tpu.memory_space<vmem>> -> memref<128x64xf32, #tpu.memory_space<vmem>>
        %parallel_loop3A_815 = tpu.vector_load_idx %parallel_loop3A_814[%add3A_31, %parallel_loop3A_719] : memref<128x64xf32, #tpu.memory_space<vmem>>[vector<16xi32>, vector<16xi32>], vector<16xf32>,
        %parallel_loop3A_816 = arith.constant 0 : i32
        %parallel_loop3A_817 = arith.constant 0 : i32
        %parallel_loop3A_818 = arith.constant 0 : i32
        %parallel_loop3A_819 = arith.constant 0 : i32
        %parallel_loop3A_820 = tpu.memref_slice %arg7[%parallel_loop3A_816, %parallel_loop3A_817, %parallel_loop3A_818, %parallel_loop3A_819] : memref<2x8x8x128xf32, #tpu.memory_space<vmem>> -> memref<1x8x8x128xf32, #tpu.memory_space<vmem>>
        %parallel_loop3A_821 = tpu.memref_squeeze %parallel_loop3A_820 : memref<1x8x8x128xf32, #tpu.memory_space<vmem>> -> memref<8x8x128xf32, #tpu.memory_space<vmem>>
        tpu.vector_store_idx %parallel_loop3A_821[%parallel_loop3A_722, %parallel_loop3A_725, %add3A_31], %parallel_loop3A_815 : memref<8x8x128xf32, #tpu.memory_space<vmem>>[vector<16xi32>, vector<16xi32>, vector<16xi32>], vector<16xf32>,
        %parallel_loop3A_822 = arith.constant 32 : i32
        %parallel_loop3A_823 = vector.broadcast %parallel_loop3A_822 : i32 to vector<16xi32>
        %parallel_loop3A_824 = arith.addi %parallel_loop3A_611, %parallel_loop3A_823 : vector<16xi32>
        %parallel_loop3A_825 = arith.constant 3 : i32
        %parallel_loop3A_826 = vector.broadcast %parallel_loop3A_825 : i32 to vector<16xi32>
        %parallel_loop3A_827 = arith.shrsi %parallel_loop3A_824, %parallel_loop3A_826 : vector<16xi32>
        %parallel_loop3A_828 = arith.constant 7 : i32
        %parallel_loop3A_829 = vector.broadcast %parallel_loop3A_828 : i32 to vector<16xi32>
        %parallel_loop3A_830 = arith.andi %parallel_loop3A_824, %parallel_loop3A_829 : vector<16xi32>
        %parallel_loop3A_831 = arith.constant 0 : i32
        %parallel_loop3A_832 = arith.constant 0 : i32
        %parallel_loop3A_833 = arith.constant 0 : i32
        %parallel_loop3A_834 = tpu.memref_slice %arg6[%parallel_loop3A_831, %parallel_loop3A_832, %parallel_loop3A_833] : memref<2x128x64xf32, #tpu.memory_space<vmem>> -> memref<1x128x64xf32, #tpu.memory_space<vmem>>
        %parallel_loop3A_835 = tpu.memref_squeeze %parallel_loop3A_834 : memref<1x128x64xf32, #tpu.memory_space<vmem>> -> memref<128x64xf32, #tpu.memory_space<vmem>>
        %parallel_loop3A_836 = tpu.vector_load_idx %parallel_loop3A_835[%add3A_3, %parallel_loop3A_824] : memref<128x64xf32, #tpu.memory_space<vmem>>[vector<16xi32>, vector<16xi32>], vector<16xf32>,
        %parallel_loop3A_837 = arith.constant 0 : i32
        %parallel_loop3A_838 = arith.constant 0 : i32
        %parallel_loop3A_839 = arith.constant 0 : i32
        %parallel_loop3A_840 = arith.constant 0 : i32
        %parallel_loop3A_841 = tpu.memref_slice %arg7[%parallel_loop3A_837, %parallel_loop3A_838, %parallel_loop3A_839, %parallel_loop3A_840] : memref<2x8x8x128xf32, #tpu.memory_space<vmem>> -> memref<1x8x8x128xf32, #tpu.memory_space<vmem>>
        %parallel_loop3A_842 = tpu.memref_squeeze %parallel_loop3A_841 : memref<1x8x8x128xf32, #tpu.memory_space<vmem>> -> memref<8x8x128xf32, #tpu.memory_space<vmem>>
        tpu.vector_store_idx %parallel_loop3A_842[%parallel_loop3A_827, %parallel_loop3A_830, %add3A_3], %parallel_loop3A_836 : memref<8x8x128xf32, #tpu.memory_space<vmem>>[vector<16xi32>, vector<16xi32>, vector<16xi32>], vector<16xf32>,
        %parallel_loop3A_843 = arith.constant 0 : i32
        %parallel_loop3A_844 = arith.constant 0 : i32
        %parallel_loop3A_845 = arith.constant 0 : i32
        %parallel_loop3A_846 = tpu.memref_slice %arg6[%parallel_loop3A_843, %parallel_loop3A_844, %parallel_loop3A_845] : memref<2x128x64xf32, #tpu.memory_space<vmem>> -> memref<1x128x64xf32, #tpu.memory_space<vmem>>
        %parallel_loop3A_847 = tpu.memref_squeeze %parallel_loop3A_846 : memref<1x128x64xf32, #tpu.memory_space<vmem>> -> memref<128x64xf32, #tpu.memory_space<vmem>>
        %parallel_loop3A_848 = tpu.vector_load_idx %parallel_loop3A_847[%add3A_7, %parallel_loop3A_824] : memref<128x64xf32, #tpu.memory_space<vmem>>[vector<16xi32>, vector<16xi32>], vector<16xf32>,
        %parallel_loop3A_849 = arith.constant 0 : i32
        %parallel_loop3A_850 = arith.constant 0 : i32
        %parallel_loop3A_851 = arith.constant 0 : i32
        %parallel_loop3A_852 = arith.constant 0 : i32
        %parallel_loop3A_853 = tpu.memref_slice %arg7[%parallel_loop3A_849, %parallel_loop3A_850, %parallel_loop3A_851, %parallel_loop3A_852] : memref<2x8x8x128xf32, #tpu.memory_space<vmem>> -> memref<1x8x8x128xf32, #tpu.memory_space<vmem>>
        %parallel_loop3A_854 = tpu.memref_squeeze %parallel_loop3A_853 : memref<1x8x8x128xf32, #tpu.memory_space<vmem>> -> memref<8x8x128xf32, #tpu.memory_space<vmem>>
        tpu.vector_store_idx %parallel_loop3A_854[%parallel_loop3A_827, %parallel_loop3A_830, %add3A_7], %parallel_loop3A_848 : memref<8x8x128xf32, #tpu.memory_space<vmem>>[vector<16xi32>, vector<16xi32>, vector<16xi32>], vector<16xf32>,
        %parallel_loop3A_855 = arith.constant 0 : i32
        %parallel_loop3A_856 = arith.constant 0 : i32
        %parallel_loop3A_857 = arith.constant 0 : i32
        %parallel_loop3A_858 = tpu.memref_slice %arg6[%parallel_loop3A_855, %parallel_loop3A_856, %parallel_loop3A_857] : memref<2x128x64xf32, #tpu.memory_space<vmem>> -> memref<1x128x64xf32, #tpu.memory_space<vmem>>
        %parallel_loop3A_859 = tpu.memref_squeeze %parallel_loop3A_858 : memref<1x128x64xf32, #tpu.memory_space<vmem>> -> memref<128x64xf32, #tpu.memory_space<vmem>>
        %parallel_loop3A_860 = tpu.vector_load_idx %parallel_loop3A_859[%add3A_11, %parallel_loop3A_824] : memref<128x64xf32, #tpu.memory_space<vmem>>[vector<16xi32>, vector<16xi32>], vector<16xf32>,
        %parallel_loop3A_861 = arith.constant 0 : i32
        %parallel_loop3A_862 = arith.constant 0 : i32
        %parallel_loop3A_863 = arith.constant 0 : i32
        %parallel_loop3A_864 = arith.constant 0 : i32
        %parallel_loop3A_865 = tpu.memref_slice %arg7[%parallel_loop3A_861, %parallel_loop3A_862, %parallel_loop3A_863, %parallel_loop3A_864] : memref<2x8x8x128xf32, #tpu.memory_space<vmem>> -> memref<1x8x8x128xf32, #tpu.memory_space<vmem>>
        %parallel_loop3A_866 = tpu.memref_squeeze %parallel_loop3A_865 : memref<1x8x8x128xf32, #tpu.memory_space<vmem>> -> memref<8x8x128xf32, #tpu.memory_space<vmem>>
        tpu.vector_store_idx %parallel_loop3A_866[%parallel_loop3A_827, %parallel_loop3A_830, %add3A_11], %parallel_loop3A_860 : memref<8x8x128xf32, #tpu.memory_space<vmem>>[vector<16xi32>, vector<16xi32>, vector<16xi32>], vector<16xf32>,
        %parallel_loop3A_867 = arith.constant 0 : i32
        %parallel_loop3A_868 = arith.constant 0 : i32
        %parallel_loop3A_869 = arith.constant 0 : i32
        %parallel_loop3A_870 = tpu.memref_slice %arg6[%parallel_loop3A_867, %parallel_loop3A_868, %parallel_loop3A_869] : memref<2x128x64xf32, #tpu.memory_space<vmem>> -> memref<1x128x64xf32, #tpu.memory_space<vmem>>
        %parallel_loop3A_871 = tpu.memref_squeeze %parallel_loop3A_870 : memref<1x128x64xf32, #tpu.memory_space<vmem>> -> memref<128x64xf32, #tpu.memory_space<vmem>>
        %parallel_loop3A_872 = tpu.vector_load_idx %parallel_loop3A_871[%add3A_15, %parallel_loop3A_824] : memref<128x64xf32, #tpu.memory_space<vmem>>[vector<16xi32>, vector<16xi32>], vector<16xf32>,
        %parallel_loop3A_873 = arith.constant 0 : i32
        %parallel_loop3A_874 = arith.constant 0 : i32
        %parallel_loop3A_875 = arith.constant 0 : i32
        %parallel_loop3A_876 = arith.constant 0 : i32
        %parallel_loop3A_877 = tpu.memref_slice %arg7[%parallel_loop3A_873, %parallel_loop3A_874, %parallel_loop3A_875, %parallel_loop3A_876] : memref<2x8x8x128xf32, #tpu.memory_space<vmem>> -> memref<1x8x8x128xf32, #tpu.memory_space<vmem>>
        %parallel_loop3A_878 = tpu.memref_squeeze %parallel_loop3A_877 : memref<1x8x8x128xf32, #tpu.memory_space<vmem>> -> memref<8x8x128xf32, #tpu.memory_space<vmem>>
        tpu.vector_store_idx %parallel_loop3A_878[%parallel_loop3A_827, %parallel_loop3A_830, %add3A_15], %parallel_loop3A_872 : memref<8x8x128xf32, #tpu.memory_space<vmem>>[vector<16xi32>, vector<16xi32>, vector<16xi32>], vector<16xf32>,
        %parallel_loop3A_879 = arith.constant 0 : i32
        %parallel_loop3A_880 = arith.constant 0 : i32
        %parallel_loop3A_881 = arith.constant 0 : i32
        %parallel_loop3A_882 = tpu.memref_slice %arg6[%parallel_loop3A_879, %parallel_loop3A_880, %parallel_loop3A_881] : memref<2x128x64xf32, #tpu.memory_space<vmem>> -> memref<1x128x64xf32, #tpu.memory_space<vmem>>
        %parallel_loop3A_883 = tpu.memref_squeeze %parallel_loop3A_882 : memref<1x128x64xf32, #tpu.memory_space<vmem>> -> memref<128x64xf32, #tpu.memory_space<vmem>>
        %parallel_loop3A_884 = tpu.vector_load_idx %parallel_loop3A_883[%add3A_19, %parallel_loop3A_824] : memref<128x64xf32, #tpu.memory_space<vmem>>[vector<16xi32>, vector<16xi32>], vector<16xf32>,
        %parallel_loop3A_885 = arith.constant 0 : i32
        %parallel_loop3A_886 = arith.constant 0 : i32
        %parallel_loop3A_887 = arith.constant 0 : i32
        %parallel_loop3A_888 = arith.constant 0 : i32
        %parallel_loop3A_889 = tpu.memref_slice %arg7[%parallel_loop3A_885, %parallel_loop3A_886, %parallel_loop3A_887, %parallel_loop3A_888] : memref<2x8x8x128xf32, #tpu.memory_space<vmem>> -> memref<1x8x8x128xf32, #tpu.memory_space<vmem>>
        %parallel_loop3A_890 = tpu.memref_squeeze %parallel_loop3A_889 : memref<1x8x8x128xf32, #tpu.memory_space<vmem>> -> memref<8x8x128xf32, #tpu.memory_space<vmem>>
        tpu.vector_store_idx %parallel_loop3A_890[%parallel_loop3A_827, %parallel_loop3A_830, %add3A_19], %parallel_loop3A_884 : memref<8x8x128xf32, #tpu.memory_space<vmem>>[vector<16xi32>, vector<16xi32>, vector<16xi32>], vector<16xf32>,
        %parallel_loop3A_891 = arith.constant 0 : i32
        %parallel_loop3A_892 = arith.constant 0 : i32
        %parallel_loop3A_893 = arith.constant 0 : i32
        %parallel_loop3A_894 = tpu.memref_slice %arg6[%parallel_loop3A_891, %parallel_loop3A_892, %parallel_loop3A_893] : memref<2x128x64xf32, #tpu.memory_space<vmem>> -> memref<1x128x64xf32, #tpu.memory_space<vmem>>
        %parallel_loop3A_895 = tpu.memref_squeeze %parallel_loop3A_894 : memref<1x128x64xf32, #tpu.memory_space<vmem>> -> memref<128x64xf32, #tpu.memory_space<vmem>>
        %parallel_loop3A_896 = tpu.vector_load_idx %parallel_loop3A_895[%add3A_23, %parallel_loop3A_824] : memref<128x64xf32, #tpu.memory_space<vmem>>[vector<16xi32>, vector<16xi32>], vector<16xf32>,
        %parallel_loop3A_897 = arith.constant 0 : i32
        %parallel_loop3A_898 = arith.constant 0 : i32
        %parallel_loop3A_899 = arith.constant 0 : i32
        %parallel_loop3A_900 = arith.constant 0 : i32
        %parallel_loop3A_901 = tpu.memref_slice %arg7[%parallel_loop3A_897, %parallel_loop3A_898, %parallel_loop3A_899, %parallel_loop3A_900] : memref<2x8x8x128xf32, #tpu.memory_space<vmem>> -> memref<1x8x8x128xf32, #tpu.memory_space<vmem>>
        %parallel_loop3A_902 = tpu.memref_squeeze %parallel_loop3A_901 : memref<1x8x8x128xf32, #tpu.memory_space<vmem>> -> memref<8x8x128xf32, #tpu.memory_space<vmem>>
        tpu.vector_store_idx %parallel_loop3A_902[%parallel_loop3A_827, %parallel_loop3A_830, %add3A_23], %parallel_loop3A_896 : memref<8x8x128xf32, #tpu.memory_space<vmem>>[vector<16xi32>, vector<16xi32>, vector<16xi32>], vector<16xf32>,
        %parallel_loop3A_903 = arith.constant 0 : i32
        %parallel_loop3A_904 = arith.constant 0 : i32
        %parallel_loop3A_905 = arith.constant 0 : i32
        %parallel_loop3A_906 = tpu.memref_slice %arg6[%parallel_loop3A_903, %parallel_loop3A_904, %parallel_loop3A_905] : memref<2x128x64xf32, #tpu.memory_space<vmem>> -> memref<1x128x64xf32, #tpu.memory_space<vmem>>
        %parallel_loop3A_907 = tpu.memref_squeeze %parallel_loop3A_906 : memref<1x128x64xf32, #tpu.memory_space<vmem>> -> memref<128x64xf32, #tpu.memory_space<vmem>>
        %parallel_loop3A_908 = tpu.vector_load_idx %parallel_loop3A_907[%add3A_27, %parallel_loop3A_824] : memref<128x64xf32, #tpu.memory_space<vmem>>[vector<16xi32>, vector<16xi32>], vector<16xf32>,
        %parallel_loop3A_909 = arith.constant 0 : i32
        %parallel_loop3A_910 = arith.constant 0 : i32
        %parallel_loop3A_911 = arith.constant 0 : i32
        %parallel_loop3A_912 = arith.constant 0 : i32
        %parallel_loop3A_913 = tpu.memref_slice %arg7[%parallel_loop3A_909, %parallel_loop3A_910, %parallel_loop3A_911, %parallel_loop3A_912] : memref<2x8x8x128xf32, #tpu.memory_space<vmem>> -> memref<1x8x8x128xf32, #tpu.memory_space<vmem>>
        %parallel_loop3A_914 = tpu.memref_squeeze %parallel_loop3A_913 : memref<1x8x8x128xf32, #tpu.memory_space<vmem>> -> memref<8x8x128xf32, #tpu.memory_space<vmem>>
        tpu.vector_store_idx %parallel_loop3A_914[%parallel_loop3A_827, %parallel_loop3A_830, %add3A_27], %parallel_loop3A_908 : memref<8x8x128xf32, #tpu.memory_space<vmem>>[vector<16xi32>, vector<16xi32>, vector<16xi32>], vector<16xf32>,
        %parallel_loop3A_915 = arith.constant 0 : i32
        %parallel_loop3A_916 = arith.constant 0 : i32
        %parallel_loop3A_917 = arith.constant 0 : i32
        %parallel_loop3A_918 = tpu.memref_slice %arg6[%parallel_loop3A_915, %parallel_loop3A_916, %parallel_loop3A_917] : memref<2x128x64xf32, #tpu.memory_space<vmem>> -> memref<1x128x64xf32, #tpu.memory_space<vmem>>
        %parallel_loop3A_919 = tpu.memref_squeeze %parallel_loop3A_918 : memref<1x128x64xf32, #tpu.memory_space<vmem>> -> memref<128x64xf32, #tpu.memory_space<vmem>>
        %parallel_loop3A_920 = tpu.vector_load_idx %parallel_loop3A_919[%add3A_31, %parallel_loop3A_824] : memref<128x64xf32, #tpu.memory_space<vmem>>[vector<16xi32>, vector<16xi32>], vector<16xf32>,
        %parallel_loop3A_921 = arith.constant 0 : i32
        %parallel_loop3A_922 = arith.constant 0 : i32
        %parallel_loop3A_923 = arith.constant 0 : i32
        %parallel_loop3A_924 = arith.constant 0 : i32
        %parallel_loop3A_925 = tpu.memref_slice %arg7[%parallel_loop3A_921, %parallel_loop3A_922, %parallel_loop3A_923, %parallel_loop3A_924] : memref<2x8x8x128xf32, #tpu.memory_space<vmem>> -> memref<1x8x8x128xf32, #tpu.memory_space<vmem>>
        %parallel_loop3A_926 = tpu.memref_squeeze %parallel_loop3A_925 : memref<1x8x8x128xf32, #tpu.memory_space<vmem>> -> memref<8x8x128xf32, #tpu.memory_space<vmem>>
        tpu.vector_store_idx %parallel_loop3A_926[%parallel_loop3A_827, %parallel_loop3A_830, %add3A_31], %parallel_loop3A_920 : memref<8x8x128xf32, #tpu.memory_space<vmem>>[vector<16xi32>, vector<16xi32>, vector<16xi32>], vector<16xf32>,
        %parallel_loop3A_927 = arith.constant 48 : i32
        %parallel_loop3A_928 = vector.broadcast %parallel_loop3A_927 : i32 to vector<16xi32>
        %parallel_loop3A_929 = arith.addi %parallel_loop3A_611, %parallel_loop3A_928 : vector<16xi32>
        %parallel_loop3A_930 = arith.constant 3 : i32
        %parallel_loop3A_931 = vector.broadcast %parallel_loop3A_930 : i32 to vector<16xi32>
        %parallel_loop3A_932 = arith.shrsi %parallel_loop3A_929, %parallel_loop3A_931 : vector<16xi32>
        %parallel_loop3A_933 = arith.constant 7 : i32
        %parallel_loop3A_934 = vector.broadcast %parallel_loop3A_933 : i32 to vector<16xi32>
        %parallel_loop3A_935 = arith.andi %parallel_loop3A_929, %parallel_loop3A_934 : vector<16xi32>
        %parallel_loop3A_936 = arith.constant 0 : i32
        %parallel_loop3A_937 = arith.constant 0 : i32
        %parallel_loop3A_938 = arith.constant 0 : i32
        %parallel_loop3A_939 = tpu.memref_slice %arg6[%parallel_loop3A_936, %parallel_loop3A_937, %parallel_loop3A_938] : memref<2x128x64xf32, #tpu.memory_space<vmem>> -> memref<1x128x64xf32, #tpu.memory_space<vmem>>
        %parallel_loop3A_940 = tpu.memref_squeeze %parallel_loop3A_939 : memref<1x128x64xf32, #tpu.memory_space<vmem>> -> memref<128x64xf32, #tpu.memory_space<vmem>>
        %parallel_loop3A_941 = tpu.vector_load_idx %parallel_loop3A_940[%add3A_3, %parallel_loop3A_929] : memref<128x64xf32, #tpu.memory_space<vmem>>[vector<16xi32>, vector<16xi32>], vector<16xf32>,
        %parallel_loop3A_942 = arith.constant 0 : i32
        %parallel_loop3A_943 = arith.constant 0 : i32
        %parallel_loop3A_944 = arith.constant 0 : i32
        %parallel_loop3A_945 = arith.constant 0 : i32
        %parallel_loop3A_946 = tpu.memref_slice %arg7[%parallel_loop3A_942, %parallel_loop3A_943, %parallel_loop3A_944, %parallel_loop3A_945] : memref<2x8x8x128xf32, #tpu.memory_space<vmem>> -> memref<1x8x8x128xf32, #tpu.memory_space<vmem>>
        %parallel_loop3A_947 = tpu.memref_squeeze %parallel_loop3A_946 : memref<1x8x8x128xf32, #tpu.memory_space<vmem>> -> memref<8x8x128xf32, #tpu.memory_space<vmem>>
        tpu.vector_store_idx %parallel_loop3A_947[%parallel_loop3A_932, %parallel_loop3A_935, %add3A_3], %parallel_loop3A_941 : memref<8x8x128xf32, #tpu.memory_space<vmem>>[vector<16xi32>, vector<16xi32>, vector<16xi32>], vector<16xf32>,
        %parallel_loop3A_948 = arith.constant 0 : i32
        %parallel_loop3A_949 = arith.constant 0 : i32
        %parallel_loop3A_950 = arith.constant 0 : i32
        %parallel_loop3A_951 = tpu.memref_slice %arg6[%parallel_loop3A_948, %parallel_loop3A_949, %parallel_loop3A_950] : memref<2x128x64xf32, #tpu.memory_space<vmem>> -> memref<1x128x64xf32, #tpu.memory_space<vmem>>
        %parallel_loop3A_952 = tpu.memref_squeeze %parallel_loop3A_951 : memref<1x128x64xf32, #tpu.memory_space<vmem>> -> memref<128x64xf32, #tpu.memory_space<vmem>>
        %parallel_loop3A_953 = tpu.vector_load_idx %parallel_loop3A_952[%add3A_7, %parallel_loop3A_929] : memref<128x64xf32, #tpu.memory_space<vmem>>[vector<16xi32>, vector<16xi32>], vector<16xf32>,
        %parallel_loop3A_954 = arith.constant 0 : i32
        %parallel_loop3A_955 = arith.constant 0 : i32
        %parallel_loop3A_956 = arith.constant 0 : i32
        %parallel_loop3A_957 = arith.constant 0 : i32
        %parallel_loop3A_958 = tpu.memref_slice %arg7[%parallel_loop3A_954, %parallel_loop3A_955, %parallel_loop3A_956, %parallel_loop3A_957] : memref<2x8x8x128xf32, #tpu.memory_space<vmem>> -> memref<1x8x8x128xf32, #tpu.memory_space<vmem>>
        %parallel_loop3A_959 = tpu.memref_squeeze %parallel_loop3A_958 : memref<1x8x8x128xf32, #tpu.memory_space<vmem>> -> memref<8x8x128xf32, #tpu.memory_space<vmem>>
        tpu.vector_store_idx %parallel_loop3A_959[%parallel_loop3A_932, %parallel_loop3A_935, %add3A_7], %parallel_loop3A_953 : memref<8x8x128xf32, #tpu.memory_space<vmem>>[vector<16xi32>, vector<16xi32>, vector<16xi32>], vector<16xf32>,
        %parallel_loop3A_960 = arith.constant 0 : i32
        %parallel_loop3A_961 = arith.constant 0 : i32
        %parallel_loop3A_962 = arith.constant 0 : i32
        %parallel_loop3A_963 = tpu.memref_slice %arg6[%parallel_loop3A_960, %parallel_loop3A_961, %parallel_loop3A_962] : memref<2x128x64xf32, #tpu.memory_space<vmem>> -> memref<1x128x64xf32, #tpu.memory_space<vmem>>
        %parallel_loop3A_964 = tpu.memref_squeeze %parallel_loop3A_963 : memref<1x128x64xf32, #tpu.memory_space<vmem>> -> memref<128x64xf32, #tpu.memory_space<vmem>>
        %parallel_loop3A_965 = tpu.vector_load_idx %parallel_loop3A_964[%add3A_11, %parallel_loop3A_929] : memref<128x64xf32, #tpu.memory_space<vmem>>[vector<16xi32>, vector<16xi32>], vector<16xf32>,
        %parallel_loop3A_966 = arith.constant 0 : i32
        %parallel_loop3A_967 = arith.constant 0 : i32
        %parallel_loop3A_968 = arith.constant 0 : i32
        %parallel_loop3A_969 = arith.constant 0 : i32
        %parallel_loop3A_970 = tpu.memref_slice %arg7[%parallel_loop3A_966, %parallel_loop3A_967, %parallel_loop3A_968, %parallel_loop3A_969] : memref<2x8x8x128xf32, #tpu.memory_space<vmem>> -> memref<1x8x8x128xf32, #tpu.memory_space<vmem>>
        %parallel_loop3A_971 = tpu.memref_squeeze %parallel_loop3A_970 : memref<1x8x8x128xf32, #tpu.memory_space<vmem>> -> memref<8x8x128xf32, #tpu.memory_space<vmem>>
        tpu.vector_store_idx %parallel_loop3A_971[%parallel_loop3A_932, %parallel_loop3A_935, %add3A_11], %parallel_loop3A_965 : memref<8x8x128xf32, #tpu.memory_space<vmem>>[vector<16xi32>, vector<16xi32>, vector<16xi32>], vector<16xf32>,
        %parallel_loop3A_972 = arith.constant 0 : i32
        %parallel_loop3A_973 = arith.constant 0 : i32
        %parallel_loop3A_974 = arith.constant 0 : i32
        %parallel_loop3A_975 = tpu.memref_slice %arg6[%parallel_loop3A_972, %parallel_loop3A_973, %parallel_loop3A_974] : memref<2x128x64xf32, #tpu.memory_space<vmem>> -> memref<1x128x64xf32, #tpu.memory_space<vmem>>
        %parallel_loop3A_976 = tpu.memref_squeeze %parallel_loop3A_975 : memref<1x128x64xf32, #tpu.memory_space<vmem>> -> memref<128x64xf32, #tpu.memory_space<vmem>>
        %parallel_loop3A_977 = tpu.vector_load_idx %parallel_loop3A_976[%add3A_15, %parallel_loop3A_929] : memref<128x64xf32, #tpu.memory_space<vmem>>[vector<16xi32>, vector<16xi32>], vector<16xf32>,
        %parallel_loop3A_978 = arith.constant 0 : i32
        %parallel_loop3A_979 = arith.constant 0 : i32
        %parallel_loop3A_980 = arith.constant 0 : i32
        %parallel_loop3A_981 = arith.constant 0 : i32
        %parallel_loop3A_982 = tpu.memref_slice %arg7[%parallel_loop3A_978, %parallel_loop3A_979, %parallel_loop3A_980, %parallel_loop3A_981] : memref<2x8x8x128xf32, #tpu.memory_space<vmem>> -> memref<1x8x8x128xf32, #tpu.memory_space<vmem>>
        %parallel_loop3A_983 = tpu.memref_squeeze %parallel_loop3A_982 : memref<1x8x8x128xf32, #tpu.memory_space<vmem>> -> memref<8x8x128xf32, #tpu.memory_space<vmem>>
        tpu.vector_store_idx %parallel_loop3A_983[%parallel_loop3A_932, %parallel_loop3A_935, %add3A_15], %parallel_loop3A_977 : memref<8x8x128xf32, #tpu.memory_space<vmem>>[vector<16xi32>, vector<16xi32>, vector<16xi32>], vector<16xf32>,
        %parallel_loop3A_984 = arith.constant 0 : i32
        %parallel_loop3A_985 = arith.constant 0 : i32
        %parallel_loop3A_986 = arith.constant 0 : i32
        %parallel_loop3A_987 = tpu.memref_slice %arg6[%parallel_loop3A_984, %parallel_loop3A_985, %parallel_loop3A_986] : memref<2x128x64xf32, #tpu.memory_space<vmem>> -> memref<1x128x64xf32, #tpu.memory_space<vmem>>
        %parallel_loop3A_988 = tpu.memref_squeeze %parallel_loop3A_987 : memref<1x128x64xf32, #tpu.memory_space<vmem>> -> memref<128x64xf32, #tpu.memory_space<vmem>>
        %parallel_loop3A_989 = tpu.vector_load_idx %parallel_loop3A_988[%add3A_19, %parallel_loop3A_929] : memref<128x64xf32, #tpu.memory_space<vmem>>[vector<16xi32>, vector<16xi32>], vector<16xf32>,
        %parallel_loop3A_990 = arith.constant 0 : i32
        %parallel_loop3A_991 = arith.constant 0 : i32
        %parallel_loop3A_992 = arith.constant 0 : i32
        %parallel_loop3A_993 = arith.constant 0 : i32
        %parallel_loop3A_994 = tpu.memref_slice %arg7[%parallel_loop3A_990, %parallel_loop3A_991, %parallel_loop3A_992, %parallel_loop3A_993] : memref<2x8x8x128xf32, #tpu.memory_space<vmem>> -> memref<1x8x8x128xf32, #tpu.memory_space<vmem>>
        %parallel_loop3A_995 = tpu.memref_squeeze %parallel_loop3A_994 : memref<1x8x8x128xf32, #tpu.memory_space<vmem>> -> memref<8x8x128xf32, #tpu.memory_space<vmem>>
        tpu.vector_store_idx %parallel_loop3A_995[%parallel_loop3A_932, %parallel_loop3A_935, %add3A_19], %parallel_loop3A_989 : memref<8x8x128xf32, #tpu.memory_space<vmem>>[vector<16xi32>, vector<16xi32>, vector<16xi32>], vector<16xf32>,
        %parallel_loop3A_996 = arith.constant 0 : i32
        %parallel_loop3A_997 = arith.constant 0 : i32
        %parallel_loop3A_998 = arith.constant 0 : i32
        %parallel_loop3A_999 = tpu.memref_slice %arg6[%parallel_loop3A_996, %parallel_loop3A_997, %parallel_loop3A_998] : memref<2x128x64xf32, #tpu.memory_space<vmem>> -> memref<1x128x64xf32, #tpu.memory_space<vmem>>
        %parallel_loop3A_1000 = tpu.memref_squeeze %parallel_loop3A_999 : memref<1x128x64xf32, #tpu.memory_space<vmem>> -> memref<128x64xf32, #tpu.memory_space<vmem>>
        %parallel_loop3A_1001 = tpu.vector_load_idx %parallel_loop3A_1000[%add3A_23, %parallel_loop3A_929] : memref<128x64xf32, #tpu.memory_space<vmem>>[vector<16xi32>, vector<16xi32>], vector<16xf32>,
        %parallel_loop3A_1002 = arith.constant 0 : i32
        %parallel_loop3A_1003 = arith.constant 0 : i32
        %parallel_loop3A_1004 = arith.constant 0 : i32
        %parallel_loop3A_1005 = arith.constant 0 : i32
        %parallel_loop3A_1006 = tpu.memref_slice %arg7[%parallel_loop3A_1002, %parallel_loop3A_1003, %parallel_loop3A_1004, %parallel_loop3A_1005] : memref<2x8x8x128xf32, #tpu.memory_space<vmem>> -> memref<1x8x8x128xf32, #tpu.memory_space<vmem>>
        %parallel_loop3A_1007 = tpu.memref_squeeze %parallel_loop3A_1006 : memref<1x8x8x128xf32, #tpu.memory_space<vmem>> -> memref<8x8x128xf32, #tpu.memory_space<vmem>>
        tpu.vector_store_idx %parallel_loop3A_1007[%parallel_loop3A_932, %parallel_loop3A_935, %add3A_23], %parallel_loop3A_1001 : memref<8x8x128xf32, #tpu.memory_space<vmem>>[vector<16xi32>, vector<16xi32>, vector<16xi32>], vector<16xf32>,
        %parallel_loop3A_1008 = arith.constant 0 : i32
        %parallel_loop3A_1009 = arith.constant 0 : i32
        %parallel_loop3A_1010 = arith.constant 0 : i32
        %parallel_loop3A_1011 = tpu.memref_slice %arg6[%parallel_loop3A_1008, %parallel_loop3A_1009, %parallel_loop3A_1010] : memref<2x128x64xf32, #tpu.memory_space<vmem>> -> memref<1x128x64xf32, #tpu.memory_space<vmem>>
        %parallel_loop3A_1012 = tpu.memref_squeeze %parallel_loop3A_1011 : memref<1x128x64xf32, #tpu.memory_space<vmem>> -> memref<128x64xf32, #tpu.memory_space<vmem>>
        %parallel_loop3A_1013 = tpu.vector_load_idx %parallel_loop3A_1012[%add3A_27, %parallel_loop3A_929] : memref<128x64xf32, #tpu.memory_space<vmem>>[vector<16xi32>, vector<16xi32>], vector<16xf32>,
        %parallel_loop3A_1014 = arith.constant 0 : i32
        %parallel_loop3A_1015 = arith.constant 0 : i32
        %parallel_loop3A_1016 = arith.constant 0 : i32
        %parallel_loop3A_1017 = arith.constant 0 : i32
        %parallel_loop3A_1018 = tpu.memref_slice %arg7[%parallel_loop3A_1014, %parallel_loop3A_1015, %parallel_loop3A_1016, %parallel_loop3A_1017] : memref<2x8x8x128xf32, #tpu.memory_space<vmem>> -> memref<1x8x8x128xf32, #tpu.memory_space<vmem>>
        %parallel_loop3A_1019 = tpu.memref_squeeze %parallel_loop3A_1018 : memref<1x8x8x128xf32, #tpu.memory_space<vmem>> -> memref<8x8x128xf32, #tpu.memory_space<vmem>>
        tpu.vector_store_idx %parallel_loop3A_1019[%parallel_loop3A_932, %parallel_loop3A_935, %add3A_27], %parallel_loop3A_1013 : memref<8x8x128xf32, #tpu.memory_space<vmem>>[vector<16xi32>, vector<16xi32>, vector<16xi32>], vector<16xf32>,
        %parallel_loop3A_1020 = arith.constant 0 : i32
        %parallel_loop3A_1021 = arith.constant 0 : i32
        %parallel_loop3A_1022 = arith.constant 0 : i32
        %parallel_loop3A_1023 = tpu.memref_slice %arg6[%parallel_loop3A_1020, %parallel_loop3A_1021, %parallel_loop3A_1022] : memref<2x128x64xf32, #tpu.memory_space<vmem>> -> memref<1x128x64xf32, #tpu.memory_space<vmem>>
        %parallel_loop3A_1024 = tpu.memref_squeeze %parallel_loop3A_1023 : memref<1x128x64xf32, #tpu.memory_space<vmem>> -> memref<128x64xf32, #tpu.memory_space<vmem>>
        %parallel_loop3A_1025 = tpu.vector_load_idx %parallel_loop3A_1024[%add3A_31, %parallel_loop3A_929] : memref<128x64xf32, #tpu.memory_space<vmem>>[vector<16xi32>, vector<16xi32>], vector<16xf32>,
        %parallel_loop3A_1026 = arith.constant 0 : i32
        %parallel_loop3A_1027 = arith.constant 0 : i32
        %parallel_loop3A_1028 = arith.constant 0 : i32
        %parallel_loop3A_1029 = arith.constant 0 : i32
        %parallel_loop3A_1030 = tpu.memref_slice %arg7[%parallel_loop3A_1026, %parallel_loop3A_1027, %parallel_loop3A_1028, %parallel_loop3A_1029] : memref<2x8x8x128xf32, #tpu.memory_space<vmem>> -> memref<1x8x8x128xf32, #tpu.memory_space<vmem>>
        %parallel_loop3A_1031 = tpu.memref_squeeze %parallel_loop3A_1030 : memref<1x8x8x128xf32, #tpu.memory_space<vmem>> -> memref<8x8x128xf32, #tpu.memory_space<vmem>>
        tpu.vector_store_idx %parallel_loop3A_1031[%parallel_loop3A_932, %parallel_loop3A_935, %add3A_31], %parallel_loop3A_1025 : memref<8x8x128xf32, #tpu.memory_space<vmem>>[vector<16xi32>, vector<16xi32>, vector<16xi32>], vector<16xf32>,
      } {sc.loop_unroll_factor = 2 : i64, sc.parallel_access}
      %dma_start3A_451 = arith.constant 0 : i32
      %dma_start3A_452 = arith.constant 0 : i32
      %dma_start3A_453 = arith.constant 0 : i32
      %dma_start3A_454 = arith.constant 0 : i32
      %dma_start3A_455 = tpu.memref_slice %arg7[%dma_start3A_451, %dma_start3A_452, %dma_start3A_453, %dma_start3A_454] : memref<2x8x8x128xf32, #tpu.memory_space<vmem>> -> memref<1x8x8x128xf32, #tpu.memory_space<vmem>>
      %dma_start3A_456 = tpu.memref_squeeze %dma_start3A_455 : memref<1x8x8x128xf32, #tpu.memory_space<vmem>> -> memref<8x8x128xf32, #tpu.memory_space<vmem>>
      %dma_start3A_457 = arith.constant 0 : i32
      %dma_start3A_458 = arith.constant 0 : i32
      %dma_start3A_459 = arith.constant 0 : i32
      %dma_start3A_460 = arith.constant 0 : i32
      %dma_start3A_461 = tpu.memref_slice %arg4[%mul3A_272, %dma_start3A_457, %dma_start3A_458, %dma_start3A_459, %dma_start3A_460] : memref<200x8x32x8x128xf32, #tpu.memory_space<hbm>> -> memref<1x8x32x8x128xf32, #tpu.memory_space<hbm>>
      %dma_start3A_462 = tpu.memref_squeeze %dma_start3A_461 : memref<1x8x32x8x128xf32, #tpu.memory_space<hbm>> -> memref<8x32x8x128xf32, #tpu.memory_space<hbm>>
      %dma_start3A_463 = arith.constant 0 : i32
      %dma_start3A_464 = arith.constant 0 : i32
      %dma_start3A_465 = arith.constant 0 : i32
      %dma_start3A_466 = tpu.memref_slice %dma_start3A_462[%dma_start3A_463, %add3A, %dma_start3A_464, %dma_start3A_465] : memref<8x32x8x128xf32, #tpu.memory_space<hbm>> -> memref<8x1x8x128xf32, #tpu.memory_space<hbm>>
      %dma_start3A_467 = tpu.memref_squeeze %dma_start3A_466 : memref<8x1x8x128xf32, #tpu.memory_space<hbm>> -> memref<8x8x128xf32, #tpu.memory_space<hbm>>
      %dma_start3A_468 = arith.constant 0 : i32
      %dma_start3A_469 = arith.constant 0 : i32
      %dma_start3A_470 = arith.constant 0 : i32
      %dma_start3A_471 = arith.constant 0 : i32
      %dma_start3A_472 = tpu.memref_slice %arg4[%mul3A_272, %dma_start3A_468, %dma_start3A_469, %dma_start3A_470, %dma_start3A_471] : memref<200x8x32x8x128xf32, #tpu.memory_space<hbm>> -> memref<1x8x32x8x128xf32, #tpu.memory_space<hbm>>
      %dma_start3A_473 = tpu.memref_squeeze %dma_start3A_472 : memref<1x8x32x8x128xf32, #tpu.memory_space<hbm>> -> memref<8x32x8x128xf32, #tpu.memory_space<hbm>>
      %dma_start3A_474 = arith.constant 0 : i32
      %dma_start3A_475 = arith.constant 0 : i32
      %dma_start3A_476 = arith.constant 0 : i32
      %dma_start3A_477 = tpu.memref_slice %dma_start3A_473[%dma_start3A_474, %add3A, %dma_start3A_475, %dma_start3A_476] : memref<8x32x8x128xf32, #tpu.memory_space<hbm>> -> memref<8x1x8x128xf32, #tpu.memory_space<hbm>>
      %dma_start3A_478 = tpu.memref_squeeze %dma_start3A_477 : memref<8x1x8x128xf32, #tpu.memory_space<hbm>> -> memref<8x8x128xf32, #tpu.memory_space<hbm>>
      %dma_start3A_479 = arith.constant 0 : i32
      %dma_start3A_480 = arith.constant 0 : i32
      %dma_start3A_481 = arith.constant 0 : i32
      %dma_start3A_482 = tpu.memref_slice %arg7[%dma_start3A_451, %dma_start3A_479, %dma_start3A_480, %dma_start3A_481] : memref<2x8x8x128xf32, #tpu.memory_space<vmem>> -> memref<1x8x8x128xf32, #tpu.memory_space<vmem>>
      %dma_start3A_483 = tpu.memref_squeeze %dma_start3A_482 : memref<1x8x8x128xf32, #tpu.memory_space<vmem>> -> memref<8x8x128xf32, #tpu.memory_space<vmem>>
      tpu.enqueue_dma source(%dma_start3A_483 : memref<8x8x128xf32, #tpu.memory_space<vmem>>) target(%dma_start3A_478 : memref<8x8x128xf32, #tpu.memory_space<hbm>>) target_semaphore(%arg12 : memref<!tpu.dma_semaphore, #tpu.memory_space<semaphore_mem>>)
      %dma_wait3A_484 = arith.constant 1 : i32
      %dma_wait3A_485 = arith.constant 1 : i32
      %dma_wait3A_486 = arith.constant 0 : i32
      %dma_wait3A_487 = arith.constant 0 : i32
      %dma_wait3A_488 = tpu.memref_slice %arg6[%dma_wait3A_485, %dma_wait3A_486, %dma_wait3A_487] : memref<2x128x64xf32, #tpu.memory_space<vmem>> -> memref<1x128x64xf32, #tpu.memory_space<vmem>>
      %dma_wait3A_489 = tpu.memref_squeeze %dma_wait3A_488 : memref<1x128x64xf32, #tpu.memory_space<vmem>> -> memref<128x64xf32, #tpu.memory_space<vmem>>
      %dma_wait3A_490 = arith.constant 0 : i32
      %dma_wait3A_491 = arith.constant 0 : i32
      %dma_wait3A_492 = tpu.memref_slice %dma_wait3A_489[%dma_wait3A_490, %dma_wait3A_491] : memref<128x64xf32, #tpu.memory_space<vmem>> -> memref<32x64xf32, #tpu.memory_space<vmem>>
      %dma_wait3A_493 = arith.constant 0 : i32
      %dma_wait3A_494 = tpu.memref_slice %arg5[%dma_wait3A_484, %dma_wait3A_493] : memref<2x128xi32, #tpu.memory_space<vmem>> -> memref<1x128xi32, #tpu.memory_space<vmem>>
      %dma_wait3A_495 = tpu.memref_squeeze %dma_wait3A_494 : memref<1x128xi32, #tpu.memory_space<vmem>> -> memref<128xi32, #tpu.memory_space<vmem>>
      %dma_wait3A_496 = arith.constant 0 : i32
      %dma_wait3A_497 = tpu.memref_slice %dma_wait3A_495[%dma_wait3A_496] : memref<128xi32, #tpu.memory_space<vmem>> -> memref<32xi32, #tpu.memory_space<vmem>>
      %dma_wait3A_498 = arith.constant 0 : i32
      %dma_wait3A_499 = arith.constant 0 : i32
      %dma_wait3A_500 = tpu.memref_slice %arg2[%dma_wait3A_498, %dma_wait3A_499] : memref<100000x64xf32, #tpu.memory_space<hbm>> -> memref<100000x64xf32, #tpu.memory_space<hbm>>
      tpu.wait_indirect_dma semaphore(%arg11 : memref<!tpu.dma_semaphore, #tpu.memory_space<semaphore_mem>>) src(%dma_wait3A_500 : memref<100000x64xf32, #tpu.memory_space<hbm>>) dst(%dma_wait3A_492 : memref<32x64xf32, #tpu.memory_space<vmem>>)
      %dma_wait3A_501 = arith.constant 1 : i32
      %dma_wait3A_502 = arith.constant 1 : i32
      %dma_wait3A_503 = arith.constant 0 : i32
      %dma_wait3A_504 = arith.constant 0 : i32
      %dma_wait3A_505 = tpu.memref_slice %arg6[%dma_wait3A_502, %dma_wait3A_503, %dma_wait3A_504] : memref<2x128x64xf32, #tpu.memory_space<vmem>> -> memref<1x128x64xf32, #tpu.memory_space<vmem>>
      %dma_wait3A_506 = tpu.memref_squeeze %dma_wait3A_505 : memref<1x128x64xf32, #tpu.memory_space<vmem>> -> memref<128x64xf32, #tpu.memory_space<vmem>>
      %dma_wait3A_507 = arith.constant 32 : i32
      %dma_wait3A_508 = arith.constant 0 : i32
      %dma_wait3A_509 = tpu.memref_slice %dma_wait3A_506[%dma_wait3A_507, %dma_wait3A_508] : memref<128x64xf32, #tpu.memory_space<vmem>> -> memref<32x64xf32, #tpu.memory_space<vmem>>
      %dma_wait3A_510 = arith.constant 0 : i32
      %dma_wait3A_511 = tpu.memref_slice %arg5[%dma_wait3A_501, %dma_wait3A_510] : memref<2x128xi32, #tpu.memory_space<vmem>> -> memref<1x128xi32, #tpu.memory_space<vmem>>
      %dma_wait3A_512 = tpu.memref_squeeze %dma_wait3A_511 : memref<1x128xi32, #tpu.memory_space<vmem>> -> memref<128xi32, #tpu.memory_space<vmem>>
      %dma_wait3A_513 = arith.constant 32 : i32
      %dma_wait3A_514 = tpu.memref_slice %dma_wait3A_512[%dma_wait3A_513] : memref<128xi32, #tpu.memory_space<vmem>> -> memref<32xi32, #tpu.memory_space<vmem>>
      %dma_wait3A_515 = arith.constant 0 : i32
      %dma_wait3A_516 = arith.constant 0 : i32
      %dma_wait3A_517 = tpu.memref_slice %arg2[%dma_wait3A_515, %dma_wait3A_516] : memref<100000x64xf32, #tpu.memory_space<hbm>> -> memref<100000x64xf32, #tpu.memory_space<hbm>>
      tpu.wait_indirect_dma semaphore(%arg11 : memref<!tpu.dma_semaphore, #tpu.memory_space<semaphore_mem>>) src(%dma_wait3A_517 : memref<100000x64xf32, #tpu.memory_space<hbm>>) dst(%dma_wait3A_509 : memref<32x64xf32, #tpu.memory_space<vmem>>)
      %dma_wait3A_518 = arith.constant 1 : i32
      %dma_wait3A_519 = arith.constant 1 : i32
      %dma_wait3A_520 = arith.constant 0 : i32
      %dma_wait3A_521 = arith.constant 0 : i32
      %dma_wait3A_522 = tpu.memref_slice %arg6[%dma_wait3A_519, %dma_wait3A_520, %dma_wait3A_521] : memref<2x128x64xf32, #tpu.memory_space<vmem>> -> memref<1x128x64xf32, #tpu.memory_space<vmem>>
      %dma_wait3A_523 = tpu.memref_squeeze %dma_wait3A_522 : memref<1x128x64xf32, #tpu.memory_space<vmem>> -> memref<128x64xf32, #tpu.memory_space<vmem>>
      %dma_wait3A_524 = arith.constant 64 : i32
      %dma_wait3A_525 = arith.constant 0 : i32
      %dma_wait3A_526 = tpu.memref_slice %dma_wait3A_523[%dma_wait3A_524, %dma_wait3A_525] : memref<128x64xf32, #tpu.memory_space<vmem>> -> memref<32x64xf32, #tpu.memory_space<vmem>>
      %dma_wait3A_527 = arith.constant 0 : i32
      %dma_wait3A_528 = tpu.memref_slice %arg5[%dma_wait3A_518, %dma_wait3A_527] : memref<2x128xi32, #tpu.memory_space<vmem>> -> memref<1x128xi32, #tpu.memory_space<vmem>>
      %dma_wait3A_529 = tpu.memref_squeeze %dma_wait3A_528 : memref<1x128xi32, #tpu.memory_space<vmem>> -> memref<128xi32, #tpu.memory_space<vmem>>
      %dma_wait3A_530 = arith.constant 64 : i32
      %dma_wait3A_531 = tpu.memref_slice %dma_wait3A_529[%dma_wait3A_530] : memref<128xi32, #tpu.memory_space<vmem>> -> memref<32xi32, #tpu.memory_space<vmem>>
      %dma_wait3A_532 = arith.constant 0 : i32
      %dma_wait3A_533 = arith.constant 0 : i32
      %dma_wait3A_534 = tpu.memref_slice %arg2[%dma_wait3A_532, %dma_wait3A_533] : memref<100000x64xf32, #tpu.memory_space<hbm>> -> memref<100000x64xf32, #tpu.memory_space<hbm>>
      tpu.wait_indirect_dma semaphore(%arg11 : memref<!tpu.dma_semaphore, #tpu.memory_space<semaphore_mem>>) src(%dma_wait3A_534 : memref<100000x64xf32, #tpu.memory_space<hbm>>) dst(%dma_wait3A_526 : memref<32x64xf32, #tpu.memory_space<vmem>>)
      %dma_wait3A_535 = arith.constant 1 : i32
      %dma_wait3A_536 = arith.constant 1 : i32
      %dma_wait3A_537 = arith.constant 0 : i32
      %dma_wait3A_538 = arith.constant 0 : i32
      %dma_wait3A_539 = tpu.memref_slice %arg6[%dma_wait3A_536, %dma_wait3A_537, %dma_wait3A_538] : memref<2x128x64xf32, #tpu.memory_space<vmem>> -> memref<1x128x64xf32, #tpu.memory_space<vmem>>
      %dma_wait3A_540 = tpu.memref_squeeze %dma_wait3A_539 : memref<1x128x64xf32, #tpu.memory_space<vmem>> -> memref<128x64xf32, #tpu.memory_space<vmem>>
      %dma_wait3A_541 = arith.constant 96 : i32
      %dma_wait3A_542 = arith.constant 0 : i32
      %dma_wait3A_543 = tpu.memref_slice %dma_wait3A_540[%dma_wait3A_541, %dma_wait3A_542] : memref<128x64xf32, #tpu.memory_space<vmem>> -> memref<32x64xf32, #tpu.memory_space<vmem>>
      %dma_wait3A_544 = arith.constant 0 : i32
      %dma_wait3A_545 = tpu.memref_slice %arg5[%dma_wait3A_535, %dma_wait3A_544] : memref<2x128xi32, #tpu.memory_space<vmem>> -> memref<1x128xi32, #tpu.memory_space<vmem>>
      %dma_wait3A_546 = tpu.memref_squeeze %dma_wait3A_545 : memref<1x128xi32, #tpu.memory_space<vmem>> -> memref<128xi32, #tpu.memory_space<vmem>>
      %dma_wait3A_547 = arith.constant 96 : i32
      %dma_wait3A_548 = tpu.memref_slice %dma_wait3A_546[%dma_wait3A_547] : memref<128xi32, #tpu.memory_space<vmem>> -> memref<32xi32, #tpu.memory_space<vmem>>
      %dma_wait3A_549 = arith.constant 0 : i32
      %dma_wait3A_550 = arith.constant 0 : i32
      %dma_wait3A_551 = tpu.memref_slice %arg2[%dma_wait3A_549, %dma_wait3A_550] : memref<100000x64xf32, #tpu.memory_space<hbm>> -> memref<100000x64xf32, #tpu.memory_space<hbm>>
      tpu.wait_indirect_dma semaphore(%arg11 : memref<!tpu.dma_semaphore, #tpu.memory_space<semaphore_mem>>) src(%dma_wait3A_551 : memref<100000x64xf32, #tpu.memory_space<hbm>>) dst(%dma_wait3A_543 : memref<32x64xf32, #tpu.memory_space<vmem>>)
      %lt3A_552 = arith.constant 99 : i32
      %lt3A_553 = arith.cmpi slt, %scan3A_270, %lt3A_552 : i32
      %convert_element_type3A_554 = arith.extui %lt3A_553 : i1 to i32
      %cond3A_555 = arith.constant 0 : i32
      %cond3A_556 = arith.cmpi ne, %convert_element_type3A_554, %cond3A_555 : i32
      scf.if %cond3A_556 {
        %add3A_606 = arith.constant 3 : i32
        %add3A_607 = arith.addi %mul3A_272, %add3A_606 : i32
        %jit3A = arith.constant 8 : i32
        %div3A = arith.divsi %add3A_607, %jit3A : i32
        %sign3A = arith.constant 0 : i32
        %sign3A_608 = arith.cmpi sgt, %add3A_607, %sign3A : i32
        %sign3A_609 = arith.extui %sign3A_608 : i1 to i32
        %sign3A_610 = arith.constant 0 : i32
        %sign3A_611 = arith.cmpi slt, %add3A_607, %sign3A_610 : i32
        %sign3A_612 = arith.extui %sign3A_611 : i1 to i32
        %sign3A_613 = arith.subi %sign3A_609, %sign3A_612 : i32
        %sign3A_614 = arith.constant 0 : i32
        %sign3A_615 = arith.cmpi sgt, %jit3A, %sign3A_614 : i32
        %sign3A_616 = arith.extui %sign3A_615 : i1 to i32
        %sign3A_617 = arith.constant 0 : i32
        %sign3A_618 = arith.cmpi slt, %jit3A, %sign3A_617 : i32
        %sign3A_619 = arith.extui %sign3A_618 : i1 to i32
        %sign3A_620 = arith.subi %sign3A_616, %sign3A_619 : i32
        %ne3A = arith.cmpi ne, %sign3A_613, %sign3A_620 : i32
        %rem3A = arith.remsi %add3A_607, %jit3A : i32
        %ne3A_621 = arith.constant 0 : i32
        %ne3A_622 = arith.cmpi ne, %rem3A, %ne3A_621 : i32
        %and3A = arith.andi %ne3A, %ne3A_622 : i1
        %sub3A = arith.constant 1 : i32
        %sub3A_623 = arith.subi %div3A, %sub3A : i32
        %select_n3A = arith.select %and3A, %sub3A_623, %div3A : i32
        %jit3A_624 = arith.constant 8 : i32
        %eq3A = arith.constant 0 : i32
        %eq3A_625 = arith.cmpi eq, %jit3A_624, %eq3A : i32
        %jit3A_626 = arith.constant 1 : i32
        %select_n3A_627 = arith.select %eq3A_625, %jit3A_626, %jit3A_624 : i32
        %rem3A_628 = arith.remsi %add3A_607, %select_n3A_627 : i32
        %ne3A_629 = arith.constant 0 : i32
        %ne3A_630 = arith.cmpi ne, %rem3A_628, %ne3A_629 : i32
        %lt3A_631 = arith.constant 0 : i32
        %lt3A_632 = arith.cmpi slt, %rem3A_628, %lt3A_631 : i32
        %lt3A_633 = arith.constant 0 : i32
        %lt3A_634 = arith.cmpi slt, %select_n3A_627, %lt3A_633 : i32
        %ne3A_635 = arith.xori %lt3A_632, %lt3A_634 : i1
        %and3A_636 = arith.andi %ne3A_635, %ne3A_630 : i1
        %add3A_637 = arith.addi %rem3A_628, %select_n3A_627 : i32
        %select_n3A_638 = arith.select %and3A_636, %add3A_637, %rem3A_628 : i32
        %dma_start3A_639 = arith.constant 1 : i32
        %dma_start3A_640 = arith.constant 0 : i32
        %dma_start3A_641 = tpu.memref_slice %arg5[%dma_start3A_639, %dma_start3A_640] : memref<2x128xi32, #tpu.memory_space<vmem>> -> memref<1x128xi32, #tpu.memory_space<vmem>>
        %dma_start3A_642 = tpu.memref_squeeze %dma_start3A_641 : memref<1x128xi32, #tpu.memory_space<vmem>> -> memref<128xi32, #tpu.memory_space<vmem>>
        %dma_start3A_643 = arith.constant 0 : i32
        %dma_start3A_644 = arith.constant 0 : i32
        %dma_start3A_645 = arith.constant 0 : i32
        %dma_start3A_646 = tpu.memref_slice %arg3[%select_n3A, %dma_start3A_643, %dma_start3A_644, %dma_start3A_645] : memref<25x32x8x128xi32, #tpu.memory_space<hbm>> -> memref<1x32x8x128xi32, #tpu.memory_space<hbm>>
        %dma_start3A_647 = tpu.memref_squeeze %dma_start3A_646 : memref<1x32x8x128xi32, #tpu.memory_space<hbm>> -> memref<32x8x128xi32, #tpu.memory_space<hbm>>
        %dma_start3A_648 = arith.constant 0 : i32
        %dma_start3A_649 = arith.constant 0 : i32
        %dma_start3A_650 = tpu.memref_slice %dma_start3A_647[%add3A, %dma_start3A_648, %dma_start3A_649] : memref<32x8x128xi32, #tpu.memory_space<hbm>> -> memref<1x8x128xi32, #tpu.memory_space<hbm>>
        %dma_start3A_651 = tpu.memref_squeeze %dma_start3A_650 : memref<1x8x128xi32, #tpu.memory_space<hbm>> -> memref<8x128xi32, #tpu.memory_space<hbm>>
        %dma_start3A_652 = arith.constant 0 : i32
        %dma_start3A_653 = tpu.memref_slice %dma_start3A_651[%select_n3A_638, %dma_start3A_652] : memref<8x128xi32, #tpu.memory_space<hbm>> -> memref<1x128xi32, #tpu.memory_space<hbm>>
        %dma_start3A_654 = tpu.memref_squeeze %dma_start3A_653 : memref<1x128xi32, #tpu.memory_space<hbm>> -> memref<128xi32, #tpu.memory_space<hbm>>
        %dma_start3A_655 = arith.constant 0 : i32
        %dma_start3A_656 = tpu.memref_slice %arg5[%dma_start3A_639, %dma_start3A_655] : memref<2x128xi32, #tpu.memory_space<vmem>> -> memref<1x128xi32, #tpu.memory_space<vmem>>
        %dma_start3A_657 = tpu.memref_squeeze %dma_start3A_656 : memref<1x128xi32, #tpu.memory_space<vmem>> -> memref<128xi32, #tpu.memory_space<vmem>>
        %dma_start3A_658 = arith.constant 0 : i32
        %dma_start3A_659 = arith.constant 0 : i32
        %dma_start3A_660 = arith.constant 0 : i32
        %dma_start3A_661 = tpu.memref_slice %arg3[%select_n3A, %dma_start3A_658, %dma_start3A_659, %dma_start3A_660] : memref<25x32x8x128xi32, #tpu.memory_space<hbm>> -> memref<1x32x8x128xi32, #tpu.memory_space<hbm>>
        %dma_start3A_662 = tpu.memref_squeeze %dma_start3A_661 : memref<1x32x8x128xi32, #tpu.memory_space<hbm>> -> memref<32x8x128xi32, #tpu.memory_space<hbm>>
        %dma_start3A_663 = arith.constant 0 : i32
        %dma_start3A_664 = arith.constant 0 : i32
        %dma_start3A_665 = tpu.memref_slice %dma_start3A_662[%add3A, %dma_start3A_663, %dma_start3A_664] : memref<32x8x128xi32, #tpu.memory_space<hbm>> -> memref<1x8x128xi32, #tpu.memory_space<hbm>>
        %dma_start3A_666 = tpu.memref_squeeze %dma_start3A_665 : memref<1x8x128xi32, #tpu.memory_space<hbm>> -> memref<8x128xi32, #tpu.memory_space<hbm>>
        %dma_start3A_667 = arith.constant 0 : i32
        %dma_start3A_668 = tpu.memref_slice %dma_start3A_666[%select_n3A_638, %dma_start3A_667] : memref<8x128xi32, #tpu.memory_space<hbm>> -> memref<1x128xi32, #tpu.memory_space<hbm>>
        %dma_start3A_669 = tpu.memref_squeeze %dma_start3A_668 : memref<1x128xi32, #tpu.memory_space<hbm>> -> memref<128xi32, #tpu.memory_space<hbm>>
        tpu.enqueue_dma source(%dma_start3A_669 : memref<128xi32, #tpu.memory_space<hbm>>) target(%dma_start3A_657 : memref<128xi32, #tpu.memory_space<vmem>>) target_semaphore(%arg9 : memref<!tpu.dma_semaphore, #tpu.memory_space<semaphore_mem>>)
      } else {
      }
      %lt3A_557 = arith.constant 99 : i32
      %lt3A_558 = arith.cmpi slt, %scan3A_270, %lt3A_557 : i32
      %convert_element_type3A_559 = arith.extui %lt3A_558 : i1 to i32
      %cond3A_560 = arith.constant 0 : i32
      %cond3A_561 = arith.cmpi ne, %convert_element_type3A_559, %cond3A_560 : i32
      scf.if %cond3A_561 {
        %dma_wait3A_606 = arith.constant 0 : i32
        %dma_wait3A_607 = arith.constant 0 : i32
        %dma_wait3A_608 = arith.constant 0 : i32
        %dma_wait3A_609 = arith.constant 0 : i32
        %dma_wait3A_610 = tpu.memref_slice %arg5[%dma_wait3A_608, %dma_wait3A_609] : memref<2x128xi32, #tpu.memory_space<vmem>> -> memref<1x128xi32, #tpu.memory_space<vmem>>
        %dma_wait3A_611 = tpu.memref_squeeze %dma_wait3A_610 : memref<1x128xi32, #tpu.memory_space<vmem>> -> memref<128xi32, #tpu.memory_space<vmem>>
        %dma_wait3A_612 = arith.constant 0 : i32
        %dma_wait3A_613 = arith.constant 0 : i32
        %dma_wait3A_614 = arith.constant 0 : i32
        %dma_wait3A_615 = tpu.memref_slice %arg3[%dma_wait3A_606, %dma_wait3A_612, %dma_wait3A_613, %dma_wait3A_614] : memref<25x32x8x128xi32, #tpu.memory_space<hbm>> -> memref<1x32x8x128xi32, #tpu.memory_space<hbm>>
        %dma_wait3A_616 = tpu.memref_squeeze %dma_wait3A_615 : memref<1x32x8x128xi32, #tpu.memory_space<hbm>> -> memref<32x8x128xi32, #tpu.memory_space<hbm>>
        %dma_wait3A_617 = arith.constant 0 : i32
        %dma_wait3A_618 = arith.constant 0 : i32
        %dma_wait3A_619 = tpu.memref_slice %dma_wait3A_616[%add3A, %dma_wait3A_617, %dma_wait3A_618] : memref<32x8x128xi32, #tpu.memory_space<hbm>> -> memref<1x8x128xi32, #tpu.memory_space<hbm>>
        %dma_wait3A_620 = tpu.memref_squeeze %dma_wait3A_619 : memref<1x8x128xi32, #tpu.memory_space<hbm>> -> memref<8x128xi32, #tpu.memory_space<hbm>>
        %dma_wait3A_621 = arith.constant 0 : i32
        %dma_wait3A_622 = tpu.memref_slice %dma_wait3A_620[%dma_wait3A_607, %dma_wait3A_621] : memref<8x128xi32, #tpu.memory_space<hbm>> -> memref<1x128xi32, #tpu.memory_space<hbm>>
        %dma_wait3A_623 = tpu.memref_squeeze %dma_wait3A_622 : memref<1x128xi32, #tpu.memory_space<hbm>> -> memref<128xi32, #tpu.memory_space<hbm>>
        %dma_wait3A_624 = arith.constant 0 : i32
        %dma_wait3A_625 = tpu.memref_slice %arg5[%dma_wait3A_608, %dma_wait3A_624] : memref<2x128xi32, #tpu.memory_space<vmem>> -> memref<1x128xi32, #tpu.memory_space<vmem>>
        %dma_wait3A_626 = tpu.memref_squeeze %dma_wait3A_625 : memref<1x128xi32, #tpu.memory_space<vmem>> -> memref<128xi32, #tpu.memory_space<vmem>>
        %dma_wait3A_627 = arith.constant 0 : i32
        %dma_wait3A_628 = arith.constant 0 : i32
        %dma_wait3A_629 = arith.constant 0 : i32
        %dma_wait3A_630 = tpu.memref_slice %arg3[%dma_wait3A_606, %dma_wait3A_627, %dma_wait3A_628, %dma_wait3A_629] : memref<25x32x8x128xi32, #tpu.memory_space<hbm>> -> memref<1x32x8x128xi32, #tpu.memory_space<hbm>>
        %dma_wait3A_631 = tpu.memref_squeeze %dma_wait3A_630 : memref<1x32x8x128xi32, #tpu.memory_space<hbm>> -> memref<32x8x128xi32, #tpu.memory_space<hbm>>
        %dma_wait3A_632 = arith.constant 0 : i32
        %dma_wait3A_633 = arith.constant 0 : i32
        %dma_wait3A_634 = tpu.memref_slice %dma_wait3A_631[%add3A, %dma_wait3A_632, %dma_wait3A_633] : memref<32x8x128xi32, #tpu.memory_space<hbm>> -> memref<1x8x128xi32, #tpu.memory_space<hbm>>
        %dma_wait3A_635 = tpu.memref_squeeze %dma_wait3A_634 : memref<1x8x128xi32, #tpu.memory_space<hbm>> -> memref<8x128xi32, #tpu.memory_space<hbm>>
        %dma_wait3A_636 = arith.constant 0 : i32
        %dma_wait3A_637 = tpu.memref_slice %dma_wait3A_635[%dma_wait3A_607, %dma_wait3A_636] : memref<8x128xi32, #tpu.memory_space<hbm>> -> memref<1x128xi32, #tpu.memory_space<hbm>>
        %dma_wait3A_638 = tpu.memref_squeeze %dma_wait3A_637 : memref<1x128xi32, #tpu.memory_space<hbm>> -> memref<128xi32, #tpu.memory_space<hbm>>
        tpu.wait_dma2 semaphore(%arg8 : memref<!tpu.dma_semaphore, #tpu.memory_space<semaphore_mem>>) src(%dma_wait3A_638 : memref<128xi32, #tpu.memory_space<hbm>>) dst(%dma_wait3A_626 : memref<128xi32, #tpu.memory_space<vmem>>)
        %dma_start3A_639 = arith.constant 0 : i32
        %dma_start3A_640 = arith.constant 0 : i32
        %dma_start3A_641 = arith.constant 0 : i32
        %dma_start3A_642 = arith.constant 0 : i32
        %dma_start3A_643 = tpu.memref_slice %arg6[%dma_start3A_640, %dma_start3A_641, %dma_start3A_642] : memref<2x128x64xf32, #tpu.memory_space<vmem>> -> memref<1x128x64xf32, #tpu.memory_space<vmem>>
        %dma_start3A_644 = tpu.memref_squeeze %dma_start3A_643 : memref<1x128x64xf32, #tpu.memory_space<vmem>> -> memref<128x64xf32, #tpu.memory_space<vmem>>
        %dma_start3A_645 = arith.constant 0 : i32
        %dma_start3A_646 = arith.constant 0 : i32
        %dma_start3A_647 = tpu.memref_slice %dma_start3A_644[%dma_start3A_645, %dma_start3A_646] : memref<128x64xf32, #tpu.memory_space<vmem>> -> memref<32x64xf32, #tpu.memory_space<vmem>>
        %dma_start3A_648 = arith.constant 0 : i32
        %dma_start3A_649 = tpu.memref_slice %arg5[%dma_start3A_639, %dma_start3A_648] : memref<2x128xi32, #tpu.memory_space<vmem>> -> memref<1x128xi32, #tpu.memory_space<vmem>>
        %dma_start3A_650 = tpu.memref_squeeze %dma_start3A_649 : memref<1x128xi32, #tpu.memory_space<vmem>> -> memref<128xi32, #tpu.memory_space<vmem>>
        %dma_start3A_651 = arith.constant 0 : i32
        %dma_start3A_652 = tpu.memref_slice %dma_start3A_650[%dma_start3A_651] : memref<128xi32, #tpu.memory_space<vmem>> -> memref<32xi32, #tpu.memory_space<vmem>>
        %dma_start3A_653 = arith.constant 0 : i32
        %dma_start3A_654 = arith.constant 0 : i32
        %dma_start3A_655 = tpu.memref_slice %arg2[%dma_start3A_653, %dma_start3A_654] : memref<100000x64xf32, #tpu.memory_space<hbm>> -> memref<100000x64xf32, #tpu.memory_space<hbm>>
        tpu.enqueue_indirect_dma source(%dma_start3A_655 : memref<100000x64xf32, #tpu.memory_space<hbm>>) target(%dma_start3A_647 : memref<32x64xf32, #tpu.memory_space<vmem>>) offsets(%dma_start3A_652 : memref<32xi32, #tpu.memory_space<vmem>>) semaphore(%arg10 : memref<!tpu.dma_semaphore, #tpu.memory_space<semaphore_mem>>)
        %dma_start3A_656 = arith.constant 0 : i32
        %dma_start3A_657 = arith.constant 0 : i32
        %dma_start3A_658 = arith.constant 0 : i32
        %dma_start3A_659 = arith.constant 0 : i32
        %dma_start3A_660 = tpu.memref_slice %arg6[%dma_start3A_657, %dma_start3A_658, %dma_start3A_659] : memref<2x128x64xf32, #tpu.memory_space<vmem>> -> memref<1x128x64xf32, #tpu.memory_space<vmem>>
        %dma_start3A_661 = tpu.memref_squeeze %dma_start3A_660 : memref<1x128x64xf32, #tpu.memory_space<vmem>> -> memref<128x64xf32, #tpu.memory_space<vmem>>
        %dma_start3A_662 = arith.constant 32 : i32
        %dma_start3A_663 = arith.constant 0 : i32
        %dma_start3A_664 = tpu.memref_slice %dma_start3A_661[%dma_start3A_662, %dma_start3A_663] : memref<128x64xf32, #tpu.memory_space<vmem>> -> memref<32x64xf32, #tpu.memory_space<vmem>>
        %dma_start3A_665 = arith.constant 0 : i32
        %dma_start3A_666 = tpu.memref_slice %arg5[%dma_start3A_656, %dma_start3A_665] : memref<2x128xi32, #tpu.memory_space<vmem>> -> memref<1x128xi32, #tpu.memory_space<vmem>>
        %dma_start3A_667 = tpu.memref_squeeze %dma_start3A_666 : memref<1x128xi32, #tpu.memory_space<vmem>> -> memref<128xi32, #tpu.memory_space<vmem>>
        %dma_start3A_668 = arith.constant 32 : i32
        %dma_start3A_669 = tpu.memref_slice %dma_start3A_667[%dma_start3A_668] : memref<128xi32, #tpu.memory_space<vmem>> -> memref<32xi32, #tpu.memory_space<vmem>>
        %dma_start3A_670 = arith.constant 0 : i32
        %dma_start3A_671 = arith.constant 0 : i32
        %dma_start3A_672 = tpu.memref_slice %arg2[%dma_start3A_670, %dma_start3A_671] : memref<100000x64xf32, #tpu.memory_space<hbm>> -> memref<100000x64xf32, #tpu.memory_space<hbm>>
        tpu.enqueue_indirect_dma source(%dma_start3A_672 : memref<100000x64xf32, #tpu.memory_space<hbm>>) target(%dma_start3A_664 : memref<32x64xf32, #tpu.memory_space<vmem>>) offsets(%dma_start3A_669 : memref<32xi32, #tpu.memory_space<vmem>>) semaphore(%arg10 : memref<!tpu.dma_semaphore, #tpu.memory_space<semaphore_mem>>)
        %dma_start3A_673 = arith.constant 0 : i32
        %dma_start3A_674 = arith.constant 0 : i32
        %dma_start3A_675 = arith.constant 0 : i32
        %dma_start3A_676 = arith.constant 0 : i32
        %dma_start3A_677 = tpu.memref_slice %arg6[%dma_start3A_674, %dma_start3A_675, %dma_start3A_676] : memref<2x128x64xf32, #tpu.memory_space<vmem>> -> memref<1x128x64xf32, #tpu.memory_space<vmem>>
        %dma_start3A_678 = tpu.memref_squeeze %dma_start3A_677 : memref<1x128x64xf32, #tpu.memory_space<vmem>> -> memref<128x64xf32, #tpu.memory_space<vmem>>
        %dma_start3A_679 = arith.constant 64 : i32
        %dma_start3A_680 = arith.constant 0 : i32
        %dma_start3A_681 = tpu.memref_slice %dma_start3A_678[%dma_start3A_679, %dma_start3A_680] : memref<128x64xf32, #tpu.memory_space<vmem>> -> memref<32x64xf32, #tpu.memory_space<vmem>>
        %dma_start3A_682 = arith.constant 0 : i32
        %dma_start3A_683 = tpu.memref_slice %arg5[%dma_start3A_673, %dma_start3A_682] : memref<2x128xi32, #tpu.memory_space<vmem>> -> memref<1x128xi32, #tpu.memory_space<vmem>>
        %dma_start3A_684 = tpu.memref_squeeze %dma_start3A_683 : memref<1x128xi32, #tpu.memory_space<vmem>> -> memref<128xi32, #tpu.memory_space<vmem>>
        %dma_start3A_685 = arith.constant 64 : i32
        %dma_start3A_686 = tpu.memref_slice %dma_start3A_684[%dma_start3A_685] : memref<128xi32, #tpu.memory_space<vmem>> -> memref<32xi32, #tpu.memory_space<vmem>>
        %dma_start3A_687 = arith.constant 0 : i32
        %dma_start3A_688 = arith.constant 0 : i32
        %dma_start3A_689 = tpu.memref_slice %arg2[%dma_start3A_687, %dma_start3A_688] : memref<100000x64xf32, #tpu.memory_space<hbm>> -> memref<100000x64xf32, #tpu.memory_space<hbm>>
        tpu.enqueue_indirect_dma source(%dma_start3A_689 : memref<100000x64xf32, #tpu.memory_space<hbm>>) target(%dma_start3A_681 : memref<32x64xf32, #tpu.memory_space<vmem>>) offsets(%dma_start3A_686 : memref<32xi32, #tpu.memory_space<vmem>>) semaphore(%arg10 : memref<!tpu.dma_semaphore, #tpu.memory_space<semaphore_mem>>)
        %dma_start3A_690 = arith.constant 0 : i32
        %dma_start3A_691 = arith.constant 0 : i32
        %dma_start3A_692 = arith.constant 0 : i32
        %dma_start3A_693 = arith.constant 0 : i32
        %dma_start3A_694 = tpu.memref_slice %arg6[%dma_start3A_691, %dma_start3A_692, %dma_start3A_693] : memref<2x128x64xf32, #tpu.memory_space<vmem>> -> memref<1x128x64xf32, #tpu.memory_space<vmem>>
        %dma_start3A_695 = tpu.memref_squeeze %dma_start3A_694 : memref<1x128x64xf32, #tpu.memory_space<vmem>> -> memref<128x64xf32, #tpu.memory_space<vmem>>
        %dma_start3A_696 = arith.constant 96 : i32
        %dma_start3A_697 = arith.constant 0 : i32
        %dma_start3A_698 = tpu.memref_slice %dma_start3A_695[%dma_start3A_696, %dma_start3A_697] : memref<128x64xf32, #tpu.memory_space<vmem>> -> memref<32x64xf32, #tpu.memory_space<vmem>>
        %dma_start3A_699 = arith.constant 0 : i32
        %dma_start3A_700 = tpu.memref_slice %arg5[%dma_start3A_690, %dma_start3A_699] : memref<2x128xi32, #tpu.memory_space<vmem>> -> memref<1x128xi32, #tpu.memory_space<vmem>>
        %dma_start3A_701 = tpu.memref_squeeze %dma_start3A_700 : memref<1x128xi32, #tpu.memory_space<vmem>> -> memref<128xi32, #tpu.memory_space<vmem>>
        %dma_start3A_702 = arith.constant 96 : i32
        %dma_start3A_703 = tpu.memref_slice %dma_start3A_701[%dma_start3A_702] : memref<128xi32, #tpu.memory_space<vmem>> -> memref<32xi32, #tpu.memory_space<vmem>>
        %dma_start3A_704 = arith.constant 0 : i32
        %dma_start3A_705 = arith.constant 0 : i32
        %dma_start3A_706 = tpu.memref_slice %arg2[%dma_start3A_704, %dma_start3A_705] : memref<100000x64xf32, #tpu.memory_space<hbm>> -> memref<100000x64xf32, #tpu.memory_space<hbm>>
        tpu.enqueue_indirect_dma source(%dma_start3A_706 : memref<100000x64xf32, #tpu.memory_space<hbm>>) target(%dma_start3A_698 : memref<32x64xf32, #tpu.memory_space<vmem>>) offsets(%dma_start3A_703 : memref<32xi32, #tpu.memory_space<vmem>>) semaphore(%arg10 : memref<!tpu.dma_semaphore, #tpu.memory_space<semaphore_mem>>)
      } else {
      }
      %gt3A_562 = arith.constant 0 : i32
      %gt3A_563 = arith.cmpi sgt, %scan3A_270, %gt3A_562 : i32
      %convert_element_type3A_564 = arith.extui %gt3A_563 : i1 to i32
      %cond3A_565 = arith.constant 0 : i32
      %cond3A_566 = arith.cmpi ne, %convert_element_type3A_564, %cond3A_565 : i32
      scf.if %cond3A_566 {
        %dma_wait3A_606 = arith.constant 1 : i32
        %dma_wait3A_607 = arith.constant 0 : i32
        %dma_wait3A_608 = arith.constant 0 : i32
        %dma_wait3A_609 = arith.constant 0 : i32
        %dma_wait3A_610 = arith.constant 0 : i32
        %dma_wait3A_611 = tpu.memref_slice %arg7[%dma_wait3A_606, %dma_wait3A_608, %dma_wait3A_609, %dma_wait3A_610] : memref<2x8x8x128xf32, #tpu.memory_space<vmem>> -> memref<1x8x8x128xf32, #tpu.memory_space<vmem>>
        %dma_wait3A_612 = tpu.memref_squeeze %dma_wait3A_611 : memref<1x8x8x128xf32, #tpu.memory_space<vmem>> -> memref<8x8x128xf32, #tpu.memory_space<vmem>>
        %dma_wait3A_613 = arith.constant 0 : i32
        %dma_wait3A_614 = arith.constant 0 : i32
        %dma_wait3A_615 = arith.constant 0 : i32
        %dma_wait3A_616 = arith.constant 0 : i32
        %dma_wait3A_617 = tpu.memref_slice %arg4[%dma_wait3A_607, %dma_wait3A_613, %dma_wait3A_614, %dma_wait3A_615, %dma_wait3A_616] : memref<200x8x32x8x128xf32, #tpu.memory_space<hbm>> -> memref<1x8x32x8x128xf32, #tpu.memory_space<hbm>>
        %dma_wait3A_618 = tpu.memref_squeeze %dma_wait3A_617 : memref<1x8x32x8x128xf32, #tpu.memory_space<hbm>> -> memref<8x32x8x128xf32, #tpu.memory_space<hbm>>
        %dma_wait3A_619 = arith.constant 0 : i32
        %dma_wait3A_620 = arith.constant 0 : i32
        %dma_wait3A_621 = arith.constant 0 : i32
        %dma_wait3A_622 = tpu.memref_slice %dma_wait3A_618[%dma_wait3A_619, %add3A, %dma_wait3A_620, %dma_wait3A_621] : memref<8x32x8x128xf32, #tpu.memory_space<hbm>> -> memref<8x1x8x128xf32, #tpu.memory_space<hbm>>
        %dma_wait3A_623 = tpu.memref_squeeze %dma_wait3A_622 : memref<8x1x8x128xf32, #tpu.memory_space<hbm>> -> memref<8x8x128xf32, #tpu.memory_space<hbm>>
        %dma_wait3A_624 = arith.constant 0 : i32
        %dma_wait3A_625 = arith.constant 0 : i32
        %dma_wait3A_626 = arith.constant 0 : i32
        %dma_wait3A_627 = arith.constant 0 : i32
        %dma_wait3A_628 = tpu.memref_slice %arg4[%dma_wait3A_607, %dma_wait3A_624, %dma_wait3A_625, %dma_wait3A_626, %dma_wait3A_627] : memref<200x8x32x8x128xf32, #tpu.memory_space<hbm>> -> memref<1x8x32x8x128xf32, #tpu.memory_space<hbm>>
        %dma_wait3A_629 = tpu.memref_squeeze %dma_wait3A_628 : memref<1x8x32x8x128xf32, #tpu.memory_space<hbm>> -> memref<8x32x8x128xf32, #tpu.memory_space<hbm>>
        %dma_wait3A_630 = arith.constant 0 : i32
        %dma_wait3A_631 = arith.constant 0 : i32
        %dma_wait3A_632 = arith.constant 0 : i32
        %dma_wait3A_633 = tpu.memref_slice %dma_wait3A_629[%dma_wait3A_630, %add3A, %dma_wait3A_631, %dma_wait3A_632] : memref<8x32x8x128xf32, #tpu.memory_space<hbm>> -> memref<8x1x8x128xf32, #tpu.memory_space<hbm>>
        %dma_wait3A_634 = tpu.memref_squeeze %dma_wait3A_633 : memref<8x1x8x128xf32, #tpu.memory_space<hbm>> -> memref<8x8x128xf32, #tpu.memory_space<hbm>>
        %dma_wait3A_635 = arith.constant 0 : i32
        %dma_wait3A_636 = arith.constant 0 : i32
        %dma_wait3A_637 = arith.constant 0 : i32
        %dma_wait3A_638 = tpu.memref_slice %arg7[%dma_wait3A_606, %dma_wait3A_635, %dma_wait3A_636, %dma_wait3A_637] : memref<2x8x8x128xf32, #tpu.memory_space<vmem>> -> memref<1x8x8x128xf32, #tpu.memory_space<vmem>>
        %dma_wait3A_639 = tpu.memref_squeeze %dma_wait3A_638 : memref<1x8x8x128xf32, #tpu.memory_space<vmem>> -> memref<8x8x128xf32, #tpu.memory_space<vmem>>
        tpu.wait_dma2 semaphore(%arg13 : memref<!tpu.dma_semaphore, #tpu.memory_space<semaphore_mem>>) src(%dma_wait3A_639 : memref<8x8x128xf32, #tpu.memory_space<vmem>>) dst(%dma_wait3A_634 : memref<8x8x128xf32, #tpu.memory_space<hbm>>)
      } else {
      }
      %iota3A_567 = tpu.iota {dimensions = array<i32: 0>} : vector<16xi32>
      %parallel_loop3A_568 = arith.constant 0 : i32
      %parallel_loop3A_569 = arith.constant 16 : i32
      %parallel_loop3A_570 = arith.constant 1 : i32
      scf.for %parallel_loop3A_606 = %parallel_loop3A_568 to %parallel_loop3A_569 step %parallel_loop3A_570  : i32 {
        %parallel_loop3A_607 = vector.broadcast %parallel_loop3A_606 : i32 to vector<16xi32>
        %parallel_loop3A_608 = arith.addi %iota3A_567, %parallel_loop3A_607 : vector<16xi32>
        %parallel_loop3A_609 = arith.constant 15 : i32
        %parallel_loop3A_610 = vector.broadcast %parallel_loop3A_609 : i32 to vector<16xi32>
        %parallel_loop3A_611 = arith.andi %parallel_loop3A_608, %parallel_loop3A_610 : vector<16xi32>
        %parallel_loop3A_612 = arith.constant 0 : i32
        %parallel_loop3A_613 = vector.broadcast %parallel_loop3A_612 : i32 to vector<16xi32>
        %parallel_loop3A_614 = arith.addi %parallel_loop3A_611, %parallel_loop3A_613 : vector<16xi32>
        %parallel_loop3A_615 = arith.constant 3 : i32
        %parallel_loop3A_616 = vector.broadcast %parallel_loop3A_615 : i32 to vector<16xi32>
        %parallel_loop3A_617 = arith.shrsi %parallel_loop3A_614, %parallel_loop3A_616 : vector<16xi32>
        %parallel_loop3A_618 = arith.constant 7 : i32
        %parallel_loop3A_619 = vector.broadcast %parallel_loop3A_618 : i32 to vector<16xi32>
        %parallel_loop3A_620 = arith.andi %parallel_loop3A_614, %parallel_loop3A_619 : vector<16xi32>
        %parallel_loop3A_621 = arith.constant 1 : i32
        %parallel_loop3A_622 = arith.constant 0 : i32
        %parallel_loop3A_623 = arith.constant 0 : i32
        %parallel_loop3A_624 = tpu.memref_slice %arg6[%parallel_loop3A_621, %parallel_loop3A_622, %parallel_loop3A_623] : memref<2x128x64xf32, #tpu.memory_space<vmem>> -> memref<1x128x64xf32, #tpu.memory_space<vmem>>
        %parallel_loop3A_625 = tpu.memref_squeeze %parallel_loop3A_624 : memref<1x128x64xf32, #tpu.memory_space<vmem>> -> memref<128x64xf32, #tpu.memory_space<vmem>>
        %parallel_loop3A_626 = tpu.vector_load_idx %parallel_loop3A_625[%add3A_3, %parallel_loop3A_614] : memref<128x64xf32, #tpu.memory_space<vmem>>[vector<16xi32>, vector<16xi32>], vector<16xf32>,
        %parallel_loop3A_627 = arith.constant 1 : i32
        %parallel_loop3A_628 = arith.constant 0 : i32
        %parallel_loop3A_629 = arith.constant 0 : i32
        %parallel_loop3A_630 = arith.constant 0 : i32
        %parallel_loop3A_631 = tpu.memref_slice %arg7[%parallel_loop3A_627, %parallel_loop3A_628, %parallel_loop3A_629, %parallel_loop3A_630] : memref<2x8x8x128xf32, #tpu.memory_space<vmem>> -> memref<1x8x8x128xf32, #tpu.memory_space<vmem>>
        %parallel_loop3A_632 = tpu.memref_squeeze %parallel_loop3A_631 : memref<1x8x8x128xf32, #tpu.memory_space<vmem>> -> memref<8x8x128xf32, #tpu.memory_space<vmem>>
        tpu.vector_store_idx %parallel_loop3A_632[%parallel_loop3A_617, %parallel_loop3A_620, %add3A_3], %parallel_loop3A_626 : memref<8x8x128xf32, #tpu.memory_space<vmem>>[vector<16xi32>, vector<16xi32>, vector<16xi32>], vector<16xf32>,
        %parallel_loop3A_633 = arith.constant 1 : i32
        %parallel_loop3A_634 = arith.constant 0 : i32
        %parallel_loop3A_635 = arith.constant 0 : i32
        %parallel_loop3A_636 = tpu.memref_slice %arg6[%parallel_loop3A_633, %parallel_loop3A_634, %parallel_loop3A_635] : memref<2x128x64xf32, #tpu.memory_space<vmem>> -> memref<1x128x64xf32, #tpu.memory_space<vmem>>
        %parallel_loop3A_637 = tpu.memref_squeeze %parallel_loop3A_636 : memref<1x128x64xf32, #tpu.memory_space<vmem>> -> memref<128x64xf32, #tpu.memory_space<vmem>>
        %parallel_loop3A_638 = tpu.vector_load_idx %parallel_loop3A_637[%add3A_7, %parallel_loop3A_614] : memref<128x64xf32, #tpu.memory_space<vmem>>[vector<16xi32>, vector<16xi32>], vector<16xf32>,
        %parallel_loop3A_639 = arith.constant 1 : i32
        %parallel_loop3A_640 = arith.constant 0 : i32
        %parallel_loop3A_641 = arith.constant 0 : i32
        %parallel_loop3A_642 = arith.constant 0 : i32
        %parallel_loop3A_643 = tpu.memref_slice %arg7[%parallel_loop3A_639, %parallel_loop3A_640, %parallel_loop3A_641, %parallel_loop3A_642] : memref<2x8x8x128xf32, #tpu.memory_space<vmem>> -> memref<1x8x8x128xf32, #tpu.memory_space<vmem>>
        %parallel_loop3A_644 = tpu.memref_squeeze %parallel_loop3A_643 : memref<1x8x8x128xf32, #tpu.memory_space<vmem>> -> memref<8x8x128xf32, #tpu.memory_space<vmem>>
        tpu.vector_store_idx %parallel_loop3A_644[%parallel_loop3A_617, %parallel_loop3A_620, %add3A_7], %parallel_loop3A_638 : memref<8x8x128xf32, #tpu.memory_space<vmem>>[vector<16xi32>, vector<16xi32>, vector<16xi32>], vector<16xf32>,
        %parallel_loop3A_645 = arith.constant 1 : i32
        %parallel_loop3A_646 = arith.constant 0 : i32
        %parallel_loop3A_647 = arith.constant 0 : i32
        %parallel_loop3A_648 = tpu.memref_slice %arg6[%parallel_loop3A_645, %parallel_loop3A_646, %parallel_loop3A_647] : memref<2x128x64xf32, #tpu.memory_space<vmem>> -> memref<1x128x64xf32, #tpu.memory_space<vmem>>
        %parallel_loop3A_649 = tpu.memref_squeeze %parallel_loop3A_648 : memref<1x128x64xf32, #tpu.memory_space<vmem>> -> memref<128x64xf32, #tpu.memory_space<vmem>>
        %parallel_loop3A_650 = tpu.vector_load_idx %parallel_loop3A_649[%add3A_11, %parallel_loop3A_614] : memref<128x64xf32, #tpu.memory_space<vmem>>[vector<16xi32>, vector<16xi32>], vector<16xf32>,
        %parallel_loop3A_651 = arith.constant 1 : i32
        %parallel_loop3A_652 = arith.constant 0 : i32
        %parallel_loop3A_653 = arith.constant 0 : i32
        %parallel_loop3A_654 = arith.constant 0 : i32
        %parallel_loop3A_655 = tpu.memref_slice %arg7[%parallel_loop3A_651, %parallel_loop3A_652, %parallel_loop3A_653, %parallel_loop3A_654] : memref<2x8x8x128xf32, #tpu.memory_space<vmem>> -> memref<1x8x8x128xf32, #tpu.memory_space<vmem>>
        %parallel_loop3A_656 = tpu.memref_squeeze %parallel_loop3A_655 : memref<1x8x8x128xf32, #tpu.memory_space<vmem>> -> memref<8x8x128xf32, #tpu.memory_space<vmem>>
        tpu.vector_store_idx %parallel_loop3A_656[%parallel_loop3A_617, %parallel_loop3A_620, %add3A_11], %parallel_loop3A_650 : memref<8x8x128xf32, #tpu.memory_space<vmem>>[vector<16xi32>, vector<16xi32>, vector<16xi32>], vector<16xf32>,
        %parallel_loop3A_657 = arith.constant 1 : i32
        %parallel_loop3A_658 = arith.constant 0 : i32
        %parallel_loop3A_659 = arith.constant 0 : i32
        %parallel_loop3A_660 = tpu.memref_slice %arg6[%parallel_loop3A_657, %parallel_loop3A_658, %parallel_loop3A_659] : memref<2x128x64xf32, #tpu.memory_space<vmem>> -> memref<1x128x64xf32, #tpu.memory_space<vmem>>
        %parallel_loop3A_661 = tpu.memref_squeeze %parallel_loop3A_660 : memref<1x128x64xf32, #tpu.memory_space<vmem>> -> memref<128x64xf32, #tpu.memory_space<vmem>>
        %parallel_loop3A_662 = tpu.vector_load_idx %parallel_loop3A_661[%add3A_15, %parallel_loop3A_614] : memref<128x64xf32, #tpu.memory_space<vmem>>[vector<16xi32>, vector<16xi32>], vector<16xf32>,
        %parallel_loop3A_663 = arith.constant 1 : i32
        %parallel_loop3A_664 = arith.constant 0 : i32
        %parallel_loop3A_665 = arith.constant 0 : i32
        %parallel_loop3A_666 = arith.constant 0 : i32
        %parallel_loop3A_667 = tpu.memref_slice %arg7[%parallel_loop3A_663, %parallel_loop3A_664, %parallel_loop3A_665, %parallel_loop3A_666] : memref<2x8x8x128xf32, #tpu.memory_space<vmem>> -> memref<1x8x8x128xf32, #tpu.memory_space<vmem>>
        %parallel_loop3A_668 = tpu.memref_squeeze %parallel_loop3A_667 : memref<1x8x8x128xf32, #tpu.memory_space<vmem>> -> memref<8x8x128xf32, #tpu.memory_space<vmem>>
        tpu.vector_store_idx %parallel_loop3A_668[%parallel_loop3A_617, %parallel_loop3A_620, %add3A_15], %parallel_loop3A_662 : memref<8x8x128xf32, #tpu.memory_space<vmem>>[vector<16xi32>, vector<16xi32>, vector<16xi32>], vector<16xf32>,
        %parallel_loop3A_669 = arith.constant 1 : i32
        %parallel_loop3A_670 = arith.constant 0 : i32
        %parallel_loop3A_671 = arith.constant 0 : i32
        %parallel_loop3A_672 = tpu.memref_slice %arg6[%parallel_loop3A_669, %parallel_loop3A_670, %parallel_loop3A_671] : memref<2x128x64xf32, #tpu.memory_space<vmem>> -> memref<1x128x64xf32, #tpu.memory_space<vmem>>
        %parallel_loop3A_673 = tpu.memref_squeeze %parallel_loop3A_672 : memref<1x128x64xf32, #tpu.memory_space<vmem>> -> memref<128x64xf32, #tpu.memory_space<vmem>>
        %parallel_loop3A_674 = tpu.vector_load_idx %parallel_loop3A_673[%add3A_19, %parallel_loop3A_614] : memref<128x64xf32, #tpu.memory_space<vmem>>[vector<16xi32>, vector<16xi32>], vector<16xf32>,
        %parallel_loop3A_675 = arith.constant 1 : i32
        %parallel_loop3A_676 = arith.constant 0 : i32
        %parallel_loop3A_677 = arith.constant 0 : i32
        %parallel_loop3A_678 = arith.constant 0 : i32
        %parallel_loop3A_679 = tpu.memref_slice %arg7[%parallel_loop3A_675, %parallel_loop3A_676, %parallel_loop3A_677, %parallel_loop3A_678] : memref<2x8x8x128xf32, #tpu.memory_space<vmem>> -> memref<1x8x8x128xf32, #tpu.memory_space<vmem>>
        %parallel_loop3A_680 = tpu.memref_squeeze %parallel_loop3A_679 : memref<1x8x8x128xf32, #tpu.memory_space<vmem>> -> memref<8x8x128xf32, #tpu.memory_space<vmem>>
        tpu.vector_store_idx %parallel_loop3A_680[%parallel_loop3A_617, %parallel_loop3A_620, %add3A_19], %parallel_loop3A_674 : memref<8x8x128xf32, #tpu.memory_space<vmem>>[vector<16xi32>, vector<16xi32>, vector<16xi32>], vector<16xf32>,
        %parallel_loop3A_681 = arith.constant 1 : i32
        %parallel_loop3A_682 = arith.constant 0 : i32
        %parallel_loop3A_683 = arith.constant 0 : i32
        %parallel_loop3A_684 = tpu.memref_slice %arg6[%parallel_loop3A_681, %parallel_loop3A_682, %parallel_loop3A_683] : memref<2x128x64xf32, #tpu.memory_space<vmem>> -> memref<1x128x64xf32, #tpu.memory_space<vmem>>
        %parallel_loop3A_685 = tpu.memref_squeeze %parallel_loop3A_684 : memref<1x128x64xf32, #tpu.memory_space<vmem>> -> memref<128x64xf32, #tpu.memory_space<vmem>>
        %parallel_loop3A_686 = tpu.vector_load_idx %parallel_loop3A_685[%add3A_23, %parallel_loop3A_614] : memref<128x64xf32, #tpu.memory_space<vmem>>[vector<16xi32>, vector<16xi32>], vector<16xf32>,
        %parallel_loop3A_687 = arith.constant 1 : i32
        %parallel_loop3A_688 = arith.constant 0 : i32
        %parallel_loop3A_689 = arith.constant 0 : i32
        %parallel_loop3A_690 = arith.constant 0 : i32
        %parallel_loop3A_691 = tpu.memref_slice %arg7[%parallel_loop3A_687, %parallel_loop3A_688, %parallel_loop3A_689, %parallel_loop3A_690] : memref<2x8x8x128xf32, #tpu.memory_space<vmem>> -> memref<1x8x8x128xf32, #tpu.memory_space<vmem>>
        %parallel_loop3A_692 = tpu.memref_squeeze %parallel_loop3A_691 : memref<1x8x8x128xf32, #tpu.memory_space<vmem>> -> memref<8x8x128xf32, #tpu.memory_space<vmem>>
        tpu.vector_store_idx %parallel_loop3A_692[%parallel_loop3A_617, %parallel_loop3A_620, %add3A_23], %parallel_loop3A_686 : memref<8x8x128xf32, #tpu.memory_space<vmem>>[vector<16xi32>, vector<16xi32>, vector<16xi32>], vector<16xf32>,
        %parallel_loop3A_693 = arith.constant 1 : i32
        %parallel_loop3A_694 = arith.constant 0 : i32
        %parallel_loop3A_695 = arith.constant 0 : i32
        %parallel_loop3A_696 = tpu.memref_slice %arg6[%parallel_loop3A_693, %parallel_loop3A_694, %parallel_loop3A_695] : memref<2x128x64xf32, #tpu.memory_space<vmem>> -> memref<1x128x64xf32, #tpu.memory_space<vmem>>
        %parallel_loop3A_697 = tpu.memref_squeeze %parallel_loop3A_696 : memref<1x128x64xf32, #tpu.memory_space<vmem>> -> memref<128x64xf32, #tpu.memory_space<vmem>>
        %parallel_loop3A_698 = tpu.vector_load_idx %parallel_loop3A_697[%add3A_27, %parallel_loop3A_614] : memref<128x64xf32, #tpu.memory_space<vmem>>[vector<16xi32>, vector<16xi32>], vector<16xf32>,
        %parallel_loop3A_699 = arith.constant 1 : i32
        %parallel_loop3A_700 = arith.constant 0 : i32
        %parallel_loop3A_701 = arith.constant 0 : i32
        %parallel_loop3A_702 = arith.constant 0 : i32
        %parallel_loop3A_703 = tpu.memref_slice %arg7[%parallel_loop3A_699, %parallel_loop3A_700, %parallel_loop3A_701, %parallel_loop3A_702] : memref<2x8x8x128xf32, #tpu.memory_space<vmem>> -> memref<1x8x8x128xf32, #tpu.memory_space<vmem>>
        %parallel_loop3A_704 = tpu.memref_squeeze %parallel_loop3A_703 : memref<1x8x8x128xf32, #tpu.memory_space<vmem>> -> memref<8x8x128xf32, #tpu.memory_space<vmem>>
        tpu.vector_store_idx %parallel_loop3A_704[%parallel_loop3A_617, %parallel_loop3A_620, %add3A_27], %parallel_loop3A_698 : memref<8x8x128xf32, #tpu.memory_space<vmem>>[vector<16xi32>, vector<16xi32>, vector<16xi32>], vector<16xf32>,
        %parallel_loop3A_705 = arith.constant 1 : i32
        %parallel_loop3A_706 = arith.constant 0 : i32
        %parallel_loop3A_707 = arith.constant 0 : i32
        %parallel_loop3A_708 = tpu.memref_slice %arg6[%parallel_loop3A_705, %parallel_loop3A_706, %parallel_loop3A_707] : memref<2x128x64xf32, #tpu.memory_space<vmem>> -> memref<1x128x64xf32, #tpu.memory_space<vmem>>
        %parallel_loop3A_709 = tpu.memref_squeeze %parallel_loop3A_708 : memref<1x128x64xf32, #tpu.memory_space<vmem>> -> memref<128x64xf32, #tpu.memory_space<vmem>>
        %parallel_loop3A_710 = tpu.vector_load_idx %parallel_loop3A_709[%add3A_31, %parallel_loop3A_614] : memref<128x64xf32, #tpu.memory_space<vmem>>[vector<16xi32>, vector<16xi32>], vector<16xf32>,
        %parallel_loop3A_711 = arith.constant 1 : i32
        %parallel_loop3A_712 = arith.constant 0 : i32
        %parallel_loop3A_713 = arith.constant 0 : i32
        %parallel_loop3A_714 = arith.constant 0 : i32
        %parallel_loop3A_715 = tpu.memref_slice %arg7[%parallel_loop3A_711, %parallel_loop3A_712, %parallel_loop3A_713, %parallel_loop3A_714] : memref<2x8x8x128xf32, #tpu.memory_space<vmem>> -> memref<1x8x8x128xf32, #tpu.memory_space<vmem>>
        %parallel_loop3A_716 = tpu.memref_squeeze %parallel_loop3A_715 : memref<1x8x8x128xf32, #tpu.memory_space<vmem>> -> memref<8x8x128xf32, #tpu.memory_space<vmem>>
        tpu.vector_store_idx %parallel_loop3A_716[%parallel_loop3A_617, %parallel_loop3A_620, %add3A_31], %parallel_loop3A_710 : memref<8x8x128xf32, #tpu.memory_space<vmem>>[vector<16xi32>, vector<16xi32>, vector<16xi32>], vector<16xf32>,
        %parallel_loop3A_717 = arith.constant 16 : i32
        %parallel_loop3A_718 = vector.broadcast %parallel_loop3A_717 : i32 to vector<16xi32>
        %parallel_loop3A_719 = arith.addi %parallel_loop3A_611, %parallel_loop3A_718 : vector<16xi32>
        %parallel_loop3A_720 = arith.constant 3 : i32
        %parallel_loop3A_721 = vector.broadcast %parallel_loop3A_720 : i32 to vector<16xi32>
        %parallel_loop3A_722 = arith.shrsi %parallel_loop3A_719, %parallel_loop3A_721 : vector<16xi32>
        %parallel_loop3A_723 = arith.constant 7 : i32
        %parallel_loop3A_724 = vector.broadcast %parallel_loop3A_723 : i32 to vector<16xi32>
        %parallel_loop3A_725 = arith.andi %parallel_loop3A_719, %parallel_loop3A_724 : vector<16xi32>
        %parallel_loop3A_726 = arith.constant 1 : i32
        %parallel_loop3A_727 = arith.constant 0 : i32
        %parallel_loop3A_728 = arith.constant 0 : i32
        %parallel_loop3A_729 = tpu.memref_slice %arg6[%parallel_loop3A_726, %parallel_loop3A_727, %parallel_loop3A_728] : memref<2x128x64xf32, #tpu.memory_space<vmem>> -> memref<1x128x64xf32, #tpu.memory_space<vmem>>
        %parallel_loop3A_730 = tpu.memref_squeeze %parallel_loop3A_729 : memref<1x128x64xf32, #tpu.memory_space<vmem>> -> memref<128x64xf32, #tpu.memory_space<vmem>>
        %parallel_loop3A_731 = tpu.vector_load_idx %parallel_loop3A_730[%add3A_3, %parallel_loop3A_719] : memref<128x64xf32, #tpu.memory_space<vmem>>[vector<16xi32>, vector<16xi32>], vector<16xf32>,
        %parallel_loop3A_732 = arith.constant 1 : i32
        %parallel_loop3A_733 = arith.constant 0 : i32
        %parallel_loop3A_734 = arith.constant 0 : i32
        %parallel_loop3A_735 = arith.constant 0 : i32
        %parallel_loop3A_736 = tpu.memref_slice %arg7[%parallel_loop3A_732, %parallel_loop3A_733, %parallel_loop3A_734, %parallel_loop3A_735] : memref<2x8x8x128xf32, #tpu.memory_space<vmem>> -> memref<1x8x8x128xf32, #tpu.memory_space<vmem>>
        %parallel_loop3A_737 = tpu.memref_squeeze %parallel_loop3A_736 : memref<1x8x8x128xf32, #tpu.memory_space<vmem>> -> memref<8x8x128xf32, #tpu.memory_space<vmem>>
        tpu.vector_store_idx %parallel_loop3A_737[%parallel_loop3A_722, %parallel_loop3A_725, %add3A_3], %parallel_loop3A_731 : memref<8x8x128xf32, #tpu.memory_space<vmem>>[vector<16xi32>, vector<16xi32>, vector<16xi32>], vector<16xf32>,
        %parallel_loop3A_738 = arith.constant 1 : i32
        %parallel_loop3A_739 = arith.constant 0 : i32
        %parallel_loop3A_740 = arith.constant 0 : i32
        %parallel_loop3A_741 = tpu.memref_slice %arg6[%parallel_loop3A_738, %parallel_loop3A_739, %parallel_loop3A_740] : memref<2x128x64xf32, #tpu.memory_space<vmem>> -> memref<1x128x64xf32, #tpu.memory_space<vmem>>
        %parallel_loop3A_742 = tpu.memref_squeeze %parallel_loop3A_741 : memref<1x128x64xf32, #tpu.memory_space<vmem>> -> memref<128x64xf32, #tpu.memory_space<vmem>>
        %parallel_loop3A_743 = tpu.vector_load_idx %parallel_loop3A_742[%add3A_7, %parallel_loop3A_719] : memref<128x64xf32, #tpu.memory_space<vmem>>[vector<16xi32>, vector<16xi32>], vector<16xf32>,
        %parallel_loop3A_744 = arith.constant 1 : i32
        %parallel_loop3A_745 = arith.constant 0 : i32
        %parallel_loop3A_746 = arith.constant 0 : i32
        %parallel_loop3A_747 = arith.constant 0 : i32
        %parallel_loop3A_748 = tpu.memref_slice %arg7[%parallel_loop3A_744, %parallel_loop3A_745, %parallel_loop3A_746, %parallel_loop3A_747] : memref<2x8x8x128xf32, #tpu.memory_space<vmem>> -> memref<1x8x8x128xf32, #tpu.memory_space<vmem>>
        %parallel_loop3A_749 = tpu.memref_squeeze %parallel_loop3A_748 : memref<1x8x8x128xf32, #tpu.memory_space<vmem>> -> memref<8x8x128xf32, #tpu.memory_space<vmem>>
        tpu.vector_store_idx %parallel_loop3A_749[%parallel_loop3A_722, %parallel_loop3A_725, %add3A_7], %parallel_loop3A_743 : memref<8x8x128xf32, #tpu.memory_space<vmem>>[vector<16xi32>, vector<16xi32>, vector<16xi32>], vector<16xf32>,
        %parallel_loop3A_750 = arith.constant 1 : i32
        %parallel_loop3A_751 = arith.constant 0 : i32
        %parallel_loop3A_752 = arith.constant 0 : i32
        %parallel_loop3A_753 = tpu.memref_slice %arg6[%parallel_loop3A_750, %parallel_loop3A_751, %parallel_loop3A_752] : memref<2x128x64xf32, #tpu.memory_space<vmem>> -> memref<1x128x64xf32, #tpu.memory_space<vmem>>
        %parallel_loop3A_754 = tpu.memref_squeeze %parallel_loop3A_753 : memref<1x128x64xf32, #tpu.memory_space<vmem>> -> memref<128x64xf32, #tpu.memory_space<vmem>>
        %parallel_loop3A_755 = tpu.vector_load_idx %parallel_loop3A_754[%add3A_11, %parallel_loop3A_719] : memref<128x64xf32, #tpu.memory_space<vmem>>[vector<16xi32>, vector<16xi32>], vector<16xf32>,
        %parallel_loop3A_756 = arith.constant 1 : i32
        %parallel_loop3A_757 = arith.constant 0 : i32
        %parallel_loop3A_758 = arith.constant 0 : i32
        %parallel_loop3A_759 = arith.constant 0 : i32
        %parallel_loop3A_760 = tpu.memref_slice %arg7[%parallel_loop3A_756, %parallel_loop3A_757, %parallel_loop3A_758, %parallel_loop3A_759] : memref<2x8x8x128xf32, #tpu.memory_space<vmem>> -> memref<1x8x8x128xf32, #tpu.memory_space<vmem>>
        %parallel_loop3A_761 = tpu.memref_squeeze %parallel_loop3A_760 : memref<1x8x8x128xf32, #tpu.memory_space<vmem>> -> memref<8x8x128xf32, #tpu.memory_space<vmem>>
        tpu.vector_store_idx %parallel_loop3A_761[%parallel_loop3A_722, %parallel_loop3A_725, %add3A_11], %parallel_loop3A_755 : memref<8x8x128xf32, #tpu.memory_space<vmem>>[vector<16xi32>, vector<16xi32>, vector<16xi32>], vector<16xf32>,
        %parallel_loop3A_762 = arith.constant 1 : i32
        %parallel_loop3A_763 = arith.constant 0 : i32
        %parallel_loop3A_764 = arith.constant 0 : i32
        %parallel_loop3A_765 = tpu.memref_slice %arg6[%parallel_loop3A_762, %parallel_loop3A_763, %parallel_loop3A_764] : memref<2x128x64xf32, #tpu.memory_space<vmem>> -> memref<1x128x64xf32, #tpu.memory_space<vmem>>
        %parallel_loop3A_766 = tpu.memref_squeeze %parallel_loop3A_765 : memref<1x128x64xf32, #tpu.memory_space<vmem>> -> memref<128x64xf32, #tpu.memory_space<vmem>>
        %parallel_loop3A_767 = tpu.vector_load_idx %parallel_loop3A_766[%add3A_15, %parallel_loop3A_719] : memref<128x64xf32, #tpu.memory_space<vmem>>[vector<16xi32>, vector<16xi32>], vector<16xf32>,
        %parallel_loop3A_768 = arith.constant 1 : i32
        %parallel_loop3A_769 = arith.constant 0 : i32
        %parallel_loop3A_770 = arith.constant 0 : i32
        %parallel_loop3A_771 = arith.constant 0 : i32
        %parallel_loop3A_772 = tpu.memref_slice %arg7[%parallel_loop3A_768, %parallel_loop3A_769, %parallel_loop3A_770, %parallel_loop3A_771] : memref<2x8x8x128xf32, #tpu.memory_space<vmem>> -> memref<1x8x8x128xf32, #tpu.memory_space<vmem>>
        %parallel_loop3A_773 = tpu.memref_squeeze %parallel_loop3A_772 : memref<1x8x8x128xf32, #tpu.memory_space<vmem>> -> memref<8x8x128xf32, #tpu.memory_space<vmem>>
        tpu.vector_store_idx %parallel_loop3A_773[%parallel_loop3A_722, %parallel_loop3A_725, %add3A_15], %parallel_loop3A_767 : memref<8x8x128xf32, #tpu.memory_space<vmem>>[vector<16xi32>, vector<16xi32>, vector<16xi32>], vector<16xf32>,
        %parallel_loop3A_774 = arith.constant 1 : i32
        %parallel_loop3A_775 = arith.constant 0 : i32
        %parallel_loop3A_776 = arith.constant 0 : i32
        %parallel_loop3A_777 = tpu.memref_slice %arg6[%parallel_loop3A_774, %parallel_loop3A_775, %parallel_loop3A_776] : memref<2x128x64xf32, #tpu.memory_space<vmem>> -> memref<1x128x64xf32, #tpu.memory_space<vmem>>
        %parallel_loop3A_778 = tpu.memref_squeeze %parallel_loop3A_777 : memref<1x128x64xf32, #tpu.memory_space<vmem>> -> memref<128x64xf32, #tpu.memory_space<vmem>>
        %parallel_loop3A_779 = tpu.vector_load_idx %parallel_loop3A_778[%add3A_19, %parallel_loop3A_719] : memref<128x64xf32, #tpu.memory_space<vmem>>[vector<16xi32>, vector<16xi32>], vector<16xf32>,
        %parallel_loop3A_780 = arith.constant 1 : i32
        %parallel_loop3A_781 = arith.constant 0 : i32
        %parallel_loop3A_782 = arith.constant 0 : i32
        %parallel_loop3A_783 = arith.constant 0 : i32
        %parallel_loop3A_784 = tpu.memref_slice %arg7[%parallel_loop3A_780, %parallel_loop3A_781, %parallel_loop3A_782, %parallel_loop3A_783] : memref<2x8x8x128xf32, #tpu.memory_space<vmem>> -> memref<1x8x8x128xf32, #tpu.memory_space<vmem>>
        %parallel_loop3A_785 = tpu.memref_squeeze %parallel_loop3A_784 : memref<1x8x8x128xf32, #tpu.memory_space<vmem>> -> memref<8x8x128xf32, #tpu.memory_space<vmem>>
        tpu.vector_store_idx %parallel_loop3A_785[%parallel_loop3A_722, %parallel_loop3A_725, %add3A_19], %parallel_loop3A_779 : memref<8x8x128xf32, #tpu.memory_space<vmem>>[vector<16xi32>, vector<16xi32>, vector<16xi32>], vector<16xf32>,
        %parallel_loop3A_786 = arith.constant 1 : i32
        %parallel_loop3A_787 = arith.constant 0 : i32
        %parallel_loop3A_788 = arith.constant 0 : i32
        %parallel_loop3A_789 = tpu.memref_slice %arg6[%parallel_loop3A_786, %parallel_loop3A_787, %parallel_loop3A_788] : memref<2x128x64xf32, #tpu.memory_space<vmem>> -> memref<1x128x64xf32, #tpu.memory_space<vmem>>
        %parallel_loop3A_790 = tpu.memref_squeeze %parallel_loop3A_789 : memref<1x128x64xf32, #tpu.memory_space<vmem>> -> memref<128x64xf32, #tpu.memory_space<vmem>>
        %parallel_loop3A_791 = tpu.vector_load_idx %parallel_loop3A_790[%add3A_23, %parallel_loop3A_719] : memref<128x64xf32, #tpu.memory_space<vmem>>[vector<16xi32>, vector<16xi32>], vector<16xf32>,
        %parallel_loop3A_792 = arith.constant 1 : i32
        %parallel_loop3A_793 = arith.constant 0 : i32
        %parallel_loop3A_794 = arith.constant 0 : i32
        %parallel_loop3A_795 = arith.constant 0 : i32
        %parallel_loop3A_796 = tpu.memref_slice %arg7[%parallel_loop3A_792, %parallel_loop3A_793, %parallel_loop3A_794, %parallel_loop3A_795] : memref<2x8x8x128xf32, #tpu.memory_space<vmem>> -> memref<1x8x8x128xf32, #tpu.memory_space<vmem>>
        %parallel_loop3A_797 = tpu.memref_squeeze %parallel_loop3A_796 : memref<1x8x8x128xf32, #tpu.memory_space<vmem>> -> memref<8x8x128xf32, #tpu.memory_space<vmem>>
        tpu.vector_store_idx %parallel_loop3A_797[%parallel_loop3A_722, %parallel_loop3A_725, %add3A_23], %parallel_loop3A_791 : memref<8x8x128xf32, #tpu.memory_space<vmem>>[vector<16xi32>, vector<16xi32>, vector<16xi32>], vector<16xf32>,
        %parallel_loop3A_798 = arith.constant 1 : i32
        %parallel_loop3A_799 = arith.constant 0 : i32
        %parallel_loop3A_800 = arith.constant 0 : i32
        %parallel_loop3A_801 = tpu.memref_slice %arg6[%parallel_loop3A_798, %parallel_loop3A_799, %parallel_loop3A_800] : memref<2x128x64xf32, #tpu.memory_space<vmem>> -> memref<1x128x64xf32, #tpu.memory_space<vmem>>
        %parallel_loop3A_802 = tpu.memref_squeeze %parallel_loop3A_801 : memref<1x128x64xf32, #tpu.memory_space<vmem>> -> memref<128x64xf32, #tpu.memory_space<vmem>>
        %parallel_loop3A_803 = tpu.vector_load_idx %parallel_loop3A_802[%add3A_27, %parallel_loop3A_719] : memref<128x64xf32, #tpu.memory_space<vmem>>[vector<16xi32>, vector<16xi32>], vector<16xf32>,
        %parallel_loop3A_804 = arith.constant 1 : i32
        %parallel_loop3A_805 = arith.constant 0 : i32
        %parallel_loop3A_806 = arith.constant 0 : i32
        %parallel_loop3A_807 = arith.constant 0 : i32
        %parallel_loop3A_808 = tpu.memref_slice %arg7[%parallel_loop3A_804, %parallel_loop3A_805, %parallel_loop3A_806, %parallel_loop3A_807] : memref<2x8x8x128xf32, #tpu.memory_space<vmem>> -> memref<1x8x8x128xf32, #tpu.memory_space<vmem>>
        %parallel_loop3A_809 = tpu.memref_squeeze %parallel_loop3A_808 : memref<1x8x8x128xf32, #tpu.memory_space<vmem>> -> memref<8x8x128xf32, #tpu.memory_space<vmem>>
        tpu.vector_store_idx %parallel_loop3A_809[%parallel_loop3A_722, %parallel_loop3A_725, %add3A_27], %parallel_loop3A_803 : memref<8x8x128xf32, #tpu.memory_space<vmem>>[vector<16xi32>, vector<16xi32>, vector<16xi32>], vector<16xf32>,
        %parallel_loop3A_810 = arith.constant 1 : i32
        %parallel_loop3A_811 = arith.constant 0 : i32
        %parallel_loop3A_812 = arith.constant 0 : i32
        %parallel_loop3A_813 = tpu.memref_slice %arg6[%parallel_loop3A_810, %parallel_loop3A_811, %parallel_loop3A_812] : memref<2x128x64xf32, #tpu.memory_space<vmem>> -> memref<1x128x64xf32, #tpu.memory_space<vmem>>
        %parallel_loop3A_814 = tpu.memref_squeeze %parallel_loop3A_813 : memref<1x128x64xf32, #tpu.memory_space<vmem>> -> memref<128x64xf32, #tpu.memory_space<vmem>>
        %parallel_loop3A_815 = tpu.vector_load_idx %parallel_loop3A_814[%add3A_31, %parallel_loop3A_719] : memref<128x64xf32, #tpu.memory_space<vmem>>[vector<16xi32>, vector<16xi32>], vector<16xf32>,
        %parallel_loop3A_816 = arith.constant 1 : i32
        %parallel_loop3A_817 = arith.constant 0 : i32
        %parallel_loop3A_818 = arith.constant 0 : i32
        %parallel_loop3A_819 = arith.constant 0 : i32
        %parallel_loop3A_820 = tpu.memref_slice %arg7[%parallel_loop3A_816, %parallel_loop3A_817, %parallel_loop3A_818, %parallel_loop3A_819] : memref<2x8x8x128xf32, #tpu.memory_space<vmem>> -> memref<1x8x8x128xf32, #tpu.memory_space<vmem>>
        %parallel_loop3A_821 = tpu.memref_squeeze %parallel_loop3A_820 : memref<1x8x8x128xf32, #tpu.memory_space<vmem>> -> memref<8x8x128xf32, #tpu.memory_space<vmem>>
        tpu.vector_store_idx %parallel_loop3A_821[%parallel_loop3A_722, %parallel_loop3A_725, %add3A_31], %parallel_loop3A_815 : memref<8x8x128xf32, #tpu.memory_space<vmem>>[vector<16xi32>, vector<16xi32>, vector<16xi32>], vector<16xf32>,
        %parallel_loop3A_822 = arith.constant 32 : i32
        %parallel_loop3A_823 = vector.broadcast %parallel_loop3A_822 : i32 to vector<16xi32>
        %parallel_loop3A_824 = arith.addi %parallel_loop3A_611, %parallel_loop3A_823 : vector<16xi32>
        %parallel_loop3A_825 = arith.constant 3 : i32
        %parallel_loop3A_826 = vector.broadcast %parallel_loop3A_825 : i32 to vector<16xi32>
        %parallel_loop3A_827 = arith.shrsi %parallel_loop3A_824, %parallel_loop3A_826 : vector<16xi32>
        %parallel_loop3A_828 = arith.constant 7 : i32
        %parallel_loop3A_829 = vector.broadcast %parallel_loop3A_828 : i32 to vector<16xi32>
        %parallel_loop3A_830 = arith.andi %parallel_loop3A_824, %parallel_loop3A_829 : vector<16xi32>
        %parallel_loop3A_831 = arith.constant 1 : i32
        %parallel_loop3A_832 = arith.constant 0 : i32
        %parallel_loop3A_833 = arith.constant 0 : i32
        %parallel_loop3A_834 = tpu.memref_slice %arg6[%parallel_loop3A_831, %parallel_loop3A_832, %parallel_loop3A_833] : memref<2x128x64xf32, #tpu.memory_space<vmem>> -> memref<1x128x64xf32, #tpu.memory_space<vmem>>
        %parallel_loop3A_835 = tpu.memref_squeeze %parallel_loop3A_834 : memref<1x128x64xf32, #tpu.memory_space<vmem>> -> memref<128x64xf32, #tpu.memory_space<vmem>>
        %parallel_loop3A_836 = tpu.vector_load_idx %parallel_loop3A_835[%add3A_3, %parallel_loop3A_824] : memref<128x64xf32, #tpu.memory_space<vmem>>[vector<16xi32>, vector<16xi32>], vector<16xf32>,
        %parallel_loop3A_837 = arith.constant 1 : i32
        %parallel_loop3A_838 = arith.constant 0 : i32
        %parallel_loop3A_839 = arith.constant 0 : i32
        %parallel_loop3A_840 = arith.constant 0 : i32
        %parallel_loop3A_841 = tpu.memref_slice %arg7[%parallel_loop3A_837, %parallel_loop3A_838, %parallel_loop3A_839, %parallel_loop3A_840] : memref<2x8x8x128xf32, #tpu.memory_space<vmem>> -> memref<1x8x8x128xf32, #tpu.memory_space<vmem>>
        %parallel_loop3A_842 = tpu.memref_squeeze %parallel_loop3A_841 : memref<1x8x8x128xf32, #tpu.memory_space<vmem>> -> memref<8x8x128xf32, #tpu.memory_space<vmem>>
        tpu.vector_store_idx %parallel_loop3A_842[%parallel_loop3A_827, %parallel_loop3A_830, %add3A_3], %parallel_loop3A_836 : memref<8x8x128xf32, #tpu.memory_space<vmem>>[vector<16xi32>, vector<16xi32>, vector<16xi32>], vector<16xf32>,
        %parallel_loop3A_843 = arith.constant 1 : i32
        %parallel_loop3A_844 = arith.constant 0 : i32
        %parallel_loop3A_845 = arith.constant 0 : i32
        %parallel_loop3A_846 = tpu.memref_slice %arg6[%parallel_loop3A_843, %parallel_loop3A_844, %parallel_loop3A_845] : memref<2x128x64xf32, #tpu.memory_space<vmem>> -> memref<1x128x64xf32, #tpu.memory_space<vmem>>
        %parallel_loop3A_847 = tpu.memref_squeeze %parallel_loop3A_846 : memref<1x128x64xf32, #tpu.memory_space<vmem>> -> memref<128x64xf32, #tpu.memory_space<vmem>>
        %parallel_loop3A_848 = tpu.vector_load_idx %parallel_loop3A_847[%add3A_7, %parallel_loop3A_824] : memref<128x64xf32, #tpu.memory_space<vmem>>[vector<16xi32>, vector<16xi32>], vector<16xf32>,
        %parallel_loop3A_849 = arith.constant 1 : i32
        %parallel_loop3A_850 = arith.constant 0 : i32
        %parallel_loop3A_851 = arith.constant 0 : i32
        %parallel_loop3A_852 = arith.constant 0 : i32
        %parallel_loop3A_853 = tpu.memref_slice %arg7[%parallel_loop3A_849, %parallel_loop3A_850, %parallel_loop3A_851, %parallel_loop3A_852] : memref<2x8x8x128xf32, #tpu.memory_space<vmem>> -> memref<1x8x8x128xf32, #tpu.memory_space<vmem>>
        %parallel_loop3A_854 = tpu.memref_squeeze %parallel_loop3A_853 : memref<1x8x8x128xf32, #tpu.memory_space<vmem>> -> memref<8x8x128xf32, #tpu.memory_space<vmem>>
        tpu.vector_store_idx %parallel_loop3A_854[%parallel_loop3A_827, %parallel_loop3A_830, %add3A_7], %parallel_loop3A_848 : memref<8x8x128xf32, #tpu.memory_space<vmem>>[vector<16xi32>, vector<16xi32>, vector<16xi32>], vector<16xf32>,
        %parallel_loop3A_855 = arith.constant 1 : i32
        %parallel_loop3A_856 = arith.constant 0 : i32
        %parallel_loop3A_857 = arith.constant 0 : i32
        %parallel_loop3A_858 = tpu.memref_slice %arg6[%parallel_loop3A_855, %parallel_loop3A_856, %parallel_loop3A_857] : memref<2x128x64xf32, #tpu.memory_space<vmem>> -> memref<1x128x64xf32, #tpu.memory_space<vmem>>
        %parallel_loop3A_859 = tpu.memref_squeeze %parallel_loop3A_858 : memref<1x128x64xf32, #tpu.memory_space<vmem>> -> memref<128x64xf32, #tpu.memory_space<vmem>>
        %parallel_loop3A_860 = tpu.vector_load_idx %parallel_loop3A_859[%add3A_11, %parallel_loop3A_824] : memref<128x64xf32, #tpu.memory_space<vmem>>[vector<16xi32>, vector<16xi32>], vector<16xf32>,
        %parallel_loop3A_861 = arith.constant 1 : i32
        %parallel_loop3A_862 = arith.constant 0 : i32
        %parallel_loop3A_863 = arith.constant 0 : i32
        %parallel_loop3A_864 = arith.constant 0 : i32
        %parallel_loop3A_865 = tpu.memref_slice %arg7[%parallel_loop3A_861, %parallel_loop3A_862, %parallel_loop3A_863, %parallel_loop3A_864] : memref<2x8x8x128xf32, #tpu.memory_space<vmem>> -> memref<1x8x8x128xf32, #tpu.memory_space<vmem>>
        %parallel_loop3A_866 = tpu.memref_squeeze %parallel_loop3A_865 : memref<1x8x8x128xf32, #tpu.memory_space<vmem>> -> memref<8x8x128xf32, #tpu.memory_space<vmem>>
        tpu.vector_store_idx %parallel_loop3A_866[%parallel_loop3A_827, %parallel_loop3A_830, %add3A_11], %parallel_loop3A_860 : memref<8x8x128xf32, #tpu.memory_space<vmem>>[vector<16xi32>, vector<16xi32>, vector<16xi32>], vector<16xf32>,
        %parallel_loop3A_867 = arith.constant 1 : i32
        %parallel_loop3A_868 = arith.constant 0 : i32
        %parallel_loop3A_869 = arith.constant 0 : i32
        %parallel_loop3A_870 = tpu.memref_slice %arg6[%parallel_loop3A_867, %parallel_loop3A_868, %parallel_loop3A_869] : memref<2x128x64xf32, #tpu.memory_space<vmem>> -> memref<1x128x64xf32, #tpu.memory_space<vmem>>
        %parallel_loop3A_871 = tpu.memref_squeeze %parallel_loop3A_870 : memref<1x128x64xf32, #tpu.memory_space<vmem>> -> memref<128x64xf32, #tpu.memory_space<vmem>>
        %parallel_loop3A_872 = tpu.vector_load_idx %parallel_loop3A_871[%add3A_15, %parallel_loop3A_824] : memref<128x64xf32, #tpu.memory_space<vmem>>[vector<16xi32>, vector<16xi32>], vector<16xf32>,
        %parallel_loop3A_873 = arith.constant 1 : i32
        %parallel_loop3A_874 = arith.constant 0 : i32
        %parallel_loop3A_875 = arith.constant 0 : i32
        %parallel_loop3A_876 = arith.constant 0 : i32
        %parallel_loop3A_877 = tpu.memref_slice %arg7[%parallel_loop3A_873, %parallel_loop3A_874, %parallel_loop3A_875, %parallel_loop3A_876] : memref<2x8x8x128xf32, #tpu.memory_space<vmem>> -> memref<1x8x8x128xf32, #tpu.memory_space<vmem>>
        %parallel_loop3A_878 = tpu.memref_squeeze %parallel_loop3A_877 : memref<1x8x8x128xf32, #tpu.memory_space<vmem>> -> memref<8x8x128xf32, #tpu.memory_space<vmem>>
        tpu.vector_store_idx %parallel_loop3A_878[%parallel_loop3A_827, %parallel_loop3A_830, %add3A_15], %parallel_loop3A_872 : memref<8x8x128xf32, #tpu.memory_space<vmem>>[vector<16xi32>, vector<16xi32>, vector<16xi32>], vector<16xf32>,
        %parallel_loop3A_879 = arith.constant 1 : i32
        %parallel_loop3A_880 = arith.constant 0 : i32
        %parallel_loop3A_881 = arith.constant 0 : i32
        %parallel_loop3A_882 = tpu.memref_slice %arg6[%parallel_loop3A_879, %parallel_loop3A_880, %parallel_loop3A_881] : memref<2x128x64xf32, #tpu.memory_space<vmem>> -> memref<1x128x64xf32, #tpu.memory_space<vmem>>
        %parallel_loop3A_883 = tpu.memref_squeeze %parallel_loop3A_882 : memref<1x128x64xf32, #tpu.memory_space<vmem>> -> memref<128x64xf32, #tpu.memory_space<vmem>>
        %parallel_loop3A_884 = tpu.vector_load_idx %parallel_loop3A_883[%add3A_19, %parallel_loop3A_824] : memref<128x64xf32, #tpu.memory_space<vmem>>[vector<16xi32>, vector<16xi32>], vector<16xf32>,
        %parallel_loop3A_885 = arith.constant 1 : i32
        %parallel_loop3A_886 = arith.constant 0 : i32
        %parallel_loop3A_887 = arith.constant 0 : i32
        %parallel_loop3A_888 = arith.constant 0 : i32
        %parallel_loop3A_889 = tpu.memref_slice %arg7[%parallel_loop3A_885, %parallel_loop3A_886, %parallel_loop3A_887, %parallel_loop3A_888] : memref<2x8x8x128xf32, #tpu.memory_space<vmem>> -> memref<1x8x8x128xf32, #tpu.memory_space<vmem>>
        %parallel_loop3A_890 = tpu.memref_squeeze %parallel_loop3A_889 : memref<1x8x8x128xf32, #tpu.memory_space<vmem>> -> memref<8x8x128xf32, #tpu.memory_space<vmem>>
        tpu.vector_store_idx %parallel_loop3A_890[%parallel_loop3A_827, %parallel_loop3A_830, %add3A_19], %parallel_loop3A_884 : memref<8x8x128xf32, #tpu.memory_space<vmem>>[vector<16xi32>, vector<16xi32>, vector<16xi32>], vector<16xf32>,
        %parallel_loop3A_891 = arith.constant 1 : i32
        %parallel_loop3A_892 = arith.constant 0 : i32
        %parallel_loop3A_893 = arith.constant 0 : i32
        %parallel_loop3A_894 = tpu.memref_slice %arg6[%parallel_loop3A_891, %parallel_loop3A_892, %parallel_loop3A_893] : memref<2x128x64xf32, #tpu.memory_space<vmem>> -> memref<1x128x64xf32, #tpu.memory_space<vmem>>
        %parallel_loop3A_895 = tpu.memref_squeeze %parallel_loop3A_894 : memref<1x128x64xf32, #tpu.memory_space<vmem>> -> memref<128x64xf32, #tpu.memory_space<vmem>>
        %parallel_loop3A_896 = tpu.vector_load_idx %parallel_loop3A_895[%add3A_23, %parallel_loop3A_824] : memref<128x64xf32, #tpu.memory_space<vmem>>[vector<16xi32>, vector<16xi32>], vector<16xf32>,
        %parallel_loop3A_897 = arith.constant 1 : i32
        %parallel_loop3A_898 = arith.constant 0 : i32
        %parallel_loop3A_899 = arith.constant 0 : i32
        %parallel_loop3A_900 = arith.constant 0 : i32
        %parallel_loop3A_901 = tpu.memref_slice %arg7[%parallel_loop3A_897, %parallel_loop3A_898, %parallel_loop3A_899, %parallel_loop3A_900] : memref<2x8x8x128xf32, #tpu.memory_space<vmem>> -> memref<1x8x8x128xf32, #tpu.memory_space<vmem>>
        %parallel_loop3A_902 = tpu.memref_squeeze %parallel_loop3A_901 : memref<1x8x8x128xf32, #tpu.memory_space<vmem>> -> memref<8x8x128xf32, #tpu.memory_space<vmem>>
        tpu.vector_store_idx %parallel_loop3A_902[%parallel_loop3A_827, %parallel_loop3A_830, %add3A_23], %parallel_loop3A_896 : memref<8x8x128xf32, #tpu.memory_space<vmem>>[vector<16xi32>, vector<16xi32>, vector<16xi32>], vector<16xf32>,
        %parallel_loop3A_903 = arith.constant 1 : i32
        %parallel_loop3A_904 = arith.constant 0 : i32
        %parallel_loop3A_905 = arith.constant 0 : i32
        %parallel_loop3A_906 = tpu.memref_slice %arg6[%parallel_loop3A_903, %parallel_loop3A_904, %parallel_loop3A_905] : memref<2x128x64xf32, #tpu.memory_space<vmem>> -> memref<1x128x64xf32, #tpu.memory_space<vmem>>
        %parallel_loop3A_907 = tpu.memref_squeeze %parallel_loop3A_906 : memref<1x128x64xf32, #tpu.memory_space<vmem>> -> memref<128x64xf32, #tpu.memory_space<vmem>>
        %parallel_loop3A_908 = tpu.vector_load_idx %parallel_loop3A_907[%add3A_27, %parallel_loop3A_824] : memref<128x64xf32, #tpu.memory_space<vmem>>[vector<16xi32>, vector<16xi32>], vector<16xf32>,
        %parallel_loop3A_909 = arith.constant 1 : i32
        %parallel_loop3A_910 = arith.constant 0 : i32
        %parallel_loop3A_911 = arith.constant 0 : i32
        %parallel_loop3A_912 = arith.constant 0 : i32
        %parallel_loop3A_913 = tpu.memref_slice %arg7[%parallel_loop3A_909, %parallel_loop3A_910, %parallel_loop3A_911, %parallel_loop3A_912] : memref<2x8x8x128xf32, #tpu.memory_space<vmem>> -> memref<1x8x8x128xf32, #tpu.memory_space<vmem>>
        %parallel_loop3A_914 = tpu.memref_squeeze %parallel_loop3A_913 : memref<1x8x8x128xf32, #tpu.memory_space<vmem>> -> memref<8x8x128xf32, #tpu.memory_space<vmem>>
        tpu.vector_store_idx %parallel_loop3A_914[%parallel_loop3A_827, %parallel_loop3A_830, %add3A_27], %parallel_loop3A_908 : memref<8x8x128xf32, #tpu.memory_space<vmem>>[vector<16xi32>, vector<16xi32>, vector<16xi32>], vector<16xf32>,
        %parallel_loop3A_915 = arith.constant 1 : i32
        %parallel_loop3A_916 = arith.constant 0 : i32
        %parallel_loop3A_917 = arith.constant 0 : i32
        %parallel_loop3A_918 = tpu.memref_slice %arg6[%parallel_loop3A_915, %parallel_loop3A_916, %parallel_loop3A_917] : memref<2x128x64xf32, #tpu.memory_space<vmem>> -> memref<1x128x64xf32, #tpu.memory_space<vmem>>
        %parallel_loop3A_919 = tpu.memref_squeeze %parallel_loop3A_918 : memref<1x128x64xf32, #tpu.memory_space<vmem>> -> memref<128x64xf32, #tpu.memory_space<vmem>>
        %parallel_loop3A_920 = tpu.vector_load_idx %parallel_loop3A_919[%add3A_31, %parallel_loop3A_824] : memref<128x64xf32, #tpu.memory_space<vmem>>[vector<16xi32>, vector<16xi32>], vector<16xf32>,
        %parallel_loop3A_921 = arith.constant 1 : i32
        %parallel_loop3A_922 = arith.constant 0 : i32
        %parallel_loop3A_923 = arith.constant 0 : i32
        %parallel_loop3A_924 = arith.constant 0 : i32
        %parallel_loop3A_925 = tpu.memref_slice %arg7[%parallel_loop3A_921, %parallel_loop3A_922, %parallel_loop3A_923, %parallel_loop3A_924] : memref<2x8x8x128xf32, #tpu.memory_space<vmem>> -> memref<1x8x8x128xf32, #tpu.memory_space<vmem>>
        %parallel_loop3A_926 = tpu.memref_squeeze %parallel_loop3A_925 : memref<1x8x8x128xf32, #tpu.memory_space<vmem>> -> memref<8x8x128xf32, #tpu.memory_space<vmem>>
        tpu.vector_store_idx %parallel_loop3A_926[%parallel_loop3A_827, %parallel_loop3A_830, %add3A_31], %parallel_loop3A_920 : memref<8x8x128xf32, #tpu.memory_space<vmem>>[vector<16xi32>, vector<16xi32>, vector<16xi32>], vector<16xf32>,
        %parallel_loop3A_927 = arith.constant 48 : i32
        %parallel_loop3A_928 = vector.broadcast %parallel_loop3A_927 : i32 to vector<16xi32>
        %parallel_loop3A_929 = arith.addi %parallel_loop3A_611, %parallel_loop3A_928 : vector<16xi32>
        %parallel_loop3A_930 = arith.constant 3 : i32
        %parallel_loop3A_931 = vector.broadcast %parallel_loop3A_930 : i32 to vector<16xi32>
        %parallel_loop3A_932 = arith.shrsi %parallel_loop3A_929, %parallel_loop3A_931 : vector<16xi32>
        %parallel_loop3A_933 = arith.constant 7 : i32
        %parallel_loop3A_934 = vector.broadcast %parallel_loop3A_933 : i32 to vector<16xi32>
        %parallel_loop3A_935 = arith.andi %parallel_loop3A_929, %parallel_loop3A_934 : vector<16xi32>
        %parallel_loop3A_936 = arith.constant 1 : i32
        %parallel_loop3A_937 = arith.constant 0 : i32
        %parallel_loop3A_938 = arith.constant 0 : i32
        %parallel_loop3A_939 = tpu.memref_slice %arg6[%parallel_loop3A_936, %parallel_loop3A_937, %parallel_loop3A_938] : memref<2x128x64xf32, #tpu.memory_space<vmem>> -> memref<1x128x64xf32, #tpu.memory_space<vmem>>
        %parallel_loop3A_940 = tpu.memref_squeeze %parallel_loop3A_939 : memref<1x128x64xf32, #tpu.memory_space<vmem>> -> memref<128x64xf32, #tpu.memory_space<vmem>>
        %parallel_loop3A_941 = tpu.vector_load_idx %parallel_loop3A_940[%add3A_3, %parallel_loop3A_929] : memref<128x64xf32, #tpu.memory_space<vmem>>[vector<16xi32>, vector<16xi32>], vector<16xf32>,
        %parallel_loop3A_942 = arith.constant 1 : i32
        %parallel_loop3A_943 = arith.constant 0 : i32
        %parallel_loop3A_944 = arith.constant 0 : i32
        %parallel_loop3A_945 = arith.constant 0 : i32
        %parallel_loop3A_946 = tpu.memref_slice %arg7[%parallel_loop3A_942, %parallel_loop3A_943, %parallel_loop3A_944, %parallel_loop3A_945] : memref<2x8x8x128xf32, #tpu.memory_space<vmem>> -> memref<1x8x8x128xf32, #tpu.memory_space<vmem>>
        %parallel_loop3A_947 = tpu.memref_squeeze %parallel_loop3A_946 : memref<1x8x8x128xf32, #tpu.memory_space<vmem>> -> memref<8x8x128xf32, #tpu.memory_space<vmem>>
        tpu.vector_store_idx %parallel_loop3A_947[%parallel_loop3A_932, %parallel_loop3A_935, %add3A_3], %parallel_loop3A_941 : memref<8x8x128xf32, #tpu.memory_space<vmem>>[vector<16xi32>, vector<16xi32>, vector<16xi32>], vector<16xf32>,
        %parallel_loop3A_948 = arith.constant 1 : i32
        %parallel_loop3A_949 = arith.constant 0 : i32
        %parallel_loop3A_950 = arith.constant 0 : i32
        %parallel_loop3A_951 = tpu.memref_slice %arg6[%parallel_loop3A_948, %parallel_loop3A_949, %parallel_loop3A_950] : memref<2x128x64xf32, #tpu.memory_space<vmem>> -> memref<1x128x64xf32, #tpu.memory_space<vmem>>
        %parallel_loop3A_952 = tpu.memref_squeeze %parallel_loop3A_951 : memref<1x128x64xf32, #tpu.memory_space<vmem>> -> memref<128x64xf32, #tpu.memory_space<vmem>>
        %parallel_loop3A_953 = tpu.vector_load_idx %parallel_loop3A_952[%add3A_7, %parallel_loop3A_929] : memref<128x64xf32, #tpu.memory_space<vmem>>[vector<16xi32>, vector<16xi32>], vector<16xf32>,
        %parallel_loop3A_954 = arith.constant 1 : i32
        %parallel_loop3A_955 = arith.constant 0 : i32
        %parallel_loop3A_956 = arith.constant 0 : i32
        %parallel_loop3A_957 = arith.constant 0 : i32
        %parallel_loop3A_958 = tpu.memref_slice %arg7[%parallel_loop3A_954, %parallel_loop3A_955, %parallel_loop3A_956, %parallel_loop3A_957] : memref<2x8x8x128xf32, #tpu.memory_space<vmem>> -> memref<1x8x8x128xf32, #tpu.memory_space<vmem>>
        %parallel_loop3A_959 = tpu.memref_squeeze %parallel_loop3A_958 : memref<1x8x8x128xf32, #tpu.memory_space<vmem>> -> memref<8x8x128xf32, #tpu.memory_space<vmem>>
        tpu.vector_store_idx %parallel_loop3A_959[%parallel_loop3A_932, %parallel_loop3A_935, %add3A_7], %parallel_loop3A_953 : memref<8x8x128xf32, #tpu.memory_space<vmem>>[vector<16xi32>, vector<16xi32>, vector<16xi32>], vector<16xf32>,
        %parallel_loop3A_960 = arith.constant 1 : i32
        %parallel_loop3A_961 = arith.constant 0 : i32
        %parallel_loop3A_962 = arith.constant 0 : i32
        %parallel_loop3A_963 = tpu.memref_slice %arg6[%parallel_loop3A_960, %parallel_loop3A_961, %parallel_loop3A_962] : memref<2x128x64xf32, #tpu.memory_space<vmem>> -> memref<1x128x64xf32, #tpu.memory_space<vmem>>
        %parallel_loop3A_964 = tpu.memref_squeeze %parallel_loop3A_963 : memref<1x128x64xf32, #tpu.memory_space<vmem>> -> memref<128x64xf32, #tpu.memory_space<vmem>>
        %parallel_loop3A_965 = tpu.vector_load_idx %parallel_loop3A_964[%add3A_11, %parallel_loop3A_929] : memref<128x64xf32, #tpu.memory_space<vmem>>[vector<16xi32>, vector<16xi32>], vector<16xf32>,
        %parallel_loop3A_966 = arith.constant 1 : i32
        %parallel_loop3A_967 = arith.constant 0 : i32
        %parallel_loop3A_968 = arith.constant 0 : i32
        %parallel_loop3A_969 = arith.constant 0 : i32
        %parallel_loop3A_970 = tpu.memref_slice %arg7[%parallel_loop3A_966, %parallel_loop3A_967, %parallel_loop3A_968, %parallel_loop3A_969] : memref<2x8x8x128xf32, #tpu.memory_space<vmem>> -> memref<1x8x8x128xf32, #tpu.memory_space<vmem>>
        %parallel_loop3A_971 = tpu.memref_squeeze %parallel_loop3A_970 : memref<1x8x8x128xf32, #tpu.memory_space<vmem>> -> memref<8x8x128xf32, #tpu.memory_space<vmem>>
        tpu.vector_store_idx %parallel_loop3A_971[%parallel_loop3A_932, %parallel_loop3A_935, %add3A_11], %parallel_loop3A_965 : memref<8x8x128xf32, #tpu.memory_space<vmem>>[vector<16xi32>, vector<16xi32>, vector<16xi32>], vector<16xf32>,
        %parallel_loop3A_972 = arith.constant 1 : i32
        %parallel_loop3A_973 = arith.constant 0 : i32
        %parallel_loop3A_974 = arith.constant 0 : i32
        %parallel_loop3A_975 = tpu.memref_slice %arg6[%parallel_loop3A_972, %parallel_loop3A_973, %parallel_loop3A_974] : memref<2x128x64xf32, #tpu.memory_space<vmem>> -> memref<1x128x64xf32, #tpu.memory_space<vmem>>
        %parallel_loop3A_976 = tpu.memref_squeeze %parallel_loop3A_975 : memref<1x128x64xf32, #tpu.memory_space<vmem>> -> memref<128x64xf32, #tpu.memory_space<vmem>>
        %parallel_loop3A_977 = tpu.vector_load_idx %parallel_loop3A_976[%add3A_15, %parallel_loop3A_929] : memref<128x64xf32, #tpu.memory_space<vmem>>[vector<16xi32>, vector<16xi32>], vector<16xf32>,
        %parallel_loop3A_978 = arith.constant 1 : i32
        %parallel_loop3A_979 = arith.constant 0 : i32
        %parallel_loop3A_980 = arith.constant 0 : i32
        %parallel_loop3A_981 = arith.constant 0 : i32
        %parallel_loop3A_982 = tpu.memref_slice %arg7[%parallel_loop3A_978, %parallel_loop3A_979, %parallel_loop3A_980, %parallel_loop3A_981] : memref<2x8x8x128xf32, #tpu.memory_space<vmem>> -> memref<1x8x8x128xf32, #tpu.memory_space<vmem>>
        %parallel_loop3A_983 = tpu.memref_squeeze %parallel_loop3A_982 : memref<1x8x8x128xf32, #tpu.memory_space<vmem>> -> memref<8x8x128xf32, #tpu.memory_space<vmem>>
        tpu.vector_store_idx %parallel_loop3A_983[%parallel_loop3A_932, %parallel_loop3A_935, %add3A_15], %parallel_loop3A_977 : memref<8x8x128xf32, #tpu.memory_space<vmem>>[vector<16xi32>, vector<16xi32>, vector<16xi32>], vector<16xf32>,
        %parallel_loop3A_984 = arith.constant 1 : i32
        %parallel_loop3A_985 = arith.constant 0 : i32
        %parallel_loop3A_986 = arith.constant 0 : i32
        %parallel_loop3A_987 = tpu.memref_slice %arg6[%parallel_loop3A_984, %parallel_loop3A_985, %parallel_loop3A_986] : memref<2x128x64xf32, #tpu.memory_space<vmem>> -> memref<1x128x64xf32, #tpu.memory_space<vmem>>
        %parallel_loop3A_988 = tpu.memref_squeeze %parallel_loop3A_987 : memref<1x128x64xf32, #tpu.memory_space<vmem>> -> memref<128x64xf32, #tpu.memory_space<vmem>>
        %parallel_loop3A_989 = tpu.vector_load_idx %parallel_loop3A_988[%add3A_19, %parallel_loop3A_929] : memref<128x64xf32, #tpu.memory_space<vmem>>[vector<16xi32>, vector<16xi32>], vector<16xf32>,
        %parallel_loop3A_990 = arith.constant 1 : i32
        %parallel_loop3A_991 = arith.constant 0 : i32
        %parallel_loop3A_992 = arith.constant 0 : i32
        %parallel_loop3A_993 = arith.constant 0 : i32
        %parallel_loop3A_994 = tpu.memref_slice %arg7[%parallel_loop3A_990, %parallel_loop3A_991, %parallel_loop3A_992, %parallel_loop3A_993] : memref<2x8x8x128xf32, #tpu.memory_space<vmem>> -> memref<1x8x8x128xf32, #tpu.memory_space<vmem>>
        %parallel_loop3A_995 = tpu.memref_squeeze %parallel_loop3A_994 : memref<1x8x8x128xf32, #tpu.memory_space<vmem>> -> memref<8x8x128xf32, #tpu.memory_space<vmem>>
        tpu.vector_store_idx %parallel_loop3A_995[%parallel_loop3A_932, %parallel_loop3A_935, %add3A_19], %parallel_loop3A_989 : memref<8x8x128xf32, #tpu.memory_space<vmem>>[vector<16xi32>, vector<16xi32>, vector<16xi32>], vector<16xf32>,
        %parallel_loop3A_996 = arith.constant 1 : i32
        %parallel_loop3A_997 = arith.constant 0 : i32
        %parallel_loop3A_998 = arith.constant 0 : i32
        %parallel_loop3A_999 = tpu.memref_slice %arg6[%parallel_loop3A_996, %parallel_loop3A_997, %parallel_loop3A_998] : memref<2x128x64xf32, #tpu.memory_space<vmem>> -> memref<1x128x64xf32, #tpu.memory_space<vmem>>
        %parallel_loop3A_1000 = tpu.memref_squeeze %parallel_loop3A_999 : memref<1x128x64xf32, #tpu.memory_space<vmem>> -> memref<128x64xf32, #tpu.memory_space<vmem>>
        %parallel_loop3A_1001 = tpu.vector_load_idx %parallel_loop3A_1000[%add3A_23, %parallel_loop3A_929] : memref<128x64xf32, #tpu.memory_space<vmem>>[vector<16xi32>, vector<16xi32>], vector<16xf32>,
        %parallel_loop3A_1002 = arith.constant 1 : i32
        %parallel_loop3A_1003 = arith.constant 0 : i32
        %parallel_loop3A_1004 = arith.constant 0 : i32
        %parallel_loop3A_1005 = arith.constant 0 : i32
        %parallel_loop3A_1006 = tpu.memref_slice %arg7[%parallel_loop3A_1002, %parallel_loop3A_1003, %parallel_loop3A_1004, %parallel_loop3A_1005] : memref<2x8x8x128xf32, #tpu.memory_space<vmem>> -> memref<1x8x8x128xf32, #tpu.memory_space<vmem>>
        %parallel_loop3A_1007 = tpu.memref_squeeze %parallel_loop3A_1006 : memref<1x8x8x128xf32, #tpu.memory_space<vmem>> -> memref<8x8x128xf32, #tpu.memory_space<vmem>>
        tpu.vector_store_idx %parallel_loop3A_1007[%parallel_loop3A_932, %parallel_loop3A_935, %add3A_23], %parallel_loop3A_1001 : memref<8x8x128xf32, #tpu.memory_space<vmem>>[vector<16xi32>, vector<16xi32>, vector<16xi32>], vector<16xf32>,
        %parallel_loop3A_1008 = arith.constant 1 : i32
        %parallel_loop3A_1009 = arith.constant 0 : i32
        %parallel_loop3A_1010 = arith.constant 0 : i32
        %parallel_loop3A_1011 = tpu.memref_slice %arg6[%parallel_loop3A_1008, %parallel_loop3A_1009, %parallel_loop3A_1010] : memref<2x128x64xf32, #tpu.memory_space<vmem>> -> memref<1x128x64xf32, #tpu.memory_space<vmem>>
        %parallel_loop3A_1012 = tpu.memref_squeeze %parallel_loop3A_1011 : memref<1x128x64xf32, #tpu.memory_space<vmem>> -> memref<128x64xf32, #tpu.memory_space<vmem>>
        %parallel_loop3A_1013 = tpu.vector_load_idx %parallel_loop3A_1012[%add3A_27, %parallel_loop3A_929] : memref<128x64xf32, #tpu.memory_space<vmem>>[vector<16xi32>, vector<16xi32>], vector<16xf32>,
        %parallel_loop3A_1014 = arith.constant 1 : i32
        %parallel_loop3A_1015 = arith.constant 0 : i32
        %parallel_loop3A_1016 = arith.constant 0 : i32
        %parallel_loop3A_1017 = arith.constant 0 : i32
        %parallel_loop3A_1018 = tpu.memref_slice %arg7[%parallel_loop3A_1014, %parallel_loop3A_1015, %parallel_loop3A_1016, %parallel_loop3A_1017] : memref<2x8x8x128xf32, #tpu.memory_space<vmem>> -> memref<1x8x8x128xf32, #tpu.memory_space<vmem>>
        %parallel_loop3A_1019 = tpu.memref_squeeze %parallel_loop3A_1018 : memref<1x8x8x128xf32, #tpu.memory_space<vmem>> -> memref<8x8x128xf32, #tpu.memory_space<vmem>>
        tpu.vector_store_idx %parallel_loop3A_1019[%parallel_loop3A_932, %parallel_loop3A_935, %add3A_27], %parallel_loop3A_1013 : memref<8x8x128xf32, #tpu.memory_space<vmem>>[vector<16xi32>, vector<16xi32>, vector<16xi32>], vector<16xf32>,
        %parallel_loop3A_1020 = arith.constant 1 : i32
        %parallel_loop3A_1021 = arith.constant 0 : i32
        %parallel_loop3A_1022 = arith.constant 0 : i32
        %parallel_loop3A_1023 = tpu.memref_slice %arg6[%parallel_loop3A_1020, %parallel_loop3A_1021, %parallel_loop3A_1022] : memref<2x128x64xf32, #tpu.memory_space<vmem>> -> memref<1x128x64xf32, #tpu.memory_space<vmem>>
        %parallel_loop3A_1024 = tpu.memref_squeeze %parallel_loop3A_1023 : memref<1x128x64xf32, #tpu.memory_space<vmem>> -> memref<128x64xf32, #tpu.memory_space<vmem>>
        %parallel_loop3A_1025 = tpu.vector_load_idx %parallel_loop3A_1024[%add3A_31, %parallel_loop3A_929] : memref<128x64xf32, #tpu.memory_space<vmem>>[vector<16xi32>, vector<16xi32>], vector<16xf32>,
        %parallel_loop3A_1026 = arith.constant 1 : i32
        %parallel_loop3A_1027 = arith.constant 0 : i32
        %parallel_loop3A_1028 = arith.constant 0 : i32
        %parallel_loop3A_1029 = arith.constant 0 : i32
        %parallel_loop3A_1030 = tpu.memref_slice %arg7[%parallel_loop3A_1026, %parallel_loop3A_1027, %parallel_loop3A_1028, %parallel_loop3A_1029] : memref<2x8x8x128xf32, #tpu.memory_space<vmem>> -> memref<1x8x8x128xf32, #tpu.memory_space<vmem>>
        %parallel_loop3A_1031 = tpu.memref_squeeze %parallel_loop3A_1030 : memref<1x8x8x128xf32, #tpu.memory_space<vmem>> -> memref<8x8x128xf32, #tpu.memory_space<vmem>>
        tpu.vector_store_idx %parallel_loop3A_1031[%parallel_loop3A_932, %parallel_loop3A_935, %add3A_31], %parallel_loop3A_1025 : memref<8x8x128xf32, #tpu.memory_space<vmem>>[vector<16xi32>, vector<16xi32>, vector<16xi32>], vector<16xf32>,
      } {sc.loop_unroll_factor = 2 : i64, sc.parallel_access}
      %add3A_571 = arith.constant 1 : i32
      %add3A_572 = arith.addi %mul3A_272, %add3A_571 : i32
      %dma_start3A_573 = arith.constant 1 : i32
      %dma_start3A_574 = arith.constant 0 : i32
      %dma_start3A_575 = arith.constant 0 : i32
      %dma_start3A_576 = arith.constant 0 : i32
      %dma_start3A_577 = tpu.memref_slice %arg7[%dma_start3A_573, %dma_start3A_574, %dma_start3A_575, %dma_start3A_576] : memref<2x8x8x128xf32, #tpu.memory_space<vmem>> -> memref<1x8x8x128xf32, #tpu.memory_space<vmem>>
      %dma_start3A_578 = tpu.memref_squeeze %dma_start3A_577 : memref<1x8x8x128xf32, #tpu.memory_space<vmem>> -> memref<8x8x128xf32, #tpu.memory_space<vmem>>
      %dma_start3A_579 = arith.constant 0 : i32
      %dma_start3A_580 = arith.constant 0 : i32
      %dma_start3A_581 = arith.constant 0 : i32
      %dma_start3A_582 = arith.constant 0 : i32
      %dma_start3A_583 = tpu.memref_slice %arg4[%add3A_572, %dma_start3A_579, %dma_start3A_580, %dma_start3A_581, %dma_start3A_582] : memref<200x8x32x8x128xf32, #tpu.memory_space<hbm>> -> memref<1x8x32x8x128xf32, #tpu.memory_space<hbm>>
      %dma_start3A_584 = tpu.memref_squeeze %dma_start3A_583 : memref<1x8x32x8x128xf32, #tpu.memory_space<hbm>> -> memref<8x32x8x128xf32, #tpu.memory_space<hbm>>
      %dma_start3A_585 = arith.constant 0 : i32
      %dma_start3A_586 = arith.constant 0 : i32
      %dma_start3A_587 = arith.constant 0 : i32
      %dma_start3A_588 = tpu.memref_slice %dma_start3A_584[%dma_start3A_585, %add3A, %dma_start3A_586, %dma_start3A_587] : memref<8x32x8x128xf32, #tpu.memory_space<hbm>> -> memref<8x1x8x128xf32, #tpu.memory_space<hbm>>
      %dma_start3A_589 = tpu.memref_squeeze %dma_start3A_588 : memref<8x1x8x128xf32, #tpu.memory_space<hbm>> -> memref<8x8x128xf32, #tpu.memory_space<hbm>>
      %dma_start3A_590 = arith.constant 0 : i32
      %dma_start3A_591 = arith.constant 0 : i32
      %dma_start3A_592 = arith.constant 0 : i32
      %dma_start3A_593 = arith.constant 0 : i32
      %dma_start3A_594 = tpu.memref_slice %arg4[%add3A_572, %dma_start3A_590, %dma_start3A_591, %dma_start3A_592, %dma_start3A_593] : memref<200x8x32x8x128xf32, #tpu.memory_space<hbm>> -> memref<1x8x32x8x128xf32, #tpu.memory_space<hbm>>
      %dma_start3A_595 = tpu.memref_squeeze %dma_start3A_594 : memref<1x8x32x8x128xf32, #tpu.memory_space<hbm>> -> memref<8x32x8x128xf32, #tpu.memory_space<hbm>>
      %dma_start3A_596 = arith.constant 0 : i32
      %dma_start3A_597 = arith.constant 0 : i32
      %dma_start3A_598 = arith.constant 0 : i32
      %dma_start3A_599 = tpu.memref_slice %dma_start3A_595[%dma_start3A_596, %add3A, %dma_start3A_597, %dma_start3A_598] : memref<8x32x8x128xf32, #tpu.memory_space<hbm>> -> memref<8x1x8x128xf32, #tpu.memory_space<hbm>>
      %dma_start3A_600 = tpu.memref_squeeze %dma_start3A_599 : memref<8x1x8x128xf32, #tpu.memory_space<hbm>> -> memref<8x8x128xf32, #tpu.memory_space<hbm>>
      %dma_start3A_601 = arith.constant 0 : i32
      %dma_start3A_602 = arith.constant 0 : i32
      %dma_start3A_603 = arith.constant 0 : i32
      %dma_start3A_604 = tpu.memref_slice %arg7[%dma_start3A_573, %dma_start3A_601, %dma_start3A_602, %dma_start3A_603] : memref<2x8x8x128xf32, #tpu.memory_space<vmem>> -> memref<1x8x8x128xf32, #tpu.memory_space<vmem>>
      %dma_start3A_605 = tpu.memref_squeeze %dma_start3A_604 : memref<1x8x8x128xf32, #tpu.memory_space<vmem>> -> memref<8x8x128xf32, #tpu.memory_space<vmem>>
      tpu.enqueue_dma source(%dma_start3A_605 : memref<8x8x128xf32, #tpu.memory_space<vmem>>) target(%dma_start3A_600 : memref<8x8x128xf32, #tpu.memory_space<hbm>>) target_semaphore(%arg13 : memref<!tpu.dma_semaphore, #tpu.memory_space<semaphore_mem>>)
    }
    %scan3A_201 = arith.constant 100 : i32
    %dma_wait3A_202 = arith.constant 0 : i32
    %dma_wait3A_203 = arith.constant 0 : i32
    %dma_wait3A_204 = arith.constant 0 : i32
    %dma_wait3A_205 = arith.constant 0 : i32
    %dma_wait3A_206 = arith.constant 0 : i32
    %dma_wait3A_207 = tpu.memref_slice %arg7[%dma_wait3A_202, %dma_wait3A_204, %dma_wait3A_205, %dma_wait3A_206] : memref<2x8x8x128xf32, #tpu.memory_space<vmem>> -> memref<1x8x8x128xf32, #tpu.memory_space<vmem>>
    %dma_wait3A_208 = tpu.memref_squeeze %dma_wait3A_207 : memref<1x8x8x128xf32, #tpu.memory_space<vmem>> -> memref<8x8x128xf32, #tpu.memory_space<vmem>>
    %dma_wait3A_209 = arith.constant 0 : i32
    %dma_wait3A_210 = arith.constant 0 : i32
    %dma_wait3A_211 = arith.constant 0 : i32
    %dma_wait3A_212 = arith.constant 0 : i32
    %dma_wait3A_213 = tpu.memref_slice %arg4[%dma_wait3A_203, %dma_wait3A_209, %dma_wait3A_210, %dma_wait3A_211, %dma_wait3A_212] : memref<200x8x32x8x128xf32, #tpu.memory_space<hbm>> -> memref<1x8x32x8x128xf32, #tpu.memory_space<hbm>>
    %dma_wait3A_214 = tpu.memref_squeeze %dma_wait3A_213 : memref<1x8x32x8x128xf32, #tpu.memory_space<hbm>> -> memref<8x32x8x128xf32, #tpu.memory_space<hbm>>
    %dma_wait3A_215 = arith.constant 0 : i32
    %dma_wait3A_216 = arith.constant 0 : i32
    %dma_wait3A_217 = arith.constant 0 : i32
    %dma_wait3A_218 = tpu.memref_slice %dma_wait3A_214[%dma_wait3A_215, %add3A, %dma_wait3A_216, %dma_wait3A_217] : memref<8x32x8x128xf32, #tpu.memory_space<hbm>> -> memref<8x1x8x128xf32, #tpu.memory_space<hbm>>
    %dma_wait3A_219 = tpu.memref_squeeze %dma_wait3A_218 : memref<8x1x8x128xf32, #tpu.memory_space<hbm>> -> memref<8x8x128xf32, #tpu.memory_space<hbm>>
    %dma_wait3A_220 = arith.constant 0 : i32
    %dma_wait3A_221 = arith.constant 0 : i32
    %dma_wait3A_222 = arith.constant 0 : i32
    %dma_wait3A_223 = arith.constant 0 : i32
    %dma_wait3A_224 = tpu.memref_slice %arg4[%dma_wait3A_203, %dma_wait3A_220, %dma_wait3A_221, %dma_wait3A_222, %dma_wait3A_223] : memref<200x8x32x8x128xf32, #tpu.memory_space<hbm>> -> memref<1x8x32x8x128xf32, #tpu.memory_space<hbm>>
    %dma_wait3A_225 = tpu.memref_squeeze %dma_wait3A_224 : memref<1x8x32x8x128xf32, #tpu.memory_space<hbm>> -> memref<8x32x8x128xf32, #tpu.memory_space<hbm>>
    %dma_wait3A_226 = arith.constant 0 : i32
    %dma_wait3A_227 = arith.constant 0 : i32
    %dma_wait3A_228 = arith.constant 0 : i32
    %dma_wait3A_229 = tpu.memref_slice %dma_wait3A_225[%dma_wait3A_226, %add3A, %dma_wait3A_227, %dma_wait3A_228] : memref<8x32x8x128xf32, #tpu.memory_space<hbm>> -> memref<8x1x8x128xf32, #tpu.memory_space<hbm>>
    %dma_wait3A_230 = tpu.memref_squeeze %dma_wait3A_229 : memref<8x1x8x128xf32, #tpu.memory_space<hbm>> -> memref<8x8x128xf32, #tpu.memory_space<hbm>>
    %dma_wait3A_231 = arith.constant 0 : i32
    %dma_wait3A_232 = arith.constant 0 : i32
    %dma_wait3A_233 = arith.constant 0 : i32
    %dma_wait3A_234 = tpu.memref_slice %arg7[%dma_wait3A_202, %dma_wait3A_231, %dma_wait3A_232, %dma_wait3A_233] : memref<2x8x8x128xf32, #tpu.memory_space<vmem>> -> memref<1x8x8x128xf32, #tpu.memory_space<vmem>>
    %dma_wait3A_235 = tpu.memref_squeeze %dma_wait3A_234 : memref<1x8x8x128xf32, #tpu.memory_space<vmem>> -> memref<8x8x128xf32, #tpu.memory_space<vmem>>
    tpu.wait_dma2 semaphore(%arg12 : memref<!tpu.dma_semaphore, #tpu.memory_space<semaphore_mem>>) src(%dma_wait3A_235 : memref<8x8x128xf32, #tpu.memory_space<vmem>>) dst(%dma_wait3A_230 : memref<8x8x128xf32, #tpu.memory_space<hbm>>)
    %dma_wait3A_236 = arith.constant 1 : i32
    %dma_wait3A_237 = arith.constant 0 : i32
    %dma_wait3A_238 = arith.constant 0 : i32
    %dma_wait3A_239 = arith.constant 0 : i32
    %dma_wait3A_240 = arith.constant 0 : i32
    %dma_wait3A_241 = tpu.memref_slice %arg7[%dma_wait3A_236, %dma_wait3A_238, %dma_wait3A_239, %dma_wait3A_240] : memref<2x8x8x128xf32, #tpu.memory_space<vmem>> -> memref<1x8x8x128xf32, #tpu.memory_space<vmem>>
    %dma_wait3A_242 = tpu.memref_squeeze %dma_wait3A_241 : memref<1x8x8x128xf32, #tpu.memory_space<vmem>> -> memref<8x8x128xf32, #tpu.memory_space<vmem>>
    %dma_wait3A_243 = arith.constant 0 : i32
    %dma_wait3A_244 = arith.constant 0 : i32
    %dma_wait3A_245 = arith.constant 0 : i32
    %dma_wait3A_246 = arith.constant 0 : i32
    %dma_wait3A_247 = tpu.memref_slice %arg4[%dma_wait3A_237, %dma_wait3A_243, %dma_wait3A_244, %dma_wait3A_245, %dma_wait3A_246] : memref<200x8x32x8x128xf32, #tpu.memory_space<hbm>> -> memref<1x8x32x8x128xf32, #tpu.memory_space<hbm>>
    %dma_wait3A_248 = tpu.memref_squeeze %dma_wait3A_247 : memref<1x8x32x8x128xf32, #tpu.memory_space<hbm>> -> memref<8x32x8x128xf32, #tpu.memory_space<hbm>>
    %dma_wait3A_249 = arith.constant 0 : i32
    %dma_wait3A_250 = arith.constant 0 : i32
    %dma_wait3A_251 = arith.constant 0 : i32
    %dma_wait3A_252 = tpu.memref_slice %dma_wait3A_248[%dma_wait3A_249, %add3A, %dma_wait3A_250, %dma_wait3A_251] : memref<8x32x8x128xf32, #tpu.memory_space<hbm>> -> memref<8x1x8x128xf32, #tpu.memory_space<hbm>>
    %dma_wait3A_253 = tpu.memref_squeeze %dma_wait3A_252 : memref<8x1x8x128xf32, #tpu.memory_space<hbm>> -> memref<8x8x128xf32, #tpu.memory_space<hbm>>
    %dma_wait3A_254 = arith.constant 0 : i32
    %dma_wait3A_255 = arith.constant 0 : i32
    %dma_wait3A_256 = arith.constant 0 : i32
    %dma_wait3A_257 = arith.constant 0 : i32
    %dma_wait3A_258 = tpu.memref_slice %arg4[%dma_wait3A_237, %dma_wait3A_254, %dma_wait3A_255, %dma_wait3A_256, %dma_wait3A_257] : memref<200x8x32x8x128xf32, #tpu.memory_space<hbm>> -> memref<1x8x32x8x128xf32, #tpu.memory_space<hbm>>
    %dma_wait3A_259 = tpu.memref_squeeze %dma_wait3A_258 : memref<1x8x32x8x128xf32, #tpu.memory_space<hbm>> -> memref<8x32x8x128xf32, #tpu.memory_space<hbm>>
    %dma_wait3A_260 = arith.constant 0 : i32
    %dma_wait3A_261 = arith.constant 0 : i32
    %dma_wait3A_262 = arith.constant 0 : i32
    %dma_wait3A_263 = tpu.memref_slice %dma_wait3A_259[%dma_wait3A_260, %add3A, %dma_wait3A_261, %dma_wait3A_262] : memref<8x32x8x128xf32, #tpu.memory_space<hbm>> -> memref<8x1x8x128xf32, #tpu.memory_space<hbm>>
    %dma_wait3A_264 = tpu.memref_squeeze %dma_wait3A_263 : memref<8x1x8x128xf32, #tpu.memory_space<hbm>> -> memref<8x8x128xf32, #tpu.memory_space<hbm>>
    %dma_wait3A_265 = arith.constant 0 : i32
    %dma_wait3A_266 = arith.constant 0 : i32
    %dma_wait3A_267 = arith.constant 0 : i32
    %dma_wait3A_268 = tpu.memref_slice %arg7[%dma_wait3A_236, %dma_wait3A_265, %dma_wait3A_266, %dma_wait3A_267] : memref<2x8x8x128xf32, #tpu.memory_space<vmem>> -> memref<1x8x8x128xf32, #tpu.memory_space<vmem>>
    %dma_wait3A_269 = tpu.memref_squeeze %dma_wait3A_268 : memref<1x8x8x128xf32, #tpu.memory_space<vmem>> -> memref<8x8x128xf32, #tpu.memory_space<vmem>>
    tpu.wait_dma2 semaphore(%arg13 : memref<!tpu.dma_semaphore, #tpu.memory_space<semaphore_mem>>) src(%dma_wait3A_269 : memref<8x8x128xf32, #tpu.memory_space<vmem>>) dst(%dma_wait3A_264 : memref<8x8x128xf32, #tpu.memory_space<hbm>>)
    return
  }
}

</mosaic_0001>

<sc_bundles>
// kernel: kernel.3.cloned.1.call-start
scs
__scs_entry_jumppad:
0x0: {  	(pc) =	sbr.rel $0x88, $3  }
0x1: {  	(tag) =	ssettag $0x0;
	lr =	simm.s32 $0x1  }
0x2: {  	[smem:$0x3F9F] =	sst lr;
	_ =	strace $0xD0000000  }
0x3: {  	_ = 	snop  }
0x4: {  	_ = 	snop  }
0x5: {  	_ = 	snop  }
0x6: {  	_ = 	snop  }
0x7: {  	_ = 	snop  }
__scs_overlays_trampoline_lowered:
0x8: {  	[smem:$0x3FAE] =	sst s0  }
0x9: {  	[smem:$0x3FAF] =	sst s1  }
0xa: {  	[smem:$0x3FB0] =	sst s2  }
0xb: {  	[smem:$0x3FB1] =	sst s3  }
0xc: {  	[smem:$0x3FB2] =	sst s4  }
0xd: {  	[smem:$0x3FB3] =	sst s5  }
0xe: {  	[smem:$0x3FB4] =	sst s6  }
0xf: {  	[smem:$0x3FB5] =	sst s7  }
0x10: {  	[smem:$0x3FB6] =	sst s8  }
0x11: {  	[smem:$0x3FB7] =	sst s9;
	s0 =	simm.s32 @!p0 $0x0  }
0x12: {  	s1 =	sld [smem:$0x3F9D];
	s0 =	simm.s32 @p0 $0x1  }
0x13: {  	[smem:$0x3FB8] =	sst s0;
	s0 =	simm.s32 @!p1 $0x0  }
0x14: {  	s2 =	sld [smem:$0x3F9C];
	s0 =	simm.s32 @p1 $0x1  }
0x15: {  	[smem:$0x3FB9] =	sst s0;
	s0 =	simm.s32 @!p2 $0x0  }
0x16: {  	s3 =	sld [smem:$0x3FDB];
	s0 =	simm.s32 @p2 $0x1  }
0x17: {  	s4 =	simm.s32 $0x1BF5;
	[smem:$0x3FBB] =	sst s0  }
0x18: {  	s0 =	sld [smem:$0x3F9E];
	_ =	swait.ge [sflag:s4], $0x0  }
0x19: {  	s7 =	sld [smem:$0x3F9F]  }
0x1a: {  	s8 =	sadd.s32 $0xFFFFE003, lr  }
0x1b: {  	s9 =	sadd.s32 $0xFFFFFEF7, lr;
	s5 =	simm.s32 $0xFFFFFFFF;
	p2 =	slt.u32 s8, $0xFFFFF086  }
0x1c: {  	p1 =	slt.u32 s9, $0xF7A;
	s5 =	simm.s32 @!p2 $0x0  }
0x1d: {  	s5 =	simm.s32 @p1 $0x1;
	p0 =	seq.s32 s7, s2  }
0x1e: {  	s7 =	smul.u32 @!p0 $0xF7A, s2;
	p2 =	seq.s32 @!p0 s5, $0x0  }
0x1f: {  	s9 =	smul.u32 $0xF7A, s1;
	s8 =	simm.s32 @!p0 $0x1BF5;
	p2 =	por !p2, p0  }
0x20: {  	[sflag:s8] =	ssyncset.s32 @!p0 $0xFFFFF086;
	s6 =	sadd.s32 @!p0 s3, s7;
	s7 =	simm.s32 @!p0 $0x108  }
0x21: {  	s3 =	sadd.s32 s3, s9;
	s6 =	sadd.s32 @!p0 $0x88, s6;
	s7 =	simm.s32 @p2 $0x1082  }
0x22: {  	[simem:s7], [sflag:s8] =	dma.local @!p0 [hbm:s6], $0xF7A  }
0x23: {  	s9 =	sor.u32 $0xD0000000, s2;
	s6 =	simm.s32 $0x108;
	_ =	swait.ge @!p0 [sflag:s8], $0x0  }
0x24: {  	s3 =	sadd.s32 $0x88, s3;
	s6 =	simm.s32 @!p1 $0x1082;
	[sflag:s4] =	ssyncset.s32 $0xFFFFF086  }
0x25: {  	[simem:s6], [sflag:s4] =	dma.local [hbm:s3], $0xF7A  }
0x26: {  	[smem:$0x3F9F] =	sst s1;
	(tag) =	ssettag s2;
	_ =	strace s9  }
0x27: {  	s1 =	sld [smem:$0x3FAF]  }
0x28: {  	s2 =	sld [smem:$0x3FB0]  }
0x29: {  	s4 =	sld [smem:$0x3FB2]  }
0x2a: {  	p0 =	seq.s32 s5, $0x0;
	s5 =	sld [smem:$0x3FB3]  }
0x2b: {  	s6 =	sld [smem:$0x3FB4]  }
0x2c: {  	s7 =	sld [smem:$0x3FB5]  }
0x2d: {  	s3 =	simm.s32 $0x108;
	s8 =	sld [smem:$0x3FB6]  }
0x2e: {  	s3 =	simm.s32 @!p0 $0x1082;
	s9 =	sld [smem:$0x3FB7]  }
0x2f: {  	lr =	sadd.s32 s0, s3;
	s0 =	sld [smem:$0x3FAE]  }
0x30: {  	s3 =	sld [smem:$0x3FB1]  }
0x31: {  	[smem:$0x3FBA] =	sst s10  }
0x32: {  	s10 =	sld [smem:$0x3FB8];
	_ =	sdelay $0x3  }
0x33: {  	p0 =	seq.s32 s10, $0x1;
	s10 =	sld [smem:$0x3FBA];
	_ =	sdelay $0x3  }
0x34: {  	[smem:$0x3FBA] =	sst s10  }
0x35: {  	s10 =	sld [smem:$0x3FB9];
	_ =	sdelay $0x3  }
0x36: {  	p1 =	seq.s32 s10, $0x1;
	s10 =	sld [smem:$0x3FBA];
	_ =	sdelay $0x3  }
0x37: {  	[smem:$0x3FBA] =	sst s10  }
0x38: {  	s10 =	sld [smem:$0x3FBB]  }
0x39: {  	_ = 	snop;
	(pc) =	sbr.ind lr, $3  }
0x3a: {  	_ = 	snop  }
0x3b: {  	_ = 	snop  }
0x3c: {  	p2 =	seq.s32 s10, $0x1;
	s10 =	sld [smem:$0x3FBA]  }
0x3d: {  	_ =	shalt  }
0x3e: {  	_ =	shalt  }
0x3f: {  	_ =	shalt  }
0x40: {  	_ =	shalt  }
0x41: {  	_ =	shalt  }
0x42: {  	_ =	shalt  }
0x43: {  	_ =	shalt  }
0x44: {  	_ =	shalt  }
0x45: {  	_ =	shalt  }
0x46: {  	_ =	shalt  }
0x47: {  	_ =	shalt  }
0x48: {  	_ =	shalt  }
0x49: {  	_ =	shalt  }
0x4a: {  	_ =	shalt  }
0x4b: {  	_ =	shalt  }
0x4c: {  	_ =	shalt  }
0x4d: {  	_ =	shalt  }
0x4e: {  	_ =	shalt  }
0x4f: {  	_ =	shalt  }
0x50: {  	_ =	shalt  }
0x51: {  	_ =	shalt  }
0x52: {  	_ =	shalt  }
0x53: {  	_ =	shalt  }
0x54: {  	_ =	shalt  }
0x55: {  	_ =	shalt  }
0x56: {  	_ =	shalt  }
0x57: {  	_ =	shalt  }
0x58: {  	_ =	shalt  }
0x59: {  	_ =	shalt  }
0x5a: {  	_ =	shalt  }
0x5b: {  	_ =	shalt  }
0x5c: {  	_ =	shalt  }
0x5d: {  	_ =	shalt  }
0x5e: {  	_ =	shalt  }
0x5f: {  	_ =	shalt  }
0x60: {  	_ =	shalt  }
0x61: {  	_ =	shalt  }
0x62: {  	_ =	shalt  }
0x63: {  	_ =	shalt  }
0x64: {  	_ =	shalt  }
0x65: {  	_ =	shalt  }
0x66: {  	_ =	shalt  }
0x67: {  	_ =	shalt  }
0x68: {  	_ =	shalt  }
0x69: {  	_ =	shalt  }
0x6a: {  	_ =	shalt  }
0x6b: {  	_ =	shalt  }
0x6c: {  	_ =	shalt  }
0x6d: {  	_ =	shalt  }
0x6e: {  	_ =	shalt  }
0x6f: {  	_ =	shalt  }
0x70: {  	_ =	shalt  }
0x71: {  	_ =	shalt  }
0x72: {  	_ =	shalt  }
0x73: {  	_ =	shalt  }
0x74: {  	_ =	shalt  }
0x75: {  	_ =	shalt  }
0x76: {  	_ =	shalt  }
0x77: {  	_ =	shalt  }
0x78: {  	_ =	shalt  }
0x79: {  	_ =	shalt  }
0x7a: {  	_ =	shalt  }
0x7b: {  	_ =	shalt  }
0x7c: {  	_ =	shalt  }
0x7d: {  	_ =	shalt  }
0x7e: {  	_ =	shalt  }
0x7f: {  	_ =	shalt  }
0x80: {  	_ =	shalt  }
0x81: {  	_ =	shalt  }
0x82: {  	_ =	shalt  }
0x83: {  	_ =	shalt  }
0x84: {  	_ =	shalt  }
0x85: {  	_ =	shalt  }
0x86: {  	_ =	shalt  }
0x87: {  	_ =	shalt  }
.Lfunc_end0:
.L_simem_size_0:
called_computation_lowered:
.L_overlay_start_0:
0x88: {  	s2 =	sld [smem:$0x3FD9]  }
0x89: {  	s3 =	sld [smem:$0x3FFE];
	_ =	sdelay $0x1  }
0x8a: {  	s1 =	srdreg.scid  }
0x8b: {  	s0 =	sand.u32 $0x1, s1  }
0x8c: {  	s17 =	sshll.u32 s0, $0xA;
	s2 =	sadd.s32 s3, s2  }
0x8d: {  	s2 =	sadd.s32 s2, s17  }
0x8e: {  	[smem:$0x3FC6] =	sst s2  }
0x8f: {  	_ = 	snop  }
0x90: {  	s2 =	sld [smem:$0x3FC9]  }
0x91: {  	s18 =	sld [smem:$0x3FD0];
	(tm) =	ssettm $0x1  }
0x92: {  	s4 =	sld [smem:$0x3FFB];
	_ =	sdelay $0x3  }
0x93: {  	_ =	strace s4  }
0x94: {  	s4 =	sld [smem:$0x3FFC];
	_ =	sdelay $0x3  }
0x95: {  	_ =	strace s4  }
0x96: {  	s4 =	sld [smem:$0x3FFD];
	_ =	sdelay $0x3  }
0x97: {  	_ =	strace s4  }
0x98: {  	_ =	strace $0x8FFFFFFF  }
0x99: {  	s19 =	sld [smem:$0x3FDB];
	_ =	sdelay $0x1  }
0x9a: {  	s5 =	simm.s32 $_scs_section_size  }
0x9b: {  	s6 =	simm.s32 $_size__tile_overlayer_lowered;
	s7 =	simm.s32 $_tile_overlayer_lowered  }
0x9c: {  	s22 =	simm.s32 $0x1BFF;
	s21 =	sshll.u32 s7, $0x1;
	s4 =	sadd.s32 s5, s19  }
0x9d: {  	s8 =	simm.s32 $0x0;
	s20 =	sshll.u32 s6, $0x1;
	s6 =	sadd.s32 s21, s4  }
0x9e: {  	[timem:s8], [sflag:s22] =	dma.local [hbm:s6], s20  }
0x9f: {  	_ =	swait.ge [sflag:s22], s20  }
0xa0: {  	s5 =	ssub.s32 $0x0, s20;
	[sflag:s22] =	ssyncset.done $0x0  }
0xa1: {  	[sflag:s22] =	ssyncadd.s32 s5;
	_ =	sdelay $0x1  }
0xa2: {  	s23 =	simm.s32 $0x1B8B  }
0xa3: {  	_ =	swait.ge [sflag:s23], $0x1  }
0xa4: {  	[sflag:s23] =	ssyncset.done $0x0  }
0xa5: {  	s25 =	simm.s32 $0x1B8E;
	s24 =	sld [smem:$0x3FFE];
	[sflag:s23] =	ssyncadd.s32 $0xFFFFFFFF  }
0xa6: {  	s26 =	simm.s32 $execute0_lowered;
	[smem:$0x3FD2] =	sst s25  }
0xa7: {  	s6 =	sshll.u32 s26, $0x1;
	_ =	strace $0x80000046;
	[dreg:$0x1] =	wrdreg $0xFFFFFFFF  }
0xa8: {  	s28 =	simm.s32 $_size_execute0_lowered;
	s4 =	sadd.s32 s4, s6;
	[dreg:$0x0] =	wrdreg $0x0  }
0xa9: {  	s6 =	sshll.u32 s28, $0x1;
	[dreg:$0x2] =	wrdreg s4  }
0xaa: {  	[dreg:$0x3] =	wrdreg s6  }
0xab: {  	[dreg:$0x4] =	wrdreg $0xC0  }
0xac: {  	_ =	task [dreg:s8], $0x5FFFF  }
0xad: {  	[dreg:$0x1] =	wrdreg $0xFFFFFFFF  }
0xae: {  	[dreg:$0x0] =	wrdreg $0x60  }
0xaf: {  	[dreg:$0x2] =	wrdreg s24  }
0xb0: {  	[dreg:$0x3] =	wrdreg s2  }
0xb1: {  	[dreg:$0x4] =	wrdreg s18  }
0xb2: {  	[dreg:$0x5] =	wrdreg $0x9  }
0xb3: {  	_ =	task.clear_ibuf [dreg:s8], $0x6FFFF;
	_ =	strace $0x90000046  }
0xb4: {  	s29 =	simm.s32 $0x9;
	_ =	strace $0x80000048  }
0xb5: {  	_ =	swait.ge [sflag:s29], $0x1  }
0xb6: {  	[sflag:s29] =	ssyncadd.s32 $0xFFFFFFFF  }
0xb7: {  	_ =	strace $0x90000048  }
0xb8: {  	_ =	sfence  }
0xb9: {  	s30 =	sld [smem:$0x0];
	_ =	sdelay $0x2  }
0xba: {  	s31 =	sshll.u32 s1, $0xD;
	s1 =	sshrl.u32 s1, $0x2  }
0xbb: {  	s3 =	sand.u32 $0x4000, s31;
	s1 =	sadd.s32 s1, s30  }
0xbc: {  	s0 =	sor.u32 s3, s0;
	s1 =	sshll.u32 s1, $0x11  }
0xbd: {  	s0 =	sor.u32 s1, s0  }
0xbe: {  	s0 =	sadd.s32 $0x8F2B, s0  }
0xbf: {  	[sflag:s0] =	ssyncadd.remote.s32 $0x1  }
0xc0: {  	_ =	sfence.sel $0xFFFF  }
0xc1: {  	[dreg:$0x0] =	wrdreg $0xFFFFFFFF;
	(pc) =	sbr.abs _section_cstart, $3  }
0xc2: {  	[dreg:$0x1] =	wrdreg $0xFFFFFFFF  }
0xc3: {  	_ =	task.clear_ibuf [dreg:s8], $0x2FFFF;
	_ =	strace $0x9FFFFFFF  }
0xc4: {  	(tm) =	ssettm $0x7FFFFFFF  }
0xc5: {  	_ =	shalt  }
tec
execute0_lowered:
.L_overlay_start_1:
0x0: {  	(tag) =	ssettag $0x1  }
0x1: {  	s0 =	rddreg [dreg:$0x0]  }
0x2: {  	s1 =	rddreg [dreg:$0x1]  }
0x3: {  	s3 =	rddreg [dreg:$0x2];
	s2 =	srdreg.scid  }
0x4: {  	s4 =	simm.s32 $0x0;
	s5 =	stileid.u32;
	s11 =	simm.s32 $0x80  }
0x5: {  	s13 =	simm.s32 $0x20;
	s14 =	simm.s32 $0x100;
	s20 =	simm.s32 $0x3  }
0x6: {  	s21 =	simm.s32 $0x2;
	s22 =	simm.s32 $0x2100;
	s23 =	simm.s32 $0xA0  }
0x7: {  	s24 =	simm.s32 $0x2900;
	s28 =	simm.s32 $0xE0;
	s29 =	simm.s32 $0x3900  }
0x8: {  	s30 =	simm.s32 $0x4100;
	s31 =	simm.s32 $0x400;
	s15 =	simm.s32 $0x6100  }
0x9: {  	s16 =	simm.s32 $0x5;
	s17 =	simm.s32 $0x6;
	s18 =	simm.s32 $0x0  }
0xa: {  	s2 =	sand.u32 $0x1, s2;
	[smem:$0x7FF] =	sst s4;
	s5 =	sshll.u32 s5, $0x8  }
0xb: {  	v0 =	vlaneseq.u32;
	s9 =	sadd.s32 $0x8000, s3;
	s6 =	sshll.u32 s2, $0x7;
	s2 =	ssub.s32 $0x2, s2  }
0xc: {  	v1 =	vmul.u32 $0x40, v0;
	v3 =	vor.u32 $0x10, v0;
	v5 =	vor.u32 $0x20, v0;
	_ =	strace $0x80000047;
	s5 =	sor.u32 s6, s5;
	s25 =	sshrl.u32 s2, $0x1  }
0xd: {  	v7 =	vor.u32 $0x30, v0;
	v9 =	vor.u32 $0x40, v0;
	v11 =	vor.u32 $0x50, v0;
	s6 =	sadd.s32 $0x400, s0;
	s7 =	sadd.s32 s1, s5;
	s0 =	ssub.s32 s2, s25  }
0xe: {  	v13 =	vor.u32 $0x60, v0;
	v15 =	vor.u32 $0x70, v0;
	v2 =	vor.u32 $0x400, v1;
	s25 =	simm.s32 $0xC0;
	[dreg:$0x4] =	wrdreg s7;
	s26 =	sadd.s32 $0x10, s7  }
0xf: {  	v4 =	vor.u32 $0x800, v1;
	v6 =	vor.u32 $0xC00, v1;
	v8 =	vor.u32 $0x1000, v1;
	s2 =	simm.s32 $0x4;
	s0 =	smax.u32 s0, $0x1;
	[dreg:$0x5] =	wrdreg s26  }
0x10: {  	v10 =	vor.u32 $0x1400, v1;
	v12 =	vor.u32 $0x1800, v1;
	v14 =	vor.u32 $0x1C00, v1;
	[dreg:$0x6] =	wrdreg s0;
	s26 =	simm.s32 $0x3100;
	s0 =	simm.s32 $0x8000  }
.LBB2_1:
0x11: {  	s7 =	rddreg [dreg:$0x4]  }
0x12: {  	[tilespmem:s4], [sflag:$0x1] =	stream.linear.gather [hbm4b:s7+s4], $0x80, $0x38;
	[tilespmem:$0x8100] =	vst v63  }
0x13: {  	s12 =	rddreg [dreg:$0x5];
	s19 =	simm.s32 $0x1  }
0x14: {  	[tilespmem:s11], [sflag:$0x2] =	stream.linear.gather [hbm4b:s12+s4], $0x80, $0x38;
	[tilespmem:$0x8100] =	vst v63  }
0x15: {  	_ =	swait.ge [sflag:s19], $0x80  }
0x16: {  	[sflag:s19] =	ssyncset.done $0x0  }
0x17: {  	[sflag:s19] =	ssyncadd.s32 $0xFFFFFF80  }
0x18: {  	[tilespmem:s14], [sflag:$0x3] =	stream.indirect.gather [hbm4b:s6+s13], $0x40, s4, s13, $0xb8;
	[tilespmem:$0x8100] =	vst v63  }
0x19: {  	s8 =	simm.s32 $0x900  }
0x1a: {  	[tilespmem:s8], [sflag:$0x3] =	stream.indirect.gather [hbm4b:s6+s13], $0x40, s13, s13, $0xb8;
	[tilespmem:$0x8100] =	vst v63  }
0x1b: {  	s10 =	simm.s32 $0x40;
	s8 =	simm.s32 $0x1100  }
0x1c: {  	[tilespmem:s8], [sflag:$0x3] =	stream.indirect.gather [hbm4b:s6+s13], $0x40, s10, s13, $0xb8;
	[tilespmem:$0x8100] =	vst v63  }
0x1d: {  	s12 =	simm.s32 $0x60;
	s19 =	simm.s32 $0x1900  }
0x1e: {  	[tilespmem:s19], [sflag:$0x3] =	stream.indirect.gather [hbm4b:s6+s13], $0x40, s12, s13, $0xb8;
	[tilespmem:$0x8100] =	vst v63  }
0x1f: {  	s19 =	simm.s32 $0x0  }
.LBB2_2:
0x20: {  	_ =	swait.ge [sflag:s20], $0x800  }
0x21: {  	[sflag:s20] =	ssyncset.done $0x0  }
0x22: {  	[sflag:s20] =	ssyncadd.s32 $0xFFFFF800  }
0x23: {  	_ =	swait.ge [sflag:s20], $0x800  }
0x24: {  	[sflag:s20] =	ssyncset.done $0x0  }
0x25: {  	s10 =	sshll.u32 s19, $0x1;
	p0 =	seq.s32 s19, $0x63;
	[sflag:s20] =	ssyncadd.s32 $0xFFFFF800  }
0x26: {  	s7 =	sadd.s32 @!p0 $0x2, s10;
	_ =	swait.ge [sflag:s20], $0x800  }
0x27: {  	s8 =	sshll.u32 @!p0 s7, $0x9;
	[sflag:s20] =	ssyncset.done $0x0  }
0x28: {  	s8 =	sand.u32 @!p0 $0x3F000, s8;
	[sflag:s20] =	ssyncadd.s32 $0xFFFFF800  }
0x29: {  	s7 =	sshll.u32 @!p0 s7, $0x4;
	s8 =	sadd.s32 @!p0 s1, s8;
	_ =	swait.ge [sflag:s20], $0x800  }
0x2a: {  	s7 =	sand.u32 @!p0 $0x60, s7;
	s8 =	sadd.s32 @!p0 s5, s8;
	[sflag:s20] =	ssyncset.done $0x0  }
0x2b: {  	s7 =	sadd.s32 @!p0 s7, s8;
	s8 =	simm.s32 @!p0 $0x0;
	[sflag:s20] =	ssyncadd.s32 $0xFFFFF800  }
0x2c: {  	[tilespmem:s8], [sflag:$0x1] =	stream.linear.gather @!p0 [hbm4b:s7+s8], $0x80, $0x38;
	[tilespmem:$0x8100] =	vst v63  }
0x2d: {  	_ =	swait.ge [sflag:s21], $0x80  }
0x2e: {  	[sflag:s21] =	ssyncset.done $0x0  }
0x2f: {  	[sflag:s21] =	ssyncadd.s32 $0xFFFFFF80  }
0x30: {  	[tilespmem:s22], [sflag:$0x4] =	stream.indirect.gather [hbm4b:s6+s13], $0x40, s11, s13, $0xb8;
	[tilespmem:$0x8100] =	vst v63  }
0x31: {  	s12 =	simm.s32 $0x0  }
0x32: {  	[tilespmem:s24], [sflag:$0x4] =	stream.indirect.gather [hbm4b:s6+s13], $0x40, s23, s13, $0xb8;
	[tilespmem:$0x8100] =	vst v63  }
0x33: {  	p1 =	seq.s32 s19, $0x0;
	v26 =	vadd.s32 s12, v0;
	s8 =	simm.s32 $0x1  }
0x34: {  	v18 =	vand.u32 $0xF, v26;
	[tilespmem:s26], [sflag:$0x4] =	stream.indirect.gather [hbm4b:s6+s13], $0x40, s25, s13, $0xb8;
	[tilespmem:$0x8100] =	vst v63  }
0x35: {  	v16 =	vor.u32 v1, v18;
	s7 =	simm.s32 @!p1 $0x5;
	v25 =	vadd.s32 s8, v0  }
0x36: {  	v17 =	vand.u32 $0xF, v25;
	[tilespmem:s29], [sflag:$0x4] =	stream.indirect.gather [hbm4b:s6+s13], $0x40, s28, s13, $0xb8;
	[tilespmem:$0x8100] =	vst v63  }
0x37: {  	v19 =	vor.u32 v1, v17;
	_ =	swait.ge @!p1 [sflag:s7], $0x2000  }
0x38: {  	v20 =	vshll.u32 v26, $0x7;
	[sflag:s7] =	ssyncset.done @!p1 $0x0  }
0x39: {  	v21 =	vand.u32 $0x780, v20;
	[sflag:s7] =	ssyncadd.s32 @!p1 $0xFFFFE000  }
0x3a: {  	v23 =	vor.u32 v0, v21;
	v22 =	vshll.u32 v25, $0x7;
	v16 =	vld.idx.msk [tilespmem:v16+s14+$0x0], $0xffff  }
0x3b: {  	v27 =	vor.u32 v2, v18;
	v24 =	vand.u32 $0x780, v22  }
0x3c: {  	v28 =	vor.u32 v0, v24;
	v19 =	vld.idx.msk [tilespmem:v19+s14+$0x0], $0xffff  }
0x3d: {  	v29 =	vor.u32 v2, v17;
	_ =	sdelay $0x1  }
0x3e: {  	[tilespmem:v23+s30+$0x0] =	vst.idx.msk $0xffff, v16  }
0x3f: {  	v23 =	vor.u32 v3, v21;
	v16 =	vld.idx.msk [tilespmem:v27+s14+$0x0], $0xffff  }
0x40: {  	[tilespmem:v28+s30+$0x0] =	vst.idx.msk $0xffff, v19;
	v19 =	vor.u32 v4, v18  }
0x41: {  	v28 =	vor.u32 v3, v24;
	v27 =	vld.idx.msk [tilespmem:v29+s14+$0x0], $0xffff  }
0x42: {  	v29 =	vor.u32 v4, v17;
	_ =	sdelay $0x1  }
0x43: {  	[tilespmem:v23+s30+$0x0] =	vst.idx.msk $0xffff, v16  }
0x44: {  	v16 =	vld.idx.msk [tilespmem:v19+s14+$0x0], $0xffff;
	v19 =	vor.u32 v5, v21  }
0x45: {  	[tilespmem:v28+s30+$0x0] =	vst.idx.msk $0xffff, v27;
	v23 =	vor.u32 v6, v18  }
0x46: {  	v28 =	vor.u32 v5, v24;
	v27 =	vld.idx.msk [tilespmem:v29+s14+$0x0], $0xffff  }
0x47: {  	v29 =	vor.u32 v6, v17;
	_ =	sdelay $0x1  }
0x48: {  	[tilespmem:v19+s30+$0x0] =	vst.idx.msk $0xffff, v16  }
0x49: {  	v16 =	vor.u32 v7, v21;
	v19 =	vld.idx.msk [tilespmem:v23+s14+$0x0], $0xffff  }
0x4a: {  	[tilespmem:v28+s30+$0x0] =	vst.idx.msk $0xffff, v27;
	v23 =	vor.u32 v8, v18  }
0x4b: {  	v28 =	vor.u32 v7, v24;
	v27 =	vld.idx.msk [tilespmem:v29+s14+$0x0], $0xffff  }
0x4c: {  	v29 =	vor.u32 v8, v17;
	_ =	sdelay $0x1  }
0x4d: {  	[tilespmem:v16+s30+$0x0] =	vst.idx.msk $0xffff, v19  }
0x4e: {  	v19 =	vor.u32 v9, v21;
	v16 =	vld.idx.msk [tilespmem:v23+s14+$0x0], $0xffff  }
0x4f: {  	[tilespmem:v28+s30+$0x0] =	vst.idx.msk $0xffff, v27;
	v23 =	vor.u32 v10, v18  }
0x50: {  	v28 =	vor.u32 v9, v24;
	v27 =	vld.idx.msk [tilespmem:v29+s14+$0x0], $0xffff  }
0x51: {  	v29 =	vor.u32 v10, v17;
	_ =	sdelay $0x1  }
0x52: {  	[tilespmem:v19+s30+$0x0] =	vst.idx.msk $0xffff, v16  }
0x53: {  	v19 =	vor.u32 v11, v21;
	v16 =	vld.idx.msk [tilespmem:v23+s14+$0x0], $0xffff  }
0x54: {  	[tilespmem:v28+s30+$0x0] =	vst.idx.msk $0xffff, v27;
	v23 =	vor.u32 v12, v18  }
0x55: {  	v28 =	vor.u32 v11, v24;
	v27 =	vld.idx.msk [tilespmem:v29+s14+$0x0], $0xffff  }
0x56: {  	v29 =	vor.u32 v12, v17;
	_ =	sdelay $0x1  }
0x57: {  	[tilespmem:v19+s30+$0x0] =	vst.idx.msk $0xffff, v16  }
0x58: {  	v19 =	vor.u32 v13, v21;
	v16 =	vld.idx.msk [tilespmem:v23+s14+$0x0], $0xffff  }
0x59: {  	[tilespmem:v28+s30+$0x0] =	vst.idx.msk $0xffff, v27;
	v23 =	vor.u32 v14, v18  }
0x5a: {  	v28 =	vor.u32 v13, v24;
	v27 =	vld.idx.msk [tilespmem:v29+s14+$0x0], $0xffff  }
0x5b: {  	v29 =	vor.u32 v14, v17;
	_ =	sdelay $0x1  }
0x5c: {  	v30 =	vor.u32 $0x10, v26;
	[tilespmem:v19+s30+$0x0] =	vst.idx.msk $0xffff, v16  }
0x5d: {  	v31 =	vand.u32 $0x1F, v30;
	v19 =	vor.u32 v15, v21;
	v16 =	vld.idx.msk [tilespmem:v23+s14+$0x0], $0xffff  }
0x5e: {  	[tilespmem:v28+s30+$0x0] =	vst.idx.msk $0xffff, v27;
	v21 =	vor.u32 $0x10, v25;
	v23 =	vor.u32 v1, v31  }
0x5f: {  	v24 =	vor.u32 v15, v24;
	v27 =	vld.idx.msk [tilespmem:v29+s14+$0x0], $0xffff;
	v32 =	vand.u32 $0x1F, v21  }
0x60: {  	v28 =	vshll.u32 v30, $0x7;
	v33 =	vor.u32 v1, v32  }
0x61: {  	v29 =	vand.u32 $0x380, v20;
	v20 =	vand.u32 $0xC00, v28  }
0x62: {  	v21 =	vshll.u32 v21, $0x7;
	v34 =	vor.u32 v29, v20;
	[tilespmem:v19+s30+$0x0] =	vst.idx.msk $0xffff, v16  }
0x63: {  	v28 =	vand.u32 $0x380, v22;
	v16 =	vand.u32 $0xC00, v21;
	v19 =	vor.u32 v0, v34;
	v20 =	vld.idx.msk [tilespmem:v23+s14+$0x0], $0xffff  }
0x64: {  	[tilespmem:v24+s30+$0x0] =	vst.idx.msk $0xffff, v27;
	v24 =	vor.u32 v28, v16;
	v16 =	vor.u32 v2, v31  }
0x65: {  	v21 =	vld.idx.msk [tilespmem:v33+s14+$0x0], $0xffff;
	v22 =	vor.u32 v0, v24  }
0x66: {  	v23 =	vor.u32 v2, v32;
	_ =	sdelay $0x1  }
0x67: {  	[tilespmem:v19+s30+$0x0] =	vst.idx.msk $0xffff, v20  }
0x68: {  	v51 =	vor.u32 v3, v34;
	v20 =	vld.idx.msk [tilespmem:v16+s14+$0x0], $0xffff  }
0x69: {  	s12 =	simm.s32 $0x2;
	[tilespmem:v22+s30+$0x0] =	vst.idx.msk $0xffff, v21;
	v21 =	vor.u32 v4, v31  }
0x6a: {  	s8 =	simm.s32 $0x3;
	v35 =	vor.u32 v3, v24;
	v22 =	vadd.s32 s12, v0;
	v23 =	vld.idx.msk [tilespmem:v23+s14+$0x0], $0xffff  }
0x6b: {  	v36 =	vor.u32 v4, v32;
	v16 =	vadd.s32 s8, v0;
	v30 =	vand.u32 $0xF, v22  }
0x6c: {  	v27 =	vand.u32 $0xF, v16;
	v37 =	vor.u32 v1, v30  }
0x6d: {  	v52 =	vor.u32 v1, v27;
	[tilespmem:v51+s30+$0x0] =	vst.idx.msk $0xffff, v20  }
0x6e: {  	v39 =	vor.u32 v5, v34;
	v38 =	vld.idx.msk [tilespmem:v21+s14+$0x0], $0xffff  }
0x6f: {  	v53 =	vor.u32 v6, v31;
	v19 =	vshll.u32 v22, $0x7;
	[tilespmem:v35+s30+$0x0] =	vst.idx.msk $0xffff, v23  }
0x70: {  	v40 =	vor.u32 v5, v24;
	v20 =	vshll.u32 v16, $0x7;
	v21 =	vand.u32 $0x780, v19;
	v36 =	vld.idx.msk [tilespmem:v36+s14+$0x0], $0xffff  }
0x71: {  	v42 =	vor.u32 v6, v32;
	v23 =	vand.u32 $0x780, v20;
	v37 =	vld.idx.msk [tilespmem:v37+s14+$0x0], $0xffff;
	v41 =	vor.u32 v0, v21  }
0x72: {  	v43 =	vor.u32 v2, v30;
	v33 =	vld.idx.msk [tilespmem:v52+s14+$0x0], $0xffff;
	v44 =	vor.u32 v0, v23  }
0x73: {  	v54 =	vor.u32 v2, v27;
	[tilespmem:v39+s30+$0x0] =	vst.idx.msk $0xffff, v38  }
0x74: {  	v55 =	vor.u32 v7, v34;
	v35 =	vld.idx.msk [tilespmem:v53+s14+$0x0], $0xffff  }
0x75: {  	v56 =	vor.u32 v8, v31;
	[tilespmem:v40+s30+$0x0] =	vst.idx.msk $0xffff, v36  }
0x76: {  	v58 =	vor.u32 v7, v24;
	[tilespmem:v41+s30+$0x0] =	vst.idx.msk $0xffff, v37;
	v57 =	vld.idx.msk [tilespmem:v42+s14+$0x0], $0xffff  }
0x77: {  	v60 =	vor.u32 v8, v32;
	v59 =	vor.u32 v3, v21;
	[tilespmem:v44+s30+$0x0] =	vst.idx.msk $0xffff, v33;
	v41 =	vld.idx.msk [tilespmem:v43+s14+$0x0], $0xffff  }
0x78: {  	v45 =	vor.u32 v4, v30;
	v61 =	vor.u32 v3, v23;
	v33 =	vld.idx.msk [tilespmem:v54+s14+$0x0], $0xffff  }
0x79: {  	v62 =	vor.u32 v4, v27;
	[tilespmem:v55+s30+$0x0] =	vst.idx.msk $0xffff, v35  }
0x7a: {  	v63 =	vor.u32 v9, v34;
	v36 =	vld.idx.msk [tilespmem:v56+s14+$0x0], $0xffff  }
0x7b: {  	v48 =	vor.u32 v10, v31;
	[tilespmem:v58+s30+$0x0] =	vst.idx.msk $0xffff, v57  }
0x7c: {  	v49 =	vor.u32 v9, v24;
	[tilespmem:v59+s30+$0x0] =	vst.idx.msk $0xffff, v41;
	v40 =	vld.idx.msk [tilespmem:v60+s14+$0x0], $0xffff  }
0x7d: {  	v51 =	vor.u32 v10, v32;
	v50 =	vor.u32 v5, v21;
	[tilespmem:v61+s30+$0x0] =	vst.idx.msk $0xffff, v33;
	v42 =	vld.idx.msk [tilespmem:v45+s14+$0x0], $0xffff  }
0x7e: {  	v52 =	vor.u32 v6, v30;
	v53 =	vor.u32 v5, v23;
	v33 =	vld.idx.msk [tilespmem:v62+s14+$0x0], $0xffff  }
0x7f: {  	v54 =	vor.u32 v6, v27;
	[tilespmem:v63+s30+$0x0] =	vst.idx.msk $0xffff, v36  }
0x80: {  	v55 =	vor.u32 v11, v34;
	v37 =	vld.idx.msk [tilespmem:v48+s14+$0x0], $0xffff  }
0x81: {  	v56 =	vor.u32 v12, v31;
	[tilespmem:v49+s30+$0x0] =	vst.idx.msk $0xffff, v40  }
0x82: {  	v57 =	vor.u32 v11, v24;
	[tilespmem:v50+s30+$0x0] =	vst.idx.msk $0xffff, v42;
	v40 =	vld.idx.msk [tilespmem:v51+s14+$0x0], $0xffff  }
0x83: {  	v58 =	vor.u32 v7, v21;
	v59 =	vor.u32 v12, v32;
	[tilespmem:v53+s30+$0x0] =	vst.idx.msk $0xffff, v33;
	v43 =	vld.idx.msk [tilespmem:v52+s14+$0x0], $0xffff  }
0x84: {  	v61 =	vor.u32 v7, v23;
	v60 =	vor.u32 v8, v30;
	v33 =	vld.idx.msk [tilespmem:v54+s14+$0x0], $0xffff  }
0x85: {  	v62 =	vor.u32 v8, v27;
	[tilespmem:v55+s30+$0x0] =	vst.idx.msk $0xffff, v37  }
0x86: {  	v63 =	vor.u32 v13, v34;
	v37 =	vld.idx.msk [tilespmem:v56+s14+$0x0], $0xffff  }
0x87: {  	v31 =	vor.u32 v14, v31;
	[tilespmem:v57+s30+$0x0] =	vst.idx.msk $0xffff, v40  }
0x88: {  	v18 =	vor.u32 $0x20, v18;
	v49 =	vor.u32 v13, v24;
	[tilespmem:v58+s30+$0x0] =	vst.idx.msk $0xffff, v43;
	v48 =	vld.idx.msk [tilespmem:v59+s14+$0x0], $0xffff  }
0x89: {  	v32 =	vor.u32 v14, v32;
	v50 =	vor.u32 v9, v21;
	[tilespmem:v61+s30+$0x0] =	vst.idx.msk $0xffff, v33;
	v42 =	vld.idx.msk [tilespmem:v60+s14+$0x0], $0xffff  }
0x8a: {  	v17 =	vor.u32 $0x20, v17;
	v53 =	vor.u32 v9, v23;
	v51 =	vor.u32 v10, v30;
	v35 =	vld.idx.msk [tilespmem:v62+s14+$0x0], $0xffff  }
0x8b: {  	v52 =	vand.u32 $0x7, v26;
	v54 =	vand.u32 $0x28, v18;
	v55 =	vor.u32 v10, v27;
	[tilespmem:v63+s30+$0x0] =	vst.idx.msk $0xffff, v37  }
0x8c: {  	v24 =	vor.u32 v15, v24;
	v40 =	vor.u32 v52, v54;
	v56 =	vor.u32 v15, v34;
	v31 =	vld.idx.msk [tilespmem:v31+s14+$0x0], $0xffff  }
0x8d: {  	v57 =	vand.u32 $0x7, v25;
	v58 =	vand.u32 $0x28, v17;
	v59 =	vor.u32 v1, v40;
	[tilespmem:v49+s30+$0x0] =	vst.idx.msk $0xffff, v48  }
0x8e: {  	v18 =	vshll.u32 v18, $0x7;
	v43 =	vor.u32 v57, v58;
	[tilespmem:v50+s30+$0x0] =	vst.idx.msk $0xffff, v42;
	v32 =	vld.idx.msk [tilespmem:v32+s14+$0x0], $0xffff  }
0x8f: {  	v61 =	vor.u32 v11, v21;
	v62 =	vor.u32 v1, v43;
	[tilespmem:v53+s30+$0x0] =	vst.idx.msk $0xffff, v35;
	v60 =	vld.idx.msk [tilespmem:v51+s14+$0x0], $0xffff  }
0x90: {  	v47 =	vor.u32 v11, v23;
	v18 =	vand.u32 $0x1400, v18;
	v63 =	vor.u32 v12, v30;
	v35 =	vld.idx.msk [tilespmem:v55+s14+$0x0], $0xffff  }
0x91: {  	v17 =	vshll.u32 v17, $0x7;
	v42 =	vor.u32 v29, v18;
	v18 =	vor.u32 v12, v27;
	[tilespmem:v56+s30+$0x0] =	vst.idx.msk $0xffff, v31  }
0x92: {  	v17 =	vand.u32 $0x1400, v17;
	v48 =	vor.u32 v0, v42;
	v33 =	vld.idx.msk [tilespmem:v59+s14+$0x0], $0xffff  }
0x93: {  	v31 =	vor.u32 v28, v17;
	v17 =	vor.u32 v2, v40;
	[tilespmem:v24+s30+$0x0] =	vst.idx.msk $0xffff, v32  }
0x94: {  	[tilespmem:v61+s30+$0x0] =	vst.idx.msk $0xffff, v60;
	v49 =	vor.u32 v0, v31;
	v24 =	vld.idx.msk [tilespmem:v62+s14+$0x0], $0xffff  }
0x95: {  	v50 =	vor.u32 v13, v21;
	v51 =	vor.u32 v2, v43;
	[tilespmem:v47+s30+$0x0] =	vst.idx.msk $0xffff, v35;
	v34 =	vld.idx.msk [tilespmem:v63+s14+$0x0], $0xffff  }
0x96: {  	v52 =	vor.u32 v14, v30;
	v53 =	vor.u32 v13, v23;
	v18 =	vld.idx.msk [tilespmem:v18+s14+$0x0], $0xffff  }
0x97: {  	v54 =	vor.u32 v14, v27;
	[tilespmem:v48+s30+$0x0] =	vst.idx.msk $0xffff, v33  }
0x98: {  	v21 =	vor.u32 v15, v21;
	v57 =	vor.u32 v3, v42;
	v56 =	vld.idx.msk [tilespmem:v17+s14+$0x0], $0xffff  }
0x99: {  	v23 =	vor.u32 v15, v23;
	[tilespmem:v49+s30+$0x0] =	vst.idx.msk $0xffff, v24;
	v24 =	vor.u32 v4, v40  }
0x9a: {  	v55 =	vor.u32 $0x10, v22;
	v59 =	vor.u32 v3, v31;
	[tilespmem:v50+s30+$0x0] =	vst.idx.msk $0xffff, v34;
	v32 =	vld.idx.msk [tilespmem:v51+s14+$0x0], $0xffff  }
0x9b: {  	v35 =	vand.u32 $0x1F, v55;
	v60 =	vor.u32 $0x10, v16;
	[tilespmem:v53+s30+$0x0] =	vst.idx.msk $0xffff, v18;
	v18 =	vor.u32 v4, v43;
	v34 =	vld.idx.msk [tilespmem:v52+s14+$0x0], $0xffff  }
0x9c: {  	v38 =	vshll.u32 v55, $0x7;
	v58 =	vor.u32 v1, v35;
	v39 =	vand.u32 $0x1F, v60;
	v46 =	vld.idx.msk [tilespmem:v54+s14+$0x0], $0xffff  }
0x9d: {  	v61 =	vor.u32 v1, v39;
	v17 =	vand.u32 $0x380, v19;
	v19 =	vand.u32 $0xC00, v38;
	[tilespmem:v57+s30+$0x0] =	vst.idx.msk $0xffff, v56  }
0x9e: {  	v33 =	vor.u32 v17, v19;
	v19 =	vld.idx.msk [tilespmem:v24+s14+$0x0], $0xffff;
	v24 =	vor.u32 v5, v42  }
0x9f: {  	v63 =	vor.u32 v6, v40;
	v36 =	vshll.u32 v60, $0x7;
	v48 =	vor.u32 v5, v31;
	[tilespmem:v59+s30+$0x0] =	vst.idx.msk $0xffff, v32  }
0xa0: {  	v50 =	vor.u32 v6, v43;
	[tilespmem:v21+s30+$0x0] =	vst.idx.msk $0xffff, v34;
	v21 =	vld.idx.msk [tilespmem:v18+s14+$0x0], $0xffff;
	v18 =	vand.u32 $0x380, v20;
	v20 =	vand.u32 $0xC00, v36  }
0xa1: {  	v62 =	vor.u32 v0, v33;
	[tilespmem:v23+s30+$0x0] =	vst.idx.msk $0xffff, v46;
	v49 =	vld.idx.msk [tilespmem:v58+s14+$0x0], $0xffff;
	v38 =	vor.u32 v18, v20  }
0xa2: {  	v44 =	vld.idx.msk [tilespmem:v61+s14+$0x0], $0xffff;
	v20 =	vor.u32 v2, v35;
	v51 =	vor.u32 v0, v38  }
0xa3: {  	s12 =	simm.s32 $0x4;
	[tilespmem:v24+s30+$0x0] =	vst.idx.msk $0xffff, v19;
	v24 =	vor.u32 v2, v39  }
0xa4: {  	v52 =	vor.u32 v7, v42;
	v19 =	vadd.s32 s12, v0;
	v41 =	vld.idx.msk [tilespmem:v63+s14+$0x0], $0xffff  }
0xa5: {  	v23 =	vand.u32 $0xF, v19;
	[tilespmem:v48+s30+$0x0] =	vst.idx.msk $0xffff, v21;
	v21 =	vor.u32 v8, v40  }
0xa6: {  	v55 =	vor.u32 v7, v31;
	[tilespmem:v62+s30+$0x0] =	vst.idx.msk $0xffff, v49;
	v53 =	vor.u32 v1, v23;
	v54 =	vld.idx.msk [tilespmem:v50+s14+$0x0], $0xffff  }
0xa7: {  	v47 =	vor.u32 v3, v33;
	v56 =	vor.u32 v8, v43;
	v20 =	vld.idx.msk [tilespmem:v20+s14+$0x0], $0xffff;
	[tilespmem:v51+s30+$0x0] =	vst.idx.msk $0xffff, v44  }
0xa8: {  	v57 =	vor.u32 v4, v35;
	v49 =	vor.u32 v3, v38;
	v48 =	vld.idx.msk [tilespmem:v24+s14+$0x0], $0xffff  }
0xa9: {  	s8 =	simm.s32 $0x5;
	v59 =	vor.u32 v10, v40;
	v58 =	vor.u32 v4, v39;
	v32 =	vshll.u32 v19, $0x7;
	[tilespmem:v52+s30+$0x0] =	vst.idx.msk $0xffff, v41  }
0xaa: {  	v50 =	vor.u32 v9, v42;
	v36 =	vand.u32 $0x780, v32;
	v46 =	vld.idx.msk [tilespmem:v21+s14+$0x0], $0xffff;
	v21 =	vadd.s32 s8, v0  }
0xab: {  	v51 =	vld.idx.msk [tilespmem:v53+s14+$0x0], $0xffff;
	[tilespmem:v55+s30+$0x0] =	vst.idx.msk $0xffff, v54;
	v54 =	vor.u32 v0, v36;
	v24 =	vand.u32 $0xF, v21  }
0xac: {  	v61 =	vor.u32 v9, v31;
	[tilespmem:v47+s30+$0x0] =	vst.idx.msk $0xffff, v20;
	v20 =	vld.idx.msk [tilespmem:v56+s14+$0x0], $0xffff;
	v60 =	vor.u32 v1, v24  }
0xad: {  	v62 =	vor.u32 v10, v43;
	v52 =	vor.u32 v5, v33;
	v45 =	vld.idx.msk [tilespmem:v57+s14+$0x0], $0xffff;
	[tilespmem:v49+s30+$0x0] =	vst.idx.msk $0xffff, v48  }
0xae: {  	v63 =	vor.u32 v6, v35;
	v53 =	vor.u32 v5, v38;
	v56 =	vor.u32 v11, v42;
	v41 =	vld.idx.msk [tilespmem:v58+s14+$0x0], $0xffff  }
0xaf: {  	v34 =	vshll.u32 v21, $0x7;
	v57 =	vor.u32 v12, v40;
	[tilespmem:v50+s30+$0x0] =	vst.idx.msk $0xffff, v46;
	v46 =	vor.u32 v6, v39  }
0xb0: {  	v26 =	vor.u32 $0x30, v26;
	v37 =	vand.u32 $0x780, v34;
	v50 =	vor.u32 v2, v23;
	[tilespmem:v54+s30+$0x0] =	vst.idx.msk $0xffff, v51;
	v55 =	vld.idx.msk [tilespmem:v59+s14+$0x0], $0xffff  }
0xb1: {  	v40 =	vor.u32 v14, v40;
	[tilespmem:v61+s30+$0x0] =	vst.idx.msk $0xffff, v20;
	v44 =	vld.idx.msk [tilespmem:v60+s14+$0x0], $0xffff;
	v60 =	vor.u32 v0, v37  }
0xb2: {  	[tilespmem:v52+s30+$0x0] =	vst.idx.msk $0xffff, v45;
	v61 =	vor.u32 v2, v24;
	v45 =	vld.idx.msk [tilespmem:v62+s14+$0x0], $0xffff;
	v62 =	vor.u32 v11, v31  }
0xb3: {  	v58 =	vor.u32 v7, v33;
	v54 =	vor.u32 v3, v36;
	v49 =	vld.idx.msk [tilespmem:v63+s14+$0x0], $0xffff;
	[tilespmem:v53+s30+$0x0] =	vst.idx.msk $0xffff, v41  }
0xb4: {  	v52 =	vor.u32 v8, v23;
	v63 =	vor.u32 v8, v35;
	v53 =	vor.u32 v7, v38;
	v46 =	vld.idx.msk [tilespmem:v46+s14+$0x0], $0xffff  }
0xb5: {  	v59 =	vor.u32 v9, v33;
	v41 =	vor.u32 v12, v43;
	v50 =	vld.idx.msk [tilespmem:v50+s14+$0x0], $0xffff;
	[tilespmem:v56+s30+$0x0] =	vst.idx.msk $0xffff, v55  }
0xb6: {  	v43 =	vor.u32 v14, v43;
	[tilespmem:v60+s30+$0x0] =	vst.idx.msk $0xffff, v44;
	v44 =	vor.u32 v8, v39;
	v47 =	vld.idx.msk [tilespmem:v57+s14+$0x0], $0xffff  }
0xb7: {  	v60 =	vor.u32 v4, v23;
	[tilespmem:v62+s30+$0x0] =	vst.idx.msk $0xffff, v45;
	v48 =	vld.idx.msk [tilespmem:v61+s14+$0x0], $0xffff;
	v61 =	vor.u32 v13, v42  }
0xb8: {  	v25 =	vor.u32 $0x30, v25;
	v62 =	vor.u32 v3, v37;
	[tilespmem:v58+s30+$0x0] =	vst.idx.msk $0xffff, v49;
	v57 =	vor.u32 v4, v24  }
0xb9: {  	v58 =	vor.u32 v11, v33;
	v51 =	vld.idx.msk [tilespmem:v63+s14+$0x0], $0xffff;
	v63 =	vor.u32 v13, v31;
	[tilespmem:v53+s30+$0x0] =	vst.idx.msk $0xffff, v46  }
0xba: {  	v42 =	vor.u32 v15, v42;
	v49 =	vld.idx.msk [tilespmem:v41+s14+$0x0], $0xffff;
	v41 =	vand.u32 $0x3F, v26;
	v26 =	vshll.u32 v26, $0x7;
	[tilespmem:v54+s30+$0x0] =	vst.idx.msk $0xffff, v50  }
0xbb: {  	v46 =	vor.u32 v6, v23;
	v50 =	vor.u32 v10, v35;
	v56 =	vor.u32 v1, v41;
	v44 =	vld.idx.msk [tilespmem:v44+s14+$0x0], $0xffff  }
0xbc: {  	v55 =	vor.u32 v10, v41;
	v53 =	vld.idx.msk [tilespmem:v60+s14+$0x0], $0xffff;
	v60 =	vor.u32 v9, v38;
	[tilespmem:v61+s30+$0x0] =	vst.idx.msk $0xffff, v47  }
0xbd: {  	v26 =	vand.u32 $0x1C00, v26;
	v61 =	vor.u32 v5, v36;
	[tilespmem:v62+s30+$0x0] =	vst.idx.msk $0xffff, v48;
	v62 =	vor.u32 v10, v39  }
0xbe: {  	v30 =	vor.u32 $0x20, v30;
	v29 =	vor.u32 v29, v26;
	v26 =	vand.u32 $0x7, v22;
	[tilespmem:v59+s30+$0x0] =	vst.idx.msk $0xffff, v51;
	v40 =	vld.idx.msk [tilespmem:v40+s14+$0x0], $0xffff  }
0xbf: {  	v47 =	vor.u32 v2, v41;
	v48 =	vld.idx.msk [tilespmem:v57+s14+$0x0], $0xffff;
	[tilespmem:v63+s30+$0x0] =	vst.idx.msk $0xffff, v49;
	v63 =	vor.u32 v5, v37  }
0xc0: {  	v51 =	vor.u32 v6, v24;
	v59 =	vand.u32 $0x28, v30;
	v57 =	vor.u32 v15, v31;
	v43 =	vld.idx.msk [tilespmem:v43+s14+$0x0], $0xffff  }
0xc1: {  	s12 =	simm.s32 $0x6;
	v31 =	vand.u32 $0x3F, v25;
	v25 =	vshll.u32 v25, $0x7;
	v26 =	vor.u32 v26, v59;
	v50 =	vld.idx.msk [tilespmem:v50+s14+$0x0], $0xffff;
	[tilespmem:v60+s30+$0x0] =	vst.idx.msk $0xffff, v44  }
0xc2: {  	v20 =	vadd.s32 s12, v0;
	v25 =	vand.u32 $0x1C00, v25;
	v60 =	vor.u32 v1, v31;
	[tilespmem:v61+s30+$0x0] =	vst.idx.msk $0xffff, v53;
	v45 =	vld.idx.msk [tilespmem:v62+s14+$0x0], $0xffff  }
0xc3: {  	v61 =	vor.u32 v12, v35;
	v62 =	vor.u32 v11, v38;
	v46 =	vld.idx.msk [tilespmem:v46+s14+$0x0], $0xffff;
	[tilespmem:v42+s30+$0x0] =	vst.idx.msk $0xffff, v40  }
0xc4: {  	v53 =	vor.u32 v7, v36;
	[tilespmem:v63+s30+$0x0] =	vst.idx.msk $0xffff, v48;
	v63 =	vor.u32 v12, v39;
	v42 =	vld.idx.msk [tilespmem:v56+s14+$0x0], $0xffff  }
0xc5: {  	v59 =	vor.u32 v11, v36;
	v25 =	vor.u32 v28, v25;
	v49 =	vld.idx.msk [tilespmem:v51+s14+$0x0], $0xffff;
	v51 =	vor.u32 v0, v29  }
0xc6: {  	v30 =	vshll.u32 v30, $0x7;
	v28 =	vor.u32 v8, v24;
	[tilespmem:v57+s30+$0x0] =	vst.idx.msk $0xffff, v43;
	v43 =	vor.u32 v7, v37  }
0xc7: {  	v35 =	vor.u32 v14, v35;
	[tilespmem:v58+s30+$0x0] =	vst.idx.msk $0xffff, v50;
	v44 =	vld.idx.msk [tilespmem:v60+s14+$0x0], $0xffff;
	v60 =	vor.u32 v0, v25  }
0xc8: {  	v54 =	vld.idx.msk [tilespmem:v61+s14+$0x0], $0xffff;
	v61 =	vor.u32 v13, v33;
	[tilespmem:v62+s30+$0x0] =	vst.idx.msk $0xffff, v45;
	v62 =	vor.u32 v2, v31  }
0xc9: {  	v39 =	vor.u32 v14, v39;
	[tilespmem:v53+s30+$0x0] =	vst.idx.msk $0xffff, v46;
	v40 =	vld.idx.msk [tilespmem:v63+s14+$0x0], $0xffff;
	v63 =	vor.u32 v13, v38  }
0xca: {  	v56 =	vor.u32 v15, v33;
	v52 =	vld.idx.msk [tilespmem:v52+s14+$0x0], $0xffff;
	[tilespmem:v51+s30+$0x0] =	vst.idx.msk $0xffff, v42;
	v51 =	vor.u32 v9, v36  }
0xcb: {  	v46 =	vor.u32 v10, v23;
	[tilespmem:v43+s30+$0x0] =	vst.idx.msk $0xffff, v49;
	v43 =	vld.idx.msk [tilespmem:v47+s14+$0x0], $0xffff;
	v47 =	vor.u32 v3, v29  }
0xcc: {  	v49 =	vor.u32 v4, v41;
	v28 =	vld.idx.msk [tilespmem:v28+s14+$0x0], $0xffff;
	[tilespmem:v60+s30+$0x0] =	vst.idx.msk $0xffff, v44;
	v44 =	vor.u32 v9, v37  }
0xcd: {  	v57 =	vor.u32 v1, v26;
	v60 =	vor.u32 v10, v24;
	[tilespmem:v61+s30+$0x0] =	vst.idx.msk $0xffff, v54;
	v45 =	vld.idx.msk [tilespmem:v62+s14+$0x0], $0xffff  }
0xce: {  	v30 =	vand.u32 $0x1400, v30;
	v61 =	vor.u32 v3, v25;
	v62 =	vor.u32 $0x20, v27;
	v35 =	vld.idx.msk [tilespmem:v35+s14+$0x0], $0xffff;
	[tilespmem:v63+s30+$0x0] =	vst.idx.msk $0xffff, v40  }
0xcf: {  	v27 =	vand.u32 $0x7, v16;
	v63 =	vor.u32 v4, v31;
	v58 =	vand.u32 $0x28, v62;
	[tilespmem:v51+s30+$0x0] =	vst.idx.msk $0xffff, v52;
	v39 =	vld.idx.msk [tilespmem:v39+s14+$0x0], $0xffff  }
0xd0: {  	v38 =	vor.u32 v15, v38;
	v27 =	vor.u32 v27, v58;
	v46 =	vld.idx.msk [tilespmem:v46+s14+$0x0], $0xffff;
	[tilespmem:v47+s30+$0x0] =	vst.idx.msk $0xffff, v43  }
0xd1: {  	v30 =	vor.u32 v17, v30;
	[tilespmem:v44+s30+$0x0] =	vst.idx.msk $0xffff, v28;
	v28 =	vor.u32 v1, v27;
	v44 =	vld.idx.msk [tilespmem:v49+s14+$0x0], $0xffff  }
0xd2: {  	v50 =	vor.u32 v12, v23;
	v53 =	vor.u32 v15, v37;
	v47 =	vld.idx.msk [tilespmem:v60+s14+$0x0], $0xffff;
	v60 =	vor.u32 v5, v29  }
0xd3: {  	v42 =	vor.u32 v6, v41;
	v40 =	vshll.u32 v62, $0x7;
	[tilespmem:v61+s30+$0x0] =	vst.idx.msk $0xffff, v45;
	v61 =	vor.u32 v11, v37  }
0xd4: {  	v62 =	vor.u32 v5, v25;
	v52 =	vor.u32 v12, v24;
	[tilespmem:v56+s30+$0x0] =	vst.idx.msk $0xffff, v35;
	v35 =	vld.idx.msk [tilespmem:v63+s14+$0x0], $0xffff  }
0xd5: {  	v33 =	vand.u32 $0xF, v20;
	v58 =	vor.u32 v6, v31;
	v51 =	vld.idx.msk [tilespmem:v57+s14+$0x0], $0xffff;
	[tilespmem:v38+s30+$0x0] =	vst.idx.msk $0xffff, v39;
	v57 =	vand.u32 $0x1400, v40  }
0xd6: {  	v63 =	vor.u32 v0, v30;
	[tilespmem:v59+s30+$0x0] =	vst.idx.msk $0xffff, v46;
	v43 =	vld.idx.msk [tilespmem:v28+s14+$0x0], $0xffff;
	v28 =	vor.u32 v18, v57  }
0xd7: {  	v59 =	vor.u32 v2, v26;
	v38 =	vld.idx.msk [tilespmem:v50+s14+$0x0], $0xffff;
	v50 =	vor.u32 v0, v28;
	[tilespmem:v60+s30+$0x0] =	vst.idx.msk $0xffff, v44  }
0xd8: {  	v60 =	vor.u32 v13, v36;
	[tilespmem:v61+s30+$0x0] =	vst.idx.msk $0xffff, v47;
	v47 =	vor.u32 v1, v33;
	v42 =	vld.idx.msk [tilespmem:v42+s14+$0x0], $0xffff  }
0xd9: {  	v54 =	vor.u32 v14, v24;
	v61 =	vor.u32 v2, v27;
	v49 =	vld.idx.msk [tilespmem:v52+s14+$0x0], $0xffff;
	v52 =	vor.u32 v7, v29  }
0xda: {  	v48 =	vor.u32 $0x10, v19;
	v46 =	vor.u32 v14, v23;
	[tilespmem:v62+s30+$0x0] =	vst.idx.msk $0xffff, v35;
	v62 =	vor.u32 v13, v37  }
0xdb: {  	v56 =	vor.u32 v7, v25;
	[tilespmem:v63+s30+$0x0] =	vst.idx.msk $0xffff, v51;
	v63 =	vor.u32 v8, v41;
	v39 =	vld.idx.msk [tilespmem:v58+s14+$0x0], $0xffff  }
0xdc: {  	v32 =	vand.u32 $0x380, v32;
	v57 =	vor.u32 v3, v30;
	v35 =	vand.u32 $0x1F, v48;
	v40 =	vld.idx.msk [tilespmem:v59+s14+$0x0], $0xffff;
	[tilespmem:v50+s30+$0x0] =	vst.idx.msk $0xffff, v43  }
0xdd: {  	v44 =	vor.u32 v2, v35;
	v43 =	vor.u32 v8, v31;
	[tilespmem:v60+s30+$0x0] =	vst.idx.msk $0xffff, v38;
	v59 =	vld.idx.msk [tilespmem:v47+s14+$0x0], $0xffff  }
0xde: {  	v60 =	vor.u32 v4, v26;
	v45 =	vld.idx.msk [tilespmem:v61+s14+$0x0], $0xffff;
	v61 =	vor.u32 v3, v28;
	[tilespmem:v52+s30+$0x0] =	vst.idx.msk $0xffff, v42  }
0xdf: {  	v42 =	vld.idx.msk [tilespmem:v46+s14+$0x0], $0xffff;
	v46 =	vor.u32 v15, v36;
	[tilespmem:v62+s30+$0x0] =	vst.idx.msk $0xffff, v49;
	v49 =	vor.u32 v4, v27  }
0xe0: {  	v50 =	vor.u32 v1, v35;
	v52 =	vor.u32 v9, v29;
	v51 =	vld.idx.msk [tilespmem:v63+s14+$0x0], $0xffff;
	v63 =	vor.u32 $0x10, v21  }
0xe1: {  	v62 =	vshll.u32 v48, $0x7;
	v48 =	vor.u32 v5, v28;
	[tilespmem:v56+s30+$0x0] =	vst.idx.msk $0xffff, v39;
	v39 =	vld.idx.msk [tilespmem:v54+s14+$0x0], $0xffff;
	v37 =	vand.u32 $0x1F, v63  }
0xe2: {  	v56 =	vor.u32 v9, v25;
	[tilespmem:v57+s30+$0x0] =	vst.idx.msk $0xffff, v40;
	v54 =	vor.u32 v1, v37;
	v43 =	vld.idx.msk [tilespmem:v43+s14+$0x0], $0xffff  }
0xe3: {  	v36 =	vand.u32 $0xC00, v62;
	v62 =	vor.u32 v6, v26;
	v63 =	vshll.u32 v63, $0x7;
	v57 =	vld.idx.msk [tilespmem:v60+s14+$0x0], $0xffff;
	[tilespmem:v61+s30+$0x0] =	vst.idx.msk $0xffff, v45  }
0xe4: {  	v60 =	vor.u32 v5, v30;
	v61 =	vor.u32 v10, v31;
	[tilespmem:v46+s30+$0x0] =	vst.idx.msk $0xffff, v42;
	v49 =	vld.idx.msk [tilespmem:v49+s14+$0x0], $0xffff  }
0xe5: {  	v34 =	vand.u32 $0x380, v34;
	v36 =	vor.u32 v32, v36;
	v38 =	vand.u32 $0xC00, v63;
	v50 =	vld.idx.msk [tilespmem:v50+s14+$0x0], $0xffff;
	[tilespmem:v52+s30+$0x0] =	vst.idx.msk $0xffff, v51  }
0xe6: {  	v42 =	vor.u32 v0, v36;
	[tilespmem:v53+s30+$0x0] =	vst.idx.msk $0xffff, v39;
	v51 =	vor.u32 v6, v27;
	v53 =	vld.idx.msk [tilespmem:v55+s14+$0x0], $0xffff  }
0xe7: {  	v58 =	vor.u32 v11, v25;
	v38 =	vor.u32 v34, v38;
	v55 =	vld.idx.msk [tilespmem:v54+s14+$0x0], $0xffff;
	v54 =	vor.u32 v11, v29  }
0xe8: {  	v40 =	vshll.u32 v20, $0x7;
	[tilespmem:v56+s30+$0x0] =	vst.idx.msk $0xffff, v43;
	v43 =	vor.u32 v0, v38;
	v56 =	vor.u32 v12, v41  }
0xe9: {  	v39 =	vand.u32 $0x780, v40;
	[tilespmem:v60+s30+$0x0] =	vst.idx.msk $0xffff, v57;
	v57 =	vor.u32 v2, v37;
	v45 =	vld.idx.msk [tilespmem:v61+s14+$0x0], $0xffff  }
0xea: {  	v60 =	vor.u32 v7, v30;
	v46 =	vld.idx.msk [tilespmem:v62+s14+$0x0], $0xffff;
	[tilespmem:v48+s30+$0x0] =	vst.idx.msk $0xffff, v49;
	v49 =	vor.u32 v12, v31  }
0xeb: {  	v61 =	vor.u32 v0, v39;
	v62 =	vor.u32 v8, v26;
	[tilespmem:v42+s30+$0x0] =	vst.idx.msk $0xffff, v50;
	v50 =	vld.idx.msk [tilespmem:v51+s14+$0x0], $0xffff  }
0xec: {  	v42 =	vor.u32 v8, v27;
	v52 =	vld.idx.msk [tilespmem:v44+s14+$0x0], $0xffff;
	[tilespmem:v54+s30+$0x0] =	vst.idx.msk $0xffff, v53  }
0xed: {  	v48 =	vor.u32 v13, v29;
	v51 =	vor.u32 v7, v28;
	[tilespmem:v43+s30+$0x0] =	vst.idx.msk $0xffff, v55;
	v47 =	vld.idx.msk [tilespmem:v56+s14+$0x0], $0xffff  }
0xee: {  	v54 =	vor.u32 v3, v36;
	v55 =	vor.u32 v4, v35;
	v53 =	vld.idx.msk [tilespmem:v57+s14+$0x0], $0xffff;
	[tilespmem:v58+s30+$0x0] =	vst.idx.msk $0xffff, v45  }
0xef: {  	v56 =	vor.u32 v3, v38;
	v43 =	vor.u32 v14, v41;
	[tilespmem:v60+s30+$0x0] =	vst.idx.msk $0xffff, v46;
	v44 =	vld.idx.msk [tilespmem:v49+s14+$0x0], $0xffff  }
0xf0: {  	s7 =	simm.s32 $0x7;
	s8 =	simm.s32 $0x8;
	[tilespmem:v61+s30+$0x0] =	vst.idx.msk $0xffff, v59;
	v59 =	vor.u32 v4, v37;
	v46 =	vor.u32 v13, v25;
	v45 =	vld.idx.msk [tilespmem:v62+s14+$0x0], $0xffff  }
.LBB2_3:
0xf1: {  	v49 =	vadd.s32 s7, v0;
	v57 =	vor.u32 v9, v30;
	v31 =	vor.u32 v14, v31  }
0xf2: {  	p1 =	slt.u32 s8, $0xE;
	[tilespmem:v51+s30+$0x0] =	vst.idx.msk $0xffff, v50;
	v50 =	vmovc v23;
	v23 =	vmovc v33;
	v33 =	vmov v17;
	v17 =	vmov v32;
	v32 =	vmov v18  }
0xf3: {  	v51 =	vor.u32 v10, v26;
	v18 =	vmov v34;
	v41 =	vand.u32 $0xF, v49;
	[tilespmem:v54+s30+$0x0] =	vst.idx.msk $0xffff, v52;
	v42 =	vld.idx.msk [tilespmem:v42+s14+$0x0], $0xffff  }
0xf4: {  	v52 =	vor.u32 v1, v41;
	v54 =	vld.idx.msk [tilespmem:v55+s14+$0x0], $0xffff;
	v55 =	vor.u32 v9, v28;
	[tilespmem:v48+s30+$0x0] =	vst.idx.msk $0xffff, v47  }
0xf5: {  	v47 =	vor.u32 v5, v36;
	v48 =	vor.u32 v10, v27;
	[tilespmem:v56+s30+$0x0] =	vst.idx.msk $0xffff, v53;
	v43 =	vld.idx.msk [tilespmem:v43+s14+$0x0], $0xffff  }
0xf6: {  	v29 =	vor.u32 v15, v29;
	v53 =	vor.u32 v6, v35;
	v56 =	vld.idx.msk [tilespmem:v59+s14+$0x0], $0xffff;
	[tilespmem:v46+s30+$0x0] =	vst.idx.msk $0xffff, v44  }
0xf7: {  	v58 =	vor.u32 v5, v38;
	v46 =	vor.u32 v2, v23;
	[tilespmem:v57+s30+$0x0] =	vst.idx.msk $0xffff, v45;
	v31 =	vld.idx.msk [tilespmem:v31+s14+$0x0], $0xffff  }
0xf8: {  	v25 =	vor.u32 v15, v25;
	v34 =	vshll.u32 v49, $0x7;
	v45 =	vor.u32 v6, v37;
	v51 =	vld.idx.msk [tilespmem:v51+s14+$0x0], $0xffff  }
0xf9: {  	v44 =	vand.u32 $0x780, v34;
	v57 =	vor.u32 v11, v30;
	v52 =	vld.idx.msk [tilespmem:v52+s14+$0x0], $0xffff;
	[tilespmem:v55+s30+$0x0] =	vst.idx.msk $0xffff, v42  }
0xfa: {  	v55 =	vor.u32 v0, v44;
	[tilespmem:v47+s30+$0x0] =	vst.idx.msk $0xffff, v54;
	v47 =	vor.u32 v12, v26;
	v48 =	vld.idx.msk [tilespmem:v48+s14+$0x0], $0xffff  }
0xfb: {  	v59 =	vor.u32 v11, v28;
	v54 =	vor.u32 v2, v41;
	v53 =	vld.idx.msk [tilespmem:v53+s14+$0x0], $0xffff;
	[tilespmem:v29+s30+$0x0] =	vst.idx.msk $0xffff, v43  }
0xfc: {  	v29 =	vor.u32 v7, v36;
	v43 =	vor.u32 v12, v27;
	[tilespmem:v58+s30+$0x0] =	vst.idx.msk $0xffff, v56  }
0xfd: {  	v42 =	vadd.s32 s8, v0;
	v56 =	vor.u32 v8, v35;
	v58 =	vld.idx.msk [tilespmem:v45+s14+$0x0], $0xffff;
	[tilespmem:v25+s30+$0x0] =	vst.idx.msk $0xffff, v31  }
0xfe: {  	v22 =	vor.u32 $0x30, v22;
	v45 =	vand.u32 $0x7, v19;
	v31 =	vor.u32 v7, v38;
	v25 =	vld.idx.msk [tilespmem:v46+s14+$0x0], $0xffff;
	[tilespmem:v57+s30+$0x0] =	vst.idx.msk $0xffff, v51  }
0xff: {  	v46 =	vor.u32 v3, v39;
	v51 =	vor.u32 v8, v37;
	[tilespmem:v55+s30+$0x0] =	vst.idx.msk $0xffff, v52;
	v47 =	vld.idx.msk [tilespmem:v47+s14+$0x0], $0xffff  }
0x100: {  	v52 =	vor.u32 v4, v23;
	v55 =	vor.u32 v13, v30;
	v54 =	vld.idx.msk [tilespmem:v54+s14+$0x0], $0xffff;
	[tilespmem:v59+s30+$0x0] =	vst.idx.msk $0xffff, v48  }
0x101: {  	v26 =	vor.u32 v14, v26;
	v48 =	vor.u32 v3, v44;
	[tilespmem:v29+s30+$0x0] =	vst.idx.msk $0xffff, v53;
	v29 =	vld.idx.msk [tilespmem:v43+s14+$0x0], $0xffff  }
0x102: {  	v57 =	vor.u32 v4, v41;
	v59 =	vor.u32 v13, v28;
	v53 =	vor.u32 v8, v23;
	v56 =	vld.idx.msk [tilespmem:v56+s14+$0x0], $0xffff  }
0x103: {  	v60 =	vor.u32 v9, v36;
	v27 =	vor.u32 v14, v27;
	v43 =	vand.u32 $0x3F, v22;
	[tilespmem:v31+s30+$0x0] =	vst.idx.msk $0xffff, v58  }
0x104: {  	v31 =	vor.u32 v10, v35;
	[tilespmem:v46+s30+$0x0] =	vst.idx.msk $0xffff, v25;
	v25 =	vor.u32 v6, v23;
	v46 =	vld.idx.msk [tilespmem:v51+s14+$0x0], $0xffff  }
0x105: {  	v51 =	vld.idx.msk [tilespmem:v52+s14+$0x0], $0xffff;
	v52 =	vor.u32 v9, v38;
	[tilespmem:v55+s30+$0x0] =	vst.idx.msk $0xffff, v47;
	v47 =	vor.u32 v2, v43  }
0x106: {  	v55 =	vor.u32 v5, v39;
	[tilespmem:v48+s30+$0x0] =	vst.idx.msk $0xffff, v54;
	v48 =	vor.u32 v10, v37;
	v26 =	vld.idx.msk [tilespmem:v26+s14+$0x0], $0xffff  }
0x107: {  	v30 =	vor.u32 v15, v30;
	v54 =	vld.idx.msk [tilespmem:v57+s14+$0x0], $0xffff;
	v57 =	vor.u32 v1, v43;
	[tilespmem:v59+s30+$0x0] =	vst.idx.msk $0xffff, v29  }
0x108: {  	v22 =	vshll.u32 v22, $0x7;
	v58 =	vor.u32 v5, v44;
	[tilespmem:v60+s30+$0x0] =	vst.idx.msk $0xffff, v56;
	v27 =	vld.idx.msk [tilespmem:v27+s14+$0x0], $0xffff;
	v56 =	vor.u32 $0x30, v16  }
0x109: {  	v28 =	vor.u32 v15, v28;
	v59 =	vor.u32 v6, v41;
	v16 =	vmovc v21;
	v60 =	vld.idx.msk [tilespmem:v31+s14+$0x0], $0xffff;
	v31 =	vand.u32 $0x3F, v56  }
0x10a: {  	v22 =	vand.u32 $0x1C00, v22;
	v21 =	vor.u32 v11, v36;
	[tilespmem:v52+s30+$0x0] =	vst.idx.msk $0xffff, v46;
	v46 =	vor.u32 v1, v31  }
0x10b: {  	v52 =	vor.u32 v12, v35;
	[tilespmem:v55+s30+$0x0] =	vst.idx.msk $0xffff, v51;
	v51 =	vor.u32 v7, v39;
	v48 =	vld.idx.msk [tilespmem:v48+s14+$0x0], $0xffff  }
0x10c: {  	v61 =	vor.u32 v11, v38;
	v29 =	vor.u32 v33, v22;
	v55 =	vld.idx.msk [tilespmem:v25+s14+$0x0], $0xffff;
	[tilespmem:v30+s30+$0x0] =	vst.idx.msk $0xffff, v26  }
0x10d: {  	v22 =	vor.u32 $0x10, v20;
	v26 =	vor.u32 v12, v37;
	v25 =	vshll.u32 v56, $0x7;
	[tilespmem:v58+s30+$0x0] =	vst.idx.msk $0xffff, v54;
	v30 =	vld.idx.msk [tilespmem:v57+s14+$0x0], $0xffff  }
0x10e: {  	v33 =	vand.u32 $0xF, v42;
	v56 =	vor.u32 v0, v29;
	v25 =	vand.u32 $0x1C00, v25;
	v54 =	vld.idx.msk [tilespmem:v59+s14+$0x0], $0xffff;
	[tilespmem:v28+s30+$0x0] =	vst.idx.msk $0xffff, v27  }
0x10f: {  	v27 =	vor.u32 v7, v44;
	v25 =	vor.u32 v32, v25;
	[tilespmem:v21+s30+$0x0] =	vst.idx.msk $0xffff, v60;
	v21 =	vld.idx.msk [tilespmem:v46+s14+$0x0], $0xffff  }
0x110: {  	v28 =	vor.u32 v8, v41;
	v46 =	vor.u32 v12, v23;
	v32 =	vld.idx.msk [tilespmem:v52+s14+$0x0], $0xffff;
	v52 =	vor.u32 v0, v25  }
0x111: {  	v50 =	vor.u32 $0x20, v50;
	v57 =	vor.u32 v13, v36;
	[tilespmem:v61+s30+$0x0] =	vst.idx.msk $0xffff, v48;
	v48 =	vor.u32 v2, v31  }
0x112: {  	v35 =	vor.u32 v14, v35;
	[tilespmem:v51+s30+$0x0] =	vst.idx.msk $0xffff, v55;
	v51 =	vor.u32 v10, v23;
	v55 =	vld.idx.msk [tilespmem:v26+s14+$0x0], $0xffff  }
0x113: {  	v58 =	vor.u32 v13, v38;
	v53 =	vld.idx.msk [tilespmem:v53+s14+$0x0], $0xffff;
	[tilespmem:v56+s30+$0x0] =	vst.idx.msk $0xffff, v30;
	v56 =	vor.u32 v6, v43  }
0x114: {  	v30 =	vor.u32 v9, v39;
	[tilespmem:v27+s30+$0x0] =	vst.idx.msk $0xffff, v54;
	v27 =	vor.u32 v14, v37;
	v37 =	vld.idx.msk [tilespmem:v47+s14+$0x0], $0xffff  }
0x115: {  	v47 =	vor.u32 v3, v29;
	v54 =	vor.u32 v4, v43;
	v28 =	vld.idx.msk [tilespmem:v28+s14+$0x0], $0xffff;
	[tilespmem:v52+s30+$0x0] =	vst.idx.msk $0xffff, v21  }
0x116: {  	v26 =	vand.u32 $0x28, v50;
	v50 =	vshll.u32 v50, $0x7;
	v21 =	vor.u32 v9, v44;
	[tilespmem:v57+s30+$0x0] =	vst.idx.msk $0xffff, v32;
	v48 =	vld.idx.msk [tilespmem:v48+s14+$0x0], $0xffff  }
0x117: {  	v26 =	vor.u32 v45, v26;
	v45 =	vor.u32 v3, v25;
	v52 =	vor.u32 v10, v41;
	v35 =	vld.idx.msk [tilespmem:v35+s14+$0x0], $0xffff  }
0x118: {  	v24 =	vor.u32 $0x20, v24;
	v36 =	vor.u32 v15, v36;
	[tilespmem:v58+s30+$0x0] =	vst.idx.msk $0xffff, v55;
	v55 =	vor.u32 v4, v31  }
0x119: {  	[tilespmem:v30+s30+$0x0] =	vst.idx.msk $0xffff, v53;
	v53 =	vor.u32 v1, v26;
	v30 =	vand.u32 $0x7, v16;
	v57 =	vld.idx.msk [tilespmem:v27+s14+$0x0], $0xffff;
	v27 =	vand.u32 $0x28, v24  }
0x11a: {  	v38 =	vor.u32 v15, v38;
	v51 =	vld.idx.msk [tilespmem:v51+s14+$0x0], $0xffff;
	v27 =	vor.u32 v30, v27;
	[tilespmem:v47+s30+$0x0] =	vst.idx.msk $0xffff, v37  }
0x11b: {  	v37 =	vor.u32 v11, v39;
	[tilespmem:v21+s30+$0x0] =	vst.idx.msk $0xffff, v28;
	v28 =	vor.u32 v1, v27;
	v47 =	vld.idx.msk [tilespmem:v54+s14+$0x0], $0xffff  }
0x11c: {  	v32 =	vand.u32 $0x380, v40;
	v54 =	vand.u32 $0x1400, v50;
	v50 =	vor.u32 v5, v29;
	v40 =	vld.idx.msk [tilespmem:v52+s14+$0x0], $0xffff;
	[tilespmem:v45+s30+$0x0] =	vst.idx.msk $0xffff, v48  }
0x11d: {  	v45 =	vor.u32 v11, v44;
	v30 =	vor.u32 v17, v54;
	[tilespmem:v36+s30+$0x0] =	vst.idx.msk $0xffff, v35;
	v35 =	vld.idx.msk [tilespmem:v55+s14+$0x0], $0xffff  }
0x11e: {  	v24 =	vshll.u32 v24, $0x7;
	v21 =	vmovc v49;
	v52 =	vor.u32 v5, v25;
	v36 =	vor.u32 v12, v41;
	v48 =	vld.idx.msk [tilespmem:v53+s14+$0x0], $0xffff  }
0x11f: {  	v24 =	vand.u32 $0x1400, v24;
	v49 =	vor.u32 v0, v30;
	[tilespmem:v38+s30+$0x0] =	vst.idx.msk $0xffff, v57;
	v38 =	vor.u32 v6, v31  }
0x120: {  	[tilespmem:v37+s30+$0x0] =	vst.idx.msk $0xffff, v51;
	v37 =	vor.u32 v2, v26;
	v51 =	vld.idx.msk [tilespmem:v28+s14+$0x0], $0xffff;
	v28 =	vor.u32 v18, v24  }
0x121: {  	v24 =	vld.idx.msk [tilespmem:v46+s14+$0x0], $0xffff;
	v46 =	vor.u32 v14, v23;
	v53 =	vor.u32 v0, v28;
	[tilespmem:v50+s30+$0x0] =	vst.idx.msk $0xffff, v47  }
0x122: {  	v47 =	vor.u32 v13, v39;
	[tilespmem:v45+s30+$0x0] =	vst.idx.msk $0xffff, v40;
	v40 =	vor.u32 v2, v27;
	v45 =	vld.idx.msk [tilespmem:v56+s14+$0x0], $0xffff  }
0x123: {  	v54 =	vor.u32 v7, v29;
	v50 =	vor.u32 v1, v33;
	v36 =	vld.idx.msk [tilespmem:v36+s14+$0x0], $0xffff;
	[tilespmem:v52+s30+$0x0] =	vst.idx.msk $0xffff, v35  }
0x124: {  	v52 =	vor.u32 v13, v44;
	[tilespmem:v49+s30+$0x0] =	vst.idx.msk $0xffff, v48;
	v48 =	vor.u32 v8, v43;
	v38 =	vld.idx.msk [tilespmem:v38+s14+$0x0], $0xffff  }
0x125: {  	v56 =	vor.u32 v10, v43;
	v49 =	vor.u32 v14, v41;
	v55 =	vld.idx.msk [tilespmem:v37+s14+$0x0], $0xffff;
	v37 =	vor.u32 v7, v25  }
0x126: {  	v57 =	vor.u32 v3, v30;
	v35 =	vand.u32 $0x1F, v22;
	[tilespmem:v53+s30+$0x0] =	vst.idx.msk $0xffff, v51;
	v51 =	vor.u32 v8, v31  }
0x127: {  	[tilespmem:v47+s30+$0x0] =	vst.idx.msk $0xffff, v24;
	v47 =	vor.u32 v2, v35;
	v24 =	vor.u32 v4, v26;
	v40 =	vld.idx.msk [tilespmem:v40+s14+$0x0], $0xffff  }
0x128: {  	v58 =	vor.u32 v3, v28;
	v53 =	vor.u32 v1, v35;
	v46 =	vld.idx.msk [tilespmem:v46+s14+$0x0], $0xffff;
	[tilespmem:v54+s30+$0x0] =	vst.idx.msk $0xffff, v45  }
0x129: {  	v39 =	vor.u32 v15, v39;
	v45 =	vor.u32 v4, v27;
	[tilespmem:v52+s30+$0x0] =	vst.idx.msk $0xffff, v36;
	v48 =	vld.idx.msk [tilespmem:v48+s14+$0x0], $0xffff  }
0x12a: {  	v22 =	vshll.u32 v22, $0x7;
	v54 =	vor.u32 v9, v29;
	v52 =	vor.u32 $0x10, v21;
	v49 =	vld.idx.msk [tilespmem:v49+s14+$0x0], $0xffff;
	[tilespmem:v37+s30+$0x0] =	vst.idx.msk $0xffff, v38  }
0x12b: {  	v22 =	vand.u32 $0xC00, v22;
	v38 =	vor.u32 v15, v44;
	v37 =	vand.u32 $0x1F, v52;
	[tilespmem:v57+s30+$0x0] =	vst.idx.msk $0xffff, v55;
	v44 =	vld.idx.msk [tilespmem:v51+s14+$0x0], $0xffff  }
0x12c: {  	v36 =	vor.u32 v32, v22;
	v22 =	vor.u32 v1, v37;
	v55 =	vor.u32 v9, v25;
	v51 =	vld.idx.msk [tilespmem:v24+s14+$0x0], $0xffff  }
0x12d: {  	v57 =	vor.u32 v5, v30;
	v24 =	vmov v41;
	[tilespmem:v58+s30+$0x0] =	vst.idx.msk $0xffff, v40;
	v58 =	vor.u32 v10, v31  }
0x12e: {  	v41 =	vor.u32 v0, v36;
	[tilespmem:v39+s30+$0x0] =	vst.idx.msk $0xffff, v46;
	v46 =	vor.u32 v6, v26;
	v45 =	vld.idx.msk [tilespmem:v45+s14+$0x0], $0xffff  }
0x12f: {  	v40 =	vshll.u32 v42, $0x7;
	v39 =	vshll.u32 v52, $0x7;
	v52 =	vor.u32 v5, v28;
	v53 =	vld.idx.msk [tilespmem:v53+s14+$0x0], $0xffff;
	[tilespmem:v54+s30+$0x0] =	vst.idx.msk $0xffff, v48  }
0x130: {  	v34 =	vand.u32 $0x380, v34;
	v48 =	vor.u32 v6, v27;
	[tilespmem:v38+s30+$0x0] =	vst.idx.msk $0xffff, v49;
	v38 =	vand.u32 $0xC00, v39;
	v49 =	vld.idx.msk [tilespmem:v56+s14+$0x0], $0xffff  }
0x131: {  	v54 =	vor.u32 v11, v29;
	v56 =	vld.idx.msk [tilespmem:v22+s14+$0x0], $0xffff;
	v38 =	vor.u32 v34, v38;
	[tilespmem:v55+s30+$0x0] =	vst.idx.msk $0xffff, v44  }
0x132: {  	v55 =	vor.u32 v12, v43;
	v44 =	vor.u32 v0, v38;
	[tilespmem:v57+s30+$0x0] =	vst.idx.msk $0xffff, v51;
	v57 =	vld.idx.msk [tilespmem:v58+s14+$0x0], $0xffff  }
0x133: {  	v59 =	vor.u32 v11, v25;
	v39 =	vand.u32 $0x780, v40;
	v22 =	vmovc v19;
	v58 =	vor.u32 v2, v37;
	v46 =	vld.idx.msk [tilespmem:v46+s14+$0x0], $0xffff  }
0x134: {  	v61 =	vor.u32 v7, v30;
	v60 =	vld.idx.msk [tilespmem:v50+s14+$0x0], $0xffff;
	[tilespmem:v52+s30+$0x0] =	vst.idx.msk $0xffff, v45;
	v45 =	vor.u32 v12, v31  }
0x135: {  	v62 =	vor.u32 v0, v39;
	[tilespmem:v41+s30+$0x0] =	vst.idx.msk $0xffff, v53;
	v41 =	vor.u32 v8, v26;
	v50 =	vld.idx.msk [tilespmem:v48+s14+$0x0], $0xffff  }
.Ltmp0:
0x136: {  	v19 =	vmov v20;
	v20 =	vmov v42;
	v51 =	vor.u32 v7, v28;
	v52 =	vld.idx.msk [tilespmem:v47+s14+$0x0], $0xffff;
	[tilespmem:v54+s30+$0x0] =	vst.idx.msk $0xffff, v49;
	(pc) =	sbr.rel @p1 .LBB2_3-.Ltmp0, $4  }
0x137: {  	v42 =	vor.u32 v8, v27;
	v54 =	vor.u32 v3, v36;
	[tilespmem:v44+s30+$0x0] =	vst.idx.msk $0xffff, v56;
	v47 =	vld.idx.msk [tilespmem:v55+s14+$0x0], $0xffff  }
0x138: {  	v48 =	vor.u32 v13, v29;
	v55 =	vor.u32 v4, v35;
	v53 =	vld.idx.msk [tilespmem:v58+s14+$0x0], $0xffff;
	[tilespmem:v59+s30+$0x0] =	vst.idx.msk $0xffff, v57  }
0x139: {  	v43 =	vor.u32 v14, v43;
	v56 =	vor.u32 v3, v38;
	[tilespmem:v61+s30+$0x0] =	vst.idx.msk $0xffff, v46;
	v44 =	vld.idx.msk [tilespmem:v45+s14+$0x0], $0xffff  }
0x13a: {  	s7 =	sadd.s32 $0x1, s8;
	s8 =	sadd.s32 $0x2, s8;
	v59 =	vor.u32 v4, v37;
	v46 =	vor.u32 v13, v25;
	[tilespmem:v62+s30+$0x0] =	vst.idx.msk $0xffff, v60;
	v45 =	vld.idx.msk [tilespmem:v41+s14+$0x0], $0xffff  }
0x13b: {  	v41 =	vadd.s32 s7, v0  }
0x13c: {  	v60 =	vand.u32 $0xF, v41  }
0x13d: {  	v57 =	vor.u32 v1, v60;
	_ =	sdelay $0x2  }
0x13e: {  	[tilespmem:$0x1FFD0] =	vst v41;
	v41 =	vshll.u32 v41, $0x7  }
0x13f: {  	v61 =	vor.u32 v2, v33;
	[tilespmem:$0x1FFA0] =	vst v41;
	v58 =	vand.u32 $0x780, v41  }
0x140: {  	v62 =	vor.u32 v0, v58;
	v57 =	vld.idx.msk [tilespmem:v57+s14+$0x0], $0xffff  }
0x141: {  	v63 =	vor.u32 v2, v60;
	_ =	sdelay $0x2  }
0x142: {  	v41 =	vor.u32 v3, v39;
	v61 =	vld.idx.msk [tilespmem:v61+s14+$0x0], $0xffff  }
0x143: {  	[tilespmem:v62+s30+$0x0] =	vst.idx.msk $0xffff, v57;
	v57 =	vor.u32 v4, v33  }
0x144: {  	v62 =	vld.idx.msk [tilespmem:v63+s14+$0x0], $0xffff;
	v63 =	vor.u32 v3, v58  }
0x145: {  	v49 =	vor.u32 v4, v60;
	_ =	sdelay $0x1  }
0x146: {  	[tilespmem:v41+s30+$0x0] =	vst.idx.msk $0xffff, v61  }
0x147: {  	v41 =	vld.idx.msk [tilespmem:v57+s14+$0x0], $0xffff;
	v57 =	vor.u32 v5, v39  }
0x148: {  	v61 =	vor.u32 v6, v33;
	[tilespmem:v63+s30+$0x0] =	vst.idx.msk $0xffff, v62  }
0x149: {  	v62 =	vor.u32 v5, v58;
	v49 =	vld.idx.msk [tilespmem:v49+s14+$0x0], $0xffff;
	_ =	sdelay $0x2  }
0x14a: {  	v63 =	vor.u32 v6, v60;
	[tilespmem:v57+s30+$0x0] =	vst.idx.msk $0xffff, v41  }
0x14b: {  	v41 =	vor.u32 v7, v39;
	v57 =	vld.idx.msk [tilespmem:v61+s14+$0x0], $0xffff  }
0x14c: {  	[tilespmem:v62+s30+$0x0] =	vst.idx.msk $0xffff, v49;
	v49 =	vor.u32 v8, v33;
	_ =	sdelay $0x2  }
0x14d: {  	v62 =	vor.u32 v7, v58;
	v61 =	vld.idx.msk [tilespmem:v63+s14+$0x0], $0xffff  }
0x14e: {  	v63 =	vor.u32 v8, v60;
	[tilespmem:v41+s30+$0x0] =	vst.idx.msk $0xffff, v57  }
0x14f: {  	v41 =	vld.idx.msk [tilespmem:v49+s14+$0x0], $0xffff;
	v49 =	vor.u32 v9, v39  }
0x150: {  	v57 =	vor.u32 v10, v33;
	_ =	sdelay $0x1  }
0x151: {  	[tilespmem:v62+s30+$0x0] =	vst.idx.msk $0xffff, v61  }
0x152: {  	v62 =	vor.u32 v9, v58;
	v61 =	vld.idx.msk [tilespmem:v63+s14+$0x0], $0xffff  }
0x153: {  	v63 =	vor.u32 v10, v60;
	[tilespmem:v49+s30+$0x0] =	vst.idx.msk $0xffff, v41  }
0x154: {  	v49 =	vor.u32 v11, v39;
	v41 =	vld.idx.msk [tilespmem:v57+s14+$0x0], $0xffff  }
0x155: {  	v57 =	vor.u32 v12, v33;
	_ =	sdelay $0x1  }
0x156: {  	[tilespmem:v62+s30+$0x0] =	vst.idx.msk $0xffff, v61  }
0x157: {  	v61 =	vld.idx.msk [tilespmem:v63+s14+$0x0], $0xffff;
	[tilespmem:$0x1FFC0] =	vst v60  }
0x158: {  	[tilespmem:v49+s30+$0x0] =	vst.idx.msk $0xffff, v41  }
0x159: {  	v41 =	vld.idx.msk [tilespmem:v57+s14+$0x0], $0xffff  }
0x15a: {  	v62 =	vor.u32 v11, v58  }
0x15b: {  	v63 =	vor.u32 v12, v60;
	_ =	sdelay $0x2  }
0x15c: {  	[tilespmem:$0x1FF80] =	vst v41  }
0x15d: {  	[tilespmem:v62+s30+$0x0] =	vst.idx.msk $0xffff, v61  }
0x15e: {  	v61 =	vld.idx.msk [tilespmem:v63+s14+$0x0], $0xffff  }
0x15f: {  	v49 =	vor.u32 v13, v39;
	v63 =	vor.u32 v14, v60;
	v60 =	vld [tilespmem:$0x1FF80]  }
0x160: {  	v57 =	vor.u32 v14, v33;
	_ =	sdelay $0x3  }
0x161: {  	[tilespmem:v49+s30+$0x0] =	vst.idx.msk $0xffff, v60  }
0x162: {  	v57 =	vld.idx.msk [tilespmem:v57+s14+$0x0], $0xffff  }
0x163: {  	v62 =	vor.u32 v13, v58;
	_ =	sdelay $0x3  }
0x164: {  	[tilespmem:$0x1FF90] =	vst v57  }
0x165: {  	[tilespmem:v62+s30+$0x0] =	vst.idx.msk $0xffff, v61  }
0x166: {  	v57 =	vld [tilespmem:$0x1FFD0];
	_ =	sdelay $0x4  }
0x167: {  	v61 =	vor.u32 $0x10, v57  }
0x168: {  	v60 =	vor.u32 v15, v39;
	v39 =	vand.u32 $0x1F, v61  }
0x169: {  	v41 =	vor.u32 $0x10, v20;
	v63 =	vld.idx.msk [tilespmem:v63+s14+$0x0], $0xffff;
	v57 =	vor.u32 v15, v58;
	v58 =	vor.u32 v1, v39  }
0x16a: {  	v49 =	vand.u32 $0x1F, v41;
	[tilespmem:$0x1FFB0] =	vst v58;
	v58 =	vshll.u32 v41, $0x7;
	v41 =	vand.u32 $0x380, v40;
	v40 =	vld [tilespmem:$0x1FF90];
	_ =	sdelay $0x3  }
0x16b: {  	[tilespmem:$0x1FFE0] =	vst v41  }
0x16c: {  	[tilespmem:v60+s30+$0x0] =	vst.idx.msk $0xffff, v40  }
0x16d: {  	v40 =	vld [tilespmem:$0x1FFA0];
	_ =	sdelay $0x4  }
0x16e: {  	v40 =	vand.u32 $0x380, v40  }
0x16f: {  	[tilespmem:$0x1FFF0] =	vst v40  }
0x170: {  	[tilespmem:v57+s30+$0x0] =	vst.idx.msk $0xffff, v63  }
0x171: {  	v63 =	vld [tilespmem:$0x1FFB0]  }
0x172: {  	v62 =	vor.u32 v1, v49;
	_ =	sdelay $0x2  }
0x173: {  	v58 =	vand.u32 $0xC00, v58  }
0x174: {  	v61 =	vshll.u32 v61, $0x7;
	v58 =	vor.u32 v41, v58  }
0x175: {  	v41 =	vand.u32 $0xC00, v61;
	v61 =	vor.u32 v0, v58;
	v62 =	vld.idx.msk [tilespmem:v62+s14+$0x0], $0xffff  }
0x176: {  	v60 =	vor.u32 v2, v49;
	v57 =	vor.u32 v40, v41  }
0x177: {  	v40 =	vor.u32 v0, v57;
	v63 =	vld.idx.msk [tilespmem:v63+s14+$0x0], $0xffff  }
0x178: {  	v41 =	vor.u32 v2, v39;
	[tilespmem:v54+s30+$0x0] =	vst.idx.msk $0xffff, v52  }
0x179: {  	v54 =	vor.u32 v5, v36;
	v52 =	vld.idx.msk [tilespmem:v55+s14+$0x0], $0xffff;
	[tilespmem:v56+s30+$0x0] =	vst.idx.msk $0xffff, v53  }
0x17a: {  	v53 =	vor.u32 v6, v35;
	v56 =	vor.u32 v5, v38;
	[tilespmem:v61+s30+$0x0] =	vst.idx.msk $0xffff, v62;
	v55 =	vld.idx.msk [tilespmem:v59+s14+$0x0], $0xffff  }
0x17b: {  	v61 =	vor.u32 v3, v58;
	v59 =	vor.u32 v6, v37;
	v60 =	vld.idx.msk [tilespmem:v60+s14+$0x0], $0xffff  }
0x17c: {  	[tilespmem:v40+s30+$0x0] =	vst.idx.msk $0xffff, v63;
	v40 =	vor.u32 v4, v49  }
0x17d: {  	v62 =	vor.u32 v3, v57;
	v41 =	vld.idx.msk [tilespmem:v41+s14+$0x0], $0xffff  }
0x17e: {  	[tilespmem:v54+s30+$0x0] =	vst.idx.msk $0xffff, v52;
	v63 =	vor.u32 v4, v39  }
0x17f: {  	v52 =	vld.idx.msk [tilespmem:v53+s14+$0x0], $0xffff;
	v53 =	vor.u32 v7, v36;
	[tilespmem:v56+s30+$0x0] =	vst.idx.msk $0xffff, v55  }
0x180: {  	v54 =	vor.u32 v8, v35;
	v56 =	vor.u32 v7, v38;
	[tilespmem:v61+s30+$0x0] =	vst.idx.msk $0xffff, v60;
	v55 =	vld.idx.msk [tilespmem:v59+s14+$0x0], $0xffff  }
0x181: {  	v60 =	vor.u32 v5, v58;
	v59 =	vor.u32 v8, v37;
	v40 =	vld.idx.msk [tilespmem:v40+s14+$0x0], $0xffff  }
0x182: {  	[tilespmem:v62+s30+$0x0] =	vst.idx.msk $0xffff, v41;
	v41 =	vor.u32 v6, v49  }
0x183: {  	v62 =	vor.u32 v5, v57;
	v61 =	vld.idx.msk [tilespmem:v63+s14+$0x0], $0xffff  }
0x184: {  	[tilespmem:v53+s30+$0x0] =	vst.idx.msk $0xffff, v52;
	v63 =	vor.u32 v6, v39  }
0x185: {  	v53 =	vor.u32 v9, v36;
	v52 =	vld.idx.msk [tilespmem:v54+s14+$0x0], $0xffff;
	[tilespmem:v56+s30+$0x0] =	vst.idx.msk $0xffff, v55  }
0x186: {  	v54 =	vor.u32 v10, v35;
	v56 =	vor.u32 v9, v38;
	v55 =	vld.idx.msk [tilespmem:v59+s14+$0x0], $0xffff;
	[tilespmem:v60+s30+$0x0] =	vst.idx.msk $0xffff, v40  }
0x187: {  	v59 =	vor.u32 v7, v58;
	v40 =	vor.u32 v10, v37;
	v41 =	vld.idx.msk [tilespmem:v41+s14+$0x0], $0xffff  }
0x188: {  	v60 =	vor.u32 v8, v49;
	[tilespmem:v62+s30+$0x0] =	vst.idx.msk $0xffff, v61  }
0x189: {  	v62 =	vor.u32 v7, v57;
	v61 =	vld.idx.msk [tilespmem:v63+s14+$0x0], $0xffff  }
0x18a: {  	[tilespmem:v53+s30+$0x0] =	vst.idx.msk $0xffff, v52;
	v63 =	vor.u32 v8, v39  }
0x18b: {  	v53 =	vor.u32 v11, v36;
	v52 =	vld.idx.msk [tilespmem:v54+s14+$0x0], $0xffff;
	[tilespmem:v56+s30+$0x0] =	vst.idx.msk $0xffff, v55  }
0x18c: {  	v54 =	vor.u32 v12, v35;
	v55 =	vor.u32 v11, v38;
	v40 =	vld.idx.msk [tilespmem:v40+s14+$0x0], $0xffff;
	[tilespmem:v59+s30+$0x0] =	vst.idx.msk $0xffff, v41  }
0x18d: {  	v41 =	vor.u32 v12, v37;
	v59 =	vor.u32 v9, v58;
	v56 =	vld.idx.msk [tilespmem:v60+s14+$0x0], $0xffff  }
0x18e: {  	v60 =	vor.u32 v10, v49;
	[tilespmem:v62+s30+$0x0] =	vst.idx.msk $0xffff, v61  }
0x18f: {  	v62 =	vor.u32 v9, v57;
	v61 =	vld.idx.msk [tilespmem:v63+s14+$0x0], $0xffff  }
0x190: {  	[tilespmem:v53+s30+$0x0] =	vst.idx.msk $0xffff, v52;
	v63 =	vor.u32 v10, v39  }
0x191: {  	v52 =	vor.u32 v13, v36;
	[tilespmem:v55+s30+$0x0] =	vst.idx.msk $0xffff, v40;
	v40 =	vld.idx.msk [tilespmem:v54+s14+$0x0], $0xffff  }
0x192: {  	v53 =	vor.u32 v13, v38;
	v41 =	vld.idx.msk [tilespmem:v41+s14+$0x0], $0xffff;
	[tilespmem:v59+s30+$0x0] =	vst.idx.msk $0xffff, v56  }
0x193: {  	v54 =	vor.u32 v14, v35;
	v56 =	vor.u32 v11, v58;
	v55 =	vld.idx.msk [tilespmem:v60+s14+$0x0], $0xffff  }
0x194: {  	v59 =	vor.u32 v12, v49;
	[tilespmem:v62+s30+$0x0] =	vst.idx.msk $0xffff, v61  }
0x195: {  	[tilespmem:v51+s30+$0x0] =	vst.idx.msk $0xffff, v50;
	v37 =	vor.u32 v14, v37;
	v61 =	vor.u32 v11, v57;
	v60 =	vld.idx.msk [tilespmem:v63+s14+$0x0], $0xffff  }
0x196: {  	v23 =	vor.u32 $0x20, v23;
	v50 =	vor.u32 v12, v39;
	v36 =	vor.u32 v15, v36;
	[tilespmem:v52+s30+$0x0] =	vst.idx.msk $0xffff, v40  }
0x197: {  	v49 =	vor.u32 v14, v49;
	v63 =	vand.u32 $0x7, v19;
	v52 =	vand.u32 $0x28, v23;
	[tilespmem:v53+s30+$0x0] =	vst.idx.msk $0xffff, v41  }
0x198: {  	v35 =	vor.u32 v63, v52;
	v41 =	vshll.u32 v23, $0x7;
	v51 =	vld.idx.msk [tilespmem:v54+s14+$0x0], $0xffff;
	[tilespmem:v56+s30+$0x0] =	vst.idx.msk $0xffff, v55  }
0x199: {  	v53 =	vor.u32 $0x20, v24;
	v63 =	vor.u32 v13, v58;
	v52 =	vor.u32 v1, v35;
	v62 =	vld.idx.msk [tilespmem:v59+s14+$0x0], $0xffff  }
0x19a: {  	v23 =	vand.u32 $0x7, v21;
	v37 =	vld.idx.msk [tilespmem:v37+s14+$0x0], $0xffff;
	v24 =	vand.u32 $0x28, v53;
	v56 =	vor.u32 v15, v38;
	[tilespmem:v61+s30+$0x0] =	vst.idx.msk $0xffff, v60  }
0x19b: {  	v23 =	vor.u32 v23, v24;
	v24 =	vand.u32 $0x1400, v41;
	v59 =	vor.u32 v13, v57;
	v41 =	vld.idx.msk [tilespmem:v50+s14+$0x0], $0xffff  }
0x19c: {  	[tilespmem:v48+s30+$0x0] =	vst.idx.msk $0xffff, v47  }
0x19d: {  	v39 =	vor.u32 v14, v39;
	[tilespmem:v36+s30+$0x0] =	vst.idx.msk $0xffff, v51  }
0x19e: {  	v52 =	vld.idx.msk [tilespmem:v52+s14+$0x0], $0xffff;
	[tilespmem:v63+s30+$0x0] =	vst.idx.msk $0xffff, v62  }
0x19f: {  	v24 =	vor.u32 v32, v24;
	[tilespmem:v56+s30+$0x0] =	vst.idx.msk $0xffff, v37;
	v49 =	vld.idx.msk [tilespmem:v49+s14+$0x0], $0xffff  }
0x1a0: {  	v33 =	vor.u32 $0x20, v33;
	v48 =	vor.u32 v0, v24;
	v38 =	vld [tilespmem:$0x1FFC0];
	[tilespmem:v59+s30+$0x0] =	vst.idx.msk $0xffff, v41  }
0x1a1: {  	v54 =	vor.u32 v15, v58;
	v61 =	vand.u32 $0x7, v20;
	v62 =	vand.u32 $0x28, v33;
	v58 =	vld [tilespmem:$0x1FFD0]  }
0x1a2: {  	v37 =	vor.u32 v61, v62;
	v62 =	vor.u32 v15, v57;
	v39 =	vld.idx.msk [tilespmem:v39+s14+$0x0], $0xffff;
	_ =	sdelay $0x2  }
0x1a3: {  	v60 =	vshll.u32 v53, $0x7;
	[tilespmem:v48+s30+$0x0] =	vst.idx.msk $0xffff, v52  }
0x1a4: {  	v53 =	vor.u32 v2, v35;
	v36 =	vor.u32 v1, v23;
	v63 =	vor.u32 $0x20, v38;
	[tilespmem:v54+s30+$0x0] =	vst.idx.msk $0xffff, v49  }
0x1a5: {  	v51 =	vand.u32 $0x1400, v60;
	v60 =	vand.u32 $0x28, v63;
	v57 =	vld [tilespmem:$0x1FFE0];
	v47 =	vand.u32 $0x7, v58;
	[tilespmem:v62+s30+$0x0] =	vst.idx.msk $0xffff, v39  }
0x1a6: {  	v61 =	vor.u32 v1, v37;
	v38 =	vor.u32 v47, v60;
	v56 =	vld [tilespmem:$0x1FFF0]  }
0x1a7: {  	v40 =	vor.u32 v9, v30;
	v33 =	vshll.u32 v33, $0x7;
	v41 =	vor.u32 v1, v38  }
0x1a8: {  	v33 =	vand.u32 $0x1400, v33;
	v47 =	vor.u32 v14, v31;
	v31 =	vor.u32 v34, v51  }
0x1a9: {  	v52 =	vld.idx.msk [tilespmem:v36+s14+$0x0], $0xffff;
	v49 =	vor.u32 v3, v24;
	v63 =	vshll.u32 v63, $0x7;
	v48 =	vor.u32 v0, v31  }
0x1aa: {  	v53 =	vld.idx.msk [tilespmem:v53+s14+$0x0], $0xffff;
	v36 =	vand.u32 $0x1400, v63;
	v51 =	vor.u32 v2, v23;
	v33 =	vor.u32 v57, v33  }
0x1ab: {  	v54 =	vor.u32 v4, v35;
	v50 =	vld.idx.msk [tilespmem:v61+s14+$0x0], $0xffff;
	v39 =	vor.u32 v0, v33;
	v36 =	vor.u32 v56, v36  }
0x1ac: {  	v59 =	vor.u32 v2, v37;
	[tilespmem:v46+s30+$0x0] =	vst.idx.msk $0xffff, v44;
	v41 =	vld.idx.msk [tilespmem:v41+s14+$0x0], $0xffff;
	v46 =	vor.u32 v0, v36  }
0x1ad: {  	v42 =	vld.idx.msk [tilespmem:v42+s14+$0x0], $0xffff;
	v60 =	vor.u32 v9, v28;
	[tilespmem:v40+s30+$0x0] =	vst.idx.msk $0xffff, v45;
	v61 =	vor.u32 v2, v38  }
0x1ae: {  	v29 =	vor.u32 v15, v29;
	v43 =	vld.idx.msk [tilespmem:v43+s14+$0x0], $0xffff;
	v62 =	vor.u32 v10, v26;
	[tilespmem:v48+s30+$0x0] =	vst.idx.msk $0xffff, v52  }
0x1af: {  	v63 =	vor.u32 v10, v27;
	[tilespmem:v49+s30+$0x0] =	vst.idx.msk $0xffff, v53;
	v52 =	vor.u32 v3, v31;
	v51 =	vld.idx.msk [tilespmem:v51+s14+$0x0], $0xffff  }
0x1b0: {  	v49 =	vor.u32 v4, v23;
	v53 =	vld.idx.msk [tilespmem:v54+s14+$0x0], $0xffff;
	v54 =	vor.u32 v5, v24;
	[tilespmem:v39+s30+$0x0] =	vst.idx.msk $0xffff, v50  }
0x1b1: {  	v39 =	vor.u32 v6, v35;
	v44 =	vld.idx.msk [tilespmem:v59+s14+$0x0], $0xffff;
	v59 =	vor.u32 v3, v33;
	[tilespmem:v46+s30+$0x0] =	vst.idx.msk $0xffff, v41  }
0x1b2: {  	[tilespmem:v60+s30+$0x0] =	vst.idx.msk $0xffff, v42;
	v60 =	vor.u32 v4, v37;
	v40 =	vld.idx.msk [tilespmem:v61+s14+$0x0], $0xffff;
	v61 =	vor.u32 v3, v36  }
0x1b3: {  	[tilespmem:v29+s30+$0x0] =	vst.idx.msk $0xffff, v43;
	v29 =	vor.u32 v4, v38;
	v45 =	vld.idx.msk [tilespmem:v62+s14+$0x0], $0xffff;
	v62 =	vor.u32 v11, v30  }
0x1b4: {  	v43 =	vor.u32 v12, v26;
	v48 =	vld.idx.msk [tilespmem:v63+s14+$0x0], $0xffff;
	v63 =	vor.u32 v11, v28;
	[tilespmem:v52+s30+$0x0] =	vst.idx.msk $0xffff, v51  }
0x1b5: {  	v26 =	vor.u32 v14, v26;
	[tilespmem:v54+s30+$0x0] =	vst.idx.msk $0xffff, v53;
	v52 =	vor.u32 v5, v31;
	v49 =	vld.idx.msk [tilespmem:v49+s14+$0x0], $0xffff  }
0x1b6: {  	v53 =	vor.u32 v6, v23;
	v54 =	vor.u32 v7, v24;
	v39 =	vld.idx.msk [tilespmem:v39+s14+$0x0], $0xffff;
	[tilespmem:v59+s30+$0x0] =	vst.idx.msk $0xffff, v44  }
0x1b7: {  	v59 =	vor.u32 v8, v35;
	v41 =	vld.idx.msk [tilespmem:v60+s14+$0x0], $0xffff;
	v60 =	vor.u32 v5, v33;
	[tilespmem:v61+s30+$0x0] =	vst.idx.msk $0xffff, v40  }
0x1b8: {  	[tilespmem:v62+s30+$0x0] =	vst.idx.msk $0xffff, v45;
	v62 =	vor.u32 v5, v36;
	v61 =	vor.u32 v6, v37;
	v42 =	vld.idx.msk [tilespmem:v29+s14+$0x0], $0xffff  }
0x1b9: {  	[tilespmem:v63+s30+$0x0] =	vst.idx.msk $0xffff, v48;
	v63 =	vor.u32 v6, v38;
	v48 =	vor.u32 v13, v30  }
0x1ba: {  	v51 =	vor.u32 v12, v27;
	v29 =	vor.u32 v15, v25;
	v25 =	vld.idx.msk [tilespmem:v43+s14+$0x0], $0xffff;
	[tilespmem:v52+s30+$0x0] =	vst.idx.msk $0xffff, v49  }
0x1bb: {  	v55 =	vor.u32 v13, v33;
	v52 =	vor.u32 v7, v31;
	v49 =	vld.idx.msk [tilespmem:v53+s14+$0x0], $0xffff;
	[tilespmem:v54+s30+$0x0] =	vst.idx.msk $0xffff, v39  }
0x1bc: {  	v39 =	vor.u32 v8, v23;
	v53 =	vor.u32 v9, v24;
	v44 =	vld.idx.msk [tilespmem:v59+s14+$0x0], $0xffff;
	[tilespmem:v60+s30+$0x0] =	vst.idx.msk $0xffff, v41  }
0x1bd: {  	v59 =	vor.u32 v10, v35;
	v60 =	vor.u32 v7, v33;
	v40 =	vld.idx.msk [tilespmem:v61+s14+$0x0], $0xffff;
	[tilespmem:v62+s30+$0x0] =	vst.idx.msk $0xffff, v42  }
0x1be: {  	v50 =	vor.u32 v9, v33;
	v62 =	vor.u32 v8, v37;
	v43 =	vld.idx.msk [tilespmem:v63+s14+$0x0], $0xffff;
	v63 =	vor.u32 v7, v36  }
0x1bf: {  	v51 =	vld.idx.msk [tilespmem:v51+s14+$0x0], $0xffff;
	v61 =	vor.u32 v13, v28;
	[tilespmem:v48+s30+$0x0] =	vst.idx.msk $0xffff, v25;
	v25 =	vor.u32 v8, v38  }
0x1c0: {  	v46 =	vor.u32 $0x30, v22;
	v30 =	vor.u32 v15, v30;
	v26 =	vld.idx.msk [tilespmem:v26+s14+$0x0], $0xffff;
	[tilespmem:v52+s30+$0x0] =	vst.idx.msk $0xffff, v49  }
0x1c1: {  	v27 =	vor.u32 v14, v27;
	v52 =	vor.u32 v9, v31;
	v39 =	vld.idx.msk [tilespmem:v39+s14+$0x0], $0xffff;
	[tilespmem:v53+s30+$0x0] =	vst.idx.msk $0xffff, v44  }
0x1c2: {  	v44 =	vor.u32 v10, v23;
	v41 =	vld.idx.msk [tilespmem:v59+s14+$0x0], $0xffff;
	v59 =	vor.u32 v11, v24;
	[tilespmem:v60+s30+$0x0] =	vst.idx.msk $0xffff, v40  }
0x1c3: {  	v22 =	vand.u32 $0x3F, v46;
	v60 =	vor.u32 v12, v35;
	v45 =	vld.idx.msk [tilespmem:v62+s14+$0x0], $0xffff;
	[tilespmem:v63+s30+$0x0] =	vst.idx.msk $0xffff, v43  }
0x1c4: {  	[tilespmem:v61+s30+$0x0] =	vst.idx.msk $0xffff, v51;
	v61 =	vor.u32 v10, v37;
	v62 =	vor.u32 v9, v36;
	v25 =	vld.idx.msk [tilespmem:v25+s14+$0x0], $0xffff  }
0x1c5: {  	v46 =	vshll.u32 v46, $0x7;
	v28 =	vor.u32 v15, v28;
	[tilespmem:v30+s30+$0x0] =	vst.idx.msk $0xffff, v26;
	v26 =	vor.u32 v10, v38  }
0x1c6: {  	v48 =	vor.u32 v2, v22;
	v35 =	vor.u32 v14, v35;
	v27 =	vld.idx.msk [tilespmem:v27+s14+$0x0], $0xffff;
	[tilespmem:v52+s30+$0x0] =	vst.idx.msk $0xffff, v39  }
0x1c7: {  	v63 =	vor.u32 $0x30, v16;
	v30 =	vand.u32 $0x1C00, v46;
	v46 =	vor.u32 v11, v31;
	v44 =	vld.idx.msk [tilespmem:v44+s14+$0x0], $0xffff;
	[tilespmem:v59+s30+$0x0] =	vst.idx.msk $0xffff, v41  }
0x1c8: {  	v59 =	vor.u32 v12, v23;
	v40 =	vld.idx.msk [tilespmem:v60+s14+$0x0], $0xffff;
	v60 =	vor.u32 v13, v24;
	[tilespmem:v50+s30+$0x0] =	vst.idx.msk $0xffff, v45  }
0x1c9: {  	v54 =	vor.u32 $0x30, v19;
	v16 =	vand.u32 $0x3F, v63;
	v42 =	vld.idx.msk [tilespmem:v61+s14+$0x0], $0xffff;
	v61 =	vor.u32 v11, v33;
	[tilespmem:v62+s30+$0x0] =	vst.idx.msk $0xffff, v25  }
0x1ca: {  	v25 =	vshll.u32 v63, $0x7;
	v62 =	vor.u32 v12, v37;
	v63 =	vor.u32 v11, v36;
	v26 =	vld.idx.msk [tilespmem:v26+s14+$0x0], $0xffff  }
0x1cb: {  	v19 =	vand.u32 $0x3F, v54;
	v49 =	vor.u32 v1, v22;
	[tilespmem:v28+s30+$0x0] =	vst.idx.msk $0xffff, v27;
	v27 =	vor.u32 v12, v38  }
0x1cc: {  	v53 =	vor.u32 v13, v31;
	v31 =	vor.u32 v15, v31;
	v25 =	vand.u32 $0x1C00, v25;
	[tilespmem:v46+s30+$0x0] =	vst.idx.msk $0xffff, v44  }
0x1cd: {  	v17 =	vor.u32 v17, v30;
	v18 =	vor.u32 v18, v25;
	v25 =	vld.idx.msk [tilespmem:v59+s14+$0x0], $0xffff;
	[tilespmem:v60+s30+$0x0] =	vst.idx.msk $0xffff, v40  }
0x1ce: {  	v23 =	vor.u32 v14, v23;
	v24 =	vor.u32 v15, v24;
	v35 =	vld.idx.msk [tilespmem:v35+s14+$0x0], $0xffff;
	[tilespmem:v61+s30+$0x0] =	vst.idx.msk $0xffff, v42  }
0x1cf: {  	v39 =	vor.u32 v1, v16;
	v28 =	vor.u32 v0, v17;
	v42 =	vld.idx.msk [tilespmem:v62+s14+$0x0], $0xffff;
	[tilespmem:v63+s30+$0x0] =	vst.idx.msk $0xffff, v26  }
0x1d0: {  	v45 =	vor.u32 v2, v16;
	v59 =	vor.u32 v13, v36;
	v26 =	vor.u32 v14, v37;
	v27 =	vld.idx.msk [tilespmem:v27+s14+$0x0], $0xffff  }
0x1d1: {  	v38 =	vor.u32 v14, v38;
	v33 =	vor.u32 v15, v33;
	v46 =	vor.u32 v2, v19;
	v60 =	vld.idx.msk [tilespmem:v47+s14+$0x0], $0xffff  }
0x1d2: {  	v36 =	vor.u32 v15, v36;
	v30 =	vor.u32 v0, v18;
	v62 =	vor.u32 $0x30, v21;
	[tilespmem:v53+s30+$0x0] =	vst.idx.msk $0xffff, v25  }
0x1d3: {  	v61 =	vor.u32 v1, v19;
	v21 =	vand.u32 $0x3F, v62;
	v25 =	vshll.u32 v54, $0x7;
	v41 =	vld.idx.msk [tilespmem:v23+s14+$0x0], $0xffff;
	[tilespmem:v24+s30+$0x0] =	vst.idx.msk $0xffff, v35  }
0x1d4: {  	v51 =	vld.idx.msk [tilespmem:v39+s14+$0x0], $0xffff;
	v52 =	vor.u32 v1, v21;
	v53 =	vor.u32 $0x30, v20;
	v63 =	vand.u32 $0x1C00, v25;
	[tilespmem:v55+s30+$0x0] =	vst.idx.msk $0xffff, v42  }
0x1d5: {  	v24 =	vshll.u32 v62, $0x7;
	v23 =	vand.u32 $0x3F, v53;
	v26 =	vld.idx.msk [tilespmem:v26+s14+$0x0], $0xffff;
	[tilespmem:v59+s30+$0x0] =	vst.idx.msk $0xffff, v27;
	v27 =	vor.u32 $0x30, v58  }
0x1d6: {  	[tilespmem:v29+s30+$0x0] =	vst.idx.msk $0xffff, v60;
	v54 =	vor.u32 v1, v23;
	v24 =	vand.u32 $0x1C00, v24;
	v38 =	vld.idx.msk [tilespmem:v38+s14+$0x0], $0xffff;
	v25 =	vand.u32 $0x3F, v27  }
0x1d7: {  	v47 =	vld.idx.msk [tilespmem:v49+s14+$0x0], $0xffff;
	v60 =	vor.u32 v2, v21;
	v24 =	vor.u32 v34, v24;
	v58 =	vor.u32 v1, v25  }
0x1d8: {  	v20 =	vor.u32 v32, v63;
	v34 =	vor.u32 v0, v24;
	[tilespmem:v31+s30+$0x0] =	vst.idx.msk $0xffff, v41;
	v31 =	vshll.u32 v53, $0x7  }
0x1d9: {  	v55 =	vld.idx.msk [tilespmem:v61+s14+$0x0], $0xffff;
	v59 =	vor.u32 v0, v20;
	v27 =	vshll.u32 v27, $0x7;
	v31 =	vand.u32 $0x1C00, v31  }
0x1da: {  	v29 =	vld.idx.msk [tilespmem:v52+s14+$0x0], $0xffff;
	v27 =	vand.u32 $0x1C00, v27;
	[tilespmem:v33+s30+$0x0] =	vst.idx.msk $0xffff, v26;
	v26 =	vor.u32 v57, v31  }
0x1db: {  	v27 =	vor.u32 v56, v27;
	v31 =	vld.idx.msk [tilespmem:v54+s14+$0x0], $0xffff;
	v61 =	vor.u32 v0, v26;
	[tilespmem:v36+s30+$0x0] =	vst.idx.msk $0xffff, v38  }
0x1dc: {  	[tilespmem:v28+s30+$0x0] =	vst.idx.msk $0xffff, v47;
	v28 =	vor.u32 v2, v23;
	v62 =	vor.u32 v0, v27;
	v36 =	vld.idx.msk [tilespmem:v58+s14+$0x0], $0xffff  }
0x1dd: {  	[tilespmem:v30+s30+$0x0] =	vst.idx.msk $0xffff, v51;
	v63 =	vld.idx.msk [tilespmem:v48+s14+$0x0], $0xffff;
	v48 =	vor.u32 v3, v17;
	v30 =	vor.u32 v2, v25  }
0x1de: {  	v49 =	vor.u32 v4, v22;
	v51 =	vor.u32 v3, v18;
	v50 =	vld.idx.msk [tilespmem:v45+s14+$0x0], $0xffff;
	[tilespmem:v59+s30+$0x0] =	vst.idx.msk $0xffff, v55  }
0x1df: {  	v53 =	vor.u32 v3, v20;
	v52 =	vor.u32 v4, v16;
	v43 =	vld.idx.msk [tilespmem:v46+s14+$0x0], $0xffff;
	[tilespmem:v34+s30+$0x0] =	vst.idx.msk $0xffff, v29  }
0x1e0: {  	v54 =	vor.u32 v3, v24;
	v29 =	vor.u32 v4, v19;
	v34 =	vld.idx.msk [tilespmem:v60+s14+$0x0], $0xffff;
	[tilespmem:v61+s30+$0x0] =	vst.idx.msk $0xffff, v31  }
0x1e1: {  	v55 =	vor.u32 v3, v26;
	v31 =	vor.u32 v4, v21;
	v28 =	vld.idx.msk [tilespmem:v28+s14+$0x0], $0xffff;
	[tilespmem:v62+s30+$0x0] =	vst.idx.msk $0xffff, v36  }
0x1e2: {  	[tilespmem:v48+s30+$0x0] =	vst.idx.msk $0xffff, v63;
	v56 =	vor.u32 v4, v23;
	v57 =	vor.u32 v3, v27;
	v30 =	vld.idx.msk [tilespmem:v30+s14+$0x0], $0xffff  }
0x1e3: {  	[tilespmem:v51+s30+$0x0] =	vst.idx.msk $0xffff, v50;
	v35 =	vld.idx.msk [tilespmem:v49+s14+$0x0], $0xffff;
	v59 =	vor.u32 v4, v25;
	v58 =	vor.u32 v5, v17  }
0x1e4: {  	v32 =	vld.idx.msk [tilespmem:v52+s14+$0x0], $0xffff;
	v60 =	vor.u32 v6, v22;
	v61 =	vor.u32 v5, v18;
	[tilespmem:v53+s30+$0x0] =	vst.idx.msk $0xffff, v43  }
0x1e5: {  	v63 =	vor.u32 v5, v20;
	v62 =	vor.u32 v6, v16;
	v29 =	vld.idx.msk [tilespmem:v29+s14+$0x0], $0xffff;
	[tilespmem:v54+s30+$0x0] =	vst.idx.msk $0xffff, v34  }
0x1e6: {  	v48 =	vor.u32 v6, v19;
	v49 =	vor.u32 v5, v24;
	v31 =	vld.idx.msk [tilespmem:v31+s14+$0x0], $0xffff;
	[tilespmem:v55+s30+$0x0] =	vst.idx.msk $0xffff, v28  }
0x1e7: {  	v50 =	vor.u32 v5, v26;
	v28 =	vor.u32 v6, v21;
	v33 =	vld.idx.msk [tilespmem:v56+s14+$0x0], $0xffff;
	[tilespmem:v57+s30+$0x0] =	vst.idx.msk $0xffff, v30  }
0x1e8: {  	v52 =	vor.u32 v5, v27;
	[tilespmem:v58+s30+$0x0] =	vst.idx.msk $0xffff, v35;
	v30 =	vor.u32 v6, v23;
	v51 =	vld.idx.msk [tilespmem:v59+s14+$0x0], $0xffff  }
0x1e9: {  	v53 =	vor.u32 v7, v17;
	v38 =	vld.idx.msk [tilespmem:v60+s14+$0x0], $0xffff;
	v54 =	vor.u32 v6, v25;
	[tilespmem:v61+s30+$0x0] =	vst.idx.msk $0xffff, v32  }
0x1ea: {  	v55 =	vor.u32 v8, v22;
	v42 =	vld.idx.msk [tilespmem:v62+s14+$0x0], $0xffff;
	v56 =	vor.u32 v7, v18;
	[tilespmem:v63+s30+$0x0] =	vst.idx.msk $0xffff, v29  }
0x1eb: {  	v29 =	vor.u32 v8, v16;
	v34 =	vld.idx.msk [tilespmem:v48+s14+$0x0], $0xffff;
	v57 =	vor.u32 v7, v20;
	[tilespmem:v49+s30+$0x0] =	vst.idx.msk $0xffff, v31  }
0x1ec: {  	v58 =	vor.u32 v7, v24;
	v31 =	vor.u32 v8, v19;
	v28 =	vld.idx.msk [tilespmem:v28+s14+$0x0], $0xffff;
	[tilespmem:v50+s30+$0x0] =	vst.idx.msk $0xffff, v33  }
0x1ed: {  	v60 =	vor.u32 v7, v26;
	v59 =	vor.u32 v8, v21;
	v30 =	vld.idx.msk [tilespmem:v30+s14+$0x0], $0xffff;
	[tilespmem:v52+s30+$0x0] =	vst.idx.msk $0xffff, v51  }
0x1ee: {  	v61 =	vor.u32 v8, v23;
	v62 =	vor.u32 v7, v27;
	[tilespmem:v53+s30+$0x0] =	vst.idx.msk $0xffff, v38;
	v32 =	vld.idx.msk [tilespmem:v54+s14+$0x0], $0xffff  }
0x1ef: {  	v63 =	vor.u32 v9, v17;
	v48 =	vor.u32 v8, v25;
	v38 =	vld.idx.msk [tilespmem:v55+s14+$0x0], $0xffff;
	[tilespmem:v56+s30+$0x0] =	vst.idx.msk $0xffff, v42  }
0x1f0: {  	v49 =	vor.u32 v10, v22;
	v50 =	vor.u32 v9, v18;
	v29 =	vld.idx.msk [tilespmem:v29+s14+$0x0], $0xffff;
	[tilespmem:v57+s30+$0x0] =	vst.idx.msk $0xffff, v34  }
0x1f1: {  	v51 =	vor.u32 v10, v16;
	v52 =	vor.u32 v9, v20;
	v31 =	vld.idx.msk [tilespmem:v31+s14+$0x0], $0xffff;
	[tilespmem:v58+s30+$0x0] =	vst.idx.msk $0xffff, v28  }
0x1f2: {  	v53 =	vor.u32 v9, v24;
	v28 =	vor.u32 v10, v19;
	v33 =	vld.idx.msk [tilespmem:v59+s14+$0x0], $0xffff;
	[tilespmem:v60+s30+$0x0] =	vst.idx.msk $0xffff, v30  }
0x1f3: {  	v54 =	vor.u32 v9, v26;
	v30 =	vor.u32 v10, v21;
	v35 =	vld.idx.msk [tilespmem:v61+s14+$0x0], $0xffff;
	[tilespmem:v62+s30+$0x0] =	vst.idx.msk $0xffff, v32  }
0x1f4: {  	v55 =	vor.u32 v10, v23;
	v56 =	vor.u32 v9, v27;
	[tilespmem:v63+s30+$0x0] =	vst.idx.msk $0xffff, v38;
	v37 =	vld.idx.msk [tilespmem:v48+s14+$0x0], $0xffff  }
0x1f5: {  	v57 =	vor.u32 v11, v17;
	v40 =	vld.idx.msk [tilespmem:v49+s14+$0x0], $0xffff;
	[tilespmem:v50+s30+$0x0] =	vst.idx.msk $0xffff, v29;
	v29 =	vor.u32 v10, v25  }
0x1f6: {  	v58 =	vor.u32 v12, v22;
	v59 =	vor.u32 v11, v18;
	v34 =	vld.idx.msk [tilespmem:v51+s14+$0x0], $0xffff;
	[tilespmem:v52+s30+$0x0] =	vst.idx.msk $0xffff, v31  }
0x1f7: {  	v60 =	vor.u32 v11, v20;
	v31 =	vor.u32 v12, v16;
	v28 =	vld.idx.msk [tilespmem:v28+s14+$0x0], $0xffff;
	[tilespmem:v53+s30+$0x0] =	vst.idx.msk $0xffff, v33  }
0x1f8: {  	v61 =	vor.u32 v12, v19;
	v62 =	vor.u32 v11, v24;
	v30 =	vld.idx.msk [tilespmem:v30+s14+$0x0], $0xffff;
	[tilespmem:v54+s30+$0x0] =	vst.idx.msk $0xffff, v35  }
0x1f9: {  	v45 =	vor.u32 v11, v26;
	v63 =	vor.u32 v12, v21;
	v32 =	vld.idx.msk [tilespmem:v55+s14+$0x0], $0xffff;
	[tilespmem:v56+s30+$0x0] =	vst.idx.msk $0xffff, v37  }
0x1fa: {  	v47 =	vor.u32 v11, v27;
	v46 =	vor.u32 v12, v23;
	[tilespmem:v57+s30+$0x0] =	vst.idx.msk $0xffff, v40;
	v29 =	vld.idx.msk [tilespmem:v29+s14+$0x0], $0xffff  }
0x1fb: {  	v49 =	vor.u32 v12, v25;
	v48 =	vor.u32 v13, v17;
	v40 =	vld.idx.msk [tilespmem:v58+s14+$0x0], $0xffff;
	[tilespmem:v59+s30+$0x0] =	vst.idx.msk $0xffff, v34  }
0x1fc: {  	v22 =	vor.u32 v14, v22;
	v50 =	vor.u32 v13, v18;
	v31 =	vld.idx.msk [tilespmem:v31+s14+$0x0], $0xffff;
	[tilespmem:v60+s30+$0x0] =	vst.idx.msk $0xffff, v28  }
0x1fd: {  	v51 =	vor.u32 v13, v20;
	v16 =	vor.u32 v14, v16;
	v28 =	vld.idx.msk [tilespmem:v61+s14+$0x0], $0xffff;
	[tilespmem:v62+s30+$0x0] =	vst.idx.msk $0xffff, v30  }
0x1fe: {  	v19 =	vor.u32 v14, v19;
	v52 =	vor.u32 v13, v24;
	v30 =	vld.idx.msk [tilespmem:v63+s14+$0x0], $0xffff;
	[tilespmem:v45+s30+$0x0] =	vst.idx.msk $0xffff, v32  }
0x1ff: {  	v21 =	vor.u32 v14, v21;
	v53 =	vor.u32 v13, v26;
	v32 =	vld.idx.msk [tilespmem:v46+s14+$0x0], $0xffff;
	[tilespmem:v47+s30+$0x0] =	vst.idx.msk $0xffff, v29  }
0x200: {  	v23 =	vor.u32 v14, v23;
	v54 =	vor.u32 v13, v27;
	[tilespmem:v48+s30+$0x0] =	vst.idx.msk $0xffff, v40;
	v29 =	vld.idx.msk [tilespmem:v49+s14+$0x0], $0xffff  }
0x201: {  	v25 =	vor.u32 v14, v25;
	v17 =	vor.u32 v15, v17;
	v22 =	vld.idx.msk [tilespmem:v22+s14+$0x0], $0xffff;
	[tilespmem:v50+s30+$0x0] =	vst.idx.msk $0xffff, v31  }
0x202: {  	v18 =	vor.u32 v15, v18;
	v16 =	vld.idx.msk [tilespmem:v16+s14+$0x0], $0xffff;
	[tilespmem:v51+s30+$0x0] =	vst.idx.msk $0xffff, v28  }
0x203: {  	v20 =	vor.u32 v15, v20;
	v19 =	vld.idx.msk [tilespmem:v19+s14+$0x0], $0xffff;
	[tilespmem:v52+s30+$0x0] =	vst.idx.msk $0xffff, v30  }
0x204: {  	v24 =	vor.u32 v15, v24;
	v21 =	vld.idx.msk [tilespmem:v21+s14+$0x0], $0xffff;
	[tilespmem:v53+s30+$0x0] =	vst.idx.msk $0xffff, v32  }
0x205: {  	v26 =	vor.u32 v15, v26;
	v23 =	vld.idx.msk [tilespmem:v23+s14+$0x0], $0xffff;
	[tilespmem:v54+s30+$0x0] =	vst.idx.msk $0xffff, v29  }
0x206: {  	[tilespmem:v17+s30+$0x0] =	vst.idx.msk $0xffff, v22;
	v22 =	vor.u32 v15, v27;
	v17 =	vld.idx.msk [tilespmem:v25+s14+$0x0], $0xffff  }
0x207: {  	[tilespmem:v18+s30+$0x0] =	vst.idx.msk $0xffff, v16  }
0x208: {  	[tilespmem:v20+s30+$0x0] =	vst.idx.msk $0xffff, v19  }
0x209: {  	s8 =	sshll.u32 s19, $0x10;
	[tilespmem:v24+s30+$0x0] =	vst.idx.msk $0xffff, v21  }
0x20a: {  	s12 =	sadd.s32 s3, s8;
	[tilespmem:v26+s30+$0x0] =	vst.idx.msk $0xffff, v23  }
0x20b: {  	s7 =	sadd.s32 s5, s12;
	[tilespmem:v22+s30+$0x0] =	vst.idx.msk $0xffff, v17  }
0x20c: {  	[hbm4b:s7+s31] =	stream.strided.scatter [tilespmem:s30], [sflag:$0x5], $0x2000, s0, s31, $0x38;
	[tilespmem:$0x8100] =	vst v63  }
0x20d: {  	_ =	swait.ge [sflag:s2], $0x800  }
0x20e: {  	[sflag:s2] =	ssyncset.done $0x0  }
0x20f: {  	[sflag:s2] =	ssyncadd.s32 $0xFFFFF800  }
0x210: {  	_ =	swait.ge [sflag:s2], $0x800  }
0x211: {  	[sflag:s2] =	ssyncset.done $0x0  }
0x212: {  	[sflag:s2] =	ssyncadd.s32 $0xFFFFF800  }
0x213: {  	s7 =	sadd.s32 @!p0 $0x3, s10;
	_ =	swait.ge [sflag:s2], $0x800  }
0x214: {  	s10 =	sshll.u32 @!p0 s7, $0x9;
	[sflag:s2] =	ssyncset.done $0x0  }
0x215: {  	s12 =	simm.s32 @!p0 $0x80;
	s10 =	sand.u32 @!p0 $0x3F000, s10;
	[sflag:s2] =	ssyncadd.s32 $0xFFFFF800  }
0x216: {  	s7 =	sshll.u32 @!p0 s7, $0x4;
	s10 =	sadd.s32 @!p0 s1, s10;
	_ =	swait.ge [sflag:s2], $0x800  }
0x217: {  	s7 =	sand.u32 @!p0 $0x70, s7;
	s10 =	sadd.s32 @!p0 s5, s10;
	[sflag:s2] =	ssyncset.done $0x0  }
0x218: {  	s7 =	sadd.s32 @!p0 s7, s10;
	s10 =	simm.s32 @!p0 $0x0;
	[sflag:s2] =	ssyncadd.s32 $0xFFFFF800  }
0x219: {  	[tilespmem:s12], [sflag:$0x2] =	stream.linear.gather @!p0 [hbm4b:s7+s10], $0x80, $0x38;
	[tilespmem:$0x8100] =	vst v63  }
0x21a: {  	s7 =	simm.s32 @!p0 $0x1  }
0x21b: {  	_ =	swait.ge @!p0 [sflag:s7], $0x80  }
0x21c: {  	[sflag:s7] =	ssyncset.done @!p0 $0x0  }
0x21d: {  	s12 =	simm.s32 @!p0 $0x100;
	[sflag:s7] =	ssyncadd.s32 @!p0 $0xFFFFFF80;
	s7 =	simm.s32 @!p0 $0x20  }
0x21e: {  	[tilespmem:s12], [sflag:$0x3] =	stream.indirect.gather @!p0 [hbm4b:s6+s7], $0x40, s10, s7, $0xb8;
	[tilespmem:$0x8100] =	vst v63  }
0x21f: {  	s10 =	simm.s32 @!p0 $0x900  }
0x220: {  	[tilespmem:s10], [sflag:$0x3] =	stream.indirect.gather @!p0 [hbm4b:s6+s7], $0x40, s7, s7, $0xb8;
	[tilespmem:$0x8100] =	vst v63  }
0x221: {  	s12 =	simm.s32 @!p0 $0x1100;
	s10 =	simm.s32 @!p0 $0x40  }
0x222: {  	[tilespmem:s12], [sflag:$0x3] =	stream.indirect.gather @!p0 [hbm4b:s6+s7], $0x40, s10, s7, $0xb8;
	[tilespmem:$0x8100] =	vst v63  }
0x223: {  	s10 =	simm.s32 @!p0 $0x60;
	s12 =	simm.s32 @!p0 $0x1900  }
0x224: {  	[tilespmem:s12], [sflag:$0x3] =	stream.indirect.gather @!p0 [hbm4b:s6+s7], $0x40, s10, s7, $0xb8;
	[tilespmem:$0x8100] =	vst v63  }
0x225: {  	s12 =	simm.s32 $0x0  }
0x226: {  	v26 =	vadd.s32 s12, v0  }
0x227: {  	s10 =	simm.s32 $0x1;
	v18 =	vand.u32 $0xF, v26  }
0x228: {  	p1 =	seq.s32 @!p0 s19, $0x0;
	v25 =	vadd.s32 s10, v0;
	v16 =	vor.u32 v1, v18  }
0x229: {  	p0 =	por p0, !p1;
	v17 =	vand.u32 $0xF, v25  }
0x22a: {  	_ =	swait.ge @p0 [sflag:s17], $0x2000;
	v19 =	vor.u32 v1, v17  }
0x22b: {  	[sflag:s17] =	ssyncset.done @p0 $0x0;
	v20 =	vshll.u32 v26, $0x7  }
0x22c: {  	[sflag:s17] =	ssyncadd.s32 @p0 $0xFFFFE000;
	v21 =	vand.u32 $0x780, v20  }
0x22d: {  	v22 =	vshll.u32 v25, $0x7;
	v23 =	vor.u32 v0, v21;
	v16 =	vld.idx.msk [tilespmem:v16+s22+$0x0], $0xffff  }
0x22e: {  	v24 =	vand.u32 $0x780, v22;
	v27 =	vor.u32 v2, v18  }
0x22f: {  	v28 =	vor.u32 v0, v24;
	v19 =	vld.idx.msk [tilespmem:v19+s22+$0x0], $0xffff  }
0x230: {  	v29 =	vor.u32 v2, v17;
	_ =	sdelay $0x1  }
0x231: {  	[tilespmem:v23+s15+$0x0] =	vst.idx.msk $0xffff, v16  }
0x232: {  	v23 =	vor.u32 v3, v21;
	v16 =	vld.idx.msk [tilespmem:v27+s22+$0x0], $0xffff  }
0x233: {  	[tilespmem:v28+s15+$0x0] =	vst.idx.msk $0xffff, v19;
	v19 =	vor.u32 v4, v18  }
0x234: {  	v28 =	vor.u32 v3, v24;
	v27 =	vld.idx.msk [tilespmem:v29+s22+$0x0], $0xffff  }
0x235: {  	v29 =	vor.u32 v4, v17;
	_ =	sdelay $0x1  }
0x236: {  	[tilespmem:v23+s15+$0x0] =	vst.idx.msk $0xffff, v16  }
0x237: {  	v16 =	vld.idx.msk [tilespmem:v19+s22+$0x0], $0xffff;
	v19 =	vor.u32 v5, v21  }
0x238: {  	[tilespmem:v28+s15+$0x0] =	vst.idx.msk $0xffff, v27;
	v23 =	vor.u32 v6, v18  }
0x239: {  	v28 =	vor.u32 v5, v24;
	v27 =	vld.idx.msk [tilespmem:v29+s22+$0x0], $0xffff  }
0x23a: {  	v29 =	vor.u32 v6, v17;
	_ =	sdelay $0x1  }
0x23b: {  	[tilespmem:v19+s15+$0x0] =	vst.idx.msk $0xffff, v16  }
0x23c: {  	v16 =	vor.u32 v7, v21;
	v19 =	vld.idx.msk [tilespmem:v23+s22+$0x0], $0xffff  }
0x23d: {  	[tilespmem:v28+s15+$0x0] =	vst.idx.msk $0xffff, v27;
	v23 =	vor.u32 v8, v18  }
0x23e: {  	v28 =	vor.u32 v7, v24;
	v27 =	vld.idx.msk [tilespmem:v29+s22+$0x0], $0xffff  }
0x23f: {  	v29 =	vor.u32 v8, v17;
	_ =	sdelay $0x1  }
0x240: {  	[tilespmem:v16+s15+$0x0] =	vst.idx.msk $0xffff, v19  }
0x241: {  	v19 =	vor.u32 v9, v21;
	v16 =	vld.idx.msk [tilespmem:v23+s22+$0x0], $0xffff  }
0x242: {  	[tilespmem:v28+s15+$0x0] =	vst.idx.msk $0xffff, v27;
	v23 =	vor.u32 v10, v18  }
0x243: {  	v28 =	vor.u32 v9, v24;
	v27 =	vld.idx.msk [tilespmem:v29+s22+$0x0], $0xffff  }
0x244: {  	v29 =	vor.u32 v10, v17;
	_ =	sdelay $0x1  }
0x245: {  	[tilespmem:v19+s15+$0x0] =	vst.idx.msk $0xffff, v16  }
0x246: {  	v19 =	vor.u32 v11, v21;
	v16 =	vld.idx.msk [tilespmem:v23+s22+$0x0], $0xffff  }
0x247: {  	[tilespmem:v28+s15+$0x0] =	vst.idx.msk $0xffff, v27;
	v23 =	vor.u32 v12, v18  }
0x248: {  	v28 =	vor.u32 v11, v24;
	v27 =	vld.idx.msk [tilespmem:v29+s22+$0x0], $0xffff  }
0x249: {  	v29 =	vor.u32 v12, v17;
	_ =	sdelay $0x1  }
0x24a: {  	[tilespmem:v19+s15+$0x0] =	vst.idx.msk $0xffff, v16  }
0x24b: {  	v19 =	vor.u32 v13, v21;
	v16 =	vld.idx.msk [tilespmem:v23+s22+$0x0], $0xffff  }
0x24c: {  	[tilespmem:v28+s15+$0x0] =	vst.idx.msk $0xffff, v27;
	v23 =	vor.u32 v14, v18  }
0x24d: {  	v28 =	vor.u32 v13, v24;
	v27 =	vld.idx.msk [tilespmem:v29+s22+$0x0], $0xffff  }
0x24e: {  	v29 =	vor.u32 v14, v17;
	_ =	sdelay $0x1  }
0x24f: {  	v30 =	vor.u32 $0x10, v26;
	[tilespmem:v19+s15+$0x0] =	vst.idx.msk $0xffff, v16  }
0x250: {  	v31 =	vand.u32 $0x1F, v30;
	v19 =	vor.u32 v15, v21;
	v16 =	vld.idx.msk [tilespmem:v23+s22+$0x0], $0xffff  }
0x251: {  	[tilespmem:v28+s15+$0x0] =	vst.idx.msk $0xffff, v27;
	v21 =	vor.u32 $0x10, v25;
	v23 =	vor.u32 v1, v31  }
0x252: {  	v24 =	vor.u32 v15, v24;
	v27 =	vld.idx.msk [tilespmem:v29+s22+$0x0], $0xffff;
	v32 =	vand.u32 $0x1F, v21  }
0x253: {  	v28 =	vshll.u32 v30, $0x7;
	v55 =	vor.u32 v1, v32  }
0x254: {  	v29 =	vand.u32 $0x380, v20;
	v20 =	vand.u32 $0xC00, v28  }
0x255: {  	v21 =	vshll.u32 v21, $0x7;
	v34 =	vor.u32 v29, v20;
	[tilespmem:v19+s15+$0x0] =	vst.idx.msk $0xffff, v16  }
0x256: {  	v28 =	vand.u32 $0x380, v22;
	v16 =	vand.u32 $0xC00, v21;
	v19 =	vor.u32 v0, v34;
	v20 =	vld.idx.msk [tilespmem:v23+s22+$0x0], $0xffff  }
0x257: {  	[tilespmem:v24+s15+$0x0] =	vst.idx.msk $0xffff, v27;
	v24 =	vor.u32 v28, v16;
	v16 =	vor.u32 v2, v31  }
0x258: {  	v21 =	vld.idx.msk [tilespmem:v55+s22+$0x0], $0xffff;
	v22 =	vor.u32 v0, v24  }
0x259: {  	v23 =	vor.u32 v2, v32;
	_ =	sdelay $0x1  }
0x25a: {  	[tilespmem:v19+s15+$0x0] =	vst.idx.msk $0xffff, v20  }
0x25b: {  	v56 =	vor.u32 v3, v34;
	v20 =	vld.idx.msk [tilespmem:v16+s22+$0x0], $0xffff  }
0x25c: {  	s12 =	simm.s32 $0x2;
	[tilespmem:v22+s15+$0x0] =	vst.idx.msk $0xffff, v21;
	v21 =	vor.u32 v4, v31  }
0x25d: {  	s10 =	simm.s32 $0x3;
	v57 =	vor.u32 v3, v24;
	v22 =	vadd.s32 s12, v0;
	v23 =	vld.idx.msk [tilespmem:v23+s22+$0x0], $0xffff  }
0x25e: {  	v58 =	vor.u32 v4, v32;
	v16 =	vadd.s32 s10, v0;
	v30 =	vand.u32 $0xF, v22  }
0x25f: {  	v27 =	vand.u32 $0xF, v16;
	v59 =	vor.u32 v1, v30  }
0x260: {  	v60 =	vor.u32 v1, v27;
	[tilespmem:v56+s15+$0x0] =	vst.idx.msk $0xffff, v20  }
0x261: {  	v62 =	vor.u32 v5, v34;
	v61 =	vld.idx.msk [tilespmem:v21+s22+$0x0], $0xffff  }
0x262: {  	v63 =	vor.u32 v6, v31;
	v19 =	vshll.u32 v22, $0x7;
	[tilespmem:v57+s15+$0x0] =	vst.idx.msk $0xffff, v23  }
0x263: {  	v48 =	vor.u32 v5, v24;
	v20 =	vshll.u32 v16, $0x7;
	v21 =	vand.u32 $0x780, v19;
	v36 =	vld.idx.msk [tilespmem:v58+s22+$0x0], $0xffff  }
0x264: {  	v50 =	vor.u32 v6, v32;
	v23 =	vand.u32 $0x780, v20;
	v37 =	vld.idx.msk [tilespmem:v59+s22+$0x0], $0xffff;
	v49 =	vor.u32 v0, v21  }
0x265: {  	v51 =	vor.u32 v2, v30;
	v33 =	vld.idx.msk [tilespmem:v60+s22+$0x0], $0xffff;
	v52 =	vor.u32 v0, v23  }
0x266: {  	v53 =	vor.u32 v2, v27;
	[tilespmem:v62+s15+$0x0] =	vst.idx.msk $0xffff, v61  }
0x267: {  	v54 =	vor.u32 v7, v34;
	v35 =	vld.idx.msk [tilespmem:v63+s22+$0x0], $0xffff  }
0x268: {  	v55 =	vor.u32 v8, v31;
	[tilespmem:v48+s15+$0x0] =	vst.idx.msk $0xffff, v36  }
0x269: {  	v57 =	vor.u32 v7, v24;
	[tilespmem:v49+s15+$0x0] =	vst.idx.msk $0xffff, v37;
	v56 =	vld.idx.msk [tilespmem:v50+s22+$0x0], $0xffff  }
0x26a: {  	v58 =	vor.u32 v3, v21;
	v59 =	vor.u32 v8, v32;
	[tilespmem:v52+s15+$0x0] =	vst.idx.msk $0xffff, v33;
	v41 =	vld.idx.msk [tilespmem:v51+s22+$0x0], $0xffff  }
0x26b: {  	v60 =	vor.u32 v4, v30;
	v61 =	vor.u32 v3, v23;
	v33 =	vld.idx.msk [tilespmem:v53+s22+$0x0], $0xffff  }
0x26c: {  	v62 =	vor.u32 v4, v27;
	[tilespmem:v54+s15+$0x0] =	vst.idx.msk $0xffff, v35  }
0x26d: {  	v63 =	vor.u32 v9, v34;
	v36 =	vld.idx.msk [tilespmem:v55+s22+$0x0], $0xffff  }
0x26e: {  	v48 =	vor.u32 v10, v31;
	[tilespmem:v57+s15+$0x0] =	vst.idx.msk $0xffff, v56  }
0x26f: {  	v49 =	vor.u32 v9, v24;
	[tilespmem:v58+s15+$0x0] =	vst.idx.msk $0xffff, v41;
	v40 =	vld.idx.msk [tilespmem:v59+s22+$0x0], $0xffff  }
0x270: {  	v50 =	vor.u32 v5, v21;
	v51 =	vor.u32 v10, v32;
	[tilespmem:v61+s15+$0x0] =	vst.idx.msk $0xffff, v33;
	v42 =	vld.idx.msk [tilespmem:v60+s22+$0x0], $0xffff  }
0x271: {  	v52 =	vor.u32 v6, v30;
	v53 =	vor.u32 v5, v23;
	v33 =	vld.idx.msk [tilespmem:v62+s22+$0x0], $0xffff  }
0x272: {  	v54 =	vor.u32 v6, v27;
	[tilespmem:v63+s15+$0x0] =	vst.idx.msk $0xffff, v36  }
0x273: {  	v55 =	vor.u32 v11, v34;
	v37 =	vld.idx.msk [tilespmem:v48+s22+$0x0], $0xffff  }
0x274: {  	v56 =	vor.u32 v12, v31;
	[tilespmem:v49+s15+$0x0] =	vst.idx.msk $0xffff, v40  }
0x275: {  	v57 =	vor.u32 v11, v24;
	[tilespmem:v50+s15+$0x0] =	vst.idx.msk $0xffff, v42;
	v40 =	vld.idx.msk [tilespmem:v51+s22+$0x0], $0xffff  }
0x276: {  	v58 =	vor.u32 v7, v21;
	v59 =	vor.u32 v12, v32;
	[tilespmem:v53+s15+$0x0] =	vst.idx.msk $0xffff, v33;
	v43 =	vld.idx.msk [tilespmem:v52+s22+$0x0], $0xffff  }
0x277: {  	v61 =	vor.u32 v7, v23;
	v60 =	vor.u32 v8, v30;
	v33 =	vld.idx.msk [tilespmem:v54+s22+$0x0], $0xffff  }
0x278: {  	v62 =	vor.u32 v8, v27;
	[tilespmem:v55+s15+$0x0] =	vst.idx.msk $0xffff, v37  }
0x279: {  	v63 =	vor.u32 v13, v34;
	v37 =	vld.idx.msk [tilespmem:v56+s22+$0x0], $0xffff  }
0x27a: {  	v31 =	vor.u32 v14, v31;
	[tilespmem:v57+s15+$0x0] =	vst.idx.msk $0xffff, v40  }
0x27b: {  	v18 =	vor.u32 $0x20, v18;
	v49 =	vor.u32 v13, v24;
	[tilespmem:v58+s15+$0x0] =	vst.idx.msk $0xffff, v43;
	v48 =	vld.idx.msk [tilespmem:v59+s22+$0x0], $0xffff  }
0x27c: {  	v32 =	vor.u32 v14, v32;
	v50 =	vor.u32 v9, v21;
	[tilespmem:v61+s15+$0x0] =	vst.idx.msk $0xffff, v33;
	v42 =	vld.idx.msk [tilespmem:v60+s22+$0x0], $0xffff  }
0x27d: {  	v17 =	vor.u32 $0x20, v17;
	v53 =	vor.u32 v9, v23;
	v51 =	vor.u32 v10, v30;
	v35 =	vld.idx.msk [tilespmem:v62+s22+$0x0], $0xffff  }
0x27e: {  	v52 =	vand.u32 $0x7, v26;
	v54 =	vand.u32 $0x28, v18;
	v55 =	vor.u32 v10, v27;
	[tilespmem:v63+s15+$0x0] =	vst.idx.msk $0xffff, v37  }
0x27f: {  	v24 =	vor.u32 v15, v24;
	v40 =	vor.u32 v52, v54;
	v56 =	vor.u32 v15, v34;
	v31 =	vld.idx.msk [tilespmem:v31+s22+$0x0], $0xffff  }
0x280: {  	v57 =	vand.u32 $0x7, v25;
	v58 =	vand.u32 $0x28, v17;
	v59 =	vor.u32 v1, v40;
	[tilespmem:v49+s15+$0x0] =	vst.idx.msk $0xffff, v48  }
0x281: {  	v18 =	vshll.u32 v18, $0x7;
	v43 =	vor.u32 v57, v58;
	[tilespmem:v50+s15+$0x0] =	vst.idx.msk $0xffff, v42;
	v32 =	vld.idx.msk [tilespmem:v32+s22+$0x0], $0xffff  }
0x282: {  	v61 =	vor.u32 v11, v21;
	v62 =	vor.u32 v1, v43;
	[tilespmem:v53+s15+$0x0] =	vst.idx.msk $0xffff, v35;
	v60 =	vld.idx.msk [tilespmem:v51+s22+$0x0], $0xffff  }
0x283: {  	v47 =	vor.u32 v11, v23;
	v18 =	vand.u32 $0x1400, v18;
	v63 =	vor.u32 v12, v30;
	v35 =	vld.idx.msk [tilespmem:v55+s22+$0x0], $0xffff  }
0x284: {  	v17 =	vshll.u32 v17, $0x7;
	v42 =	vor.u32 v29, v18;
	v18 =	vor.u32 v12, v27;
	[tilespmem:v56+s15+$0x0] =	vst.idx.msk $0xffff, v31  }
0x285: {  	v17 =	vand.u32 $0x1400, v17;
	v48 =	vor.u32 v0, v42;
	v33 =	vld.idx.msk [tilespmem:v59+s22+$0x0], $0xffff  }
0x286: {  	v31 =	vor.u32 v28, v17;
	v17 =	vor.u32 v2, v40;
	[tilespmem:v24+s15+$0x0] =	vst.idx.msk $0xffff, v32  }
0x287: {  	[tilespmem:v61+s15+$0x0] =	vst.idx.msk $0xffff, v60;
	v49 =	vor.u32 v0, v31;
	v24 =	vld.idx.msk [tilespmem:v62+s22+$0x0], $0xffff  }
0x288: {  	v50 =	vor.u32 v13, v21;
	v51 =	vor.u32 v2, v43;
	[tilespmem:v47+s15+$0x0] =	vst.idx.msk $0xffff, v35;
	v34 =	vld.idx.msk [tilespmem:v63+s22+$0x0], $0xffff  }
0x289: {  	v52 =	vor.u32 v14, v30;
	v53 =	vor.u32 v13, v23;
	v18 =	vld.idx.msk [tilespmem:v18+s22+$0x0], $0xffff  }
0x28a: {  	[tilespmem:v48+s15+$0x0] =	vst.idx.msk $0xffff, v33  }
0x28b: {  	v54 =	vor.u32 v14, v27;
	v21 =	vor.u32 v15, v21;
	v57 =	vor.u32 v3, v42;
	v56 =	vld.idx.msk [tilespmem:v17+s22+$0x0], $0xffff  }
0x28c: {  	v23 =	vor.u32 v15, v23;
	[tilespmem:v49+s15+$0x0] =	vst.idx.msk $0xffff, v24;
	v24 =	vor.u32 v4, v40  }
0x28d: {  	v55 =	vor.u32 $0x10, v22;
	v59 =	vor.u32 v3, v31;
	[tilespmem:v50+s15+$0x0] =	vst.idx.msk $0xffff, v34;
	v32 =	vld.idx.msk [tilespmem:v51+s22+$0x0], $0xffff  }
0x28e: {  	v35 =	vand.u32 $0x1F, v55;
	[tilespmem:v53+s15+$0x0] =	vst.idx.msk $0xffff, v18;
	v18 =	vor.u32 v4, v43;
	v34 =	vld.idx.msk [tilespmem:v52+s22+$0x0], $0xffff  }
0x28f: {  	v38 =	vshll.u32 v55, $0x7;
	v60 =	vor.u32 $0x10, v16;
	v58 =	vor.u32 v1, v35  }
0x290: {  	v39 =	vand.u32 $0x1F, v60;
	v17 =	vand.u32 $0x380, v19;
	v19 =	vand.u32 $0xC00, v38;
	v61 =	vld.idx.msk [tilespmem:v54+s22+$0x0], $0xffff;
	[tilespmem:v57+s15+$0x0] =	vst.idx.msk $0xffff, v56  }
0x291: {  	v62 =	vor.u32 v1, v39;
	v33 =	vor.u32 v17, v19;
	v19 =	vld.idx.msk [tilespmem:v24+s22+$0x0], $0xffff;
	v24 =	vor.u32 v5, v42  }
0x292: {  	v36 =	vshll.u32 v60, $0x7;
	v48 =	vor.u32 v6, v40;
	[tilespmem:v59+s15+$0x0] =	vst.idx.msk $0xffff, v32  }
0x293: {  	v49 =	vor.u32 v5, v31;
	v51 =	vor.u32 v6, v43;
	[tilespmem:v21+s15+$0x0] =	vst.idx.msk $0xffff, v34;
	v21 =	vld.idx.msk [tilespmem:v18+s22+$0x0], $0xffff  }
0x294: {  	v63 =	vor.u32 v0, v33;
	v18 =	vand.u32 $0x380, v20;
	v20 =	vand.u32 $0xC00, v36;
	v50 =	vld.idx.msk [tilespmem:v58+s22+$0x0], $0xffff  }
0x295: {  	[tilespmem:v23+s15+$0x0] =	vst.idx.msk $0xffff, v61;
	v38 =	vor.u32 v18, v20;
	v20 =	vor.u32 v2, v35  }
0x296: {  	v44 =	vld.idx.msk [tilespmem:v62+s22+$0x0], $0xffff;
	v52 =	vor.u32 v0, v38;
	[tilespmem:v24+s15+$0x0] =	vst.idx.msk $0xffff, v19  }
0x297: {  	v53 =	vor.u32 v7, v42;
	v60 =	vor.u32 v3, v33;
	v24 =	vor.u32 v2, v39;
	v41 =	vld.idx.msk [tilespmem:v48+s22+$0x0], $0xffff  }
0x298: {  	v57 =	vor.u32 v4, v39;
	[tilespmem:v49+s15+$0x0] =	vst.idx.msk $0xffff, v21;
	v21 =	vor.u32 v8, v40  }
0x299: {  	s12 =	simm.s32 $0x4;
	v59 =	vor.u32 v7, v31;
	v61 =	vor.u32 v8, v43;
	[tilespmem:v63+s15+$0x0] =	vst.idx.msk $0xffff, v50;
	v55 =	vld.idx.msk [tilespmem:v51+s22+$0x0], $0xffff  }
0x29a: {  	v62 =	vor.u32 v4, v35;
	v58 =	vor.u32 v9, v42;
	v19 =	vadd.s32 s12, v0;
	v20 =	vld.idx.msk [tilespmem:v20+s22+$0x0], $0xffff  }
0x29b: {  	v56 =	vor.u32 v3, v38;
	v23 =	vand.u32 $0xF, v19;
	v32 =	vshll.u32 v19, $0x7;
	[tilespmem:v52+s15+$0x0] =	vst.idx.msk $0xffff, v44  }
0x29c: {  	s10 =	simm.s32 $0x5;
	v49 =	vor.u32 v6, v35;
	v54 =	vor.u32 v1, v23;
	v63 =	vld.idx.msk [tilespmem:v24+s22+$0x0], $0xffff;
	[tilespmem:v53+s15+$0x0] =	vst.idx.msk $0xffff, v41  }
0x29d: {  	v36 =	vand.u32 $0x780, v32;
	v50 =	vor.u32 v2, v23;
	v46 =	vld.idx.msk [tilespmem:v21+s22+$0x0], $0xffff;
	v21 =	vadd.s32 s10, v0  }
0x29e: {  	v52 =	vor.u32 v8, v23;
	[tilespmem:v59+s15+$0x0] =	vst.idx.msk $0xffff, v55;
	v59 =	vor.u32 v10, v40;
	v24 =	vand.u32 $0xF, v21  }
0x29f: {  	[tilespmem:v60+s15+$0x0] =	vst.idx.msk $0xffff, v20;
	v60 =	vor.u32 v9, v31;
	v20 =	vld.idx.msk [tilespmem:v61+s22+$0x0], $0xffff;
	v44 =	vor.u32 v1, v24  }
0x2a0: {  	v53 =	vor.u32 v5, v38;
	v45 =	vld.idx.msk [tilespmem:v62+s22+$0x0], $0xffff;
	v61 =	vor.u32 v5, v33;
	v62 =	vor.u32 v10, v43  }
0x2a1: {  	v51 =	vld.idx.msk [tilespmem:v54+s22+$0x0], $0xffff;
	v34 =	vshll.u32 v21, $0x7;
	[tilespmem:v56+s15+$0x0] =	vst.idx.msk $0xffff, v63;
	v63 =	vor.u32 v0, v36  }
0x2a2: {  	v54 =	vor.u32 v3, v36;
	v37 =	vand.u32 $0x780, v34;
	v41 =	vld.idx.msk [tilespmem:v57+s22+$0x0], $0xffff;
	[tilespmem:v58+s15+$0x0] =	vst.idx.msk $0xffff, v46  }
0x2a3: {  	v56 =	vor.u32 v11, v42;
	v47 =	vor.u32 v0, v37;
	v46 =	vor.u32 v6, v39;
	v55 =	vld.idx.msk [tilespmem:v59+s22+$0x0], $0xffff  }
0x2a4: {  	v57 =	vor.u32 v4, v24;
	[tilespmem:v60+s15+$0x0] =	vst.idx.msk $0xffff, v20;
	v60 =	vor.u32 v12, v40;
	v44 =	vld.idx.msk [tilespmem:v44+s22+$0x0], $0xffff  }
0x2a5: {  	[tilespmem:v61+s15+$0x0] =	vst.idx.msk $0xffff, v45;
	v61 =	vor.u32 v2, v24;
	v45 =	vld.idx.msk [tilespmem:v62+s22+$0x0], $0xffff;
	v62 =	vor.u32 v11, v31  }
0x2a6: {  	v58 =	vor.u32 v7, v33;
	v40 =	vor.u32 v14, v40;
	v49 =	vld.idx.msk [tilespmem:v49+s22+$0x0], $0xffff;
	[tilespmem:v63+s15+$0x0] =	vst.idx.msk $0xffff, v51  }
0x2a7: {  	v59 =	vor.u32 v9, v33;
	v63 =	vor.u32 v8, v35;
	[tilespmem:v53+s15+$0x0] =	vst.idx.msk $0xffff, v41;
	v50 =	vld.idx.msk [tilespmem:v50+s22+$0x0], $0xffff  }
0x2a8: {  	v41 =	vor.u32 v12, v43;
	v53 =	vor.u32 v7, v38;
	v46 =	vld.idx.msk [tilespmem:v46+s22+$0x0], $0xffff;
	[tilespmem:v56+s15+$0x0] =	vst.idx.msk $0xffff, v55  }
0x2a9: {  	v43 =	vor.u32 v14, v43;
	[tilespmem:v47+s15+$0x0] =	vst.idx.msk $0xffff, v44;
	v44 =	vor.u32 v8, v39;
	v47 =	vld.idx.msk [tilespmem:v60+s22+$0x0], $0xffff  }
0x2aa: {  	v60 =	vor.u32 v4, v23;
	[tilespmem:v62+s15+$0x0] =	vst.idx.msk $0xffff, v45;
	v48 =	vld.idx.msk [tilespmem:v61+s22+$0x0], $0xffff;
	v61 =	vor.u32 v13, v42  }
0x2ab: {  	v26 =	vor.u32 $0x30, v26;
	v62 =	vor.u32 v3, v37;
	[tilespmem:v58+s15+$0x0] =	vst.idx.msk $0xffff, v49;
	v58 =	vor.u32 v11, v33  }
0x2ac: {  	v51 =	vld.idx.msk [tilespmem:v63+s22+$0x0], $0xffff;
	v63 =	vor.u32 v13, v31;
	v42 =	vor.u32 v15, v42;
	[tilespmem:v54+s15+$0x0] =	vst.idx.msk $0xffff, v50  }
0x2ad: {  	v25 =	vor.u32 $0x30, v25;
	v49 =	vld.idx.msk [tilespmem:v41+s22+$0x0], $0xffff;
	v41 =	vand.u32 $0x3F, v26;
	v50 =	vor.u32 v10, v35;
	[tilespmem:v53+s15+$0x0] =	vst.idx.msk $0xffff, v46  }
0x2ae: {  	v26 =	vshll.u32 v26, $0x7;
	v46 =	vor.u32 v6, v23;
	v56 =	vor.u32 v1, v41;
	v44 =	vld.idx.msk [tilespmem:v44+s22+$0x0], $0xffff  }
0x2af: {  	v55 =	vor.u32 v10, v41;
	v53 =	vld.idx.msk [tilespmem:v60+s22+$0x0], $0xffff;
	v60 =	vor.u32 v9, v38;
	[tilespmem:v61+s15+$0x0] =	vst.idx.msk $0xffff, v47  }
0x2b0: {  	v26 =	vand.u32 $0x1C00, v26;
	v61 =	vor.u32 v5, v36;
	[tilespmem:v62+s15+$0x0] =	vst.idx.msk $0xffff, v48;
	v62 =	vor.u32 v10, v39  }
0x2b1: {  	v30 =	vor.u32 $0x20, v30;
	v29 =	vor.u32 v29, v26;
	v26 =	vand.u32 $0x7, v22;
	[tilespmem:v59+s15+$0x0] =	vst.idx.msk $0xffff, v51;
	v40 =	vld.idx.msk [tilespmem:v40+s22+$0x0], $0xffff  }
0x2b2: {  	v47 =	vor.u32 v2, v41;
	v48 =	vld.idx.msk [tilespmem:v57+s22+$0x0], $0xffff;
	[tilespmem:v63+s15+$0x0] =	vst.idx.msk $0xffff, v49;
	v63 =	vor.u32 v5, v37  }
0x2b3: {  	v51 =	vor.u32 v6, v24;
	v59 =	vand.u32 $0x28, v30;
	v50 =	vld.idx.msk [tilespmem:v50+s22+$0x0], $0xffff;
	v57 =	vor.u32 v15, v31  }
0x2b4: {  	s12 =	simm.s32 $0x6;
	v31 =	vand.u32 $0x3F, v25;
	v25 =	vshll.u32 v25, $0x7;
	v26 =	vor.u32 v26, v59;
	v43 =	vld.idx.msk [tilespmem:v43+s22+$0x0], $0xffff;
	[tilespmem:v60+s15+$0x0] =	vst.idx.msk $0xffff, v44  }
0x2b5: {  	v20 =	vadd.s32 s12, v0;
	v25 =	vand.u32 $0x1C00, v25;
	v60 =	vor.u32 v1, v31;
	[tilespmem:v61+s15+$0x0] =	vst.idx.msk $0xffff, v53;
	v45 =	vld.idx.msk [tilespmem:v62+s22+$0x0], $0xffff  }
0x2b6: {  	v61 =	vor.u32 v12, v35;
	v62 =	vor.u32 v11, v38;
	v46 =	vld.idx.msk [tilespmem:v46+s22+$0x0], $0xffff;
	[tilespmem:v42+s15+$0x0] =	vst.idx.msk $0xffff, v40  }
0x2b7: {  	v53 =	vor.u32 v7, v36;
	[tilespmem:v63+s15+$0x0] =	vst.idx.msk $0xffff, v48;
	v63 =	vor.u32 v12, v39;
	v42 =	vld.idx.msk [tilespmem:v56+s22+$0x0], $0xffff  }
0x2b8: {  	v59 =	vor.u32 v11, v36;
	v25 =	vor.u32 v28, v25;
	v49 =	vld.idx.msk [tilespmem:v51+s22+$0x0], $0xffff;
	v51 =	vor.u32 v0, v29  }
0x2b9: {  	v30 =	vshll.u32 v30, $0x7;
	v28 =	vor.u32 v8, v24;
	[tilespmem:v57+s15+$0x0] =	vst.idx.msk $0xffff, v43;
	v43 =	vor.u32 v7, v37  }
0x2ba: {  	v35 =	vor.u32 v14, v35;
	[tilespmem:v58+s15+$0x0] =	vst.idx.msk $0xffff, v50;
	v44 =	vld.idx.msk [tilespmem:v60+s22+$0x0], $0xffff;
	v60 =	vor.u32 v0, v25  }
0x2bb: {  	v54 =	vld.idx.msk [tilespmem:v61+s22+$0x0], $0xffff;
	v61 =	vor.u32 v13, v33;
	[tilespmem:v62+s15+$0x0] =	vst.idx.msk $0xffff, v45;
	v62 =	vor.u32 v2, v31  }
0x2bc: {  	v39 =	vor.u32 v14, v39;
	[tilespmem:v53+s15+$0x0] =	vst.idx.msk $0xffff, v46;
	v40 =	vld.idx.msk [tilespmem:v63+s22+$0x0], $0xffff;
	v63 =	vor.u32 v13, v38  }
0x2bd: {  	v56 =	vor.u32 v15, v33;
	v52 =	vld.idx.msk [tilespmem:v52+s22+$0x0], $0xffff;
	[tilespmem:v51+s15+$0x0] =	vst.idx.msk $0xffff, v42;
	v51 =	vor.u32 v9, v36  }
0x2be: {  	v46 =	vor.u32 v10, v23;
	[tilespmem:v43+s15+$0x0] =	vst.idx.msk $0xffff, v49;
	v43 =	vld.idx.msk [tilespmem:v47+s22+$0x0], $0xffff;
	v47 =	vor.u32 v3, v29  }
0x2bf: {  	v49 =	vor.u32 v4, v41;
	v28 =	vld.idx.msk [tilespmem:v28+s22+$0x0], $0xffff;
	[tilespmem:v60+s15+$0x0] =	vst.idx.msk $0xffff, v44;
	v44 =	vor.u32 v9, v37  }
0x2c0: {  	v57 =	vor.u32 v1, v26;
	v60 =	vor.u32 v10, v24;
	[tilespmem:v61+s15+$0x0] =	vst.idx.msk $0xffff, v54;
	v45 =	vld.idx.msk [tilespmem:v62+s22+$0x0], $0xffff  }
0x2c1: {  	v30 =	vand.u32 $0x1400, v30;
	v61 =	vor.u32 v3, v25;
	v62 =	vor.u32 $0x20, v27;
	v35 =	vld.idx.msk [tilespmem:v35+s22+$0x0], $0xffff;
	[tilespmem:v63+s15+$0x0] =	vst.idx.msk $0xffff, v40  }
0x2c2: {  	v27 =	vand.u32 $0x7, v16;
	v63 =	vor.u32 v4, v31;
	v58 =	vand.u32 $0x28, v62;
	[tilespmem:v51+s15+$0x0] =	vst.idx.msk $0xffff, v52;
	v39 =	vld.idx.msk [tilespmem:v39+s22+$0x0], $0xffff  }
0x2c3: {  	v38 =	vor.u32 v15, v38;
	v27 =	vor.u32 v27, v58;
	v46 =	vld.idx.msk [tilespmem:v46+s22+$0x0], $0xffff;
	[tilespmem:v47+s15+$0x0] =	vst.idx.msk $0xffff, v43  }
0x2c4: {  	v30 =	vor.u32 v17, v30;
	[tilespmem:v44+s15+$0x0] =	vst.idx.msk $0xffff, v28;
	v28 =	vor.u32 v1, v27;
	v44 =	vld.idx.msk [tilespmem:v49+s22+$0x0], $0xffff  }
0x2c5: {  	v50 =	vor.u32 v12, v23;
	v53 =	vor.u32 v15, v37;
	v47 =	vld.idx.msk [tilespmem:v60+s22+$0x0], $0xffff;
	v60 =	vor.u32 v5, v29  }
0x2c6: {  	v42 =	vor.u32 v6, v41;
	v40 =	vshll.u32 v62, $0x7;
	[tilespmem:v61+s15+$0x0] =	vst.idx.msk $0xffff, v45;
	v61 =	vor.u32 v11, v37  }
0x2c7: {  	v62 =	vor.u32 v5, v25;
	v52 =	vor.u32 v12, v24;
	[tilespmem:v56+s15+$0x0] =	vst.idx.msk $0xffff, v35;
	v35 =	vld.idx.msk [tilespmem:v63+s22+$0x0], $0xffff  }
0x2c8: {  	v33 =	vand.u32 $0xF, v20;
	v58 =	vor.u32 v6, v31;
	v51 =	vld.idx.msk [tilespmem:v57+s22+$0x0], $0xffff;
	[tilespmem:v38+s15+$0x0] =	vst.idx.msk $0xffff, v39;
	v57 =	vand.u32 $0x1400, v40  }
0x2c9: {  	v63 =	vor.u32 v0, v30;
	[tilespmem:v59+s15+$0x0] =	vst.idx.msk $0xffff, v46;
	v43 =	vld.idx.msk [tilespmem:v28+s22+$0x0], $0xffff;
	v28 =	vor.u32 v18, v57  }
0x2ca: {  	v59 =	vor.u32 v2, v26;
	v38 =	vld.idx.msk [tilespmem:v50+s22+$0x0], $0xffff;
	v50 =	vor.u32 v0, v28;
	[tilespmem:v60+s15+$0x0] =	vst.idx.msk $0xffff, v44  }
0x2cb: {  	v60 =	vor.u32 v13, v36;
	[tilespmem:v61+s15+$0x0] =	vst.idx.msk $0xffff, v47;
	v47 =	vor.u32 v1, v33;
	v42 =	vld.idx.msk [tilespmem:v42+s22+$0x0], $0xffff  }
0x2cc: {  	v54 =	vor.u32 v14, v24;
	v61 =	vor.u32 v2, v27;
	v49 =	vld.idx.msk [tilespmem:v52+s22+$0x0], $0xffff;
	v52 =	vor.u32 v7, v29  }
0x2cd: {  	v48 =	vor.u32 $0x10, v19;
	v46 =	vor.u32 v14, v23;
	[tilespmem:v62+s15+$0x0] =	vst.idx.msk $0xffff, v35;
	v62 =	vor.u32 v13, v37  }
0x2ce: {  	v56 =	vor.u32 v7, v25;
	[tilespmem:v63+s15+$0x0] =	vst.idx.msk $0xffff, v51;
	v63 =	vor.u32 v8, v41;
	v39 =	vld.idx.msk [tilespmem:v58+s22+$0x0], $0xffff  }
0x2cf: {  	v32 =	vand.u32 $0x380, v32;
	v57 =	vor.u32 v3, v30;
	v35 =	vand.u32 $0x1F, v48;
	v40 =	vld.idx.msk [tilespmem:v59+s22+$0x0], $0xffff;
	[tilespmem:v50+s15+$0x0] =	vst.idx.msk $0xffff, v43  }
0x2d0: {  	v44 =	vor.u32 v2, v35;
	v43 =	vor.u32 v8, v31;
	[tilespmem:v60+s15+$0x0] =	vst.idx.msk $0xffff, v38;
	v59 =	vld.idx.msk [tilespmem:v47+s22+$0x0], $0xffff  }
0x2d1: {  	v60 =	vor.u32 v4, v26;
	v45 =	vld.idx.msk [tilespmem:v61+s22+$0x0], $0xffff;
	v61 =	vor.u32 v3, v28;
	[tilespmem:v52+s15+$0x0] =	vst.idx.msk $0xffff, v42  }
0x2d2: {  	v42 =	vld.idx.msk [tilespmem:v46+s22+$0x0], $0xffff;
	v46 =	vor.u32 v15, v36;
	[tilespmem:v62+s15+$0x0] =	vst.idx.msk $0xffff, v49;
	v49 =	vor.u32 v4, v27  }
0x2d3: {  	v50 =	vor.u32 v1, v35;
	v52 =	vor.u32 v9, v29;
	v51 =	vld.idx.msk [tilespmem:v63+s22+$0x0], $0xffff;
	v63 =	vor.u32 $0x10, v21  }
0x2d4: {  	v62 =	vshll.u32 v48, $0x7;
	v48 =	vor.u32 v5, v28;
	[tilespmem:v56+s15+$0x0] =	vst.idx.msk $0xffff, v39;
	v39 =	vld.idx.msk [tilespmem:v54+s22+$0x0], $0xffff;
	v37 =	vand.u32 $0x1F, v63  }
0x2d5: {  	v56 =	vor.u32 v9, v25;
	[tilespmem:v57+s15+$0x0] =	vst.idx.msk $0xffff, v40;
	v54 =	vor.u32 v1, v37;
	v43 =	vld.idx.msk [tilespmem:v43+s22+$0x0], $0xffff  }
0x2d6: {  	v36 =	vand.u32 $0xC00, v62;
	v62 =	vor.u32 v6, v26;
	v63 =	vshll.u32 v63, $0x7;
	v57 =	vld.idx.msk [tilespmem:v60+s22+$0x0], $0xffff;
	[tilespmem:v61+s15+$0x0] =	vst.idx.msk $0xffff, v45  }
0x2d7: {  	v60 =	vor.u32 v5, v30;
	v61 =	vor.u32 v10, v31;
	[tilespmem:v46+s15+$0x0] =	vst.idx.msk $0xffff, v42;
	v49 =	vld.idx.msk [tilespmem:v49+s22+$0x0], $0xffff  }
0x2d8: {  	v34 =	vand.u32 $0x380, v34;
	v36 =	vor.u32 v32, v36;
	v38 =	vand.u32 $0xC00, v63;
	v50 =	vld.idx.msk [tilespmem:v50+s22+$0x0], $0xffff;
	[tilespmem:v52+s15+$0x0] =	vst.idx.msk $0xffff, v51  }
0x2d9: {  	v42 =	vor.u32 v0, v36;
	[tilespmem:v53+s15+$0x0] =	vst.idx.msk $0xffff, v39;
	v51 =	vor.u32 v6, v27;
	v53 =	vld.idx.msk [tilespmem:v55+s22+$0x0], $0xffff  }
0x2da: {  	v58 =	vor.u32 v11, v25;
	v38 =	vor.u32 v34, v38;
	v55 =	vld.idx.msk [tilespmem:v54+s22+$0x0], $0xffff;
	v54 =	vor.u32 v11, v29  }
0x2db: {  	v40 =	vshll.u32 v20, $0x7;
	[tilespmem:v56+s15+$0x0] =	vst.idx.msk $0xffff, v43;
	v43 =	vor.u32 v0, v38;
	v56 =	vor.u32 v12, v41  }
0x2dc: {  	v39 =	vand.u32 $0x780, v40;
	[tilespmem:v60+s15+$0x0] =	vst.idx.msk $0xffff, v57;
	v57 =	vor.u32 v2, v37;
	v45 =	vld.idx.msk [tilespmem:v61+s22+$0x0], $0xffff  }
0x2dd: {  	v60 =	vor.u32 v7, v30;
	v46 =	vld.idx.msk [tilespmem:v62+s22+$0x0], $0xffff;
	[tilespmem:v48+s15+$0x0] =	vst.idx.msk $0xffff, v49;
	v49 =	vor.u32 v12, v31  }
0x2de: {  	v61 =	vor.u32 v0, v39;
	v62 =	vor.u32 v8, v26;
	[tilespmem:v42+s15+$0x0] =	vst.idx.msk $0xffff, v50;
	v50 =	vld.idx.msk [tilespmem:v51+s22+$0x0], $0xffff  }
0x2df: {  	v42 =	vor.u32 v8, v27;
	v52 =	vld.idx.msk [tilespmem:v44+s22+$0x0], $0xffff;
	[tilespmem:v54+s15+$0x0] =	vst.idx.msk $0xffff, v53  }
0x2e0: {  	v48 =	vor.u32 v13, v29;
	v51 =	vor.u32 v7, v28;
	[tilespmem:v43+s15+$0x0] =	vst.idx.msk $0xffff, v55;
	v47 =	vld.idx.msk [tilespmem:v56+s22+$0x0], $0xffff  }
0x2e1: {  	v54 =	vor.u32 v3, v36;
	v55 =	vor.u32 v4, v35;
	v53 =	vld.idx.msk [tilespmem:v57+s22+$0x0], $0xffff;
	[tilespmem:v58+s15+$0x0] =	vst.idx.msk $0xffff, v45  }
0x2e2: {  	v56 =	vor.u32 v3, v38;
	v43 =	vor.u32 v14, v41;
	[tilespmem:v60+s15+$0x0] =	vst.idx.msk $0xffff, v46;
	v44 =	vld.idx.msk [tilespmem:v49+s22+$0x0], $0xffff  }
0x2e3: {  	s7 =	simm.s32 $0x7;
	s10 =	simm.s32 $0x8;
	[tilespmem:v61+s15+$0x0] =	vst.idx.msk $0xffff, v59;
	v59 =	vor.u32 v4, v37;
	v46 =	vor.u32 v13, v25;
	v45 =	vld.idx.msk [tilespmem:v62+s22+$0x0], $0xffff  }
.LBB2_5:
0x2e4: {  	v49 =	vadd.s32 s7, v0;
	v57 =	vor.u32 v9, v30;
	v31 =	vor.u32 v14, v31  }
0x2e5: {  	p0 =	slt.u32 s10, $0xE;
	[tilespmem:v51+s15+$0x0] =	vst.idx.msk $0xffff, v50;
	v50 =	vmovc v23;
	v23 =	vmovc v33;
	v33 =	vmov v17;
	v17 =	vmov v32;
	v32 =	vmov v18  }
0x2e6: {  	v51 =	vor.u32 v10, v26;
	v18 =	vmov v34;
	v41 =	vand.u32 $0xF, v49;
	[tilespmem:v54+s15+$0x0] =	vst.idx.msk $0xffff, v52;
	v42 =	vld.idx.msk [tilespmem:v42+s22+$0x0], $0xffff  }
0x2e7: {  	v52 =	vor.u32 v1, v41;
	v54 =	vld.idx.msk [tilespmem:v55+s22+$0x0], $0xffff;
	v55 =	vor.u32 v9, v28;
	[tilespmem:v48+s15+$0x0] =	vst.idx.msk $0xffff, v47  }
0x2e8: {  	v47 =	vor.u32 v5, v36;
	v48 =	vor.u32 v10, v27;
	[tilespmem:v56+s15+$0x0] =	vst.idx.msk $0xffff, v53;
	v43 =	vld.idx.msk [tilespmem:v43+s22+$0x0], $0xffff  }
0x2e9: {  	v29 =	vor.u32 v15, v29;
	v53 =	vor.u32 v6, v35;
	v56 =	vld.idx.msk [tilespmem:v59+s22+$0x0], $0xffff;
	[tilespmem:v46+s15+$0x0] =	vst.idx.msk $0xffff, v44  }
0x2ea: {  	v58 =	vor.u32 v5, v38;
	v46 =	vor.u32 v2, v23;
	[tilespmem:v57+s15+$0x0] =	vst.idx.msk $0xffff, v45;
	v31 =	vld.idx.msk [tilespmem:v31+s22+$0x0], $0xffff  }
0x2eb: {  	v25 =	vor.u32 v15, v25;
	v34 =	vshll.u32 v49, $0x7;
	v45 =	vor.u32 v6, v37;
	v51 =	vld.idx.msk [tilespmem:v51+s22+$0x0], $0xffff  }
0x2ec: {  	v44 =	vand.u32 $0x780, v34;
	v57 =	vor.u32 v11, v30;
	v52 =	vld.idx.msk [tilespmem:v52+s22+$0x0], $0xffff;
	[tilespmem:v55+s15+$0x0] =	vst.idx.msk $0xffff, v42  }
0x2ed: {  	v55 =	vor.u32 v0, v44;
	[tilespmem:v47+s15+$0x0] =	vst.idx.msk $0xffff, v54;
	v47 =	vor.u32 v12, v26;
	v48 =	vld.idx.msk [tilespmem:v48+s22+$0x0], $0xffff  }
0x2ee: {  	v59 =	vor.u32 v11, v28;
	v54 =	vor.u32 v2, v41;
	v53 =	vld.idx.msk [tilespmem:v53+s22+$0x0], $0xffff;
	[tilespmem:v29+s15+$0x0] =	vst.idx.msk $0xffff, v43  }
0x2ef: {  	v29 =	vor.u32 v7, v36;
	v43 =	vor.u32 v12, v27;
	[tilespmem:v58+s15+$0x0] =	vst.idx.msk $0xffff, v56  }
0x2f0: {  	v42 =	vadd.s32 s10, v0;
	v56 =	vor.u32 v8, v35;
	v58 =	vld.idx.msk [tilespmem:v45+s22+$0x0], $0xffff;
	[tilespmem:v25+s15+$0x0] =	vst.idx.msk $0xffff, v31  }
0x2f1: {  	v22 =	vor.u32 $0x30, v22;
	v45 =	vand.u32 $0x7, v19;
	v31 =	vor.u32 v7, v38;
	v25 =	vld.idx.msk [tilespmem:v46+s22+$0x0], $0xffff;
	[tilespmem:v57+s15+$0x0] =	vst.idx.msk $0xffff, v51  }
0x2f2: {  	v46 =	vor.u32 v3, v39;
	v51 =	vor.u32 v8, v37;
	[tilespmem:v55+s15+$0x0] =	vst.idx.msk $0xffff, v52;
	v47 =	vld.idx.msk [tilespmem:v47+s22+$0x0], $0xffff  }
0x2f3: {  	v52 =	vor.u32 v4, v23;
	v55 =	vor.u32 v13, v30;
	v54 =	vld.idx.msk [tilespmem:v54+s22+$0x0], $0xffff;
	[tilespmem:v59+s15+$0x0] =	vst.idx.msk $0xffff, v48  }
0x2f4: {  	v26 =	vor.u32 v14, v26;
	v48 =	vor.u32 v3, v44;
	[tilespmem:v29+s15+$0x0] =	vst.idx.msk $0xffff, v53;
	v29 =	vld.idx.msk [tilespmem:v43+s22+$0x0], $0xffff  }
0x2f5: {  	v57 =	vor.u32 v4, v41;
	v59 =	vor.u32 v13, v28;
	v53 =	vor.u32 v8, v23;
	v56 =	vld.idx.msk [tilespmem:v56+s22+$0x0], $0xffff  }
0x2f6: {  	v60 =	vor.u32 v9, v36;
	v27 =	vor.u32 v14, v27;
	v43 =	vand.u32 $0x3F, v22;
	[tilespmem:v31+s15+$0x0] =	vst.idx.msk $0xffff, v58  }
0x2f7: {  	v31 =	vor.u32 v10, v35;
	[tilespmem:v46+s15+$0x0] =	vst.idx.msk $0xffff, v25;
	v25 =	vor.u32 v6, v23;
	v46 =	vld.idx.msk [tilespmem:v51+s22+$0x0], $0xffff  }
0x2f8: {  	v51 =	vld.idx.msk [tilespmem:v52+s22+$0x0], $0xffff;
	v52 =	vor.u32 v9, v38;
	[tilespmem:v55+s15+$0x0] =	vst.idx.msk $0xffff, v47;
	v47 =	vor.u32 v2, v43  }
0x2f9: {  	v55 =	vor.u32 v5, v39;
	[tilespmem:v48+s15+$0x0] =	vst.idx.msk $0xffff, v54;
	v48 =	vor.u32 v10, v37;
	v26 =	vld.idx.msk [tilespmem:v26+s22+$0x0], $0xffff  }
0x2fa: {  	v30 =	vor.u32 v15, v30;
	v54 =	vld.idx.msk [tilespmem:v57+s22+$0x0], $0xffff;
	v57 =	vor.u32 v1, v43;
	[tilespmem:v59+s15+$0x0] =	vst.idx.msk $0xffff, v29  }
0x2fb: {  	v22 =	vshll.u32 v22, $0x7;
	v58 =	vor.u32 v5, v44;
	[tilespmem:v60+s15+$0x0] =	vst.idx.msk $0xffff, v56;
	v27 =	vld.idx.msk [tilespmem:v27+s22+$0x0], $0xffff;
	v56 =	vor.u32 $0x30, v16  }
0x2fc: {  	v28 =	vor.u32 v15, v28;
	v59 =	vor.u32 v6, v41;
	v16 =	vmovc v21;
	v60 =	vld.idx.msk [tilespmem:v31+s22+$0x0], $0xffff;
	v31 =	vand.u32 $0x3F, v56  }
0x2fd: {  	v22 =	vand.u32 $0x1C00, v22;
	v21 =	vor.u32 v11, v36;
	[tilespmem:v52+s15+$0x0] =	vst.idx.msk $0xffff, v46;
	v46 =	vor.u32 v1, v31  }
0x2fe: {  	v52 =	vor.u32 v12, v35;
	[tilespmem:v55+s15+$0x0] =	vst.idx.msk $0xffff, v51;
	v51 =	vor.u32 v7, v39;
	v48 =	vld.idx.msk [tilespmem:v48+s22+$0x0], $0xffff  }
0x2ff: {  	v61 =	vor.u32 v11, v38;
	v29 =	vor.u32 v33, v22;
	v55 =	vld.idx.msk [tilespmem:v25+s22+$0x0], $0xffff;
	[tilespmem:v30+s15+$0x0] =	vst.idx.msk $0xffff, v26  }
0x300: {  	v22 =	vor.u32 $0x10, v20;
	v26 =	vor.u32 v12, v37;
	v25 =	vshll.u32 v56, $0x7;
	[tilespmem:v58+s15+$0x0] =	vst.idx.msk $0xffff, v54;
	v30 =	vld.idx.msk [tilespmem:v57+s22+$0x0], $0xffff  }
0x301: {  	v33 =	vand.u32 $0xF, v42;
	v56 =	vor.u32 v0, v29;
	v25 =	vand.u32 $0x1C00, v25;
	v54 =	vld.idx.msk [tilespmem:v59+s22+$0x0], $0xffff;
	[tilespmem:v28+s15+$0x0] =	vst.idx.msk $0xffff, v27  }
0x302: {  	v27 =	vor.u32 v7, v44;
	v25 =	vor.u32 v32, v25;
	[tilespmem:v21+s15+$0x0] =	vst.idx.msk $0xffff, v60;
	v21 =	vld.idx.msk [tilespmem:v46+s22+$0x0], $0xffff  }
0x303: {  	v28 =	vor.u32 v8, v41;
	v46 =	vor.u32 v12, v23;
	v32 =	vld.idx.msk [tilespmem:v52+s22+$0x0], $0xffff;
	v52 =	vor.u32 v0, v25  }
0x304: {  	v50 =	vor.u32 $0x20, v50;
	v57 =	vor.u32 v13, v36;
	[tilespmem:v61+s15+$0x0] =	vst.idx.msk $0xffff, v48;
	v48 =	vor.u32 v2, v31  }
0x305: {  	v35 =	vor.u32 v14, v35;
	[tilespmem:v51+s15+$0x0] =	vst.idx.msk $0xffff, v55;
	v51 =	vor.u32 v10, v23;
	v55 =	vld.idx.msk [tilespmem:v26+s22+$0x0], $0xffff  }
0x306: {  	v58 =	vor.u32 v13, v38;
	v53 =	vld.idx.msk [tilespmem:v53+s22+$0x0], $0xffff;
	[tilespmem:v56+s15+$0x0] =	vst.idx.msk $0xffff, v30;
	v56 =	vor.u32 v6, v43  }
0x307: {  	v30 =	vor.u32 v9, v39;
	[tilespmem:v27+s15+$0x0] =	vst.idx.msk $0xffff, v54;
	v27 =	vor.u32 v14, v37;
	v37 =	vld.idx.msk [tilespmem:v47+s22+$0x0], $0xffff  }
0x308: {  	v47 =	vor.u32 v3, v29;
	v54 =	vor.u32 v4, v43;
	v28 =	vld.idx.msk [tilespmem:v28+s22+$0x0], $0xffff;
	[tilespmem:v52+s15+$0x0] =	vst.idx.msk $0xffff, v21  }
0x309: {  	v26 =	vand.u32 $0x28, v50;
	v50 =	vshll.u32 v50, $0x7;
	v21 =	vor.u32 v9, v44;
	[tilespmem:v57+s15+$0x0] =	vst.idx.msk $0xffff, v32;
	v48 =	vld.idx.msk [tilespmem:v48+s22+$0x0], $0xffff  }
0x30a: {  	v26 =	vor.u32 v45, v26;
	v45 =	vor.u32 v3, v25;
	v52 =	vor.u32 v10, v41;
	v35 =	vld.idx.msk [tilespmem:v35+s22+$0x0], $0xffff  }
0x30b: {  	v24 =	vor.u32 $0x20, v24;
	v36 =	vor.u32 v15, v36;
	[tilespmem:v58+s15+$0x0] =	vst.idx.msk $0xffff, v55;
	v55 =	vor.u32 v4, v31  }
0x30c: {  	[tilespmem:v30+s15+$0x0] =	vst.idx.msk $0xffff, v53;
	v53 =	vor.u32 v1, v26;
	v30 =	vand.u32 $0x7, v16;
	v57 =	vld.idx.msk [tilespmem:v27+s22+$0x0], $0xffff;
	v27 =	vand.u32 $0x28, v24  }
0x30d: {  	v38 =	vor.u32 v15, v38;
	v51 =	vld.idx.msk [tilespmem:v51+s22+$0x0], $0xffff;
	v27 =	vor.u32 v30, v27;
	[tilespmem:v47+s15+$0x0] =	vst.idx.msk $0xffff, v37  }
0x30e: {  	v37 =	vor.u32 v11, v39;
	[tilespmem:v21+s15+$0x0] =	vst.idx.msk $0xffff, v28;
	v28 =	vor.u32 v1, v27;
	v47 =	vld.idx.msk [tilespmem:v54+s22+$0x0], $0xffff  }
0x30f: {  	v32 =	vand.u32 $0x380, v40;
	v54 =	vand.u32 $0x1400, v50;
	v50 =	vor.u32 v5, v29;
	v40 =	vld.idx.msk [tilespmem:v52+s22+$0x0], $0xffff;
	[tilespmem:v45+s15+$0x0] =	vst.idx.msk $0xffff, v48  }
0x310: {  	v45 =	vor.u32 v11, v44;
	v30 =	vor.u32 v17, v54;
	[tilespmem:v36+s15+$0x0] =	vst.idx.msk $0xffff, v35;
	v35 =	vld.idx.msk [tilespmem:v55+s22+$0x0], $0xffff  }
0x311: {  	v24 =	vshll.u32 v24, $0x7;
	v21 =	vmovc v49;
	v52 =	vor.u32 v5, v25;
	v36 =	vor.u32 v12, v41;
	v48 =	vld.idx.msk [tilespmem:v53+s22+$0x0], $0xffff  }
0x312: {  	v24 =	vand.u32 $0x1400, v24;
	v49 =	vor.u32 v0, v30;
	[tilespmem:v38+s15+$0x0] =	vst.idx.msk $0xffff, v57;
	v38 =	vor.u32 v6, v31  }
0x313: {  	[tilespmem:v37+s15+$0x0] =	vst.idx.msk $0xffff, v51;
	v37 =	vor.u32 v2, v26;
	v51 =	vld.idx.msk [tilespmem:v28+s22+$0x0], $0xffff;
	v28 =	vor.u32 v18, v24  }
0x314: {  	v24 =	vld.idx.msk [tilespmem:v46+s22+$0x0], $0xffff;
	v46 =	vor.u32 v14, v23;
	v53 =	vor.u32 v0, v28;
	[tilespmem:v50+s15+$0x0] =	vst.idx.msk $0xffff, v47  }
0x315: {  	v47 =	vor.u32 v13, v39;
	[tilespmem:v45+s15+$0x0] =	vst.idx.msk $0xffff, v40;
	v40 =	vor.u32 v2, v27;
	v45 =	vld.idx.msk [tilespmem:v56+s22+$0x0], $0xffff  }
0x316: {  	v54 =	vor.u32 v7, v29;
	v50 =	vor.u32 v1, v33;
	v36 =	vld.idx.msk [tilespmem:v36+s22+$0x0], $0xffff;
	[tilespmem:v52+s15+$0x0] =	vst.idx.msk $0xffff, v35  }
0x317: {  	v52 =	vor.u32 v13, v44;
	[tilespmem:v49+s15+$0x0] =	vst.idx.msk $0xffff, v48;
	v48 =	vor.u32 v8, v43;
	v38 =	vld.idx.msk [tilespmem:v38+s22+$0x0], $0xffff  }
0x318: {  	v56 =	vor.u32 v10, v43;
	v49 =	vor.u32 v14, v41;
	v55 =	vld.idx.msk [tilespmem:v37+s22+$0x0], $0xffff;
	v37 =	vor.u32 v7, v25  }
0x319: {  	v57 =	vor.u32 v3, v30;
	v35 =	vand.u32 $0x1F, v22;
	[tilespmem:v53+s15+$0x0] =	vst.idx.msk $0xffff, v51;
	v51 =	vor.u32 v8, v31  }
0x31a: {  	[tilespmem:v47+s15+$0x0] =	vst.idx.msk $0xffff, v24;
	v47 =	vor.u32 v2, v35;
	v24 =	vor.u32 v4, v26;
	v40 =	vld.idx.msk [tilespmem:v40+s22+$0x0], $0xffff  }
0x31b: {  	v58 =	vor.u32 v3, v28;
	v53 =	vor.u32 v1, v35;
	v46 =	vld.idx.msk [tilespmem:v46+s22+$0x0], $0xffff;
	[tilespmem:v54+s15+$0x0] =	vst.idx.msk $0xffff, v45  }
0x31c: {  	v39 =	vor.u32 v15, v39;
	v45 =	vor.u32 v4, v27;
	[tilespmem:v52+s15+$0x0] =	vst.idx.msk $0xffff, v36;
	v48 =	vld.idx.msk [tilespmem:v48+s22+$0x0], $0xffff  }
0x31d: {  	v22 =	vshll.u32 v22, $0x7;
	v54 =	vor.u32 v9, v29;
	v52 =	vor.u32 $0x10, v21;
	v49 =	vld.idx.msk [tilespmem:v49+s22+$0x0], $0xffff;
	[tilespmem:v37+s15+$0x0] =	vst.idx.msk $0xffff, v38  }
0x31e: {  	v22 =	vand.u32 $0xC00, v22;
	v38 =	vor.u32 v15, v44;
	v37 =	vand.u32 $0x1F, v52;
	[tilespmem:v57+s15+$0x0] =	vst.idx.msk $0xffff, v55;
	v44 =	vld.idx.msk [tilespmem:v51+s22+$0x0], $0xffff  }
0x31f: {  	v36 =	vor.u32 v32, v22;
	v22 =	vor.u32 v1, v37;
	v55 =	vor.u32 v9, v25;
	v51 =	vld.idx.msk [tilespmem:v24+s22+$0x0], $0xffff  }
0x320: {  	v57 =	vor.u32 v5, v30;
	v24 =	vmov v41;
	[tilespmem:v58+s15+$0x0] =	vst.idx.msk $0xffff, v40;
	v58 =	vor.u32 v10, v31  }
0x321: {  	v41 =	vor.u32 v0, v36;
	[tilespmem:v39+s15+$0x0] =	vst.idx.msk $0xffff, v46;
	v46 =	vor.u32 v6, v26;
	v45 =	vld.idx.msk [tilespmem:v45+s22+$0x0], $0xffff  }
0x322: {  	v40 =	vshll.u32 v42, $0x7;
	v39 =	vshll.u32 v52, $0x7;
	v52 =	vor.u32 v5, v28;
	v53 =	vld.idx.msk [tilespmem:v53+s22+$0x0], $0xffff;
	[tilespmem:v54+s15+$0x0] =	vst.idx.msk $0xffff, v48  }
0x323: {  	v34 =	vand.u32 $0x380, v34;
	v48 =	vor.u32 v6, v27;
	[tilespmem:v38+s15+$0x0] =	vst.idx.msk $0xffff, v49;
	v38 =	vand.u32 $0xC00, v39;
	v49 =	vld.idx.msk [tilespmem:v56+s22+$0x0], $0xffff  }
0x324: {  	v54 =	vor.u32 v11, v29;
	v56 =	vld.idx.msk [tilespmem:v22+s22+$0x0], $0xffff;
	v38 =	vor.u32 v34, v38;
	[tilespmem:v55+s15+$0x0] =	vst.idx.msk $0xffff, v44  }
0x325: {  	v55 =	vor.u32 v12, v43;
	v44 =	vor.u32 v0, v38;
	[tilespmem:v57+s15+$0x0] =	vst.idx.msk $0xffff, v51;
	v57 =	vld.idx.msk [tilespmem:v58+s22+$0x0], $0xffff  }
0x326: {  	v59 =	vor.u32 v11, v25;
	v39 =	vand.u32 $0x780, v40;
	v22 =	vmovc v19;
	v58 =	vor.u32 v2, v37;
	v46 =	vld.idx.msk [tilespmem:v46+s22+$0x0], $0xffff  }
0x327: {  	v61 =	vor.u32 v7, v30;
	v60 =	vld.idx.msk [tilespmem:v50+s22+$0x0], $0xffff;
	[tilespmem:v52+s15+$0x0] =	vst.idx.msk $0xffff, v45;
	v45 =	vor.u32 v12, v31  }
0x328: {  	v62 =	vor.u32 v0, v39;
	[tilespmem:v41+s15+$0x0] =	vst.idx.msk $0xffff, v53;
	v41 =	vor.u32 v8, v26;
	v50 =	vld.idx.msk [tilespmem:v48+s22+$0x0], $0xffff  }
.Ltmp1:
0x329: {  	v19 =	vmov v20;
	v20 =	vmov v42;
	v51 =	vor.u32 v7, v28;
	v52 =	vld.idx.msk [tilespmem:v47+s22+$0x0], $0xffff;
	[tilespmem:v54+s15+$0x0] =	vst.idx.msk $0xffff, v49;
	(pc) =	sbr.rel @p0 .LBB2_5-.Ltmp1, $4  }
0x32a: {  	v42 =	vor.u32 v8, v27;
	v54 =	vor.u32 v3, v36;
	[tilespmem:v44+s15+$0x0] =	vst.idx.msk $0xffff, v56;
	v47 =	vld.idx.msk [tilespmem:v55+s22+$0x0], $0xffff  }
0x32b: {  	v48 =	vor.u32 v13, v29;
	v55 =	vor.u32 v4, v35;
	v53 =	vld.idx.msk [tilespmem:v58+s22+$0x0], $0xffff;
	[tilespmem:v59+s15+$0x0] =	vst.idx.msk $0xffff, v57  }
0x32c: {  	v43 =	vor.u32 v14, v43;
	v56 =	vor.u32 v3, v38;
	[tilespmem:v61+s15+$0x0] =	vst.idx.msk $0xffff, v46;
	v44 =	vld.idx.msk [tilespmem:v45+s22+$0x0], $0xffff  }
0x32d: {  	s7 =	sadd.s32 $0x1, s10;
	s10 =	sadd.s32 $0x2, s10;
	v59 =	vor.u32 v4, v37;
	v46 =	vor.u32 v13, v25;
	[tilespmem:v62+s15+$0x0] =	vst.idx.msk $0xffff, v60;
	v45 =	vld.idx.msk [tilespmem:v41+s22+$0x0], $0xffff  }
0x32e: {  	v41 =	vadd.s32 s7, v0  }
0x32f: {  	v60 =	vand.u32 $0xF, v41  }
0x330: {  	v57 =	vor.u32 v1, v60;
	_ =	sdelay $0x2  }
0x331: {  	[tilespmem:$0x1FF50] =	vst v41;
	v41 =	vshll.u32 v41, $0x7  }
0x332: {  	v61 =	vor.u32 v2, v33;
	[tilespmem:$0x1FF20] =	vst v41;
	v58 =	vand.u32 $0x780, v41  }
0x333: {  	v62 =	vor.u32 v0, v58;
	v57 =	vld.idx.msk [tilespmem:v57+s22+$0x0], $0xffff  }
0x334: {  	v63 =	vor.u32 v2, v60;
	_ =	sdelay $0x2  }
0x335: {  	v41 =	vor.u32 v3, v39;
	v61 =	vld.idx.msk [tilespmem:v61+s22+$0x0], $0xffff  }
0x336: {  	[tilespmem:v62+s15+$0x0] =	vst.idx.msk $0xffff, v57;
	v57 =	vor.u32 v4, v33  }
0x337: {  	v62 =	vld.idx.msk [tilespmem:v63+s22+$0x0], $0xffff;
	v63 =	vor.u32 v3, v58  }
0x338: {  	v49 =	vor.u32 v4, v60;
	_ =	sdelay $0x1  }
0x339: {  	[tilespmem:v41+s15+$0x0] =	vst.idx.msk $0xffff, v61  }
0x33a: {  	v41 =	vld.idx.msk [tilespmem:v57+s22+$0x0], $0xffff;
	v57 =	vor.u32 v5, v39  }
0x33b: {  	v61 =	vor.u32 v6, v33;
	[tilespmem:v63+s15+$0x0] =	vst.idx.msk $0xffff, v62  }
0x33c: {  	v62 =	vor.u32 v5, v58;
	v49 =	vld.idx.msk [tilespmem:v49+s22+$0x0], $0xffff;
	_ =	sdelay $0x2  }
0x33d: {  	v63 =	vor.u32 v6, v60;
	[tilespmem:v57+s15+$0x0] =	vst.idx.msk $0xffff, v41  }
0x33e: {  	v41 =	vor.u32 v7, v39;
	v57 =	vld.idx.msk [tilespmem:v61+s22+$0x0], $0xffff  }
0x33f: {  	[tilespmem:v62+s15+$0x0] =	vst.idx.msk $0xffff, v49;
	v49 =	vor.u32 v8, v33;
	_ =	sdelay $0x2  }
0x340: {  	v62 =	vor.u32 v7, v58;
	v61 =	vld.idx.msk [tilespmem:v63+s22+$0x0], $0xffff  }
0x341: {  	v63 =	vor.u32 v8, v60;
	[tilespmem:v41+s15+$0x0] =	vst.idx.msk $0xffff, v57  }
0x342: {  	v41 =	vld.idx.msk [tilespmem:v49+s22+$0x0], $0xffff;
	v49 =	vor.u32 v9, v39  }
0x343: {  	v57 =	vor.u32 v10, v33;
	_ =	sdelay $0x1  }
0x344: {  	[tilespmem:v62+s15+$0x0] =	vst.idx.msk $0xffff, v61  }
0x345: {  	v62 =	vor.u32 v9, v58;
	v61 =	vld.idx.msk [tilespmem:v63+s22+$0x0], $0xffff  }
0x346: {  	v63 =	vor.u32 v10, v60;
	[tilespmem:v49+s15+$0x0] =	vst.idx.msk $0xffff, v41  }
0x347: {  	v49 =	vor.u32 v11, v39;
	v41 =	vld.idx.msk [tilespmem:v57+s22+$0x0], $0xffff  }
0x348: {  	v57 =	vor.u32 v12, v33;
	_ =	sdelay $0x1  }
0x349: {  	[tilespmem:v62+s15+$0x0] =	vst.idx.msk $0xffff, v61  }
0x34a: {  	v61 =	vld.idx.msk [tilespmem:v63+s22+$0x0], $0xffff;
	[tilespmem:$0x1FF40] =	vst v60  }
0x34b: {  	[tilespmem:v49+s15+$0x0] =	vst.idx.msk $0xffff, v41  }
0x34c: {  	v41 =	vld.idx.msk [tilespmem:v57+s22+$0x0], $0xffff  }
0x34d: {  	v62 =	vor.u32 v11, v58  }
0x34e: {  	v63 =	vor.u32 v12, v60;
	_ =	sdelay $0x2  }
0x34f: {  	[tilespmem:$0x1FF00] =	vst v41  }
0x350: {  	[tilespmem:v62+s15+$0x0] =	vst.idx.msk $0xffff, v61  }
0x351: {  	v61 =	vld.idx.msk [tilespmem:v63+s22+$0x0], $0xffff  }
0x352: {  	v49 =	vor.u32 v13, v39;
	v63 =	vor.u32 v14, v60;
	v60 =	vld [tilespmem:$0x1FF00]  }
0x353: {  	v57 =	vor.u32 v14, v33;
	_ =	sdelay $0x3  }
0x354: {  	[tilespmem:v49+s15+$0x0] =	vst.idx.msk $0xffff, v60  }
0x355: {  	v57 =	vld.idx.msk [tilespmem:v57+s22+$0x0], $0xffff  }
0x356: {  	v62 =	vor.u32 v13, v58;
	_ =	sdelay $0x3  }
0x357: {  	[tilespmem:$0x1FF10] =	vst v57  }
0x358: {  	[tilespmem:v62+s15+$0x0] =	vst.idx.msk $0xffff, v61  }
0x359: {  	v57 =	vld [tilespmem:$0x1FF50];
	_ =	sdelay $0x4  }
0x35a: {  	v61 =	vor.u32 $0x10, v57  }
0x35b: {  	v60 =	vor.u32 v15, v39;
	v39 =	vand.u32 $0x1F, v61  }
0x35c: {  	v41 =	vor.u32 $0x10, v20;
	v63 =	vld.idx.msk [tilespmem:v63+s22+$0x0], $0xffff;
	v57 =	vor.u32 v15, v58;
	v58 =	vor.u32 v1, v39  }
0x35d: {  	v49 =	vand.u32 $0x1F, v41;
	[tilespmem:$0x1FF30] =	vst v58;
	v58 =	vshll.u32 v41, $0x7;
	v41 =	vand.u32 $0x380, v40;
	v40 =	vld [tilespmem:$0x1FF10];
	_ =	sdelay $0x3  }
0x35e: {  	[tilespmem:$0x1FF60] =	vst v41  }
0x35f: {  	[tilespmem:v60+s15+$0x0] =	vst.idx.msk $0xffff, v40  }
0x360: {  	v40 =	vld [tilespmem:$0x1FF20];
	_ =	sdelay $0x4  }
0x361: {  	v40 =	vand.u32 $0x380, v40  }
0x362: {  	[tilespmem:$0x1FF70] =	vst v40  }
0x363: {  	[tilespmem:v57+s15+$0x0] =	vst.idx.msk $0xffff, v63  }
0x364: {  	v63 =	vld [tilespmem:$0x1FF30]  }
0x365: {  	v62 =	vor.u32 v1, v49;
	_ =	sdelay $0x2  }
0x366: {  	v58 =	vand.u32 $0xC00, v58  }
0x367: {  	v61 =	vshll.u32 v61, $0x7;
	v58 =	vor.u32 v41, v58  }
0x368: {  	v41 =	vand.u32 $0xC00, v61;
	v61 =	vor.u32 v0, v58;
	v62 =	vld.idx.msk [tilespmem:v62+s22+$0x0], $0xffff  }
0x369: {  	v60 =	vor.u32 v2, v49;
	v57 =	vor.u32 v40, v41  }
0x36a: {  	v40 =	vor.u32 v0, v57;
	v63 =	vld.idx.msk [tilespmem:v63+s22+$0x0], $0xffff  }
0x36b: {  	v41 =	vor.u32 v2, v39;
	[tilespmem:v54+s15+$0x0] =	vst.idx.msk $0xffff, v52  }
0x36c: {  	v54 =	vor.u32 v5, v36;
	[tilespmem:v56+s15+$0x0] =	vst.idx.msk $0xffff, v53;
	v52 =	vld.idx.msk [tilespmem:v55+s22+$0x0], $0xffff  }
0x36d: {  	v53 =	vor.u32 v6, v35;
	v56 =	vor.u32 v5, v38;
	v55 =	vld.idx.msk [tilespmem:v59+s22+$0x0], $0xffff;
	[tilespmem:v61+s15+$0x0] =	vst.idx.msk $0xffff, v62  }
0x36e: {  	v59 =	vor.u32 v6, v37;
	v61 =	vor.u32 v3, v58;
	v60 =	vld.idx.msk [tilespmem:v60+s22+$0x0], $0xffff  }
0x36f: {  	[tilespmem:v40+s15+$0x0] =	vst.idx.msk $0xffff, v63;
	v40 =	vor.u32 v4, v49  }
0x370: {  	v62 =	vor.u32 v3, v57;
	v41 =	vld.idx.msk [tilespmem:v41+s22+$0x0], $0xffff  }
0x371: {  	[tilespmem:v54+s15+$0x0] =	vst.idx.msk $0xffff, v52;
	v63 =	vor.u32 v4, v39  }
0x372: {  	[tilespmem:v56+s15+$0x0] =	vst.idx.msk $0xffff, v55;
	v52 =	vld.idx.msk [tilespmem:v53+s22+$0x0], $0xffff;
	v53 =	vor.u32 v7, v36  }
0x373: {  	v54 =	vor.u32 v8, v35;
	v56 =	vor.u32 v7, v38;
	v55 =	vld.idx.msk [tilespmem:v59+s22+$0x0], $0xffff;
	[tilespmem:v61+s15+$0x0] =	vst.idx.msk $0xffff, v60  }
0x374: {  	v59 =	vor.u32 v8, v37;
	v60 =	vor.u32 v5, v58;
	v40 =	vld.idx.msk [tilespmem:v40+s22+$0x0], $0xffff  }
0x375: {  	[tilespmem:v62+s15+$0x0] =	vst.idx.msk $0xffff, v41;
	v41 =	vor.u32 v6, v49  }
0x376: {  	v62 =	vor.u32 v5, v57;
	v61 =	vld.idx.msk [tilespmem:v63+s22+$0x0], $0xffff  }
0x377: {  	[tilespmem:v53+s15+$0x0] =	vst.idx.msk $0xffff, v52;
	v63 =	vor.u32 v6, v39  }
0x378: {  	v53 =	vor.u32 v9, v36;
	[tilespmem:v56+s15+$0x0] =	vst.idx.msk $0xffff, v55;
	v52 =	vld.idx.msk [tilespmem:v54+s22+$0x0], $0xffff  }
0x379: {  	v56 =	vor.u32 v9, v38;
	v54 =	vor.u32 v10, v35;
	v55 =	vld.idx.msk [tilespmem:v59+s22+$0x0], $0xffff;
	[tilespmem:v60+s15+$0x0] =	vst.idx.msk $0xffff, v40  }
0x37a: {  	v59 =	vor.u32 v7, v58;
	v40 =	vor.u32 v10, v37;
	v41 =	vld.idx.msk [tilespmem:v41+s22+$0x0], $0xffff  }
0x37b: {  	v60 =	vor.u32 v8, v49;
	[tilespmem:v62+s15+$0x0] =	vst.idx.msk $0xffff, v61  }
0x37c: {  	v62 =	vor.u32 v7, v57;
	v61 =	vld.idx.msk [tilespmem:v63+s22+$0x0], $0xffff  }
0x37d: {  	[tilespmem:v53+s15+$0x0] =	vst.idx.msk $0xffff, v52;
	v63 =	vor.u32 v8, v39  }
0x37e: {  	v53 =	vor.u32 v11, v36;
	[tilespmem:v56+s15+$0x0] =	vst.idx.msk $0xffff, v55;
	v52 =	vld.idx.msk [tilespmem:v54+s22+$0x0], $0xffff  }
0x37f: {  	v55 =	vor.u32 v11, v38;
	v40 =	vld.idx.msk [tilespmem:v40+s22+$0x0], $0xffff;
	[tilespmem:v59+s15+$0x0] =	vst.idx.msk $0xffff, v41  }
0x380: {  	v54 =	vor.u32 v12, v35;
	v59 =	vor.u32 v9, v58;
	v56 =	vld.idx.msk [tilespmem:v60+s22+$0x0], $0xffff  }
0x381: {  	v60 =	vor.u32 v10, v49;
	[tilespmem:v62+s15+$0x0] =	vst.idx.msk $0xffff, v61  }
0x382: {  	v41 =	vor.u32 v12, v37;
	v62 =	vor.u32 v9, v57;
	v61 =	vld.idx.msk [tilespmem:v63+s22+$0x0], $0xffff  }
0x383: {  	[tilespmem:v53+s15+$0x0] =	vst.idx.msk $0xffff, v52;
	v63 =	vor.u32 v10, v39  }
0x384: {  	[tilespmem:v55+s15+$0x0] =	vst.idx.msk $0xffff, v40  }
0x385: {  	v52 =	vor.u32 v13, v36;
	v40 =	vld.idx.msk [tilespmem:v54+s22+$0x0], $0xffff;
	[tilespmem:v59+s15+$0x0] =	vst.idx.msk $0xffff, v56  }
0x386: {  	v54 =	vor.u32 v14, v35;
	v56 =	vor.u32 v11, v58;
	v55 =	vld.idx.msk [tilespmem:v60+s22+$0x0], $0xffff  }
0x387: {  	v53 =	vor.u32 v13, v38;
	v41 =	vld.idx.msk [tilespmem:v41+s22+$0x0], $0xffff;
	v59 =	vor.u32 v12, v49;
	[tilespmem:v62+s15+$0x0] =	vst.idx.msk $0xffff, v61  }
0x388: {  	v37 =	vor.u32 v14, v37;
	v61 =	vor.u32 v11, v57;
	v60 =	vld.idx.msk [tilespmem:v63+s22+$0x0], $0xffff  }
0x389: {  	v23 =	vor.u32 $0x20, v23;
	[tilespmem:v51+s15+$0x0] =	vst.idx.msk $0xffff, v50;
	v50 =	vor.u32 v12, v39  }
0x38a: {  	v36 =	vor.u32 v15, v36;
	v63 =	vand.u32 $0x7, v19;
	[tilespmem:v52+s15+$0x0] =	vst.idx.msk $0xffff, v40;
	v52 =	vand.u32 $0x28, v23  }
0x38b: {  	v49 =	vor.u32 v14, v49;
	v35 =	vor.u32 v63, v52;
	v51 =	vld.idx.msk [tilespmem:v54+s22+$0x0], $0xffff;
	[tilespmem:v56+s15+$0x0] =	vst.idx.msk $0xffff, v55  }
0x38c: {  	v62 =	vor.u32 v13, v58;
	[tilespmem:v53+s15+$0x0] =	vst.idx.msk $0xffff, v41;
	v52 =	vor.u32 v1, v35;
	v54 =	vld.idx.msk [tilespmem:v59+s22+$0x0], $0xffff  }
0x38d: {  	v41 =	vshll.u32 v23, $0x7;
	v63 =	vor.u32 v15, v38;
	v37 =	vld.idx.msk [tilespmem:v37+s22+$0x0], $0xffff;
	[tilespmem:v61+s15+$0x0] =	vst.idx.msk $0xffff, v60  }
0x38e: {  	v56 =	vand.u32 $0x1400, v41;
	v59 =	vor.u32 v13, v57;
	v41 =	vld.idx.msk [tilespmem:v50+s22+$0x0], $0xffff  }
0x38f: {  	[tilespmem:v48+s15+$0x0] =	vst.idx.msk $0xffff, v47  }
0x390: {  	v39 =	vor.u32 v14, v39;
	v53 =	vor.u32 $0x20, v24;
	[tilespmem:v36+s15+$0x0] =	vst.idx.msk $0xffff, v51  }
0x391: {  	v23 =	vand.u32 $0x7, v21;
	v24 =	vand.u32 $0x28, v53;
	v52 =	vld.idx.msk [tilespmem:v52+s22+$0x0], $0xffff;
	[tilespmem:v62+s15+$0x0] =	vst.idx.msk $0xffff, v54  }
0x392: {  	v23 =	vor.u32 v23, v24;
	v24 =	vor.u32 v32, v56;
	[tilespmem:v63+s15+$0x0] =	vst.idx.msk $0xffff, v37;
	v49 =	vld.idx.msk [tilespmem:v49+s22+$0x0], $0xffff  }
0x393: {  	v33 =	vor.u32 $0x20, v33;
	v48 =	vor.u32 v0, v24;
	v38 =	vld [tilespmem:$0x1FF40];
	[tilespmem:v59+s15+$0x0] =	vst.idx.msk $0xffff, v41  }
0x394: {  	v61 =	vand.u32 $0x7, v20;
	v62 =	vand.u32 $0x28, v33;
	v54 =	vor.u32 v15, v58;
	v58 =	vld [tilespmem:$0x1FF50]  }
0x395: {  	v37 =	vor.u32 v61, v62;
	v62 =	vor.u32 v15, v57;
	v39 =	vld.idx.msk [tilespmem:v39+s22+$0x0], $0xffff;
	_ =	sdelay $0x1  }
0x396: {  	v29 =	vor.u32 v15, v29;
	v40 =	vor.u32 v9, v30;
	v60 =	vshll.u32 v53, $0x7  }
0x397: {  	v53 =	vor.u32 v2, v35;
	v36 =	vor.u32 v1, v23;
	v33 =	vshll.u32 v33, $0x7;
	[tilespmem:v48+s15+$0x0] =	vst.idx.msk $0xffff, v52  }
0x398: {  	v51 =	vand.u32 $0x1400, v60;
	v33 =	vand.u32 $0x1400, v33;
	v63 =	vor.u32 $0x20, v38;
	[tilespmem:v54+s15+$0x0] =	vst.idx.msk $0xffff, v49  }
0x399: {  	v61 =	vor.u32 v1, v37;
	v60 =	vand.u32 $0x28, v63;
	v57 =	vld [tilespmem:$0x1FF60];
	v47 =	vand.u32 $0x7, v58;
	[tilespmem:v62+s15+$0x0] =	vst.idx.msk $0xffff, v39  }
0x39a: {  	v49 =	vor.u32 v3, v24;
	v54 =	vor.u32 v4, v35;
	v38 =	vor.u32 v47, v60;
	v56 =	vld [tilespmem:$0x1FF70]  }
0x39b: {  	v43 =	vld.idx.msk [tilespmem:v43+s22+$0x0], $0xffff;
	v63 =	vshll.u32 v63, $0x7;
	v62 =	vor.u32 v10, v26;
	v41 =	vor.u32 v1, v38  }
0x39c: {  	v42 =	vld.idx.msk [tilespmem:v42+s22+$0x0], $0xffff;
	v47 =	vor.u32 v14, v31;
	v31 =	vor.u32 v34, v51;
	v60 =	vor.u32 v9, v28  }
0x39d: {  	v52 =	vld.idx.msk [tilespmem:v36+s22+$0x0], $0xffff;
	v36 =	vand.u32 $0x1400, v63;
	v63 =	vor.u32 v10, v27;
	v48 =	vor.u32 v0, v31  }
0x39e: {  	v53 =	vld.idx.msk [tilespmem:v53+s22+$0x0], $0xffff;
	v51 =	vor.u32 v2, v23;
	[tilespmem:v46+s15+$0x0] =	vst.idx.msk $0xffff, v44;
	v33 =	vor.u32 v57, v33  }
0x39f: {  	v50 =	vld.idx.msk [tilespmem:v61+s22+$0x0], $0xffff;
	[tilespmem:v40+s15+$0x0] =	vst.idx.msk $0xffff, v45;
	v39 =	vor.u32 v0, v33;
	v36 =	vor.u32 v56, v36  }
0x3a0: {  	v44 =	vor.u32 v2, v37;
	[tilespmem:v29+s15+$0x0] =	vst.idx.msk $0xffff, v43;
	v41 =	vld.idx.msk [tilespmem:v41+s22+$0x0], $0xffff;
	v59 =	vor.u32 v0, v36  }
0x3a1: {  	v61 =	vor.u32 v2, v38;
	v45 =	vld.idx.msk [tilespmem:v62+s22+$0x0], $0xffff;
	[tilespmem:v60+s15+$0x0] =	vst.idx.msk $0xffff, v42;
	v60 =	vor.u32 v11, v30  }
0x3a2: {  	[tilespmem:v48+s15+$0x0] =	vst.idx.msk $0xffff, v52;
	v48 =	vld.idx.msk [tilespmem:v63+s22+$0x0], $0xffff;
	v63 =	vor.u32 v11, v28  }
0x3a3: {  	[tilespmem:v49+s15+$0x0] =	vst.idx.msk $0xffff, v53;
	v62 =	vor.u32 v12, v26;
	v52 =	vor.u32 v3, v31;
	v51 =	vld.idx.msk [tilespmem:v51+s22+$0x0], $0xffff  }
0x3a4: {  	v49 =	vor.u32 v4, v23;
	v53 =	vld.idx.msk [tilespmem:v54+s22+$0x0], $0xffff;
	v54 =	vor.u32 v5, v24;
	[tilespmem:v39+s15+$0x0] =	vst.idx.msk $0xffff, v50  }
0x3a5: {  	v39 =	vor.u32 v6, v35;
	v50 =	vor.u32 v3, v33;
	v44 =	vld.idx.msk [tilespmem:v44+s22+$0x0], $0xffff;
	[tilespmem:v59+s15+$0x0] =	vst.idx.msk $0xffff, v41  }
0x3a6: {  	v42 =	vor.u32 v3, v36;
	[tilespmem:v60+s15+$0x0] =	vst.idx.msk $0xffff, v45;
	v59 =	vor.u32 v4, v37;
	v40 =	vld.idx.msk [tilespmem:v61+s22+$0x0], $0xffff  }
0x3a7: {  	[tilespmem:v63+s15+$0x0] =	vst.idx.msk $0xffff, v48;
	v61 =	vor.u32 v4, v38  }
0x3a8: {  	v29 =	vor.u32 v15, v25;
	v25 =	vld.idx.msk [tilespmem:v62+s22+$0x0], $0xffff;
	v63 =	vor.u32 v13, v30;
	[tilespmem:v52+s15+$0x0] =	vst.idx.msk $0xffff, v51  }
0x3a9: {  	v26 =	vor.u32 v14, v26;
	[tilespmem:v54+s15+$0x0] =	vst.idx.msk $0xffff, v53;
	v52 =	vor.u32 v5, v31;
	v49 =	vld.idx.msk [tilespmem:v49+s22+$0x0], $0xffff  }
0x3aa: {  	v53 =	vor.u32 v6, v23;
	v54 =	vor.u32 v7, v24;
	v39 =	vld.idx.msk [tilespmem:v39+s22+$0x0], $0xffff;
	[tilespmem:v50+s15+$0x0] =	vst.idx.msk $0xffff, v44  }
0x3ab: {  	v44 =	vor.u32 v8, v35;
	v41 =	vld.idx.msk [tilespmem:v59+s22+$0x0], $0xffff;
	v59 =	vor.u32 v5, v33;
	[tilespmem:v42+s15+$0x0] =	vst.idx.msk $0xffff, v40  }
0x3ac: {  	v46 =	vor.u32 $0x30, v22;
	v60 =	vor.u32 v6, v37;
	v42 =	vld.idx.msk [tilespmem:v61+s22+$0x0], $0xffff;
	v61 =	vor.u32 v5, v36  }
0x3ad: {  	v22 =	vand.u32 $0x3F, v46;
	v62 =	vor.u32 v6, v38;
	[tilespmem:v63+s15+$0x0] =	vst.idx.msk $0xffff, v25  }
0x3ae: {  	v48 =	vor.u32 v2, v22;
	v30 =	vor.u32 v15, v30;
	v26 =	vld.idx.msk [tilespmem:v26+s22+$0x0], $0xffff;
	[tilespmem:v52+s15+$0x0] =	vst.idx.msk $0xffff, v49  }
0x3af: {  	v51 =	vor.u32 v12, v27;
	v52 =	vor.u32 v7, v31;
	v49 =	vld.idx.msk [tilespmem:v53+s22+$0x0], $0xffff;
	[tilespmem:v54+s15+$0x0] =	vst.idx.msk $0xffff, v39  }
0x3b0: {  	v39 =	vor.u32 v8, v23;
	v53 =	vor.u32 v9, v24;
	v44 =	vld.idx.msk [tilespmem:v44+s22+$0x0], $0xffff;
	[tilespmem:v59+s15+$0x0] =	vst.idx.msk $0xffff, v41  }
0x3b1: {  	v59 =	vor.u32 v10, v35;
	v40 =	vld.idx.msk [tilespmem:v60+s22+$0x0], $0xffff;
	v60 =	vor.u32 v7, v33;
	[tilespmem:v61+s15+$0x0] =	vst.idx.msk $0xffff, v42  }
0x3b2: {  	v27 =	vor.u32 v14, v27;
	v61 =	vor.u32 v8, v37;
	v43 =	vld.idx.msk [tilespmem:v62+s22+$0x0], $0xffff;
	v62 =	vor.u32 v7, v36  }
0x3b3: {  	v46 =	vshll.u32 v46, $0x7;
	v50 =	vor.u32 v9, v33;
	v63 =	vor.u32 v8, v38;
	[tilespmem:v30+s15+$0x0] =	vst.idx.msk $0xffff, v26  }
0x3b4: {  	v51 =	vld.idx.msk [tilespmem:v51+s22+$0x0], $0xffff;
	v54 =	vor.u32 v12, v38;
	v42 =	vor.u32 v13, v28;
	[tilespmem:v52+s15+$0x0] =	vst.idx.msk $0xffff, v49  }
0x3b5: {  	v26 =	vor.u32 v10, v38;
	v52 =	vor.u32 v9, v31;
	v39 =	vld.idx.msk [tilespmem:v39+s22+$0x0], $0xffff;
	[tilespmem:v53+s15+$0x0] =	vst.idx.msk $0xffff, v44  }
0x3b6: {  	v30 =	vand.u32 $0x1C00, v46;
	v41 =	vld.idx.msk [tilespmem:v59+s22+$0x0], $0xffff;
	v59 =	vor.u32 v11, v24;
	[tilespmem:v60+s15+$0x0] =	vst.idx.msk $0xffff, v40  }
0x3b7: {  	v46 =	vor.u32 v11, v31;
	v44 =	vor.u32 v10, v23;
	v45 =	vld.idx.msk [tilespmem:v61+s22+$0x0], $0xffff;
	[tilespmem:v62+s15+$0x0] =	vst.idx.msk $0xffff, v43  }
0x3b8: {  	v38 =	vor.u32 v14, v38;
	v61 =	vor.u32 v10, v37;
	v62 =	vor.u32 v9, v36;
	v25 =	vld.idx.msk [tilespmem:v63+s22+$0x0], $0xffff  }
0x3b9: {  	v28 =	vor.u32 v15, v28;
	v17 =	vor.u32 v17, v30;
	[tilespmem:v42+s15+$0x0] =	vst.idx.msk $0xffff, v51  }
0x3ba: {  	v49 =	vor.u32 v1, v22;
	v60 =	vor.u32 v12, v35;
	[tilespmem:v52+s15+$0x0] =	vst.idx.msk $0xffff, v39  }
0x3bb: {  	v53 =	vor.u32 v11, v36;
	v35 =	vor.u32 v14, v35;
	v27 =	vld.idx.msk [tilespmem:v27+s22+$0x0], $0xffff;
	[tilespmem:v59+s15+$0x0] =	vst.idx.msk $0xffff, v41  }
0x3bc: {  	v43 =	vor.u32 v13, v33;
	v63 =	vor.u32 $0x30, v16;
	v44 =	vld.idx.msk [tilespmem:v44+s22+$0x0], $0xffff;
	[tilespmem:v50+s15+$0x0] =	vst.idx.msk $0xffff, v45  }
0x3bd: {  	v59 =	vor.u32 v12, v23;
	v42 =	vld.idx.msk [tilespmem:v61+s22+$0x0], $0xffff;
	v61 =	vor.u32 v11, v33;
	[tilespmem:v62+s15+$0x0] =	vst.idx.msk $0xffff, v25  }
0x3be: {  	v16 =	vand.u32 $0x3F, v63;
	v62 =	vshll.u32 v63, $0x7;
	v63 =	vor.u32 v12, v37;
	v26 =	vld.idx.msk [tilespmem:v26+s22+$0x0], $0xffff  }
0x3bf: {  	v23 =	vor.u32 v14, v23;
	v39 =	vor.u32 v1, v16;
	v40 =	vld.idx.msk [tilespmem:v60+s22+$0x0], $0xffff;
	v60 =	vor.u32 v13, v24  }
0x3c0: {  	v24 =	vor.u32 v15, v24;
	v45 =	vor.u32 v2, v16;
	[tilespmem:v28+s15+$0x0] =	vst.idx.msk $0xffff, v27  }
0x3c1: {  	v28 =	vor.u32 v0, v17;
	v33 =	vor.u32 v15, v33;
	[tilespmem:v46+s15+$0x0] =	vst.idx.msk $0xffff, v44;
	v44 =	vld.idx.msk [tilespmem:v47+s22+$0x0], $0xffff  }
0x3c2: {  	v25 =	vand.u32 $0x1C00, v62;
	v55 =	vld.idx.msk [tilespmem:v59+s22+$0x0], $0xffff;
	v59 =	vor.u32 v13, v31;
	[tilespmem:v61+s15+$0x0] =	vst.idx.msk $0xffff, v42  }
0x3c3: {  	v62 =	vor.u32 v13, v36;
	v36 =	vor.u32 v15, v36;
	v42 =	vld.idx.msk [tilespmem:v63+s22+$0x0], $0xffff;
	[tilespmem:v53+s15+$0x0] =	vst.idx.msk $0xffff, v26  }
0x3c4: {  	[tilespmem:v60+s15+$0x0] =	vst.idx.msk $0xffff, v40;
	v60 =	vor.u32 $0x30, v19;
	v61 =	vor.u32 v14, v37;
	v27 =	vld.idx.msk [tilespmem:v54+s22+$0x0], $0xffff  }
0x3c5: {  	v18 =	vor.u32 v18, v25;
	v31 =	vor.u32 v15, v31;
	v35 =	vld.idx.msk [tilespmem:v35+s22+$0x0], $0xffff;
	v19 =	vand.u32 $0x3F, v60  }
0x3c6: {  	v30 =	vor.u32 v0, v18;
	v52 =	vshll.u32 v60, $0x7;
	v63 =	vor.u32 v1, v19;
	[tilespmem:v29+s15+$0x0] =	vst.idx.msk $0xffff, v44  }
0x3c7: {  	v47 =	vld.idx.msk [tilespmem:v49+s22+$0x0], $0xffff;
	v60 =	vor.u32 $0x30, v20;
	v46 =	vor.u32 v2, v19;
	v53 =	vor.u32 $0x30, v21;
	[tilespmem:v59+s15+$0x0] =	vst.idx.msk $0xffff, v55  }
0x3c8: {  	v50 =	vshll.u32 v60, $0x7;
	v21 =	vand.u32 $0x3F, v53;
	v54 =	vand.u32 $0x1C00, v52;
	v41 =	vld.idx.msk [tilespmem:v23+s22+$0x0], $0xffff;
	[tilespmem:v43+s15+$0x0] =	vst.idx.msk $0xffff, v42  }
0x3c9: {  	v55 =	vor.u32 v1, v21;
	v23 =	vand.u32 $0x3F, v60;
	v26 =	vld.idx.msk [tilespmem:v61+s22+$0x0], $0xffff;
	v61 =	vor.u32 $0x30, v58;
	[tilespmem:v62+s15+$0x0] =	vst.idx.msk $0xffff, v27  }
0x3ca: {  	v59 =	vshll.u32 v53, $0x7;
	[tilespmem:v24+s15+$0x0] =	vst.idx.msk $0xffff, v35;
	v62 =	vor.u32 v1, v23;
	v25 =	vand.u32 $0x3F, v61;
	v38 =	vld.idx.msk [tilespmem:v38+s22+$0x0], $0xffff  }
0x3cb: {  	v20 =	vor.u32 v32, v54;
	v24 =	vand.u32 $0x1C00, v59;
	v32 =	vld.idx.msk [tilespmem:v63+s22+$0x0], $0xffff;
	v63 =	vor.u32 v1, v25  }
0x3cc: {  	v35 =	vld.idx.msk [tilespmem:v39+s22+$0x0], $0xffff;
	v52 =	vor.u32 v2, v21;
	v49 =	vor.u32 v0, v20;
	v24 =	vor.u32 v34, v24  }
0x3cd: {  	v34 =	vor.u32 v0, v24;
	v27 =	vshll.u32 v61, $0x7;
	[tilespmem:v31+s15+$0x0] =	vst.idx.msk $0xffff, v41;
	v31 =	vand.u32 $0x1C00, v50  }
0x3ce: {  	v27 =	vand.u32 $0x1C00, v27;
	v51 =	vld.idx.msk [tilespmem:v55+s22+$0x0], $0xffff;
	[tilespmem:v33+s15+$0x0] =	vst.idx.msk $0xffff, v26;
	v26 =	vor.u32 v57, v31  }
0x3cf: {  	v27 =	vor.u32 v56, v27;
	v53 =	vld.idx.msk [tilespmem:v62+s22+$0x0], $0xffff;
	v54 =	vor.u32 v0, v26;
	[tilespmem:v36+s15+$0x0] =	vst.idx.msk $0xffff, v38  }
0x3d0: {  	[tilespmem:v28+s15+$0x0] =	vst.idx.msk $0xffff, v47;
	v55 =	vor.u32 v2, v23;
	v56 =	vor.u32 v0, v27;
	v36 =	vld.idx.msk [tilespmem:v63+s22+$0x0], $0xffff  }
0x3d1: {  	v58 =	vor.u32 v3, v17;
	[tilespmem:v30+s15+$0x0] =	vst.idx.msk $0xffff, v35;
	v59 =	vor.u32 v2, v25;
	v57 =	vld.idx.msk [tilespmem:v48+s22+$0x0], $0xffff  }
0x3d2: {  	v60 =	vor.u32 v4, v22;
	v61 =	vld.idx.msk [tilespmem:v45+s22+$0x0], $0xffff;
	[tilespmem:v49+s15+$0x0] =	vst.idx.msk $0xffff, v32;
	v62 =	vor.u32 v3, v18  }
0x3d3: {  	v43 =	vld.idx.msk [tilespmem:v46+s22+$0x0], $0xffff;
	v48 =	vor.u32 v3, v20;
	v63 =	vor.u32 v4, v16;
	[tilespmem:v34+s15+$0x0] =	vst.idx.msk $0xffff, v51  }
0x3d4: {  	v50 =	vor.u32 v3, v24;
	v49 =	vor.u32 v4, v19;
	v34 =	vld.idx.msk [tilespmem:v52+s22+$0x0], $0xffff;
	[tilespmem:v54+s15+$0x0] =	vst.idx.msk $0xffff, v53  }
0x3d5: {  	v51 =	vor.u32 v4, v21;
	v52 =	vor.u32 v3, v26;
	v28 =	vld.idx.msk [tilespmem:v55+s22+$0x0], $0xffff;
	[tilespmem:v56+s15+$0x0] =	vst.idx.msk $0xffff, v36  }
0x3d6: {  	[tilespmem:v58+s15+$0x0] =	vst.idx.msk $0xffff, v57;
	v53 =	vor.u32 v4, v23;
	v54 =	vor.u32 v3, v27;
	v30 =	vld.idx.msk [tilespmem:v59+s22+$0x0], $0xffff  }
0x3d7: {  	v35 =	vld.idx.msk [tilespmem:v60+s22+$0x0], $0xffff;
	[tilespmem:v62+s15+$0x0] =	vst.idx.msk $0xffff, v61;
	v55 =	vor.u32 v5, v17;
	v56 =	vor.u32 v4, v25  }
0x3d8: {  	v57 =	vor.u32 v6, v22;
	v58 =	vor.u32 v5, v18;
	[tilespmem:v48+s15+$0x0] =	vst.idx.msk $0xffff, v43;
	v32 =	vld.idx.msk [tilespmem:v63+s22+$0x0], $0xffff  }
0x3d9: {  	v29 =	vld.idx.msk [tilespmem:v49+s22+$0x0], $0xffff;
	v60 =	vor.u32 v5, v20;
	v59 =	vor.u32 v6, v16;
	[tilespmem:v50+s15+$0x0] =	vst.idx.msk $0xffff, v34  }
0x3da: {  	v61 =	vor.u32 v6, v19;
	v62 =	vor.u32 v5, v24;
	v31 =	vld.idx.msk [tilespmem:v51+s22+$0x0], $0xffff;
	[tilespmem:v52+s15+$0x0] =	vst.idx.msk $0xffff, v28  }
0x3db: {  	v48 =	vor.u32 v5, v26;
	v63 =	vor.u32 v6, v21;
	v33 =	vld.idx.msk [tilespmem:v53+s22+$0x0], $0xffff;
	[tilespmem:v54+s15+$0x0] =	vst.idx.msk $0xffff, v30  }
0x3dc: {  	v49 =	vor.u32 v6, v23;
	v51 =	vor.u32 v5, v27;
	[tilespmem:v55+s15+$0x0] =	vst.idx.msk $0xffff, v35;
	v50 =	vld.idx.msk [tilespmem:v56+s22+$0x0], $0xffff  }
0x3dd: {  	v52 =	vor.u32 v7, v17;
	v38 =	vld.idx.msk [tilespmem:v57+s22+$0x0], $0xffff;
	[tilespmem:v58+s15+$0x0] =	vst.idx.msk $0xffff, v32;
	v53 =	vor.u32 v6, v25  }
0x3de: {  	[tilespmem:v60+s15+$0x0] =	vst.idx.msk $0xffff, v29;
	v55 =	vor.u32 v7, v18;
	v54 =	vor.u32 v8, v22;
	v42 =	vld.idx.msk [tilespmem:v59+s22+$0x0], $0xffff  }
0x3df: {  	v34 =	vld.idx.msk [tilespmem:v61+s22+$0x0], $0xffff;
	v57 =	vor.u32 v7, v20;
	v56 =	vor.u32 v8, v16;
	[tilespmem:v62+s15+$0x0] =	vst.idx.msk $0xffff, v31  }
0x3e0: {  	v58 =	vor.u32 v8, v19;
	v59 =	vor.u32 v7, v24;
	v28 =	vld.idx.msk [tilespmem:v63+s22+$0x0], $0xffff;
	[tilespmem:v48+s15+$0x0] =	vst.idx.msk $0xffff, v33  }
0x3e1: {  	v60 =	vor.u32 v8, v21;
	v61 =	vor.u32 v7, v26;
	v30 =	vld.idx.msk [tilespmem:v49+s22+$0x0], $0xffff;
	[tilespmem:v51+s15+$0x0] =	vst.idx.msk $0xffff, v50  }
0x3e2: {  	v62 =	vor.u32 v8, v23;
	v63 =	vor.u32 v7, v27;
	[tilespmem:v52+s15+$0x0] =	vst.idx.msk $0xffff, v38;
	v32 =	vld.idx.msk [tilespmem:v53+s22+$0x0], $0xffff  }
0x3e3: {  	v48 =	vor.u32 v9, v17;
	v38 =	vld.idx.msk [tilespmem:v54+s22+$0x0], $0xffff;
	[tilespmem:v55+s15+$0x0] =	vst.idx.msk $0xffff, v42;
	v49 =	vor.u32 v8, v25  }
0x3e4: {  	[tilespmem:v57+s15+$0x0] =	vst.idx.msk $0xffff, v34;
	v50 =	vor.u32 v10, v22;
	v29 =	vld.idx.msk [tilespmem:v56+s22+$0x0], $0xffff;
	v51 =	vor.u32 v9, v18  }
0x3e5: {  	v52 =	vor.u32 v10, v16;
	v31 =	vld.idx.msk [tilespmem:v58+s22+$0x0], $0xffff;
	v53 =	vor.u32 v9, v20;
	[tilespmem:v59+s15+$0x0] =	vst.idx.msk $0xffff, v28  }
0x3e6: {  	v54 =	vor.u32 v10, v19;
	v55 =	vor.u32 v9, v24;
	v33 =	vld.idx.msk [tilespmem:v60+s22+$0x0], $0xffff;
	[tilespmem:v61+s15+$0x0] =	vst.idx.msk $0xffff, v30  }
0x3e7: {  	v57 =	vor.u32 v9, v26;
	v56 =	vor.u32 v10, v21;
	v35 =	vld.idx.msk [tilespmem:v62+s22+$0x0], $0xffff;
	[tilespmem:v63+s15+$0x0] =	vst.idx.msk $0xffff, v32  }
0x3e8: {  	v58 =	vor.u32 v10, v23;
	v59 =	vor.u32 v9, v27;
	[tilespmem:v48+s15+$0x0] =	vst.idx.msk $0xffff, v38;
	v37 =	vld.idx.msk [tilespmem:v49+s22+$0x0], $0xffff  }
0x3e9: {  	v60 =	vor.u32 v11, v17;
	v61 =	vor.u32 v10, v25;
	v40 =	vld.idx.msk [tilespmem:v50+s22+$0x0], $0xffff;
	[tilespmem:v51+s15+$0x0] =	vst.idx.msk $0xffff, v29  }
0x3ea: {  	v62 =	vor.u32 v12, v22;
	v34 =	vld.idx.msk [tilespmem:v52+s22+$0x0], $0xffff;
	v63 =	vor.u32 v11, v18;
	[tilespmem:v53+s15+$0x0] =	vst.idx.msk $0xffff, v31  }
0x3eb: {  	v48 =	vor.u32 v12, v16;
	v28 =	vld.idx.msk [tilespmem:v54+s22+$0x0], $0xffff;
	v49 =	vor.u32 v11, v20;
	[tilespmem:v55+s15+$0x0] =	vst.idx.msk $0xffff, v33  }
0x3ec: {  	v50 =	vor.u32 v12, v19;
	v51 =	vor.u32 v11, v24;
	v30 =	vld.idx.msk [tilespmem:v56+s22+$0x0], $0xffff;
	[tilespmem:v57+s15+$0x0] =	vst.idx.msk $0xffff, v35  }
0x3ed: {  	v52 =	vor.u32 v12, v21;
	v53 =	vor.u32 v11, v26;
	v32 =	vld.idx.msk [tilespmem:v58+s22+$0x0], $0xffff;
	[tilespmem:v59+s15+$0x0] =	vst.idx.msk $0xffff, v37  }
0x3ee: {  	v54 =	vor.u32 v12, v23;
	v55 =	vor.u32 v11, v27;
	[tilespmem:v60+s15+$0x0] =	vst.idx.msk $0xffff, v40;
	v29 =	vld.idx.msk [tilespmem:v61+s22+$0x0], $0xffff  }
0x3ef: {  	v56 =	vor.u32 v13, v17;
	v57 =	vor.u32 v12, v25;
	v40 =	vld.idx.msk [tilespmem:v62+s22+$0x0], $0xffff;
	[tilespmem:v63+s15+$0x0] =	vst.idx.msk $0xffff, v34  }
0x3f0: {  	v22 =	vor.u32 v14, v22;
	v58 =	vor.u32 v13, v18;
	v31 =	vld.idx.msk [tilespmem:v48+s22+$0x0], $0xffff;
	[tilespmem:v49+s15+$0x0] =	vst.idx.msk $0xffff, v28  }
0x3f1: {  	v16 =	vor.u32 v14, v16;
	v59 =	vor.u32 v13, v20;
	v28 =	vld.idx.msk [tilespmem:v50+s22+$0x0], $0xffff;
	[tilespmem:v51+s15+$0x0] =	vst.idx.msk $0xffff, v30  }
0x3f2: {  	v19 =	vor.u32 v14, v19;
	v60 =	vor.u32 v13, v24;
	v30 =	vld.idx.msk [tilespmem:v52+s22+$0x0], $0xffff;
	[tilespmem:v53+s15+$0x0] =	vst.idx.msk $0xffff, v32  }
0x3f3: {  	v21 =	vor.u32 v14, v21;
	v61 =	vor.u32 v13, v26;
	v32 =	vld.idx.msk [tilespmem:v54+s22+$0x0], $0xffff;
	[tilespmem:v55+s15+$0x0] =	vst.idx.msk $0xffff, v29  }
0x3f4: {  	v23 =	vor.u32 v14, v23;
	v62 =	vor.u32 v13, v27;
	[tilespmem:v56+s15+$0x0] =	vst.idx.msk $0xffff, v40;
	v29 =	vld.idx.msk [tilespmem:v57+s22+$0x0], $0xffff  }
0x3f5: {  	v17 =	vor.u32 v15, v17;
	v25 =	vor.u32 v14, v25;
	v22 =	vld.idx.msk [tilespmem:v22+s22+$0x0], $0xffff;
	[tilespmem:v58+s15+$0x0] =	vst.idx.msk $0xffff, v31  }
0x3f6: {  	v18 =	vor.u32 v15, v18;
	v16 =	vld.idx.msk [tilespmem:v16+s22+$0x0], $0xffff;
	[tilespmem:v59+s15+$0x0] =	vst.idx.msk $0xffff, v28  }
0x3f7: {  	v20 =	vor.u32 v15, v20;
	v19 =	vld.idx.msk [tilespmem:v19+s22+$0x0], $0xffff;
	[tilespmem:v60+s15+$0x0] =	vst.idx.msk $0xffff, v30  }
0x3f8: {  	v24 =	vor.u32 v15, v24;
	v21 =	vld.idx.msk [tilespmem:v21+s22+$0x0], $0xffff;
	[tilespmem:v61+s15+$0x0] =	vst.idx.msk $0xffff, v32  }
0x3f9: {  	v26 =	vor.u32 v15, v26;
	v23 =	vld.idx.msk [tilespmem:v23+s22+$0x0], $0xffff;
	[tilespmem:v62+s15+$0x0] =	vst.idx.msk $0xffff, v29  }
0x3fa: {  	s19 =	sadd.s32 $0x1, s19;
	v63 =	vor.u32 v15, v27;
	[tilespmem:v17+s15+$0x0] =	vst.idx.msk $0xffff, v22;
	v17 =	vld.idx.msk [tilespmem:v25+s22+$0x0], $0xffff  }
0x3fb: {  	p0 =	sne.s32 s19, $0x64;
	[tilespmem:v18+s15+$0x0] =	vst.idx.msk $0xffff, v16  }
.Ltmp2:
0x3fc: {  	[tilespmem:v20+s15+$0x0] =	vst.idx.msk $0xffff, v19;
	(pc) =	sbr.rel @p0 .LBB2_2-.Ltmp2, $4  }
0x3fd: {  	[tilespmem:v24+s15+$0x0] =	vst.idx.msk $0xffff, v21  }
0x3fe: {  	s12 =	sadd.s32 s8, s9;
	[tilespmem:v26+s15+$0x0] =	vst.idx.msk $0xffff, v23  }
0x3ff: {  	s7 =	sadd.s32 s5, s12;
	[tilespmem:v63+s15+$0x0] =	vst.idx.msk $0xffff, v17  }
0x400: {  	[hbm4b:s7+s31] =	stream.strided.scatter [tilespmem:s15], [sflag:$0x6], $0x2000, s0, s31, $0x38;
	[tilespmem:$0x8100] =	vst v63  }
0x401: {  	_ =	swait.ge [sflag:s16], $0x2000  }
0x402: {  	[sflag:s16] =	ssyncset.done $0x0  }
0x403: {  	[sflag:s16] =	ssyncadd.s32 $0xFFFFE000  }
0x404: {  	_ =	swait.ge [sflag:s17], $0x2000  }
0x405: {  	s18 =	sadd.s32 $0x1, s18;
	s7 =	rddreg [dreg:$0x6]  }
0x406: {  	p0 =	sne.s32 s18, s7  }
.Ltmp3:
0x407: {  	_ = 	snop;
	(pc) =	sbr.rel @p0 .LBB2_1-.Ltmp3, $3  }
0x408: {  	_ =	sdelay $0x1  }
0x409: {  	[sflag:s17] =	ssyncset.done $0x0  }
0x40a: {  	[sflag:s17] =	ssyncadd.s32 $0xFFFFE000  }
0x40b: {  	_ =	sfence.sel $0x180000  }
0x40c: {  	[bflag:$0x0] =	sbarrier.arrive $0xFFFF  }
0x40d: {  	_ =	strace $0x90000047  }
0x40e: {  	s0 =	stileid.u32;
	[bflag:$0x2] =	sbarrier.arrive $0xFFFF  }
0x40f: {  	p0 =	sne.s32 s0, $0x0;
	s0 =	rddreg [dreg:$0x3]  }
0x410: {  	s0 =	sadd.s32 @!p0 $0x100000, s0  }
0x411: {  	[sflag:s0] =	ssyncadd.tile.s32 @!p0 $0x1;
	_ =	shalt  }
.Lfunc_end2:
_tile_overlayer_lowered:
.L_overlay_start_2:
0x412: {  	(tag) =	ssettag $0x2  }
0x413: {  	s0 =	rddreg [dreg:$0x0];
	s2 =	stileid.u32  }
0x414: {  	s1 =	rddreg [dreg:$0x1];
	p0 =	sne.s32 s2, $0x0  }
0x415: {  	s3 =	rddreg [dreg:$0x2];
	[bflag:$0x3] =	sbarrier.arrive $0xFFFF;
	s2 =	simm.s32 @!p0 $0x1C07  }
0x416: {  	[timem:s3], [sflag:s2] =	dma.local @!p0 [hbm:s0], s1  }
0x417: {  	s0 =	simm.s32 @!p0 $0x7  }
0x418: {  	_ =	swait.ge @!p0 [sflag:s0], s1  }
0x419: {  	s1 =	ssub.s32 @!p0 $0x0, s1;
	[sflag:s0] =	ssyncset.done @!p0 $0x0  }
0x41a: {  	[sflag:s0] =	ssyncadd.s32 @!p0 s1  }
0x41b: {  	[bflag:$0x3] =	sbarrier.arrive $0xFFFF  }
0x41c: {  	_ =	shalt  }

</sc_bundles>
